<compile_context>
chip_gen: v7x
topology: tpu7x:2x2x1
jax: 0.10.2.dev20260603
libtpu: 0.0.44.dev20260713+nightly
codegen_flags: <defaults>
</compile_context>

<pallas_src>
import functools

import jax
import jax.numpy as jnp
from jax import lax
from jax.experimental import pallas as pl
from jax.experimental.pallas import tpu as pltpu
from jax.experimental.pallas import tpu_sc as plsc

N = 10000
E = 320000
NC, NS = 2, 16
NW = NC * NS
K = 128
NCH = 80
NCHUNKS = E // K
G_LAST = (NCHUNKS - (NW - 1) * NCH) // 10
RPT = 626
NROWS = RPT * NS

_mesh = plsc.VectorSubcoreMesh(core_axis_name="c", subcore_axis_name="s")


NBUF = 10
G = NCH // NBUF


def _make_sc_pass(D, with_gather):

  scratch = [
      pltpu.VMEM((NCH, K), jnp.int32),
      pltpu.VMEM_SHARED((NROWS, D), jnp.float32),
  ]
  if with_gather:
    scratch.append(pltpu.VMEM((NCH, K), jnp.int32))
    scratch += [pltpu.VMEM((K, D), jnp.float32) for _ in range(NBUF)]
    scratch += [pltpu.SemaphoreType.DMA for _ in range(2 * NBUF)]
  else:
    scratch.append(pltpu.VMEM((K, D), jnp.float32))
    scratch += [pltpu.SemaphoreType.DMA for _ in range(NBUF)]

  @functools.partial(
      pl.kernel,
      mesh=_mesh,
      out_type=jax.ShapeDtypeStruct((NW * RPT, D), jnp.float32),
      scratch_types=scratch,
      compiler_params=pltpu.CompilerParams(use_tc_tiling_on_sc=False),
  )
  def sc_pass(*refs):
    if with_gather:
      (table, srcidx, dstidx, zeros, out, dst_v, acc, src_v) = refs[:8]
      rows = refs[8:8 + NBUF]
      gsem = refs[8 + NBUF:8 + 2 * NBUF]
      ssem = refs[8 + 2 * NBUF:]
    else:
      (dstidx, zeros, ones, out, dst_v, acc, rows1) = refs[:7]
      ssem = refs[7:]

    c = lax.axis_index("c")
    s = lax.axis_index("s")
    wid = c * NS + s

    base = jnp.minimum(wid * NCH, NCHUNKS - NCH)
    g0 = jnp.where(wid == NW - 1, G - G_LAST, 0)

    pltpu.sync_copy(zeros, acc.at[pl.ds(s * RPT, RPT)])
    pltpu.sync_copy(dstidx.at[pl.ds(base, NCH)], dst_v)
    if with_gather:
      pltpu.sync_copy(srcidx.at[pl.ds(base, NCH)], src_v)
    else:
      pltpu.sync_copy(ones, rows1)
    plsc.subcore_barrier()

    if with_gather:
      def gather(b, j):
        pltpu.async_copy(table.at[src_v.at[j]], rows[b], gsem[b])

      def gather_wait(b, j):
        pltpu.make_async_copy(table.at[src_v.at[j]], rows[b], gsem[b]).wait()

      def scatter(b, j):
        pltpu.async_copy(rows[b], acc.at[dst_v.at[j]], ssem[b], add=True)

      def scatter_wait(b, j):
        pltpu.make_async_copy(rows[b], acc.at[dst_v.at[j]], ssem[b]).wait()

      for b in range(NBUF):
        gather(b, g0 * NBUF + b)

      def body(g, carry):
        j0 = g * NBUF
        for b in range(NBUF):
          gather_wait(b, j0 + b)
          scatter(b, j0 + b)
        for b in range(NBUF):
          scatter_wait(b, j0 + b)
          gather(b, lax.rem(j0 + NBUF + b, NCH))
        return carry

      lax.fori_loop(g0, G, body, 0)
      for b in range(NBUF):
        gather_wait(b, b)
    else:
      def scatter1(b, j):
        pltpu.async_copy(rows1, acc.at[dst_v.at[j]], ssem[b], add=True)

      def scatter1_wait(b, j):
        pltpu.make_async_copy(rows1, acc.at[dst_v.at[j]], ssem[b]).wait()

      def body(g, carry):
        j0 = g * NBUF
        for b in range(NBUF):
          scatter1(b, j0 + b)
        for b in range(NBUF):
          scatter1_wait(b, j0 + b)
        return carry

      lax.fori_loop(g0, G, body, 0)

    plsc.subcore_barrier()
    pltpu.sync_copy(acc.at[pl.ds(s * RPT, RPT)],
                    out.at[pl.ds(wid * RPT, RPT)])

  return sc_pass


_sc_deg = _make_sc_pass(16, with_gather=False)
_sc_agg = _make_sc_pass(16, with_gather=True)


def _deg_dis(dacc_ref):
  deg = dacc_ref[:N, 0] + dacc_ref[NROWS:NROWS + N, 0] + 1.0
  return lax.rsqrt(deg)


def _tc_xw(x_ref, w1_ref, xw_ref):
  xw_ref[...] = jnp.dot(x_ref[...], w1_ref[...],
                        preferred_element_type=jnp.float32)


def _tc_y1(dacc_ref, xw_ref, y1_ref):
  dis = _deg_dis(dacc_ref)
  y1_ref[...] = xw_ref[...] * dis[:, None]


def _tc_y2(dacc_ref, acc1_ref, y1_ref, b1_ref, y2_ref):
  dis = _deg_dis(dacc_ref)
  agg = acc1_ref[:N, :] + acc1_ref[NROWS:NROWS + N, :] + y1_ref[...]
  h = jnp.maximum(dis[:, None] * agg + b1_ref[...], 0.0)
  y2_ref[...] = h * dis[:, None]


def _tc_out(dacc_ref, acc2_ref, y2_ref, w2_ref, b2_ref, out_ref):
  dis = _deg_dis(dacc_ref)
  z = dis[:, None] * (acc2_ref[:N, :] + acc2_ref[NROWS:NROWS + N, :] + y2_ref[...])
  o = jnp.dot(z, w2_ref[...], preferred_element_type=jnp.float32) + b2_ref[...]
  m = jnp.max(o, axis=1, keepdims=True)
  zz = o - m
  lse = jnp.log(jnp.sum(jnp.exp(zz), axis=1, keepdims=True))
  out_ref[...] = zz - lse


def kernel(x, edge, W1, b1, W2, b2):
  src3 = edge[0].astype(jnp.int32).reshape(NCHUNKS, K)
  dst3 = edge[1].astype(jnp.int32).reshape(NCHUNKS, K)

  zeros16 = jnp.zeros((RPT, 16), jnp.float32)
  ones16 = jnp.ones((K, 16), jnp.float32)

  xw = pl.pallas_call(
      _tc_xw,
      out_shape=jax.ShapeDtypeStruct((N, 16), jnp.float32),
  )(x, W1)

  dacc = _sc_deg(dst3, zeros16, ones16)

  y1 = pl.pallas_call(
      _tc_y1,
      out_shape=jax.ShapeDtypeStruct((N, 16), jnp.float32),
  )(dacc, xw)

  acc1 = _sc_agg(y1, src3, dst3, zeros16)

  y2 = pl.pallas_call(
      _tc_y2,
      out_shape=jax.ShapeDtypeStruct((N, 16), jnp.float32),
  )(dacc, acc1, y1, b1)

  acc2 = _sc_agg(y2, src3, dst3, zeros16)

  out = pl.pallas_call(
      _tc_out,
      out_shape=jax.ShapeDtypeStruct((N, 40), jnp.float32),
  )(dacc, acc2, y2, W2, b2)

  return out

# --- scband reference (transcript-rebuilt; emitter-appended) ---
"""Pipeline reference for scband-gcn-89567247991122 (READ-ONLY COPY).

The authoritative reference and input builder live on the scoring server;
editing this copy changes nothing except your own understanding.
"""

import jax, jax.numpy as jnp
import numpy as np

N_NODES = 10000


def gcn_conv(x, src, dst, W, b, num_nodes):
    # x' = D^{-1/2} (A + I) D^{-1/2} X W + b  (GCNConv with add_self_loops=True)
    loop = jnp.arange(num_nodes, dtype=src.dtype)
    src_f = jnp.concatenate([src, loop])
    dst_f = jnp.concatenate([dst, loop])
    deg = jnp.zeros((num_nodes,), dtype=x.dtype).at[dst_f].add(1.0)
    deg_inv_sqrt = jnp.where(deg > 0, 1.0 / jnp.sqrt(deg), 0.0)
    norm = deg_inv_sqrt[src_f] * deg_inv_sqrt[dst_f]
    xw = x @ W
    msg = xw[src_f] * norm[:, None]
    out = jax.ops.segment_sum(msg, dst_f, num_segments=num_nodes)
    return out + b


def setup_inputs(seed: int = 0) -> dict:
    key = jax.random.key(seed)
    k1, k2, k3, k4, k5, k6 = jax.random.split(key, 6)
    x = jax.random.normal(k1, (N_NODES, 128), dtype=jnp.float32)
    edge = jax.random.randint(k2, (2, 320000), 0, N_NODES, dtype=jnp.int64)
    W1 = jax.random.normal(k3, (128, 16), dtype=jnp.float32) * 0.1
    b1 = jnp.zeros((16,), dtype=jnp.float32)
    W2 = jax.random.normal(k4, (16, 40), dtype=jnp.float32) * 0.1
    b2 = jnp.zeros((40,), dtype=jnp.float32)
    return {"x": x, "edge": edge, "W1": W1, "b1": b1, "W2": W2, "b2": b2}


def reference(x, edge, W1, b1, W2, b2):
    src, dst = edge[0], edge[1]
    h = gcn_conv(x, src, dst, W1, b1, N_NODES)
    h = jax.nn.relu(h)
    # F.dropout(x, training=self.training): identity in eval mode
    h = gcn_conv(h, src, dst, W2, b2, N_NODES)
    return jax.nn.log_softmax(h, axis=1)

if __name__ == "__main__":
    import jax
    _d = setup_inputs()
    print(jax.jit(kernel)(*tuple(_d.values())))

</pallas_src>

<mosaic_0001>
#map = affine_map<(d0, d1) -> (0, 0)>
module attributes {stable_mosaic.version = 14 : i64} {
  func.func @sc_pass(%arg0: i32, %arg1: i32, %arg2: memref<10000x16xf32, #tpu.memory_space<hbm>>, %arg3: memref<2500x128xi32, #tpu.memory_space<hbm>>, %arg4: memref<2500x128xi32, #tpu.memory_space<hbm>>, %arg5: memref<626x16xf32, #tpu.memory_space<hbm>>, %arg6: memref<20032x16xf32, #tpu.memory_space<hbm>>, %arg7: memref<80x128xi32, #tpu.memory_space<vmem>>, %arg8: memref<10016x16xf32, #tpu.memory_space<vmem_shared>>, %arg9: memref<80x128xi32, #tpu.memory_space<vmem>>, %arg10: memref<128x16xf32, #tpu.memory_space<vmem>>, %arg11: memref<128x16xf32, #tpu.memory_space<vmem>>, %arg12: memref<128x16xf32, #tpu.memory_space<vmem>>, %arg13: memref<128x16xf32, #tpu.memory_space<vmem>>, %arg14: memref<128x16xf32, #tpu.memory_space<vmem>>, %arg15: memref<128x16xf32, #tpu.memory_space<vmem>>, %arg16: memref<128x16xf32, #tpu.memory_space<vmem>>, %arg17: memref<128x16xf32, #tpu.memory_space<vmem>>, %arg18: memref<128x16xf32, #tpu.memory_space<vmem>>, %arg19: memref<128x16xf32, #tpu.memory_space<vmem>>, %arg20: memref<!tpu.dma_semaphore, #tpu.memory_space<semaphore_mem>>, %arg21: memref<!tpu.dma_semaphore, #tpu.memory_space<semaphore_mem>>, %arg22: memref<!tpu.dma_semaphore, #tpu.memory_space<semaphore_mem>>, %arg23: memref<!tpu.dma_semaphore, #tpu.memory_space<semaphore_mem>>, %arg24: memref<!tpu.dma_semaphore, #tpu.memory_space<semaphore_mem>>, %arg25: memref<!tpu.dma_semaphore, #tpu.memory_space<semaphore_mem>>, %arg26: memref<!tpu.dma_semaphore, #tpu.memory_space<semaphore_mem>>, %arg27: memref<!tpu.dma_semaphore, #tpu.memory_space<semaphore_mem>>, %arg28: memref<!tpu.dma_semaphore, #tpu.memory_space<semaphore_mem>>, %arg29: memref<!tpu.dma_semaphore, #tpu.memory_space<semaphore_mem>>, %arg30: memref<!tpu.dma_semaphore, #tpu.memory_space<semaphore_mem>>, %arg31: memref<!tpu.dma_semaphore, #tpu.memory_space<semaphore_mem>>, %arg32: memref<!tpu.dma_semaphore, #tpu.memory_space<semaphore_mem>>, %arg33: memref<!tpu.dma_semaphore, #tpu.memory_space<semaphore_mem>>, %arg34: memref<!tpu.dma_semaphore, #tpu.memory_space<semaphore_mem>>, %arg35: memref<!tpu.dma_semaphore, #tpu.memory_space<semaphore_mem>>, %arg36: memref<!tpu.dma_semaphore, #tpu.memory_space<semaphore_mem>>, %arg37: memref<!tpu.dma_semaphore, #tpu.memory_space<semaphore_mem>>, %arg38: memref<!tpu.dma_semaphore, #tpu.memory_space<semaphore_mem>>, %arg39: memref<!tpu.dma_semaphore, #tpu.memory_space<semaphore_mem>>) attributes {dimension_semantics = [#tpu.dimension_semantics<core_parallel>, #tpu.dimension_semantics<subcore_parallel>], iteration_bounds = array<i64: 2, 16>, scalar_prefetch = 0 : i64, scratch_operands = 33 : i64, tpu.core_type = #tpu.core_type<sc_vector_subcore>, window_params = [{transform_indices = #map}, {transform_indices = #map}, {transform_indices = #map}, {transform_indices = #map}, {transform_indices = #map}]} {
    %mul3A = arith.constant 16 : i32
    %mul3A_0 = arith.muli %arg0, %mul3A : i32
    %add3A = arith.addi %mul3A_0, %arg1 : i32
    %mul3A_1 = arith.constant 80 : i32
    %mul3A_2 = arith.muli %add3A, %mul3A_1 : i32
    %min3A = arith.constant 2420 : i32
    %min3A_3 = arith.minsi %mul3A_2, %min3A : i32
    %eq3A = arith.constant 31 : i32
    %eq3A_4 = arith.cmpi eq, %add3A, %eq3A : i32
    %jit3A = arith.constant 6 : i32
    %jit3A_5 = arith.constant 0 : i32
    %select_n3A = arith.select %eq3A_4, %jit3A, %jit3A_5 : i32
    %mul3A_6 = arith.constant 626 : i32
    %mul3A_7 = arith.muli %arg1, %mul3A_6 : i32
    "tpu.region"() ({
      %run_scoped3A = tpu.sem_alloc : memref<!tpu.dma_semaphore, #tpu.memory_space<semaphore_mem>>
      %dma_start3A_190 = arith.constant 0 : i32
      %dma_start3A_191 = tpu.memref_slice %arg8[%mul3A_7, %dma_start3A_190] : memref<10016x16xf32, #tpu.memory_space<vmem_shared>> -> memref<626x16xf32, #tpu.memory_space<vmem_shared>>
      tpu.enqueue_dma source(%arg5 : memref<626x16xf32, #tpu.memory_space<hbm>>) target(%dma_start3A_191 : memref<626x16xf32, #tpu.memory_space<vmem_shared>>) target_semaphore(%run_scoped3A : memref<!tpu.dma_semaphore, #tpu.memory_space<semaphore_mem>>)
      %dma_wait3A_192 = arith.constant 0 : i32
      %dma_wait3A_193 = tpu.memref_slice %arg8[%mul3A_7, %dma_wait3A_192] : memref<10016x16xf32, #tpu.memory_space<vmem_shared>> -> memref<626x16xf32, #tpu.memory_space<vmem_shared>>
      tpu.wait_dma2 semaphore(%run_scoped3A : memref<!tpu.dma_semaphore, #tpu.memory_space<semaphore_mem>>) src(%arg5 : memref<626x16xf32, #tpu.memory_space<hbm>>) dst(%dma_wait3A_193 : memref<626x16xf32, #tpu.memory_space<vmem_shared>>)
      tpu.yield
    }) : () -> ()
    "tpu.region"() ({
      %run_scoped3A = tpu.sem_alloc : memref<!tpu.dma_semaphore, #tpu.memory_space<semaphore_mem>>
      %dma_start3A_190 = arith.constant 0 : i32
      %dma_start3A_191 = tpu.memref_slice %arg4[%min3A_3, %dma_start3A_190] : memref<2500x128xi32, #tpu.memory_space<hbm>> -> memref<80x128xi32, #tpu.memory_space<hbm>>
      %dma_start3A_192 = arith.constant 0 : i32
      %dma_start3A_193 = tpu.memref_slice %arg4[%min3A_3, %dma_start3A_192] : memref<2500x128xi32, #tpu.memory_space<hbm>> -> memref<80x128xi32, #tpu.memory_space<hbm>>
      tpu.enqueue_dma source(%dma_start3A_193 : memref<80x128xi32, #tpu.memory_space<hbm>>) target(%arg7 : memref<80x128xi32, #tpu.memory_space<vmem>>) target_semaphore(%run_scoped3A : memref<!tpu.dma_semaphore, #tpu.memory_space<semaphore_mem>>)
      %dma_wait3A_194 = arith.constant 0 : i32
      %dma_wait3A_195 = tpu.memref_slice %arg4[%min3A_3, %dma_wait3A_194] : memref<2500x128xi32, #tpu.memory_space<hbm>> -> memref<80x128xi32, #tpu.memory_space<hbm>>
      %dma_wait3A_196 = arith.constant 0 : i32
      %dma_wait3A_197 = tpu.memref_slice %arg4[%min3A_3, %dma_wait3A_196] : memref<2500x128xi32, #tpu.memory_space<hbm>> -> memref<80x128xi32, #tpu.memory_space<hbm>>
      tpu.wait_dma2 semaphore(%run_scoped3A : memref<!tpu.dma_semaphore, #tpu.memory_space<semaphore_mem>>) src(%dma_wait3A_197 : memref<80x128xi32, #tpu.memory_space<hbm>>) dst(%arg7 : memref<80x128xi32, #tpu.memory_space<vmem>>)
      tpu.yield
    }) : () -> ()
    "tpu.region"() ({
      %run_scoped3A = tpu.sem_alloc : memref<!tpu.dma_semaphore, #tpu.memory_space<semaphore_mem>>
      %dma_start3A_190 = arith.constant 0 : i32
      %dma_start3A_191 = tpu.memref_slice %arg3[%min3A_3, %dma_start3A_190] : memref<2500x128xi32, #tpu.memory_space<hbm>> -> memref<80x128xi32, #tpu.memory_space<hbm>>
      %dma_start3A_192 = arith.constant 0 : i32
      %dma_start3A_193 = tpu.memref_slice %arg3[%min3A_3, %dma_start3A_192] : memref<2500x128xi32, #tpu.memory_space<hbm>> -> memref<80x128xi32, #tpu.memory_space<hbm>>
      tpu.enqueue_dma source(%dma_start3A_193 : memref<80x128xi32, #tpu.memory_space<hbm>>) target(%arg9 : memref<80x128xi32, #tpu.memory_space<vmem>>) target_semaphore(%run_scoped3A : memref<!tpu.dma_semaphore, #tpu.memory_space<semaphore_mem>>)
      %dma_wait3A_194 = arith.constant 0 : i32
      %dma_wait3A_195 = tpu.memref_slice %arg3[%min3A_3, %dma_wait3A_194] : memref<2500x128xi32, #tpu.memory_space<hbm>> -> memref<80x128xi32, #tpu.memory_space<hbm>>
      %dma_wait3A_196 = arith.constant 0 : i32
      %dma_wait3A_197 = tpu.memref_slice %arg3[%min3A_3, %dma_wait3A_196] : memref<2500x128xi32, #tpu.memory_space<hbm>> -> memref<80x128xi32, #tpu.memory_space<hbm>>
      tpu.wait_dma2 semaphore(%run_scoped3A : memref<!tpu.dma_semaphore, #tpu.memory_space<semaphore_mem>>) src(%dma_wait3A_197 : memref<80x128xi32, #tpu.memory_space<hbm>>) dst(%arg9 : memref<80x128xi32, #tpu.memory_space<vmem>>)
      tpu.yield
    }) : () -> ()
    %barrier3A = arith.constant 0 : index
    tpu.barrier barrier_id(%barrier3A)
    %mul3A_8 = arith.constant 10 : i32
    %mul3A_9 = arith.muli %select_n3A, %mul3A_8 : i32
    %add3A_10 = arith.constant 0 : i32
    %add3A_11 = arith.addi %mul3A_9, %add3A_10 : i32
    %dma_start3A = arith.constant 0 : i32
    %dma_start3A_12 = tpu.memref_slice %arg9[%add3A_11, %dma_start3A] : memref<80x128xi32, #tpu.memory_space<vmem>> -> memref<1x128xi32, #tpu.memory_space<vmem>>
    %dma_start3A_13 = tpu.memref_squeeze %dma_start3A_12 : memref<1x128xi32, #tpu.memory_space<vmem>> -> memref<128xi32, #tpu.memory_space<vmem>>
    %dma_start3A_14 = arith.constant 0 : i32
    %dma_start3A_15 = arith.constant 0 : i32
    %dma_start3A_16 = tpu.memref_slice %arg2[%dma_start3A_14, %dma_start3A_15] : memref<10000x16xf32, #tpu.memory_space<hbm>> -> memref<10000x16xf32, #tpu.memory_space<hbm>>
    tpu.enqueue_indirect_dma source(%dma_start3A_16 : memref<10000x16xf32, #tpu.memory_space<hbm>>) target(%arg10 : memref<128x16xf32, #tpu.memory_space<vmem>>) offsets(%dma_start3A_13 : memref<128xi32, #tpu.memory_space<vmem>>) semaphore(%arg20 : memref<!tpu.dma_semaphore, #tpu.memory_space<semaphore_mem>>)
    %mul3A_17 = arith.constant 10 : i32
    %mul3A_18 = arith.muli %select_n3A, %mul3A_17 : i32
    %add3A_19 = arith.constant 1 : i32
    %add3A_20 = arith.addi %mul3A_18, %add3A_19 : i32
    %dma_start3A_21 = arith.constant 0 : i32
    %dma_start3A_22 = tpu.memref_slice %arg9[%add3A_20, %dma_start3A_21] : memref<80x128xi32, #tpu.memory_space<vmem>> -> memref<1x128xi32, #tpu.memory_space<vmem>>
    %dma_start3A_23 = tpu.memref_squeeze %dma_start3A_22 : memref<1x128xi32, #tpu.memory_space<vmem>> -> memref<128xi32, #tpu.memory_space<vmem>>
    %dma_start3A_24 = arith.constant 0 : i32
    %dma_start3A_25 = arith.constant 0 : i32
    %dma_start3A_26 = tpu.memref_slice %arg2[%dma_start3A_24, %dma_start3A_25] : memref<10000x16xf32, #tpu.memory_space<hbm>> -> memref<10000x16xf32, #tpu.memory_space<hbm>>
    tpu.enqueue_indirect_dma source(%dma_start3A_26 : memref<10000x16xf32, #tpu.memory_space<hbm>>) target(%arg11 : memref<128x16xf32, #tpu.memory_space<vmem>>) offsets(%dma_start3A_23 : memref<128xi32, #tpu.memory_space<vmem>>) semaphore(%arg21 : memref<!tpu.dma_semaphore, #tpu.memory_space<semaphore_mem>>)
    %mul3A_27 = arith.constant 10 : i32
    %mul3A_28 = arith.muli %select_n3A, %mul3A_27 : i32
    %add3A_29 = arith.constant 2 : i32
    %add3A_30 = arith.addi %mul3A_28, %add3A_29 : i32
    %dma_start3A_31 = arith.constant 0 : i32
    %dma_start3A_32 = tpu.memref_slice %arg9[%add3A_30, %dma_start3A_31] : memref<80x128xi32, #tpu.memory_space<vmem>> -> memref<1x128xi32, #tpu.memory_space<vmem>>
    %dma_start3A_33 = tpu.memref_squeeze %dma_start3A_32 : memref<1x128xi32, #tpu.memory_space<vmem>> -> memref<128xi32, #tpu.memory_space<vmem>>
    %dma_start3A_34 = arith.constant 0 : i32
    %dma_start3A_35 = arith.constant 0 : i32
    %dma_start3A_36 = tpu.memref_slice %arg2[%dma_start3A_34, %dma_start3A_35] : memref<10000x16xf32, #tpu.memory_space<hbm>> -> memref<10000x16xf32, #tpu.memory_space<hbm>>
    tpu.enqueue_indirect_dma source(%dma_start3A_36 : memref<10000x16xf32, #tpu.memory_space<hbm>>) target(%arg12 : memref<128x16xf32, #tpu.memory_space<vmem>>) offsets(%dma_start3A_33 : memref<128xi32, #tpu.memory_space<vmem>>) semaphore(%arg22 : memref<!tpu.dma_semaphore, #tpu.memory_space<semaphore_mem>>)
    %mul3A_37 = arith.constant 10 : i32
    %mul3A_38 = arith.muli %select_n3A, %mul3A_37 : i32
    %add3A_39 = arith.constant 3 : i32
    %add3A_40 = arith.addi %mul3A_38, %add3A_39 : i32
    %dma_start3A_41 = arith.constant 0 : i32
    %dma_start3A_42 = tpu.memref_slice %arg9[%add3A_40, %dma_start3A_41] : memref<80x128xi32, #tpu.memory_space<vmem>> -> memref<1x128xi32, #tpu.memory_space<vmem>>
    %dma_start3A_43 = tpu.memref_squeeze %dma_start3A_42 : memref<1x128xi32, #tpu.memory_space<vmem>> -> memref<128xi32, #tpu.memory_space<vmem>>
    %dma_start3A_44 = arith.constant 0 : i32
    %dma_start3A_45 = arith.constant 0 : i32
    %dma_start3A_46 = tpu.memref_slice %arg2[%dma_start3A_44, %dma_start3A_45] : memref<10000x16xf32, #tpu.memory_space<hbm>> -> memref<10000x16xf32, #tpu.memory_space<hbm>>
    tpu.enqueue_indirect_dma source(%dma_start3A_46 : memref<10000x16xf32, #tpu.memory_space<hbm>>) target(%arg13 : memref<128x16xf32, #tpu.memory_space<vmem>>) offsets(%dma_start3A_43 : memref<128xi32, #tpu.memory_space<vmem>>) semaphore(%arg23 : memref<!tpu.dma_semaphore, #tpu.memory_space<semaphore_mem>>)
    %mul3A_47 = arith.constant 10 : i32
    %mul3A_48 = arith.muli %select_n3A, %mul3A_47 : i32
    %add3A_49 = arith.constant 4 : i32
    %add3A_50 = arith.addi %mul3A_48, %add3A_49 : i32
    %dma_start3A_51 = arith.constant 0 : i32
    %dma_start3A_52 = tpu.memref_slice %arg9[%add3A_50, %dma_start3A_51] : memref<80x128xi32, #tpu.memory_space<vmem>> -> memref<1x128xi32, #tpu.memory_space<vmem>>
    %dma_start3A_53 = tpu.memref_squeeze %dma_start3A_52 : memref<1x128xi32, #tpu.memory_space<vmem>> -> memref<128xi32, #tpu.memory_space<vmem>>
    %dma_start3A_54 = arith.constant 0 : i32
    %dma_start3A_55 = arith.constant 0 : i32
    %dma_start3A_56 = tpu.memref_slice %arg2[%dma_start3A_54, %dma_start3A_55] : memref<10000x16xf32, #tpu.memory_space<hbm>> -> memref<10000x16xf32, #tpu.memory_space<hbm>>
    tpu.enqueue_indirect_dma source(%dma_start3A_56 : memref<10000x16xf32, #tpu.memory_space<hbm>>) target(%arg14 : memref<128x16xf32, #tpu.memory_space<vmem>>) offsets(%dma_start3A_53 : memref<128xi32, #tpu.memory_space<vmem>>) semaphore(%arg24 : memref<!tpu.dma_semaphore, #tpu.memory_space<semaphore_mem>>)
    %mul3A_57 = arith.constant 10 : i32
    %mul3A_58 = arith.muli %select_n3A, %mul3A_57 : i32
    %add3A_59 = arith.constant 5 : i32
    %add3A_60 = arith.addi %mul3A_58, %add3A_59 : i32
    %dma_start3A_61 = arith.constant 0 : i32
    %dma_start3A_62 = tpu.memref_slice %arg9[%add3A_60, %dma_start3A_61] : memref<80x128xi32, #tpu.memory_space<vmem>> -> memref<1x128xi32, #tpu.memory_space<vmem>>
    %dma_start3A_63 = tpu.memref_squeeze %dma_start3A_62 : memref<1x128xi32, #tpu.memory_space<vmem>> -> memref<128xi32, #tpu.memory_space<vmem>>
    %dma_start3A_64 = arith.constant 0 : i32
    %dma_start3A_65 = arith.constant 0 : i32
    %dma_start3A_66 = tpu.memref_slice %arg2[%dma_start3A_64, %dma_start3A_65] : memref<10000x16xf32, #tpu.memory_space<hbm>> -> memref<10000x16xf32, #tpu.memory_space<hbm>>
    tpu.enqueue_indirect_dma source(%dma_start3A_66 : memref<10000x16xf32, #tpu.memory_space<hbm>>) target(%arg15 : memref<128x16xf32, #tpu.memory_space<vmem>>) offsets(%dma_start3A_63 : memref<128xi32, #tpu.memory_space<vmem>>) semaphore(%arg25 : memref<!tpu.dma_semaphore, #tpu.memory_space<semaphore_mem>>)
    %mul3A_67 = arith.constant 10 : i32
    %mul3A_68 = arith.muli %select_n3A, %mul3A_67 : i32
    %add3A_69 = arith.constant 6 : i32
    %add3A_70 = arith.addi %mul3A_68, %add3A_69 : i32
    %dma_start3A_71 = arith.constant 0 : i32
    %dma_start3A_72 = tpu.memref_slice %arg9[%add3A_70, %dma_start3A_71] : memref<80x128xi32, #tpu.memory_space<vmem>> -> memref<1x128xi32, #tpu.memory_space<vmem>>
    %dma_start3A_73 = tpu.memref_squeeze %dma_start3A_72 : memref<1x128xi32, #tpu.memory_space<vmem>> -> memref<128xi32, #tpu.memory_space<vmem>>
    %dma_start3A_74 = arith.constant 0 : i32
    %dma_start3A_75 = arith.constant 0 : i32
    %dma_start3A_76 = tpu.memref_slice %arg2[%dma_start3A_74, %dma_start3A_75] : memref<10000x16xf32, #tpu.memory_space<hbm>> -> memref<10000x16xf32, #tpu.memory_space<hbm>>
    tpu.enqueue_indirect_dma source(%dma_start3A_76 : memref<10000x16xf32, #tpu.memory_space<hbm>>) target(%arg16 : memref<128x16xf32, #tpu.memory_space<vmem>>) offsets(%dma_start3A_73 : memref<128xi32, #tpu.memory_space<vmem>>) semaphore(%arg26 : memref<!tpu.dma_semaphore, #tpu.memory_space<semaphore_mem>>)
    %mul3A_77 = arith.constant 10 : i32
    %mul3A_78 = arith.muli %select_n3A, %mul3A_77 : i32
    %add3A_79 = arith.constant 7 : i32
    %add3A_80 = arith.addi %mul3A_78, %add3A_79 : i32
    %dma_start3A_81 = arith.constant 0 : i32
    %dma_start3A_82 = tpu.memref_slice %arg9[%add3A_80, %dma_start3A_81] : memref<80x128xi32, #tpu.memory_space<vmem>> -> memref<1x128xi32, #tpu.memory_space<vmem>>
    %dma_start3A_83 = tpu.memref_squeeze %dma_start3A_82 : memref<1x128xi32, #tpu.memory_space<vmem>> -> memref<128xi32, #tpu.memory_space<vmem>>
    %dma_start3A_84 = arith.constant 0 : i32
    %dma_start3A_85 = arith.constant 0 : i32
    %dma_start3A_86 = tpu.memref_slice %arg2[%dma_start3A_84, %dma_start3A_85] : memref<10000x16xf32, #tpu.memory_space<hbm>> -> memref<10000x16xf32, #tpu.memory_space<hbm>>
    tpu.enqueue_indirect_dma source(%dma_start3A_86 : memref<10000x16xf32, #tpu.memory_space<hbm>>) target(%arg17 : memref<128x16xf32, #tpu.memory_space<vmem>>) offsets(%dma_start3A_83 : memref<128xi32, #tpu.memory_space<vmem>>) semaphore(%arg27 : memref<!tpu.dma_semaphore, #tpu.memory_space<semaphore_mem>>)
    %mul3A_87 = arith.constant 10 : i32
    %mul3A_88 = arith.muli %select_n3A, %mul3A_87 : i32
    %add3A_89 = arith.constant 8 : i32
    %add3A_90 = arith.addi %mul3A_88, %add3A_89 : i32
    %dma_start3A_91 = arith.constant 0 : i32
    %dma_start3A_92 = tpu.memref_slice %arg9[%add3A_90, %dma_start3A_91] : memref<80x128xi32, #tpu.memory_space<vmem>> -> memref<1x128xi32, #tpu.memory_space<vmem>>
    %dma_start3A_93 = tpu.memref_squeeze %dma_start3A_92 : memref<1x128xi32, #tpu.memory_space<vmem>> -> memref<128xi32, #tpu.memory_space<vmem>>
    %dma_start3A_94 = arith.constant 0 : i32
    %dma_start3A_95 = arith.constant 0 : i32
    %dma_start3A_96 = tpu.memref_slice %arg2[%dma_start3A_94, %dma_start3A_95] : memref<10000x16xf32, #tpu.memory_space<hbm>> -> memref<10000x16xf32, #tpu.memory_space<hbm>>
    tpu.enqueue_indirect_dma source(%dma_start3A_96 : memref<10000x16xf32, #tpu.memory_space<hbm>>) target(%arg18 : memref<128x16xf32, #tpu.memory_space<vmem>>) offsets(%dma_start3A_93 : memref<128xi32, #tpu.memory_space<vmem>>) semaphore(%arg28 : memref<!tpu.dma_semaphore, #tpu.memory_space<semaphore_mem>>)
    %mul3A_97 = arith.constant 10 : i32
    %mul3A_98 = arith.muli %select_n3A, %mul3A_97 : i32
    %add3A_99 = arith.constant 9 : i32
    %add3A_100 = arith.addi %mul3A_98, %add3A_99 : i32
    %dma_start3A_101 = arith.constant 0 : i32
    %dma_start3A_102 = tpu.memref_slice %arg9[%add3A_100, %dma_start3A_101] : memref<80x128xi32, #tpu.memory_space<vmem>> -> memref<1x128xi32, #tpu.memory_space<vmem>>
    %dma_start3A_103 = tpu.memref_squeeze %dma_start3A_102 : memref<1x128xi32, #tpu.memory_space<vmem>> -> memref<128xi32, #tpu.memory_space<vmem>>
    %dma_start3A_104 = arith.constant 0 : i32
    %dma_start3A_105 = arith.constant 0 : i32
    %dma_start3A_106 = tpu.memref_slice %arg2[%dma_start3A_104, %dma_start3A_105] : memref<10000x16xf32, #tpu.memory_space<hbm>> -> memref<10000x16xf32, #tpu.memory_space<hbm>>
    tpu.enqueue_indirect_dma source(%dma_start3A_106 : memref<10000x16xf32, #tpu.memory_space<hbm>>) target(%arg19 : memref<128x16xf32, #tpu.memory_space<vmem>>) offsets(%dma_start3A_103 : memref<128xi32, #tpu.memory_space<vmem>>) semaphore(%arg29 : memref<!tpu.dma_semaphore, #tpu.memory_space<semaphore_mem>>)
    %while3A = arith.constant 0 : i32
    %while3A_107 = arith.constant 8 : i32
    %while3A_108 = arith.subi %while3A_107, %select_n3A : i32
    %while3A_109 = arith.addi %select_n3A, %while3A_108 : i32
    %while3A_110 = arith.constant 1 : i32
    %while3A_111 = arith.divsi %while3A_108, %while3A_110 : i32
    %while3A_112 = arith.muli %while3A_111, %while3A_110 : i32
    %while3A_113 = arith.addi %select_n3A, %while3A_112 : i32
    %while3A_114 = arith.constant 1 : i32
    scf.for %while3A_190 = %select_n3A to %while3A_113 step %while3A_114  : i32 {
      %mul3A_191 = arith.constant 10 : i32
      %mul3A_192 = arith.muli %while3A_190, %mul3A_191 : i32
      %add3A_193 = arith.constant 0 : i32
      %add3A_194 = arith.addi %mul3A_192, %add3A_193 : i32
      %dma_wait3A_195 = arith.constant 0 : i32
      %dma_wait3A_196 = tpu.memref_slice %arg9[%add3A_194, %dma_wait3A_195] : memref<80x128xi32, #tpu.memory_space<vmem>> -> memref<1x128xi32, #tpu.memory_space<vmem>>
      %dma_wait3A_197 = tpu.memref_squeeze %dma_wait3A_196 : memref<1x128xi32, #tpu.memory_space<vmem>> -> memref<128xi32, #tpu.memory_space<vmem>>
      %dma_wait3A_198 = arith.constant 0 : i32
      %dma_wait3A_199 = arith.constant 0 : i32
      %dma_wait3A_200 = tpu.memref_slice %arg2[%dma_wait3A_198, %dma_wait3A_199] : memref<10000x16xf32, #tpu.memory_space<hbm>> -> memref<10000x16xf32, #tpu.memory_space<hbm>>
      tpu.wait_indirect_dma semaphore(%arg20 : memref<!tpu.dma_semaphore, #tpu.memory_space<semaphore_mem>>) src(%dma_wait3A_200 : memref<10000x16xf32, #tpu.memory_space<hbm>>) dst(%arg10 : memref<128x16xf32, #tpu.memory_space<vmem>>)
      %add3A_201 = arith.constant 0 : i32
      %add3A_202 = arith.addi %mul3A_192, %add3A_201 : i32
      %dma_start3A_203 = arith.constant 0 : i32
      %dma_start3A_204 = tpu.memref_slice %arg7[%add3A_202, %dma_start3A_203] : memref<80x128xi32, #tpu.memory_space<vmem>> -> memref<1x128xi32, #tpu.memory_space<vmem>>
      %dma_start3A_205 = tpu.memref_squeeze %dma_start3A_204 : memref<1x128xi32, #tpu.memory_space<vmem>> -> memref<128xi32, #tpu.memory_space<vmem>>
      %dma_start3A_206 = arith.constant 0 : i32
      %dma_start3A_207 = arith.constant 0 : i32
      %dma_start3A_208 = tpu.memref_slice %arg8[%dma_start3A_206, %dma_start3A_207] : memref<10016x16xf32, #tpu.memory_space<vmem_shared>> -> memref<10016x16xf32, #tpu.memory_space<vmem_shared>>
      tpu.enqueue_indirect_dma source(%arg10 : memref<128x16xf32, #tpu.memory_space<vmem>>) target(%dma_start3A_208 : memref<10016x16xf32, #tpu.memory_space<vmem_shared>>) offsets(%dma_start3A_205 : memref<128xi32, #tpu.memory_space<vmem>>) semaphore(%arg30 : memref<!tpu.dma_semaphore, #tpu.memory_space<semaphore_mem>>) {add = true}
      %add3A_209 = arith.constant 1 : i32
      %add3A_210 = arith.addi %mul3A_192, %add3A_209 : i32
      %dma_wait3A_211 = arith.constant 0 : i32
      %dma_wait3A_212 = tpu.memref_slice %arg9[%add3A_210, %dma_wait3A_211] : memref<80x128xi32, #tpu.memory_space<vmem>> -> memref<1x128xi32, #tpu.memory_space<vmem>>
      %dma_wait3A_213 = tpu.memref_squeeze %dma_wait3A_212 : memref<1x128xi32, #tpu.memory_space<vmem>> -> memref<128xi32, #tpu.memory_space<vmem>>
      %dma_wait3A_214 = arith.constant 0 : i32
      %dma_wait3A_215 = arith.constant 0 : i32
      %dma_wait3A_216 = tpu.memref_slice %arg2[%dma_wait3A_214, %dma_wait3A_215] : memref<10000x16xf32, #tpu.memory_space<hbm>> -> memref<10000x16xf32, #tpu.memory_space<hbm>>
      tpu.wait_indirect_dma semaphore(%arg21 : memref<!tpu.dma_semaphore, #tpu.memory_space<semaphore_mem>>) src(%dma_wait3A_216 : memref<10000x16xf32, #tpu.memory_space<hbm>>) dst(%arg11 : memref<128x16xf32, #tpu.memory_space<vmem>>)
      %add3A_217 = arith.constant 1 : i32
      %add3A_218 = arith.addi %mul3A_192, %add3A_217 : i32
      %dma_start3A_219 = arith.constant 0 : i32
      %dma_start3A_220 = tpu.memref_slice %arg7[%add3A_218, %dma_start3A_219] : memref<80x128xi32, #tpu.memory_space<vmem>> -> memref<1x128xi32, #tpu.memory_space<vmem>>
      %dma_start3A_221 = tpu.memref_squeeze %dma_start3A_220 : memref<1x128xi32, #tpu.memory_space<vmem>> -> memref<128xi32, #tpu.memory_space<vmem>>
      %dma_start3A_222 = arith.constant 0 : i32
      %dma_start3A_223 = arith.constant 0 : i32
      %dma_start3A_224 = tpu.memref_slice %arg8[%dma_start3A_222, %dma_start3A_223] : memref<10016x16xf32, #tpu.memory_space<vmem_shared>> -> memref<10016x16xf32, #tpu.memory_space<vmem_shared>>
      tpu.enqueue_indirect_dma source(%arg11 : memref<128x16xf32, #tpu.memory_space<vmem>>) target(%dma_start3A_224 : memref<10016x16xf32, #tpu.memory_space<vmem_shared>>) offsets(%dma_start3A_221 : memref<128xi32, #tpu.memory_space<vmem>>) semaphore(%arg31 : memref<!tpu.dma_semaphore, #tpu.memory_space<semaphore_mem>>) {add = true}
      %add3A_225 = arith.constant 2 : i32
      %add3A_226 = arith.addi %mul3A_192, %add3A_225 : i32
      %dma_wait3A_227 = arith.constant 0 : i32
      %dma_wait3A_228 = tpu.memref_slice %arg9[%add3A_226, %dma_wait3A_227] : memref<80x128xi32, #tpu.memory_space<vmem>> -> memref<1x128xi32, #tpu.memory_space<vmem>>
      %dma_wait3A_229 = tpu.memref_squeeze %dma_wait3A_228 : memref<1x128xi32, #tpu.memory_space<vmem>> -> memref<128xi32, #tpu.memory_space<vmem>>
      %dma_wait3A_230 = arith.constant 0 : i32
      %dma_wait3A_231 = arith.constant 0 : i32
      %dma_wait3A_232 = tpu.memref_slice %arg2[%dma_wait3A_230, %dma_wait3A_231] : memref<10000x16xf32, #tpu.memory_space<hbm>> -> memref<10000x16xf32, #tpu.memory_space<hbm>>
      tpu.wait_indirect_dma semaphore(%arg22 : memref<!tpu.dma_semaphore, #tpu.memory_space<semaphore_mem>>) src(%dma_wait3A_232 : memref<10000x16xf32, #tpu.memory_space<hbm>>) dst(%arg12 : memref<128x16xf32, #tpu.memory_space<vmem>>)
      %add3A_233 = arith.constant 2 : i32
      %add3A_234 = arith.addi %mul3A_192, %add3A_233 : i32
      %dma_start3A_235 = arith.constant 0 : i32
      %dma_start3A_236 = tpu.memref_slice %arg7[%add3A_234, %dma_start3A_235] : memref<80x128xi32, #tpu.memory_space<vmem>> -> memref<1x128xi32, #tpu.memory_space<vmem>>
      %dma_start3A_237 = tpu.memref_squeeze %dma_start3A_236 : memref<1x128xi32, #tpu.memory_space<vmem>> -> memref<128xi32, #tpu.memory_space<vmem>>
      %dma_start3A_238 = arith.constant 0 : i32
      %dma_start3A_239 = arith.constant 0 : i32
      %dma_start3A_240 = tpu.memref_slice %arg8[%dma_start3A_238, %dma_start3A_239] : memref<10016x16xf32, #tpu.memory_space<vmem_shared>> -> memref<10016x16xf32, #tpu.memory_space<vmem_shared>>
      tpu.enqueue_indirect_dma source(%arg12 : memref<128x16xf32, #tpu.memory_space<vmem>>) target(%dma_start3A_240 : memref<10016x16xf32, #tpu.memory_space<vmem_shared>>) offsets(%dma_start3A_237 : memref<128xi32, #tpu.memory_space<vmem>>) semaphore(%arg32 : memref<!tpu.dma_semaphore, #tpu.memory_space<semaphore_mem>>) {add = true}
      %add3A_241 = arith.constant 3 : i32
      %add3A_242 = arith.addi %mul3A_192, %add3A_241 : i32
      %dma_wait3A_243 = arith.constant 0 : i32
      %dma_wait3A_244 = tpu.memref_slice %arg9[%add3A_242, %dma_wait3A_243] : memref<80x128xi32, #tpu.memory_space<vmem>> -> memref<1x128xi32, #tpu.memory_space<vmem>>
      %dma_wait3A_245 = tpu.memref_squeeze %dma_wait3A_244 : memref<1x128xi32, #tpu.memory_space<vmem>> -> memref<128xi32, #tpu.memory_space<vmem>>
      %dma_wait3A_246 = arith.constant 0 : i32
      %dma_wait3A_247 = arith.constant 0 : i32
      %dma_wait3A_248 = tpu.memref_slice %arg2[%dma_wait3A_246, %dma_wait3A_247] : memref<10000x16xf32, #tpu.memory_space<hbm>> -> memref<10000x16xf32, #tpu.memory_space<hbm>>
      tpu.wait_indirect_dma semaphore(%arg23 : memref<!tpu.dma_semaphore, #tpu.memory_space<semaphore_mem>>) src(%dma_wait3A_248 : memref<10000x16xf32, #tpu.memory_space<hbm>>) dst(%arg13 : memref<128x16xf32, #tpu.memory_space<vmem>>)
      %add3A_249 = arith.constant 3 : i32
      %add3A_250 = arith.addi %mul3A_192, %add3A_249 : i32
      %dma_start3A_251 = arith.constant 0 : i32
      %dma_start3A_252 = tpu.memref_slice %arg7[%add3A_250, %dma_start3A_251] : memref<80x128xi32, #tpu.memory_space<vmem>> -> memref<1x128xi32, #tpu.memory_space<vmem>>
      %dma_start3A_253 = tpu.memref_squeeze %dma_start3A_252 : memref<1x128xi32, #tpu.memory_space<vmem>> -> memref<128xi32, #tpu.memory_space<vmem>>
      %dma_start3A_254 = arith.constant 0 : i32
      %dma_start3A_255 = arith.constant 0 : i32
      %dma_start3A_256 = tpu.memref_slice %arg8[%dma_start3A_254, %dma_start3A_255] : memref<10016x16xf32, #tpu.memory_space<vmem_shared>> -> memref<10016x16xf32, #tpu.memory_space<vmem_shared>>
      tpu.enqueue_indirect_dma source(%arg13 : memref<128x16xf32, #tpu.memory_space<vmem>>) target(%dma_start3A_256 : memref<10016x16xf32, #tpu.memory_space<vmem_shared>>) offsets(%dma_start3A_253 : memref<128xi32, #tpu.memory_space<vmem>>) semaphore(%arg33 : memref<!tpu.dma_semaphore, #tpu.memory_space<semaphore_mem>>) {add = true}
      %add3A_257 = arith.constant 4 : i32
      %add3A_258 = arith.addi %mul3A_192, %add3A_257 : i32
      %dma_wait3A_259 = arith.constant 0 : i32
      %dma_wait3A_260 = tpu.memref_slice %arg9[%add3A_258, %dma_wait3A_259] : memref<80x128xi32, #tpu.memory_space<vmem>> -> memref<1x128xi32, #tpu.memory_space<vmem>>
      %dma_wait3A_261 = tpu.memref_squeeze %dma_wait3A_260 : memref<1x128xi32, #tpu.memory_space<vmem>> -> memref<128xi32, #tpu.memory_space<vmem>>
      %dma_wait3A_262 = arith.constant 0 : i32
      %dma_wait3A_263 = arith.constant 0 : i32
      %dma_wait3A_264 = tpu.memref_slice %arg2[%dma_wait3A_262, %dma_wait3A_263] : memref<10000x16xf32, #tpu.memory_space<hbm>> -> memref<10000x16xf32, #tpu.memory_space<hbm>>
      tpu.wait_indirect_dma semaphore(%arg24 : memref<!tpu.dma_semaphore, #tpu.memory_space<semaphore_mem>>) src(%dma_wait3A_264 : memref<10000x16xf32, #tpu.memory_space<hbm>>) dst(%arg14 : memref<128x16xf32, #tpu.memory_space<vmem>>)
      %add3A_265 = arith.constant 4 : i32
      %add3A_266 = arith.addi %mul3A_192, %add3A_265 : i32
      %dma_start3A_267 = arith.constant 0 : i32
      %dma_start3A_268 = tpu.memref_slice %arg7[%add3A_266, %dma_start3A_267] : memref<80x128xi32, #tpu.memory_space<vmem>> -> memref<1x128xi32, #tpu.memory_space<vmem>>
      %dma_start3A_269 = tpu.memref_squeeze %dma_start3A_268 : memref<1x128xi32, #tpu.memory_space<vmem>> -> memref<128xi32, #tpu.memory_space<vmem>>
      %dma_start3A_270 = arith.constant 0 : i32
      %dma_start3A_271 = arith.constant 0 : i32
      %dma_start3A_272 = tpu.memref_slice %arg8[%dma_start3A_270, %dma_start3A_271] : memref<10016x16xf32, #tpu.memory_space<vmem_shared>> -> memref<10016x16xf32, #tpu.memory_space<vmem_shared>>
      tpu.enqueue_indirect_dma source(%arg14 : memref<128x16xf32, #tpu.memory_space<vmem>>) target(%dma_start3A_272 : memref<10016x16xf32, #tpu.memory_space<vmem_shared>>) offsets(%dma_start3A_269 : memref<128xi32, #tpu.memory_space<vmem>>) semaphore(%arg34 : memref<!tpu.dma_semaphore, #tpu.memory_space<semaphore_mem>>) {add = true}
      %add3A_273 = arith.constant 5 : i32
      %add3A_274 = arith.addi %mul3A_192, %add3A_273 : i32
      %dma_wait3A_275 = arith.constant 0 : i32
      %dma_wait3A_276 = tpu.memref_slice %arg9[%add3A_274, %dma_wait3A_275] : memref<80x128xi32, #tpu.memory_space<vmem>> -> memref<1x128xi32, #tpu.memory_space<vmem>>
      %dma_wait3A_277 = tpu.memref_squeeze %dma_wait3A_276 : memref<1x128xi32, #tpu.memory_space<vmem>> -> memref<128xi32, #tpu.memory_space<vmem>>
      %dma_wait3A_278 = arith.constant 0 : i32
      %dma_wait3A_279 = arith.constant 0 : i32
      %dma_wait3A_280 = tpu.memref_slice %arg2[%dma_wait3A_278, %dma_wait3A_279] : memref<10000x16xf32, #tpu.memory_space<hbm>> -> memref<10000x16xf32, #tpu.memory_space<hbm>>
      tpu.wait_indirect_dma semaphore(%arg25 : memref<!tpu.dma_semaphore, #tpu.memory_space<semaphore_mem>>) src(%dma_wait3A_280 : memref<10000x16xf32, #tpu.memory_space<hbm>>) dst(%arg15 : memref<128x16xf32, #tpu.memory_space<vmem>>)
      %add3A_281 = arith.constant 5 : i32
      %add3A_282 = arith.addi %mul3A_192, %add3A_281 : i32
      %dma_start3A_283 = arith.constant 0 : i32
      %dma_start3A_284 = tpu.memref_slice %arg7[%add3A_282, %dma_start3A_283] : memref<80x128xi32, #tpu.memory_space<vmem>> -> memref<1x128xi32, #tpu.memory_space<vmem>>
      %dma_start3A_285 = tpu.memref_squeeze %dma_start3A_284 : memref<1x128xi32, #tpu.memory_space<vmem>> -> memref<128xi32, #tpu.memory_space<vmem>>
      %dma_start3A_286 = arith.constant 0 : i32
      %dma_start3A_287 = arith.constant 0 : i32
      %dma_start3A_288 = tpu.memref_slice %arg8[%dma_start3A_286, %dma_start3A_287] : memref<10016x16xf32, #tpu.memory_space<vmem_shared>> -> memref<10016x16xf32, #tpu.memory_space<vmem_shared>>
      tpu.enqueue_indirect_dma source(%arg15 : memref<128x16xf32, #tpu.memory_space<vmem>>) target(%dma_start3A_288 : memref<10016x16xf32, #tpu.memory_space<vmem_shared>>) offsets(%dma_start3A_285 : memref<128xi32, #tpu.memory_space<vmem>>) semaphore(%arg35 : memref<!tpu.dma_semaphore, #tpu.memory_space<semaphore_mem>>) {add = true}
      %add3A_289 = arith.constant 6 : i32
      %add3A_290 = arith.addi %mul3A_192, %add3A_289 : i32
      %dma_wait3A_291 = arith.constant 0 : i32
      %dma_wait3A_292 = tpu.memref_slice %arg9[%add3A_290, %dma_wait3A_291] : memref<80x128xi32, #tpu.memory_space<vmem>> -> memref<1x128xi32, #tpu.memory_space<vmem>>
      %dma_wait3A_293 = tpu.memref_squeeze %dma_wait3A_292 : memref<1x128xi32, #tpu.memory_space<vmem>> -> memref<128xi32, #tpu.memory_space<vmem>>
      %dma_wait3A_294 = arith.constant 0 : i32
      %dma_wait3A_295 = arith.constant 0 : i32
      %dma_wait3A_296 = tpu.memref_slice %arg2[%dma_wait3A_294, %dma_wait3A_295] : memref<10000x16xf32, #tpu.memory_space<hbm>> -> memref<10000x16xf32, #tpu.memory_space<hbm>>
      tpu.wait_indirect_dma semaphore(%arg26 : memref<!tpu.dma_semaphore, #tpu.memory_space<semaphore_mem>>) src(%dma_wait3A_296 : memref<10000x16xf32, #tpu.memory_space<hbm>>) dst(%arg16 : memref<128x16xf32, #tpu.memory_space<vmem>>)
      %add3A_297 = arith.constant 6 : i32
      %add3A_298 = arith.addi %mul3A_192, %add3A_297 : i32
      %dma_start3A_299 = arith.constant 0 : i32
      %dma_start3A_300 = tpu.memref_slice %arg7[%add3A_298, %dma_start3A_299] : memref<80x128xi32, #tpu.memory_space<vmem>> -> memref<1x128xi32, #tpu.memory_space<vmem>>
      %dma_start3A_301 = tpu.memref_squeeze %dma_start3A_300 : memref<1x128xi32, #tpu.memory_space<vmem>> -> memref<128xi32, #tpu.memory_space<vmem>>
      %dma_start3A_302 = arith.constant 0 : i32
      %dma_start3A_303 = arith.constant 0 : i32
      %dma_start3A_304 = tpu.memref_slice %arg8[%dma_start3A_302, %dma_start3A_303] : memref<10016x16xf32, #tpu.memory_space<vmem_shared>> -> memref<10016x16xf32, #tpu.memory_space<vmem_shared>>
      tpu.enqueue_indirect_dma source(%arg16 : memref<128x16xf32, #tpu.memory_space<vmem>>) target(%dma_start3A_304 : memref<10016x16xf32, #tpu.memory_space<vmem_shared>>) offsets(%dma_start3A_301 : memref<128xi32, #tpu.memory_space<vmem>>) semaphore(%arg36 : memref<!tpu.dma_semaphore, #tpu.memory_space<semaphore_mem>>) {add = true}
      %add3A_305 = arith.constant 7 : i32
      %add3A_306 = arith.addi %mul3A_192, %add3A_305 : i32
      %dma_wait3A_307 = arith.constant 0 : i32
      %dma_wait3A_308 = tpu.memref_slice %arg9[%add3A_306, %dma_wait3A_307] : memref<80x128xi32, #tpu.memory_space<vmem>> -> memref<1x128xi32, #tpu.memory_space<vmem>>
      %dma_wait3A_309 = tpu.memref_squeeze %dma_wait3A_308 : memref<1x128xi32, #tpu.memory_space<vmem>> -> memref<128xi32, #tpu.memory_space<vmem>>
      %dma_wait3A_310 = arith.constant 0 : i32
      %dma_wait3A_311 = arith.constant 0 : i32
      %dma_wait3A_312 = tpu.memref_slice %arg2[%dma_wait3A_310, %dma_wait3A_311] : memref<10000x16xf32, #tpu.memory_space<hbm>> -> memref<10000x16xf32, #tpu.memory_space<hbm>>
      tpu.wait_indirect_dma semaphore(%arg27 : memref<!tpu.dma_semaphore, #tpu.memory_space<semaphore_mem>>) src(%dma_wait3A_312 : memref<10000x16xf32, #tpu.memory_space<hbm>>) dst(%arg17 : memref<128x16xf32, #tpu.memory_space<vmem>>)
      %add3A_313 = arith.constant 7 : i32
      %add3A_314 = arith.addi %mul3A_192, %add3A_313 : i32
      %dma_start3A_315 = arith.constant 0 : i32
      %dma_start3A_316 = tpu.memref_slice %arg7[%add3A_314, %dma_start3A_315] : memref<80x128xi32, #tpu.memory_space<vmem>> -> memref<1x128xi32, #tpu.memory_space<vmem>>
      %dma_start3A_317 = tpu.memref_squeeze %dma_start3A_316 : memref<1x128xi32, #tpu.memory_space<vmem>> -> memref<128xi32, #tpu.memory_space<vmem>>
      %dma_start3A_318 = arith.constant 0 : i32
      %dma_start3A_319 = arith.constant 0 : i32
      %dma_start3A_320 = tpu.memref_slice %arg8[%dma_start3A_318, %dma_start3A_319] : memref<10016x16xf32, #tpu.memory_space<vmem_shared>> -> memref<10016x16xf32, #tpu.memory_space<vmem_shared>>
      tpu.enqueue_indirect_dma source(%arg17 : memref<128x16xf32, #tpu.memory_space<vmem>>) target(%dma_start3A_320 : memref<10016x16xf32, #tpu.memory_space<vmem_shared>>) offsets(%dma_start3A_317 : memref<128xi32, #tpu.memory_space<vmem>>) semaphore(%arg37 : memref<!tpu.dma_semaphore, #tpu.memory_space<semaphore_mem>>) {add = true}
      %add3A_321 = arith.constant 8 : i32
      %add3A_322 = arith.addi %mul3A_192, %add3A_321 : i32
      %dma_wait3A_323 = arith.constant 0 : i32
      %dma_wait3A_324 = tpu.memref_slice %arg9[%add3A_322, %dma_wait3A_323] : memref<80x128xi32, #tpu.memory_space<vmem>> -> memref<1x128xi32, #tpu.memory_space<vmem>>
      %dma_wait3A_325 = tpu.memref_squeeze %dma_wait3A_324 : memref<1x128xi32, #tpu.memory_space<vmem>> -> memref<128xi32, #tpu.memory_space<vmem>>
      %dma_wait3A_326 = arith.constant 0 : i32
      %dma_wait3A_327 = arith.constant 0 : i32
      %dma_wait3A_328 = tpu.memref_slice %arg2[%dma_wait3A_326, %dma_wait3A_327] : memref<10000x16xf32, #tpu.memory_space<hbm>> -> memref<10000x16xf32, #tpu.memory_space<hbm>>
      tpu.wait_indirect_dma semaphore(%arg28 : memref<!tpu.dma_semaphore, #tpu.memory_space<semaphore_mem>>) src(%dma_wait3A_328 : memref<10000x16xf32, #tpu.memory_space<hbm>>) dst(%arg18 : memref<128x16xf32, #tpu.memory_space<vmem>>)
      %add3A_329 = arith.constant 8 : i32
      %add3A_330 = arith.addi %mul3A_192, %add3A_329 : i32
      %dma_start3A_331 = arith.constant 0 : i32
      %dma_start3A_332 = tpu.memref_slice %arg7[%add3A_330, %dma_start3A_331] : memref<80x128xi32, #tpu.memory_space<vmem>> -> memref<1x128xi32, #tpu.memory_space<vmem>>
      %dma_start3A_333 = tpu.memref_squeeze %dma_start3A_332 : memref<1x128xi32, #tpu.memory_space<vmem>> -> memref<128xi32, #tpu.memory_space<vmem>>
      %dma_start3A_334 = arith.constant 0 : i32
      %dma_start3A_335 = arith.constant 0 : i32
      %dma_start3A_336 = tpu.memref_slice %arg8[%dma_start3A_334, %dma_start3A_335] : memref<10016x16xf32, #tpu.memory_space<vmem_shared>> -> memref<10016x16xf32, #tpu.memory_space<vmem_shared>>
      tpu.enqueue_indirect_dma source(%arg18 : memref<128x16xf32, #tpu.memory_space<vmem>>) target(%dma_start3A_336 : memref<10016x16xf32, #tpu.memory_space<vmem_shared>>) offsets(%dma_start3A_333 : memref<128xi32, #tpu.memory_space<vmem>>) semaphore(%arg38 : memref<!tpu.dma_semaphore, #tpu.memory_space<semaphore_mem>>) {add = true}
      %add3A_337 = arith.constant 9 : i32
      %add3A_338 = arith.addi %mul3A_192, %add3A_337 : i32
      %dma_wait3A_339 = arith.constant 0 : i32
      %dma_wait3A_340 = tpu.memref_slice %arg9[%add3A_338, %dma_wait3A_339] : memref<80x128xi32, #tpu.memory_space<vmem>> -> memref<1x128xi32, #tpu.memory_space<vmem>>
      %dma_wait3A_341 = tpu.memref_squeeze %dma_wait3A_340 : memref<1x128xi32, #tpu.memory_space<vmem>> -> memref<128xi32, #tpu.memory_space<vmem>>
      %dma_wait3A_342 = arith.constant 0 : i32
      %dma_wait3A_343 = arith.constant 0 : i32
      %dma_wait3A_344 = tpu.memref_slice %arg2[%dma_wait3A_342, %dma_wait3A_343] : memref<10000x16xf32, #tpu.memory_space<hbm>> -> memref<10000x16xf32, #tpu.memory_space<hbm>>
      tpu.wait_indirect_dma semaphore(%arg29 : memref<!tpu.dma_semaphore, #tpu.memory_space<semaphore_mem>>) src(%dma_wait3A_344 : memref<10000x16xf32, #tpu.memory_space<hbm>>) dst(%arg19 : memref<128x16xf32, #tpu.memory_space<vmem>>)
      %add3A_345 = arith.constant 9 : i32
      %add3A_346 = arith.addi %mul3A_192, %add3A_345 : i32
      %dma_start3A_347 = arith.constant 0 : i32
      %dma_start3A_348 = tpu.memref_slice %arg7[%add3A_346, %dma_start3A_347] : memref<80x128xi32, #tpu.memory_space<vmem>> -> memref<1x128xi32, #tpu.memory_space<vmem>>
      %dma_start3A_349 = tpu.memref_squeeze %dma_start3A_348 : memref<1x128xi32, #tpu.memory_space<vmem>> -> memref<128xi32, #tpu.memory_space<vmem>>
      %dma_start3A_350 = arith.constant 0 : i32
      %dma_start3A_351 = arith.constant 0 : i32
      %dma_start3A_352 = tpu.memref_slice %arg8[%dma_start3A_350, %dma_start3A_351] : memref<10016x16xf32, #tpu.memory_space<vmem_shared>> -> memref<10016x16xf32, #tpu.memory_space<vmem_shared>>
      tpu.enqueue_indirect_dma source(%arg19 : memref<128x16xf32, #tpu.memory_space<vmem>>) target(%dma_start3A_352 : memref<10016x16xf32, #tpu.memory_space<vmem_shared>>) offsets(%dma_start3A_349 : memref<128xi32, #tpu.memory_space<vmem>>) semaphore(%arg39 : memref<!tpu.dma_semaphore, #tpu.memory_space<semaphore_mem>>) {add = true}
      %add3A_353 = arith.constant 0 : i32
      %add3A_354 = arith.addi %mul3A_192, %add3A_353 : i32
      %dma_wait3A_355 = arith.constant 0 : i32
      %dma_wait3A_356 = tpu.memref_slice %arg7[%add3A_354, %dma_wait3A_355] : memref<80x128xi32, #tpu.memory_space<vmem>> -> memref<1x128xi32, #tpu.memory_space<vmem>>
      %dma_wait3A_357 = tpu.memref_squeeze %dma_wait3A_356 : memref<1x128xi32, #tpu.memory_space<vmem>> -> memref<128xi32, #tpu.memory_space<vmem>>
      %dma_wait3A_358 = arith.constant 0 : i32
      %dma_wait3A_359 = arith.constant 0 : i32
      %dma_wait3A_360 = tpu.memref_slice %arg8[%dma_wait3A_358, %dma_wait3A_359] : memref<10016x16xf32, #tpu.memory_space<vmem_shared>> -> memref<10016x16xf32, #tpu.memory_space<vmem_shared>>
      tpu.wait_indirect_dma semaphore(%arg30 : memref<!tpu.dma_semaphore, #tpu.memory_space<semaphore_mem>>) src(%arg10 : memref<128x16xf32, #tpu.memory_space<vmem>>) dst(%dma_wait3A_360 : memref<10016x16xf32, #tpu.memory_space<vmem_shared>>)
      %add3A_361 = arith.constant 10 : i32
      %add3A_362 = arith.addi %mul3A_192, %add3A_361 : i32
      %add3A_363 = arith.constant 0 : i32
      %add3A_364 = arith.addi %add3A_362, %add3A_363 : i32
      %rem3A = arith.constant 80 : i32
      %rem3A_365 = arith.remsi %add3A_364, %rem3A : i32
      %dma_start3A_366 = arith.constant 0 : i32
      %dma_start3A_367 = tpu.memref_slice %arg9[%rem3A_365, %dma_start3A_366] : memref<80x128xi32, #tpu.memory_space<vmem>> -> memref<1x128xi32, #tpu.memory_space<vmem>>
      %dma_start3A_368 = tpu.memref_squeeze %dma_start3A_367 : memref<1x128xi32, #tpu.memory_space<vmem>> -> memref<128xi32, #tpu.memory_space<vmem>>
      %dma_start3A_369 = arith.constant 0 : i32
      %dma_start3A_370 = arith.constant 0 : i32
      %dma_start3A_371 = tpu.memref_slice %arg2[%dma_start3A_369, %dma_start3A_370] : memref<10000x16xf32, #tpu.memory_space<hbm>> -> memref<10000x16xf32, #tpu.memory_space<hbm>>
      tpu.enqueue_indirect_dma source(%dma_start3A_371 : memref<10000x16xf32, #tpu.memory_space<hbm>>) target(%arg10 : memref<128x16xf32, #tpu.memory_space<vmem>>) offsets(%dma_start3A_368 : memref<128xi32, #tpu.memory_space<vmem>>) semaphore(%arg20 : memref<!tpu.dma_semaphore, #tpu.memory_space<semaphore_mem>>)
      %add3A_372 = arith.constant 1 : i32
      %add3A_373 = arith.addi %mul3A_192, %add3A_372 : i32
      %dma_wait3A_374 = arith.constant 0 : i32
      %dma_wait3A_375 = tpu.memref_slice %arg7[%add3A_373, %dma_wait3A_374] : memref<80x128xi32, #tpu.memory_space<vmem>> -> memref<1x128xi32, #tpu.memory_space<vmem>>
      %dma_wait3A_376 = tpu.memref_squeeze %dma_wait3A_375 : memref<1x128xi32, #tpu.memory_space<vmem>> -> memref<128xi32, #tpu.memory_space<vmem>>
      %dma_wait3A_377 = arith.constant 0 : i32
      %dma_wait3A_378 = arith.constant 0 : i32
      %dma_wait3A_379 = tpu.memref_slice %arg8[%dma_wait3A_377, %dma_wait3A_378] : memref<10016x16xf32, #tpu.memory_space<vmem_shared>> -> memref<10016x16xf32, #tpu.memory_space<vmem_shared>>
      tpu.wait_indirect_dma semaphore(%arg31 : memref<!tpu.dma_semaphore, #tpu.memory_space<semaphore_mem>>) src(%arg11 : memref<128x16xf32, #tpu.memory_space<vmem>>) dst(%dma_wait3A_379 : memref<10016x16xf32, #tpu.memory_space<vmem_shared>>)
      %add3A_380 = arith.constant 10 : i32
      %add3A_381 = arith.addi %mul3A_192, %add3A_380 : i32
      %add3A_382 = arith.constant 1 : i32
      %add3A_383 = arith.addi %add3A_381, %add3A_382 : i32
      %rem3A_384 = arith.constant 80 : i32
      %rem3A_385 = arith.remsi %add3A_383, %rem3A_384 : i32
      %dma_start3A_386 = arith.constant 0 : i32
      %dma_start3A_387 = tpu.memref_slice %arg9[%rem3A_385, %dma_start3A_386] : memref<80x128xi32, #tpu.memory_space<vmem>> -> memref<1x128xi32, #tpu.memory_space<vmem>>
      %dma_start3A_388 = tpu.memref_squeeze %dma_start3A_387 : memref<1x128xi32, #tpu.memory_space<vmem>> -> memref<128xi32, #tpu.memory_space<vmem>>
      %dma_start3A_389 = arith.constant 0 : i32
      %dma_start3A_390 = arith.constant 0 : i32
      %dma_start3A_391 = tpu.memref_slice %arg2[%dma_start3A_389, %dma_start3A_390] : memref<10000x16xf32, #tpu.memory_space<hbm>> -> memref<10000x16xf32, #tpu.memory_space<hbm>>
      tpu.enqueue_indirect_dma source(%dma_start3A_391 : memref<10000x16xf32, #tpu.memory_space<hbm>>) target(%arg11 : memref<128x16xf32, #tpu.memory_space<vmem>>) offsets(%dma_start3A_388 : memref<128xi32, #tpu.memory_space<vmem>>) semaphore(%arg21 : memref<!tpu.dma_semaphore, #tpu.memory_space<semaphore_mem>>)
      %add3A_392 = arith.constant 2 : i32
      %add3A_393 = arith.addi %mul3A_192, %add3A_392 : i32
      %dma_wait3A_394 = arith.constant 0 : i32
      %dma_wait3A_395 = tpu.memref_slice %arg7[%add3A_393, %dma_wait3A_394] : memref<80x128xi32, #tpu.memory_space<vmem>> -> memref<1x128xi32, #tpu.memory_space<vmem>>
      %dma_wait3A_396 = tpu.memref_squeeze %dma_wait3A_395 : memref<1x128xi32, #tpu.memory_space<vmem>> -> memref<128xi32, #tpu.memory_space<vmem>>
      %dma_wait3A_397 = arith.constant 0 : i32
      %dma_wait3A_398 = arith.constant 0 : i32
      %dma_wait3A_399 = tpu.memref_slice %arg8[%dma_wait3A_397, %dma_wait3A_398] : memref<10016x16xf32, #tpu.memory_space<vmem_shared>> -> memref<10016x16xf32, #tpu.memory_space<vmem_shared>>
      tpu.wait_indirect_dma semaphore(%arg32 : memref<!tpu.dma_semaphore, #tpu.memory_space<semaphore_mem>>) src(%arg12 : memref<128x16xf32, #tpu.memory_space<vmem>>) dst(%dma_wait3A_399 : memref<10016x16xf32, #tpu.memory_space<vmem_shared>>)
      %add3A_400 = arith.constant 10 : i32
      %add3A_401 = arith.addi %mul3A_192, %add3A_400 : i32
      %add3A_402 = arith.constant 2 : i32
      %add3A_403 = arith.addi %add3A_401, %add3A_402 : i32
      %rem3A_404 = arith.constant 80 : i32
      %rem3A_405 = arith.remsi %add3A_403, %rem3A_404 : i32
      %dma_start3A_406 = arith.constant 0 : i32
      %dma_start3A_407 = tpu.memref_slice %arg9[%rem3A_405, %dma_start3A_406] : memref<80x128xi32, #tpu.memory_space<vmem>> -> memref<1x128xi32, #tpu.memory_space<vmem>>
      %dma_start3A_408 = tpu.memref_squeeze %dma_start3A_407 : memref<1x128xi32, #tpu.memory_space<vmem>> -> memref<128xi32, #tpu.memory_space<vmem>>
      %dma_start3A_409 = arith.constant 0 : i32
      %dma_start3A_410 = arith.constant 0 : i32
      %dma_start3A_411 = tpu.memref_slice %arg2[%dma_start3A_409, %dma_start3A_410] : memref<10000x16xf32, #tpu.memory_space<hbm>> -> memref<10000x16xf32, #tpu.memory_space<hbm>>
      tpu.enqueue_indirect_dma source(%dma_start3A_411 : memref<10000x16xf32, #tpu.memory_space<hbm>>) target(%arg12 : memref<128x16xf32, #tpu.memory_space<vmem>>) offsets(%dma_start3A_408 : memref<128xi32, #tpu.memory_space<vmem>>) semaphore(%arg22 : memref<!tpu.dma_semaphore, #tpu.memory_space<semaphore_mem>>)
      %add3A_412 = arith.constant 3 : i32
      %add3A_413 = arith.addi %mul3A_192, %add3A_412 : i32
      %dma_wait3A_414 = arith.constant 0 : i32
      %dma_wait3A_415 = tpu.memref_slice %arg7[%add3A_413, %dma_wait3A_414] : memref<80x128xi32, #tpu.memory_space<vmem>> -> memref<1x128xi32, #tpu.memory_space<vmem>>
      %dma_wait3A_416 = tpu.memref_squeeze %dma_wait3A_415 : memref<1x128xi32, #tpu.memory_space<vmem>> -> memref<128xi32, #tpu.memory_space<vmem>>
      %dma_wait3A_417 = arith.constant 0 : i32
      %dma_wait3A_418 = arith.constant 0 : i32
      %dma_wait3A_419 = tpu.memref_slice %arg8[%dma_wait3A_417, %dma_wait3A_418] : memref<10016x16xf32, #tpu.memory_space<vmem_shared>> -> memref<10016x16xf32, #tpu.memory_space<vmem_shared>>
      tpu.wait_indirect_dma semaphore(%arg33 : memref<!tpu.dma_semaphore, #tpu.memory_space<semaphore_mem>>) src(%arg13 : memref<128x16xf32, #tpu.memory_space<vmem>>) dst(%dma_wait3A_419 : memref<10016x16xf32, #tpu.memory_space<vmem_shared>>)
      %add3A_420 = arith.constant 10 : i32
      %add3A_421 = arith.addi %mul3A_192, %add3A_420 : i32
      %add3A_422 = arith.constant 3 : i32
      %add3A_423 = arith.addi %add3A_421, %add3A_422 : i32
      %rem3A_424 = arith.constant 80 : i32
      %rem3A_425 = arith.remsi %add3A_423, %rem3A_424 : i32
      %dma_start3A_426 = arith.constant 0 : i32
      %dma_start3A_427 = tpu.memref_slice %arg9[%rem3A_425, %dma_start3A_426] : memref<80x128xi32, #tpu.memory_space<vmem>> -> memref<1x128xi32, #tpu.memory_space<vmem>>
      %dma_start3A_428 = tpu.memref_squeeze %dma_start3A_427 : memref<1x128xi32, #tpu.memory_space<vmem>> -> memref<128xi32, #tpu.memory_space<vmem>>
      %dma_start3A_429 = arith.constant 0 : i32
      %dma_start3A_430 = arith.constant 0 : i32
      %dma_start3A_431 = tpu.memref_slice %arg2[%dma_start3A_429, %dma_start3A_430] : memref<10000x16xf32, #tpu.memory_space<hbm>> -> memref<10000x16xf32, #tpu.memory_space<hbm>>
      tpu.enqueue_indirect_dma source(%dma_start3A_431 : memref<10000x16xf32, #tpu.memory_space<hbm>>) target(%arg13 : memref<128x16xf32, #tpu.memory_space<vmem>>) offsets(%dma_start3A_428 : memref<128xi32, #tpu.memory_space<vmem>>) semaphore(%arg23 : memref<!tpu.dma_semaphore, #tpu.memory_space<semaphore_mem>>)
      %add3A_432 = arith.constant 4 : i32
      %add3A_433 = arith.addi %mul3A_192, %add3A_432 : i32
      %dma_wait3A_434 = arith.constant 0 : i32
      %dma_wait3A_435 = tpu.memref_slice %arg7[%add3A_433, %dma_wait3A_434] : memref<80x128xi32, #tpu.memory_space<vmem>> -> memref<1x128xi32, #tpu.memory_space<vmem>>
      %dma_wait3A_436 = tpu.memref_squeeze %dma_wait3A_435 : memref<1x128xi32, #tpu.memory_space<vmem>> -> memref<128xi32, #tpu.memory_space<vmem>>
      %dma_wait3A_437 = arith.constant 0 : i32
      %dma_wait3A_438 = arith.constant 0 : i32
      %dma_wait3A_439 = tpu.memref_slice %arg8[%dma_wait3A_437, %dma_wait3A_438] : memref<10016x16xf32, #tpu.memory_space<vmem_shared>> -> memref<10016x16xf32, #tpu.memory_space<vmem_shared>>
      tpu.wait_indirect_dma semaphore(%arg34 : memref<!tpu.dma_semaphore, #tpu.memory_space<semaphore_mem>>) src(%arg14 : memref<128x16xf32, #tpu.memory_space<vmem>>) dst(%dma_wait3A_439 : memref<10016x16xf32, #tpu.memory_space<vmem_shared>>)
      %add3A_440 = arith.constant 10 : i32
      %add3A_441 = arith.addi %mul3A_192, %add3A_440 : i32
      %add3A_442 = arith.constant 4 : i32
      %add3A_443 = arith.addi %add3A_441, %add3A_442 : i32
      %rem3A_444 = arith.constant 80 : i32
      %rem3A_445 = arith.remsi %add3A_443, %rem3A_444 : i32
      %dma_start3A_446 = arith.constant 0 : i32
      %dma_start3A_447 = tpu.memref_slice %arg9[%rem3A_445, %dma_start3A_446] : memref<80x128xi32, #tpu.memory_space<vmem>> -> memref<1x128xi32, #tpu.memory_space<vmem>>
      %dma_start3A_448 = tpu.memref_squeeze %dma_start3A_447 : memref<1x128xi32, #tpu.memory_space<vmem>> -> memref<128xi32, #tpu.memory_space<vmem>>
      %dma_start3A_449 = arith.constant 0 : i32
      %dma_start3A_450 = arith.constant 0 : i32
      %dma_start3A_451 = tpu.memref_slice %arg2[%dma_start3A_449, %dma_start3A_450] : memref<10000x16xf32, #tpu.memory_space<hbm>> -> memref<10000x16xf32, #tpu.memory_space<hbm>>
      tpu.enqueue_indirect_dma source(%dma_start3A_451 : memref<10000x16xf32, #tpu.memory_space<hbm>>) target(%arg14 : memref<128x16xf32, #tpu.memory_space<vmem>>) offsets(%dma_start3A_448 : memref<128xi32, #tpu.memory_space<vmem>>) semaphore(%arg24 : memref<!tpu.dma_semaphore, #tpu.memory_space<semaphore_mem>>)
      %add3A_452 = arith.constant 5 : i32
      %add3A_453 = arith.addi %mul3A_192, %add3A_452 : i32
      %dma_wait3A_454 = arith.constant 0 : i32
      %dma_wait3A_455 = tpu.memref_slice %arg7[%add3A_453, %dma_wait3A_454] : memref<80x128xi32, #tpu.memory_space<vmem>> -> memref<1x128xi32, #tpu.memory_space<vmem>>
      %dma_wait3A_456 = tpu.memref_squeeze %dma_wait3A_455 : memref<1x128xi32, #tpu.memory_space<vmem>> -> memref<128xi32, #tpu.memory_space<vmem>>
      %dma_wait3A_457 = arith.constant 0 : i32
      %dma_wait3A_458 = arith.constant 0 : i32
      %dma_wait3A_459 = tpu.memref_slice %arg8[%dma_wait3A_457, %dma_wait3A_458] : memref<10016x16xf32, #tpu.memory_space<vmem_shared>> -> memref<10016x16xf32, #tpu.memory_space<vmem_shared>>
      tpu.wait_indirect_dma semaphore(%arg35 : memref<!tpu.dma_semaphore, #tpu.memory_space<semaphore_mem>>) src(%arg15 : memref<128x16xf32, #tpu.memory_space<vmem>>) dst(%dma_wait3A_459 : memref<10016x16xf32, #tpu.memory_space<vmem_shared>>)
      %add3A_460 = arith.constant 10 : i32
      %add3A_461 = arith.addi %mul3A_192, %add3A_460 : i32
      %add3A_462 = arith.constant 5 : i32
      %add3A_463 = arith.addi %add3A_461, %add3A_462 : i32
      %rem3A_464 = arith.constant 80 : i32
      %rem3A_465 = arith.remsi %add3A_463, %rem3A_464 : i32
      %dma_start3A_466 = arith.constant 0 : i32
      %dma_start3A_467 = tpu.memref_slice %arg9[%rem3A_465, %dma_start3A_466] : memref<80x128xi32, #tpu.memory_space<vmem>> -> memref<1x128xi32, #tpu.memory_space<vmem>>
      %dma_start3A_468 = tpu.memref_squeeze %dma_start3A_467 : memref<1x128xi32, #tpu.memory_space<vmem>> -> memref<128xi32, #tpu.memory_space<vmem>>
      %dma_start3A_469 = arith.constant 0 : i32
      %dma_start3A_470 = arith.constant 0 : i32
      %dma_start3A_471 = tpu.memref_slice %arg2[%dma_start3A_469, %dma_start3A_470] : memref<10000x16xf32, #tpu.memory_space<hbm>> -> memref<10000x16xf32, #tpu.memory_space<hbm>>
      tpu.enqueue_indirect_dma source(%dma_start3A_471 : memref<10000x16xf32, #tpu.memory_space<hbm>>) target(%arg15 : memref<128x16xf32, #tpu.memory_space<vmem>>) offsets(%dma_start3A_468 : memref<128xi32, #tpu.memory_space<vmem>>) semaphore(%arg25 : memref<!tpu.dma_semaphore, #tpu.memory_space<semaphore_mem>>)
      %add3A_472 = arith.constant 6 : i32
      %add3A_473 = arith.addi %mul3A_192, %add3A_472 : i32
      %dma_wait3A_474 = arith.constant 0 : i32
      %dma_wait3A_475 = tpu.memref_slice %arg7[%add3A_473, %dma_wait3A_474] : memref<80x128xi32, #tpu.memory_space<vmem>> -> memref<1x128xi32, #tpu.memory_space<vmem>>
      %dma_wait3A_476 = tpu.memref_squeeze %dma_wait3A_475 : memref<1x128xi32, #tpu.memory_space<vmem>> -> memref<128xi32, #tpu.memory_space<vmem>>
      %dma_wait3A_477 = arith.constant 0 : i32
      %dma_wait3A_478 = arith.constant 0 : i32
      %dma_wait3A_479 = tpu.memref_slice %arg8[%dma_wait3A_477, %dma_wait3A_478] : memref<10016x16xf32, #tpu.memory_space<vmem_shared>> -> memref<10016x16xf32, #tpu.memory_space<vmem_shared>>
      tpu.wait_indirect_dma semaphore(%arg36 : memref<!tpu.dma_semaphore, #tpu.memory_space<semaphore_mem>>) src(%arg16 : memref<128x16xf32, #tpu.memory_space<vmem>>) dst(%dma_wait3A_479 : memref<10016x16xf32, #tpu.memory_space<vmem_shared>>)
      %add3A_480 = arith.constant 10 : i32
      %add3A_481 = arith.addi %mul3A_192, %add3A_480 : i32
      %add3A_482 = arith.constant 6 : i32
      %add3A_483 = arith.addi %add3A_481, %add3A_482 : i32
      %rem3A_484 = arith.constant 80 : i32
      %rem3A_485 = arith.remsi %add3A_483, %rem3A_484 : i32
      %dma_start3A_486 = arith.constant 0 : i32
      %dma_start3A_487 = tpu.memref_slice %arg9[%rem3A_485, %dma_start3A_486] : memref<80x128xi32, #tpu.memory_space<vmem>> -> memref<1x128xi32, #tpu.memory_space<vmem>>
      %dma_start3A_488 = tpu.memref_squeeze %dma_start3A_487 : memref<1x128xi32, #tpu.memory_space<vmem>> -> memref<128xi32, #tpu.memory_space<vmem>>
      %dma_start3A_489 = arith.constant 0 : i32
      %dma_start3A_490 = arith.constant 0 : i32
      %dma_start3A_491 = tpu.memref_slice %arg2[%dma_start3A_489, %dma_start3A_490] : memref<10000x16xf32, #tpu.memory_space<hbm>> -> memref<10000x16xf32, #tpu.memory_space<hbm>>
      tpu.enqueue_indirect_dma source(%dma_start3A_491 : memref<10000x16xf32, #tpu.memory_space<hbm>>) target(%arg16 : memref<128x16xf32, #tpu.memory_space<vmem>>) offsets(%dma_start3A_488 : memref<128xi32, #tpu.memory_space<vmem>>) semaphore(%arg26 : memref<!tpu.dma_semaphore, #tpu.memory_space<semaphore_mem>>)
      %add3A_492 = arith.constant 7 : i32
      %add3A_493 = arith.addi %mul3A_192, %add3A_492 : i32
      %dma_wait3A_494 = arith.constant 0 : i32
      %dma_wait3A_495 = tpu.memref_slice %arg7[%add3A_493, %dma_wait3A_494] : memref<80x128xi32, #tpu.memory_space<vmem>> -> memref<1x128xi32, #tpu.memory_space<vmem>>
      %dma_wait3A_496 = tpu.memref_squeeze %dma_wait3A_495 : memref<1x128xi32, #tpu.memory_space<vmem>> -> memref<128xi32, #tpu.memory_space<vmem>>
      %dma_wait3A_497 = arith.constant 0 : i32
      %dma_wait3A_498 = arith.constant 0 : i32
      %dma_wait3A_499 = tpu.memref_slice %arg8[%dma_wait3A_497, %dma_wait3A_498] : memref<10016x16xf32, #tpu.memory_space<vmem_shared>> -> memref<10016x16xf32, #tpu.memory_space<vmem_shared>>
      tpu.wait_indirect_dma semaphore(%arg37 : memref<!tpu.dma_semaphore, #tpu.memory_space<semaphore_mem>>) src(%arg17 : memref<128x16xf32, #tpu.memory_space<vmem>>) dst(%dma_wait3A_499 : memref<10016x16xf32, #tpu.memory_space<vmem_shared>>)
      %add3A_500 = arith.constant 10 : i32
      %add3A_501 = arith.addi %mul3A_192, %add3A_500 : i32
      %add3A_502 = arith.constant 7 : i32
      %add3A_503 = arith.addi %add3A_501, %add3A_502 : i32
      %rem3A_504 = arith.constant 80 : i32
      %rem3A_505 = arith.remsi %add3A_503, %rem3A_504 : i32
      %dma_start3A_506 = arith.constant 0 : i32
      %dma_start3A_507 = tpu.memref_slice %arg9[%rem3A_505, %dma_start3A_506] : memref<80x128xi32, #tpu.memory_space<vmem>> -> memref<1x128xi32, #tpu.memory_space<vmem>>
      %dma_start3A_508 = tpu.memref_squeeze %dma_start3A_507 : memref<1x128xi32, #tpu.memory_space<vmem>> -> memref<128xi32, #tpu.memory_space<vmem>>
      %dma_start3A_509 = arith.constant 0 : i32
      %dma_start3A_510 = arith.constant 0 : i32
      %dma_start3A_511 = tpu.memref_slice %arg2[%dma_start3A_509, %dma_start3A_510] : memref<10000x16xf32, #tpu.memory_space<hbm>> -> memref<10000x16xf32, #tpu.memory_space<hbm>>
      tpu.enqueue_indirect_dma source(%dma_start3A_511 : memref<10000x16xf32, #tpu.memory_space<hbm>>) target(%arg17 : memref<128x16xf32, #tpu.memory_space<vmem>>) offsets(%dma_start3A_508 : memref<128xi32, #tpu.memory_space<vmem>>) semaphore(%arg27 : memref<!tpu.dma_semaphore, #tpu.memory_space<semaphore_mem>>)
      %add3A_512 = arith.constant 8 : i32
      %add3A_513 = arith.addi %mul3A_192, %add3A_512 : i32
      %dma_wait3A_514 = arith.constant 0 : i32
      %dma_wait3A_515 = tpu.memref_slice %arg7[%add3A_513, %dma_wait3A_514] : memref<80x128xi32, #tpu.memory_space<vmem>> -> memref<1x128xi32, #tpu.memory_space<vmem>>
      %dma_wait3A_516 = tpu.memref_squeeze %dma_wait3A_515 : memref<1x128xi32, #tpu.memory_space<vmem>> -> memref<128xi32, #tpu.memory_space<vmem>>
      %dma_wait3A_517 = arith.constant 0 : i32
      %dma_wait3A_518 = arith.constant 0 : i32
      %dma_wait3A_519 = tpu.memref_slice %arg8[%dma_wait3A_517, %dma_wait3A_518] : memref<10016x16xf32, #tpu.memory_space<vmem_shared>> -> memref<10016x16xf32, #tpu.memory_space<vmem_shared>>
      tpu.wait_indirect_dma semaphore(%arg38 : memref<!tpu.dma_semaphore, #tpu.memory_space<semaphore_mem>>) src(%arg18 : memref<128x16xf32, #tpu.memory_space<vmem>>) dst(%dma_wait3A_519 : memref<10016x16xf32, #tpu.memory_space<vmem_shared>>)
      %add3A_520 = arith.constant 10 : i32
      %add3A_521 = arith.addi %mul3A_192, %add3A_520 : i32
      %add3A_522 = arith.constant 8 : i32
      %add3A_523 = arith.addi %add3A_521, %add3A_522 : i32
      %rem3A_524 = arith.constant 80 : i32
      %rem3A_525 = arith.remsi %add3A_523, %rem3A_524 : i32
      %dma_start3A_526 = arith.constant 0 : i32
      %dma_start3A_527 = tpu.memref_slice %arg9[%rem3A_525, %dma_start3A_526] : memref<80x128xi32, #tpu.memory_space<vmem>> -> memref<1x128xi32, #tpu.memory_space<vmem>>
      %dma_start3A_528 = tpu.memref_squeeze %dma_start3A_527 : memref<1x128xi32, #tpu.memory_space<vmem>> -> memref<128xi32, #tpu.memory_space<vmem>>
      %dma_start3A_529 = arith.constant 0 : i32
      %dma_start3A_530 = arith.constant 0 : i32
      %dma_start3A_531 = tpu.memref_slice %arg2[%dma_start3A_529, %dma_start3A_530] : memref<10000x16xf32, #tpu.memory_space<hbm>> -> memref<10000x16xf32, #tpu.memory_space<hbm>>
      tpu.enqueue_indirect_dma source(%dma_start3A_531 : memref<10000x16xf32, #tpu.memory_space<hbm>>) target(%arg18 : memref<128x16xf32, #tpu.memory_space<vmem>>) offsets(%dma_start3A_528 : memref<128xi32, #tpu.memory_space<vmem>>) semaphore(%arg28 : memref<!tpu.dma_semaphore, #tpu.memory_space<semaphore_mem>>)
      %add3A_532 = arith.constant 9 : i32
      %add3A_533 = arith.addi %mul3A_192, %add3A_532 : i32
      %dma_wait3A_534 = arith.constant 0 : i32
      %dma_wait3A_535 = tpu.memref_slice %arg7[%add3A_533, %dma_wait3A_534] : memref<80x128xi32, #tpu.memory_space<vmem>> -> memref<1x128xi32, #tpu.memory_space<vmem>>
      %dma_wait3A_536 = tpu.memref_squeeze %dma_wait3A_535 : memref<1x128xi32, #tpu.memory_space<vmem>> -> memref<128xi32, #tpu.memory_space<vmem>>
      %dma_wait3A_537 = arith.constant 0 : i32
      %dma_wait3A_538 = arith.constant 0 : i32
      %dma_wait3A_539 = tpu.memref_slice %arg8[%dma_wait3A_537, %dma_wait3A_538] : memref<10016x16xf32, #tpu.memory_space<vmem_shared>> -> memref<10016x16xf32, #tpu.memory_space<vmem_shared>>
      tpu.wait_indirect_dma semaphore(%arg39 : memref<!tpu.dma_semaphore, #tpu.memory_space<semaphore_mem>>) src(%arg19 : memref<128x16xf32, #tpu.memory_space<vmem>>) dst(%dma_wait3A_539 : memref<10016x16xf32, #tpu.memory_space<vmem_shared>>)
      %add3A_540 = arith.constant 10 : i32
      %add3A_541 = arith.addi %mul3A_192, %add3A_540 : i32
      %add3A_542 = arith.constant 9 : i32
      %add3A_543 = arith.addi %add3A_541, %add3A_542 : i32
      %rem3A_544 = arith.constant 80 : i32
      %rem3A_545 = arith.remsi %add3A_543, %rem3A_544 : i32
      %dma_start3A_546 = arith.constant 0 : i32
      %dma_start3A_547 = tpu.memref_slice %arg9[%rem3A_545, %dma_start3A_546] : memref<80x128xi32, #tpu.memory_space<vmem>> -> memref<1x128xi32, #tpu.memory_space<vmem>>
      %dma_start3A_548 = tpu.memref_squeeze %dma_start3A_547 : memref<1x128xi32, #tpu.memory_space<vmem>> -> memref<128xi32, #tpu.memory_space<vmem>>
      %dma_start3A_549 = arith.constant 0 : i32
      %dma_start3A_550 = arith.constant 0 : i32
      %dma_start3A_551 = tpu.memref_slice %arg2[%dma_start3A_549, %dma_start3A_550] : memref<10000x16xf32, #tpu.memory_space<hbm>> -> memref<10000x16xf32, #tpu.memory_space<hbm>>
      tpu.enqueue_indirect_dma source(%dma_start3A_551 : memref<10000x16xf32, #tpu.memory_space<hbm>>) target(%arg19 : memref<128x16xf32, #tpu.memory_space<vmem>>) offsets(%dma_start3A_548 : memref<128xi32, #tpu.memory_space<vmem>>) semaphore(%arg29 : memref<!tpu.dma_semaphore, #tpu.memory_space<semaphore_mem>>)
    }
    %while3A_115 = arith.constant 1 : i32
    scf.for %while3A_190 = %while3A_113 to %while3A_109 step %while3A_115  : i32 {
      %mul3A_191 = arith.constant 10 : i32
      %mul3A_192 = arith.muli %while3A_190, %mul3A_191 : i32
      %add3A_193 = arith.constant 0 : i32
      %add3A_194 = arith.addi %mul3A_192, %add3A_193 : i32
      %dma_wait3A_195 = arith.constant 0 : i32
      %dma_wait3A_196 = tpu.memref_slice %arg9[%add3A_194, %dma_wait3A_195] : memref<80x128xi32, #tpu.memory_space<vmem>> -> memref<1x128xi32, #tpu.memory_space<vmem>>
      %dma_wait3A_197 = tpu.memref_squeeze %dma_wait3A_196 : memref<1x128xi32, #tpu.memory_space<vmem>> -> memref<128xi32, #tpu.memory_space<vmem>>
      %dma_wait3A_198 = arith.constant 0 : i32
      %dma_wait3A_199 = arith.constant 0 : i32
      %dma_wait3A_200 = tpu.memref_slice %arg2[%dma_wait3A_198, %dma_wait3A_199] : memref<10000x16xf32, #tpu.memory_space<hbm>> -> memref<10000x16xf32, #tpu.memory_space<hbm>>
      tpu.wait_indirect_dma semaphore(%arg20 : memref<!tpu.dma_semaphore, #tpu.memory_space<semaphore_mem>>) src(%dma_wait3A_200 : memref<10000x16xf32, #tpu.memory_space<hbm>>) dst(%arg10 : memref<128x16xf32, #tpu.memory_space<vmem>>)
      %add3A_201 = arith.constant 0 : i32
      %add3A_202 = arith.addi %mul3A_192, %add3A_201 : i32
      %dma_start3A_203 = arith.constant 0 : i32
      %dma_start3A_204 = tpu.memref_slice %arg7[%add3A_202, %dma_start3A_203] : memref<80x128xi32, #tpu.memory_space<vmem>> -> memref<1x128xi32, #tpu.memory_space<vmem>>
      %dma_start3A_205 = tpu.memref_squeeze %dma_start3A_204 : memref<1x128xi32, #tpu.memory_space<vmem>> -> memref<128xi32, #tpu.memory_space<vmem>>
      %dma_start3A_206 = arith.constant 0 : i32
      %dma_start3A_207 = arith.constant 0 : i32
      %dma_start3A_208 = tpu.memref_slice %arg8[%dma_start3A_206, %dma_start3A_207] : memref<10016x16xf32, #tpu.memory_space<vmem_shared>> -> memref<10016x16xf32, #tpu.memory_space<vmem_shared>>
      tpu.enqueue_indirect_dma source(%arg10 : memref<128x16xf32, #tpu.memory_space<vmem>>) target(%dma_start3A_208 : memref<10016x16xf32, #tpu.memory_space<vmem_shared>>) offsets(%dma_start3A_205 : memref<128xi32, #tpu.memory_space<vmem>>) semaphore(%arg30 : memref<!tpu.dma_semaphore, #tpu.memory_space<semaphore_mem>>) {add = true}
      %add3A_209 = arith.constant 1 : i32
      %add3A_210 = arith.addi %mul3A_192, %add3A_209 : i32
      %dma_wait3A_211 = arith.constant 0 : i32
      %dma_wait3A_212 = tpu.memref_slice %arg9[%add3A_210, %dma_wait3A_211] : memref<80x128xi32, #tpu.memory_space<vmem>> -> memref<1x128xi32, #tpu.memory_space<vmem>>
      %dma_wait3A_213 = tpu.memref_squeeze %dma_wait3A_212 : memref<1x128xi32, #tpu.memory_space<vmem>> -> memref<128xi32, #tpu.memory_space<vmem>>
      %dma_wait3A_214 = arith.constant 0 : i32
      %dma_wait3A_215 = arith.constant 0 : i32
      %dma_wait3A_216 = tpu.memref_slice %arg2[%dma_wait3A_214, %dma_wait3A_215] : memref<10000x16xf32, #tpu.memory_space<hbm>> -> memref<10000x16xf32, #tpu.memory_space<hbm>>
      tpu.wait_indirect_dma semaphore(%arg21 : memref<!tpu.dma_semaphore, #tpu.memory_space<semaphore_mem>>) src(%dma_wait3A_216 : memref<10000x16xf32, #tpu.memory_space<hbm>>) dst(%arg11 : memref<128x16xf32, #tpu.memory_space<vmem>>)
      %add3A_217 = arith.constant 1 : i32
      %add3A_218 = arith.addi %mul3A_192, %add3A_217 : i32
      %dma_start3A_219 = arith.constant 0 : i32
      %dma_start3A_220 = tpu.memref_slice %arg7[%add3A_218, %dma_start3A_219] : memref<80x128xi32, #tpu.memory_space<vmem>> -> memref<1x128xi32, #tpu.memory_space<vmem>>
      %dma_start3A_221 = tpu.memref_squeeze %dma_start3A_220 : memref<1x128xi32, #tpu.memory_space<vmem>> -> memref<128xi32, #tpu.memory_space<vmem>>
      %dma_start3A_222 = arith.constant 0 : i32
      %dma_start3A_223 = arith.constant 0 : i32
      %dma_start3A_224 = tpu.memref_slice %arg8[%dma_start3A_222, %dma_start3A_223] : memref<10016x16xf32, #tpu.memory_space<vmem_shared>> -> memref<10016x16xf32, #tpu.memory_space<vmem_shared>>
      tpu.enqueue_indirect_dma source(%arg11 : memref<128x16xf32, #tpu.memory_space<vmem>>) target(%dma_start3A_224 : memref<10016x16xf32, #tpu.memory_space<vmem_shared>>) offsets(%dma_start3A_221 : memref<128xi32, #tpu.memory_space<vmem>>) semaphore(%arg31 : memref<!tpu.dma_semaphore, #tpu.memory_space<semaphore_mem>>) {add = true}
      %add3A_225 = arith.constant 2 : i32
      %add3A_226 = arith.addi %mul3A_192, %add3A_225 : i32
      %dma_wait3A_227 = arith.constant 0 : i32
      %dma_wait3A_228 = tpu.memref_slice %arg9[%add3A_226, %dma_wait3A_227] : memref<80x128xi32, #tpu.memory_space<vmem>> -> memref<1x128xi32, #tpu.memory_space<vmem>>
      %dma_wait3A_229 = tpu.memref_squeeze %dma_wait3A_228 : memref<1x128xi32, #tpu.memory_space<vmem>> -> memref<128xi32, #tpu.memory_space<vmem>>
      %dma_wait3A_230 = arith.constant 0 : i32
      %dma_wait3A_231 = arith.constant 0 : i32
      %dma_wait3A_232 = tpu.memref_slice %arg2[%dma_wait3A_230, %dma_wait3A_231] : memref<10000x16xf32, #tpu.memory_space<hbm>> -> memref<10000x16xf32, #tpu.memory_space<hbm>>
      tpu.wait_indirect_dma semaphore(%arg22 : memref<!tpu.dma_semaphore, #tpu.memory_space<semaphore_mem>>) src(%dma_wait3A_232 : memref<10000x16xf32, #tpu.memory_space<hbm>>) dst(%arg12 : memref<128x16xf32, #tpu.memory_space<vmem>>)
      %add3A_233 = arith.constant 2 : i32
      %add3A_234 = arith.addi %mul3A_192, %add3A_233 : i32
      %dma_start3A_235 = arith.constant 0 : i32
      %dma_start3A_236 = tpu.memref_slice %arg7[%add3A_234, %dma_start3A_235] : memref<80x128xi32, #tpu.memory_space<vmem>> -> memref<1x128xi32, #tpu.memory_space<vmem>>
      %dma_start3A_237 = tpu.memref_squeeze %dma_start3A_236 : memref<1x128xi32, #tpu.memory_space<vmem>> -> memref<128xi32, #tpu.memory_space<vmem>>
      %dma_start3A_238 = arith.constant 0 : i32
      %dma_start3A_239 = arith.constant 0 : i32
      %dma_start3A_240 = tpu.memref_slice %arg8[%dma_start3A_238, %dma_start3A_239] : memref<10016x16xf32, #tpu.memory_space<vmem_shared>> -> memref<10016x16xf32, #tpu.memory_space<vmem_shared>>
      tpu.enqueue_indirect_dma source(%arg12 : memref<128x16xf32, #tpu.memory_space<vmem>>) target(%dma_start3A_240 : memref<10016x16xf32, #tpu.memory_space<vmem_shared>>) offsets(%dma_start3A_237 : memref<128xi32, #tpu.memory_space<vmem>>) semaphore(%arg32 : memref<!tpu.dma_semaphore, #tpu.memory_space<semaphore_mem>>) {add = true}
      %add3A_241 = arith.constant 3 : i32
      %add3A_242 = arith.addi %mul3A_192, %add3A_241 : i32
      %dma_wait3A_243 = arith.constant 0 : i32
      %dma_wait3A_244 = tpu.memref_slice %arg9[%add3A_242, %dma_wait3A_243] : memref<80x128xi32, #tpu.memory_space<vmem>> -> memref<1x128xi32, #tpu.memory_space<vmem>>
      %dma_wait3A_245 = tpu.memref_squeeze %dma_wait3A_244 : memref<1x128xi32, #tpu.memory_space<vmem>> -> memref<128xi32, #tpu.memory_space<vmem>>
      %dma_wait3A_246 = arith.constant 0 : i32
      %dma_wait3A_247 = arith.constant 0 : i32
      %dma_wait3A_248 = tpu.memref_slice %arg2[%dma_wait3A_246, %dma_wait3A_247] : memref<10000x16xf32, #tpu.memory_space<hbm>> -> memref<10000x16xf32, #tpu.memory_space<hbm>>
      tpu.wait_indirect_dma semaphore(%arg23 : memref<!tpu.dma_semaphore, #tpu.memory_space<semaphore_mem>>) src(%dma_wait3A_248 : memref<10000x16xf32, #tpu.memory_space<hbm>>) dst(%arg13 : memref<128x16xf32, #tpu.memory_space<vmem>>)
      %add3A_249 = arith.constant 3 : i32
      %add3A_250 = arith.addi %mul3A_192, %add3A_249 : i32
      %dma_start3A_251 = arith.constant 0 : i32
      %dma_start3A_252 = tpu.memref_slice %arg7[%add3A_250, %dma_start3A_251] : memref<80x128xi32, #tpu.memory_space<vmem>> -> memref<1x128xi32, #tpu.memory_space<vmem>>
      %dma_start3A_253 = tpu.memref_squeeze %dma_start3A_252 : memref<1x128xi32, #tpu.memory_space<vmem>> -> memref<128xi32, #tpu.memory_space<vmem>>
      %dma_start3A_254 = arith.constant 0 : i32
      %dma_start3A_255 = arith.constant 0 : i32
      %dma_start3A_256 = tpu.memref_slice %arg8[%dma_start3A_254, %dma_start3A_255] : memref<10016x16xf32, #tpu.memory_space<vmem_shared>> -> memref<10016x16xf32, #tpu.memory_space<vmem_shared>>
      tpu.enqueue_indirect_dma source(%arg13 : memref<128x16xf32, #tpu.memory_space<vmem>>) target(%dma_start3A_256 : memref<10016x16xf32, #tpu.memory_space<vmem_shared>>) offsets(%dma_start3A_253 : memref<128xi32, #tpu.memory_space<vmem>>) semaphore(%arg33 : memref<!tpu.dma_semaphore, #tpu.memory_space<semaphore_mem>>) {add = true}
      %add3A_257 = arith.constant 4 : i32
      %add3A_258 = arith.addi %mul3A_192, %add3A_257 : i32
      %dma_wait3A_259 = arith.constant 0 : i32
      %dma_wait3A_260 = tpu.memref_slice %arg9[%add3A_258, %dma_wait3A_259] : memref<80x128xi32, #tpu.memory_space<vmem>> -> memref<1x128xi32, #tpu.memory_space<vmem>>
      %dma_wait3A_261 = tpu.memref_squeeze %dma_wait3A_260 : memref<1x128xi32, #tpu.memory_space<vmem>> -> memref<128xi32, #tpu.memory_space<vmem>>
      %dma_wait3A_262 = arith.constant 0 : i32
      %dma_wait3A_263 = arith.constant 0 : i32
      %dma_wait3A_264 = tpu.memref_slice %arg2[%dma_wait3A_262, %dma_wait3A_263] : memref<10000x16xf32, #tpu.memory_space<hbm>> -> memref<10000x16xf32, #tpu.memory_space<hbm>>
      tpu.wait_indirect_dma semaphore(%arg24 : memref<!tpu.dma_semaphore, #tpu.memory_space<semaphore_mem>>) src(%dma_wait3A_264 : memref<10000x16xf32, #tpu.memory_space<hbm>>) dst(%arg14 : memref<128x16xf32, #tpu.memory_space<vmem>>)
      %add3A_265 = arith.constant 4 : i32
      %add3A_266 = arith.addi %mul3A_192, %add3A_265 : i32
      %dma_start3A_267 = arith.constant 0 : i32
      %dma_start3A_268 = tpu.memref_slice %arg7[%add3A_266, %dma_start3A_267] : memref<80x128xi32, #tpu.memory_space<vmem>> -> memref<1x128xi32, #tpu.memory_space<vmem>>
      %dma_start3A_269 = tpu.memref_squeeze %dma_start3A_268 : memref<1x128xi32, #tpu.memory_space<vmem>> -> memref<128xi32, #tpu.memory_space<vmem>>
      %dma_start3A_270 = arith.constant 0 : i32
      %dma_start3A_271 = arith.constant 0 : i32
      %dma_start3A_272 = tpu.memref_slice %arg8[%dma_start3A_270, %dma_start3A_271] : memref<10016x16xf32, #tpu.memory_space<vmem_shared>> -> memref<10016x16xf32, #tpu.memory_space<vmem_shared>>
      tpu.enqueue_indirect_dma source(%arg14 : memref<128x16xf32, #tpu.memory_space<vmem>>) target(%dma_start3A_272 : memref<10016x16xf32, #tpu.memory_space<vmem_shared>>) offsets(%dma_start3A_269 : memref<128xi32, #tpu.memory_space<vmem>>) semaphore(%arg34 : memref<!tpu.dma_semaphore, #tpu.memory_space<semaphore_mem>>) {add = true}
      %add3A_273 = arith.constant 5 : i32
      %add3A_274 = arith.addi %mul3A_192, %add3A_273 : i32
      %dma_wait3A_275 = arith.constant 0 : i32
      %dma_wait3A_276 = tpu.memref_slice %arg9[%add3A_274, %dma_wait3A_275] : memref<80x128xi32, #tpu.memory_space<vmem>> -> memref<1x128xi32, #tpu.memory_space<vmem>>
      %dma_wait3A_277 = tpu.memref_squeeze %dma_wait3A_276 : memref<1x128xi32, #tpu.memory_space<vmem>> -> memref<128xi32, #tpu.memory_space<vmem>>
      %dma_wait3A_278 = arith.constant 0 : i32
      %dma_wait3A_279 = arith.constant 0 : i32
      %dma_wait3A_280 = tpu.memref_slice %arg2[%dma_wait3A_278, %dma_wait3A_279] : memref<10000x16xf32, #tpu.memory_space<hbm>> -> memref<10000x16xf32, #tpu.memory_space<hbm>>
      tpu.wait_indirect_dma semaphore(%arg25 : memref<!tpu.dma_semaphore, #tpu.memory_space<semaphore_mem>>) src(%dma_wait3A_280 : memref<10000x16xf32, #tpu.memory_space<hbm>>) dst(%arg15 : memref<128x16xf32, #tpu.memory_space<vmem>>)
      %add3A_281 = arith.constant 5 : i32
      %add3A_282 = arith.addi %mul3A_192, %add3A_281 : i32
      %dma_start3A_283 = arith.constant 0 : i32
      %dma_start3A_284 = tpu.memref_slice %arg7[%add3A_282, %dma_start3A_283] : memref<80x128xi32, #tpu.memory_space<vmem>> -> memref<1x128xi32, #tpu.memory_space<vmem>>
      %dma_start3A_285 = tpu.memref_squeeze %dma_start3A_284 : memref<1x128xi32, #tpu.memory_space<vmem>> -> memref<128xi32, #tpu.memory_space<vmem>>
      %dma_start3A_286 = arith.constant 0 : i32
      %dma_start3A_287 = arith.constant 0 : i32
      %dma_start3A_288 = tpu.memref_slice %arg8[%dma_start3A_286, %dma_start3A_287] : memref<10016x16xf32, #tpu.memory_space<vmem_shared>> -> memref<10016x16xf32, #tpu.memory_space<vmem_shared>>
      tpu.enqueue_indirect_dma source(%arg15 : memref<128x16xf32, #tpu.memory_space<vmem>>) target(%dma_start3A_288 : memref<10016x16xf32, #tpu.memory_space<vmem_shared>>) offsets(%dma_start3A_285 : memref<128xi32, #tpu.memory_space<vmem>>) semaphore(%arg35 : memref<!tpu.dma_semaphore, #tpu.memory_space<semaphore_mem>>) {add = true}
      %add3A_289 = arith.constant 6 : i32
      %add3A_290 = arith.addi %mul3A_192, %add3A_289 : i32
      %dma_wait3A_291 = arith.constant 0 : i32
      %dma_wait3A_292 = tpu.memref_slice %arg9[%add3A_290, %dma_wait3A_291] : memref<80x128xi32, #tpu.memory_space<vmem>> -> memref<1x128xi32, #tpu.memory_space<vmem>>
      %dma_wait3A_293 = tpu.memref_squeeze %dma_wait3A_292 : memref<1x128xi32, #tpu.memory_space<vmem>> -> memref<128xi32, #tpu.memory_space<vmem>>
      %dma_wait3A_294 = arith.constant 0 : i32
      %dma_wait3A_295 = arith.constant 0 : i32
      %dma_wait3A_296 = tpu.memref_slice %arg2[%dma_wait3A_294, %dma_wait3A_295] : memref<10000x16xf32, #tpu.memory_space<hbm>> -> memref<10000x16xf32, #tpu.memory_space<hbm>>
      tpu.wait_indirect_dma semaphore(%arg26 : memref<!tpu.dma_semaphore, #tpu.memory_space<semaphore_mem>>) src(%dma_wait3A_296 : memref<10000x16xf32, #tpu.memory_space<hbm>>) dst(%arg16 : memref<128x16xf32, #tpu.memory_space<vmem>>)
      %add3A_297 = arith.constant 6 : i32
      %add3A_298 = arith.addi %mul3A_192, %add3A_297 : i32
      %dma_start3A_299 = arith.constant 0 : i32
      %dma_start3A_300 = tpu.memref_slice %arg7[%add3A_298, %dma_start3A_299] : memref<80x128xi32, #tpu.memory_space<vmem>> -> memref<1x128xi32, #tpu.memory_space<vmem>>
      %dma_start3A_301 = tpu.memref_squeeze %dma_start3A_300 : memref<1x128xi32, #tpu.memory_space<vmem>> -> memref<128xi32, #tpu.memory_space<vmem>>
      %dma_start3A_302 = arith.constant 0 : i32
      %dma_start3A_303 = arith.constant 0 : i32
      %dma_start3A_304 = tpu.memref_slice %arg8[%dma_start3A_302, %dma_start3A_303] : memref<10016x16xf32, #tpu.memory_space<vmem_shared>> -> memref<10016x16xf32, #tpu.memory_space<vmem_shared>>
      tpu.enqueue_indirect_dma source(%arg16 : memref<128x16xf32, #tpu.memory_space<vmem>>) target(%dma_start3A_304 : memref<10016x16xf32, #tpu.memory_space<vmem_shared>>) offsets(%dma_start3A_301 : memref<128xi32, #tpu.memory_space<vmem>>) semaphore(%arg36 : memref<!tpu.dma_semaphore, #tpu.memory_space<semaphore_mem>>) {add = true}
      %add3A_305 = arith.constant 7 : i32
      %add3A_306 = arith.addi %mul3A_192, %add3A_305 : i32
      %dma_wait3A_307 = arith.constant 0 : i32
      %dma_wait3A_308 = tpu.memref_slice %arg9[%add3A_306, %dma_wait3A_307] : memref<80x128xi32, #tpu.memory_space<vmem>> -> memref<1x128xi32, #tpu.memory_space<vmem>>
      %dma_wait3A_309 = tpu.memref_squeeze %dma_wait3A_308 : memref<1x128xi32, #tpu.memory_space<vmem>> -> memref<128xi32, #tpu.memory_space<vmem>>
      %dma_wait3A_310 = arith.constant 0 : i32
      %dma_wait3A_311 = arith.constant 0 : i32
      %dma_wait3A_312 = tpu.memref_slice %arg2[%dma_wait3A_310, %dma_wait3A_311] : memref<10000x16xf32, #tpu.memory_space<hbm>> -> memref<10000x16xf32, #tpu.memory_space<hbm>>
      tpu.wait_indirect_dma semaphore(%arg27 : memref<!tpu.dma_semaphore, #tpu.memory_space<semaphore_mem>>) src(%dma_wait3A_312 : memref<10000x16xf32, #tpu.memory_space<hbm>>) dst(%arg17 : memref<128x16xf32, #tpu.memory_space<vmem>>)
      %add3A_313 = arith.constant 7 : i32
      %add3A_314 = arith.addi %mul3A_192, %add3A_313 : i32
      %dma_start3A_315 = arith.constant 0 : i32
      %dma_start3A_316 = tpu.memref_slice %arg7[%add3A_314, %dma_start3A_315] : memref<80x128xi32, #tpu.memory_space<vmem>> -> memref<1x128xi32, #tpu.memory_space<vmem>>
      %dma_start3A_317 = tpu.memref_squeeze %dma_start3A_316 : memref<1x128xi32, #tpu.memory_space<vmem>> -> memref<128xi32, #tpu.memory_space<vmem>>
      %dma_start3A_318 = arith.constant 0 : i32
      %dma_start3A_319 = arith.constant 0 : i32
      %dma_start3A_320 = tpu.memref_slice %arg8[%dma_start3A_318, %dma_start3A_319] : memref<10016x16xf32, #tpu.memory_space<vmem_shared>> -> memref<10016x16xf32, #tpu.memory_space<vmem_shared>>
      tpu.enqueue_indirect_dma source(%arg17 : memref<128x16xf32, #tpu.memory_space<vmem>>) target(%dma_start3A_320 : memref<10016x16xf32, #tpu.memory_space<vmem_shared>>) offsets(%dma_start3A_317 : memref<128xi32, #tpu.memory_space<vmem>>) semaphore(%arg37 : memref<!tpu.dma_semaphore, #tpu.memory_space<semaphore_mem>>) {add = true}
      %add3A_321 = arith.constant 8 : i32
      %add3A_322 = arith.addi %mul3A_192, %add3A_321 : i32
      %dma_wait3A_323 = arith.constant 0 : i32
      %dma_wait3A_324 = tpu.memref_slice %arg9[%add3A_322, %dma_wait3A_323] : memref<80x128xi32, #tpu.memory_space<vmem>> -> memref<1x128xi32, #tpu.memory_space<vmem>>
      %dma_wait3A_325 = tpu.memref_squeeze %dma_wait3A_324 : memref<1x128xi32, #tpu.memory_space<vmem>> -> memref<128xi32, #tpu.memory_space<vmem>>
      %dma_wait3A_326 = arith.constant 0 : i32
      %dma_wait3A_327 = arith.constant 0 : i32
      %dma_wait3A_328 = tpu.memref_slice %arg2[%dma_wait3A_326, %dma_wait3A_327] : memref<10000x16xf32, #tpu.memory_space<hbm>> -> memref<10000x16xf32, #tpu.memory_space<hbm>>
      tpu.wait_indirect_dma semaphore(%arg28 : memref<!tpu.dma_semaphore, #tpu.memory_space<semaphore_mem>>) src(%dma_wait3A_328 : memref<10000x16xf32, #tpu.memory_space<hbm>>) dst(%arg18 : memref<128x16xf32, #tpu.memory_space<vmem>>)
      %add3A_329 = arith.constant 8 : i32
      %add3A_330 = arith.addi %mul3A_192, %add3A_329 : i32
      %dma_start3A_331 = arith.constant 0 : i32
      %dma_start3A_332 = tpu.memref_slice %arg7[%add3A_330, %dma_start3A_331] : memref<80x128xi32, #tpu.memory_space<vmem>> -> memref<1x128xi32, #tpu.memory_space<vmem>>
      %dma_start3A_333 = tpu.memref_squeeze %dma_start3A_332 : memref<1x128xi32, #tpu.memory_space<vmem>> -> memref<128xi32, #tpu.memory_space<vmem>>
      %dma_start3A_334 = arith.constant 0 : i32
      %dma_start3A_335 = arith.constant 0 : i32
      %dma_start3A_336 = tpu.memref_slice %arg8[%dma_start3A_334, %dma_start3A_335] : memref<10016x16xf32, #tpu.memory_space<vmem_shared>> -> memref<10016x16xf32, #tpu.memory_space<vmem_shared>>
      tpu.enqueue_indirect_dma source(%arg18 : memref<128x16xf32, #tpu.memory_space<vmem>>) target(%dma_start3A_336 : memref<10016x16xf32, #tpu.memory_space<vmem_shared>>) offsets(%dma_start3A_333 : memref<128xi32, #tpu.memory_space<vmem>>) semaphore(%arg38 : memref<!tpu.dma_semaphore, #tpu.memory_space<semaphore_mem>>) {add = true}
      %add3A_337 = arith.constant 9 : i32
      %add3A_338 = arith.addi %mul3A_192, %add3A_337 : i32
      %dma_wait3A_339 = arith.constant 0 : i32
      %dma_wait3A_340 = tpu.memref_slice %arg9[%add3A_338, %dma_wait3A_339] : memref<80x128xi32, #tpu.memory_space<vmem>> -> memref<1x128xi32, #tpu.memory_space<vmem>>
      %dma_wait3A_341 = tpu.memref_squeeze %dma_wait3A_340 : memref<1x128xi32, #tpu.memory_space<vmem>> -> memref<128xi32, #tpu.memory_space<vmem>>
      %dma_wait3A_342 = arith.constant 0 : i32
      %dma_wait3A_343 = arith.constant 0 : i32
      %dma_wait3A_344 = tpu.memref_slice %arg2[%dma_wait3A_342, %dma_wait3A_343] : memref<10000x16xf32, #tpu.memory_space<hbm>> -> memref<10000x16xf32, #tpu.memory_space<hbm>>
      tpu.wait_indirect_dma semaphore(%arg29 : memref<!tpu.dma_semaphore, #tpu.memory_space<semaphore_mem>>) src(%dma_wait3A_344 : memref<10000x16xf32, #tpu.memory_space<hbm>>) dst(%arg19 : memref<128x16xf32, #tpu.memory_space<vmem>>)
      %add3A_345 = arith.constant 9 : i32
      %add3A_346 = arith.addi %mul3A_192, %add3A_345 : i32
      %dma_start3A_347 = arith.constant 0 : i32
      %dma_start3A_348 = tpu.memref_slice %arg7[%add3A_346, %dma_start3A_347] : memref<80x128xi32, #tpu.memory_space<vmem>> -> memref<1x128xi32, #tpu.memory_space<vmem>>
      %dma_start3A_349 = tpu.memref_squeeze %dma_start3A_348 : memref<1x128xi32, #tpu.memory_space<vmem>> -> memref<128xi32, #tpu.memory_space<vmem>>
      %dma_start3A_350 = arith.constant 0 : i32
      %dma_start3A_351 = arith.constant 0 : i32
      %dma_start3A_352 = tpu.memref_slice %arg8[%dma_start3A_350, %dma_start3A_351] : memref<10016x16xf32, #tpu.memory_space<vmem_shared>> -> memref<10016x16xf32, #tpu.memory_space<vmem_shared>>
      tpu.enqueue_indirect_dma source(%arg19 : memref<128x16xf32, #tpu.memory_space<vmem>>) target(%dma_start3A_352 : memref<10016x16xf32, #tpu.memory_space<vmem_shared>>) offsets(%dma_start3A_349 : memref<128xi32, #tpu.memory_space<vmem>>) semaphore(%arg39 : memref<!tpu.dma_semaphore, #tpu.memory_space<semaphore_mem>>) {add = true}
      %add3A_353 = arith.constant 0 : i32
      %add3A_354 = arith.addi %mul3A_192, %add3A_353 : i32
      %dma_wait3A_355 = arith.constant 0 : i32
      %dma_wait3A_356 = tpu.memref_slice %arg7[%add3A_354, %dma_wait3A_355] : memref<80x128xi32, #tpu.memory_space<vmem>> -> memref<1x128xi32, #tpu.memory_space<vmem>>
      %dma_wait3A_357 = tpu.memref_squeeze %dma_wait3A_356 : memref<1x128xi32, #tpu.memory_space<vmem>> -> memref<128xi32, #tpu.memory_space<vmem>>
      %dma_wait3A_358 = arith.constant 0 : i32
      %dma_wait3A_359 = arith.constant 0 : i32
      %dma_wait3A_360 = tpu.memref_slice %arg8[%dma_wait3A_358, %dma_wait3A_359] : memref<10016x16xf32, #tpu.memory_space<vmem_shared>> -> memref<10016x16xf32, #tpu.memory_space<vmem_shared>>
      tpu.wait_indirect_dma semaphore(%arg30 : memref<!tpu.dma_semaphore, #tpu.memory_space<semaphore_mem>>) src(%arg10 : memref<128x16xf32, #tpu.memory_space<vmem>>) dst(%dma_wait3A_360 : memref<10016x16xf32, #tpu.memory_space<vmem_shared>>)
      %add3A_361 = arith.constant 10 : i32
      %add3A_362 = arith.addi %mul3A_192, %add3A_361 : i32
      %add3A_363 = arith.constant 0 : i32
      %add3A_364 = arith.addi %add3A_362, %add3A_363 : i32
      %rem3A = arith.constant 80 : i32
      %rem3A_365 = arith.remsi %add3A_364, %rem3A : i32
      %dma_start3A_366 = arith.constant 0 : i32
      %dma_start3A_367 = tpu.memref_slice %arg9[%rem3A_365, %dma_start3A_366] : memref<80x128xi32, #tpu.memory_space<vmem>> -> memref<1x128xi32, #tpu.memory_space<vmem>>
      %dma_start3A_368 = tpu.memref_squeeze %dma_start3A_367 : memref<1x128xi32, #tpu.memory_space<vmem>> -> memref<128xi32, #tpu.memory_space<vmem>>
      %dma_start3A_369 = arith.constant 0 : i32
      %dma_start3A_370 = arith.constant 0 : i32
      %dma_start3A_371 = tpu.memref_slice %arg2[%dma_start3A_369, %dma_start3A_370] : memref<10000x16xf32, #tpu.memory_space<hbm>> -> memref<10000x16xf32, #tpu.memory_space<hbm>>
      tpu.enqueue_indirect_dma source(%dma_start3A_371 : memref<10000x16xf32, #tpu.memory_space<hbm>>) target(%arg10 : memref<128x16xf32, #tpu.memory_space<vmem>>) offsets(%dma_start3A_368 : memref<128xi32, #tpu.memory_space<vmem>>) semaphore(%arg20 : memref<!tpu.dma_semaphore, #tpu.memory_space<semaphore_mem>>)
      %add3A_372 = arith.constant 1 : i32
      %add3A_373 = arith.addi %mul3A_192, %add3A_372 : i32
      %dma_wait3A_374 = arith.constant 0 : i32
      %dma_wait3A_375 = tpu.memref_slice %arg7[%add3A_373, %dma_wait3A_374] : memref<80x128xi32, #tpu.memory_space<vmem>> -> memref<1x128xi32, #tpu.memory_space<vmem>>
      %dma_wait3A_376 = tpu.memref_squeeze %dma_wait3A_375 : memref<1x128xi32, #tpu.memory_space<vmem>> -> memref<128xi32, #tpu.memory_space<vmem>>
      %dma_wait3A_377 = arith.constant 0 : i32
      %dma_wait3A_378 = arith.constant 0 : i32
      %dma_wait3A_379 = tpu.memref_slice %arg8[%dma_wait3A_377, %dma_wait3A_378] : memref<10016x16xf32, #tpu.memory_space<vmem_shared>> -> memref<10016x16xf32, #tpu.memory_space<vmem_shared>>
      tpu.wait_indirect_dma semaphore(%arg31 : memref<!tpu.dma_semaphore, #tpu.memory_space<semaphore_mem>>) src(%arg11 : memref<128x16xf32, #tpu.memory_space<vmem>>) dst(%dma_wait3A_379 : memref<10016x16xf32, #tpu.memory_space<vmem_shared>>)
      %add3A_380 = arith.constant 10 : i32
      %add3A_381 = arith.addi %mul3A_192, %add3A_380 : i32
      %add3A_382 = arith.constant 1 : i32
      %add3A_383 = arith.addi %add3A_381, %add3A_382 : i32
      %rem3A_384 = arith.constant 80 : i32
      %rem3A_385 = arith.remsi %add3A_383, %rem3A_384 : i32
      %dma_start3A_386 = arith.constant 0 : i32
      %dma_start3A_387 = tpu.memref_slice %arg9[%rem3A_385, %dma_start3A_386] : memref<80x128xi32, #tpu.memory_space<vmem>> -> memref<1x128xi32, #tpu.memory_space<vmem>>
      %dma_start3A_388 = tpu.memref_squeeze %dma_start3A_387 : memref<1x128xi32, #tpu.memory_space<vmem>> -> memref<128xi32, #tpu.memory_space<vmem>>
      %dma_start3A_389 = arith.constant 0 : i32
      %dma_start3A_390 = arith.constant 0 : i32
      %dma_start3A_391 = tpu.memref_slice %arg2[%dma_start3A_389, %dma_start3A_390] : memref<10000x16xf32, #tpu.memory_space<hbm>> -> memref<10000x16xf32, #tpu.memory_space<hbm>>
      tpu.enqueue_indirect_dma source(%dma_start3A_391 : memref<10000x16xf32, #tpu.memory_space<hbm>>) target(%arg11 : memref<128x16xf32, #tpu.memory_space<vmem>>) offsets(%dma_start3A_388 : memref<128xi32, #tpu.memory_space<vmem>>) semaphore(%arg21 : memref<!tpu.dma_semaphore, #tpu.memory_space<semaphore_mem>>)
      %add3A_392 = arith.constant 2 : i32
      %add3A_393 = arith.addi %mul3A_192, %add3A_392 : i32
      %dma_wait3A_394 = arith.constant 0 : i32
      %dma_wait3A_395 = tpu.memref_slice %arg7[%add3A_393, %dma_wait3A_394] : memref<80x128xi32, #tpu.memory_space<vmem>> -> memref<1x128xi32, #tpu.memory_space<vmem>>
      %dma_wait3A_396 = tpu.memref_squeeze %dma_wait3A_395 : memref<1x128xi32, #tpu.memory_space<vmem>> -> memref<128xi32, #tpu.memory_space<vmem>>
      %dma_wait3A_397 = arith.constant 0 : i32
      %dma_wait3A_398 = arith.constant 0 : i32
      %dma_wait3A_399 = tpu.memref_slice %arg8[%dma_wait3A_397, %dma_wait3A_398] : memref<10016x16xf32, #tpu.memory_space<vmem_shared>> -> memref<10016x16xf32, #tpu.memory_space<vmem_shared>>
      tpu.wait_indirect_dma semaphore(%arg32 : memref<!tpu.dma_semaphore, #tpu.memory_space<semaphore_mem>>) src(%arg12 : memref<128x16xf32, #tpu.memory_space<vmem>>) dst(%dma_wait3A_399 : memref<10016x16xf32, #tpu.memory_space<vmem_shared>>)
      %add3A_400 = arith.constant 10 : i32
      %add3A_401 = arith.addi %mul3A_192, %add3A_400 : i32
      %add3A_402 = arith.constant 2 : i32
      %add3A_403 = arith.addi %add3A_401, %add3A_402 : i32
      %rem3A_404 = arith.constant 80 : i32
      %rem3A_405 = arith.remsi %add3A_403, %rem3A_404 : i32
      %dma_start3A_406 = arith.constant 0 : i32
      %dma_start3A_407 = tpu.memref_slice %arg9[%rem3A_405, %dma_start3A_406] : memref<80x128xi32, #tpu.memory_space<vmem>> -> memref<1x128xi32, #tpu.memory_space<vmem>>
      %dma_start3A_408 = tpu.memref_squeeze %dma_start3A_407 : memref<1x128xi32, #tpu.memory_space<vmem>> -> memref<128xi32, #tpu.memory_space<vmem>>
      %dma_start3A_409 = arith.constant 0 : i32
      %dma_start3A_410 = arith.constant 0 : i32
      %dma_start3A_411 = tpu.memref_slice %arg2[%dma_start3A_409, %dma_start3A_410] : memref<10000x16xf32, #tpu.memory_space<hbm>> -> memref<10000x16xf32, #tpu.memory_space<hbm>>
      tpu.enqueue_indirect_dma source(%dma_start3A_411 : memref<10000x16xf32, #tpu.memory_space<hbm>>) target(%arg12 : memref<128x16xf32, #tpu.memory_space<vmem>>) offsets(%dma_start3A_408 : memref<128xi32, #tpu.memory_space<vmem>>) semaphore(%arg22 : memref<!tpu.dma_semaphore, #tpu.memory_space<semaphore_mem>>)
      %add3A_412 = arith.constant 3 : i32
      %add3A_413 = arith.addi %mul3A_192, %add3A_412 : i32
      %dma_wait3A_414 = arith.constant 0 : i32
      %dma_wait3A_415 = tpu.memref_slice %arg7[%add3A_413, %dma_wait3A_414] : memref<80x128xi32, #tpu.memory_space<vmem>> -> memref<1x128xi32, #tpu.memory_space<vmem>>
      %dma_wait3A_416 = tpu.memref_squeeze %dma_wait3A_415 : memref<1x128xi32, #tpu.memory_space<vmem>> -> memref<128xi32, #tpu.memory_space<vmem>>
      %dma_wait3A_417 = arith.constant 0 : i32
      %dma_wait3A_418 = arith.constant 0 : i32
      %dma_wait3A_419 = tpu.memref_slice %arg8[%dma_wait3A_417, %dma_wait3A_418] : memref<10016x16xf32, #tpu.memory_space<vmem_shared>> -> memref<10016x16xf32, #tpu.memory_space<vmem_shared>>
      tpu.wait_indirect_dma semaphore(%arg33 : memref<!tpu.dma_semaphore, #tpu.memory_space<semaphore_mem>>) src(%arg13 : memref<128x16xf32, #tpu.memory_space<vmem>>) dst(%dma_wait3A_419 : memref<10016x16xf32, #tpu.memory_space<vmem_shared>>)
      %add3A_420 = arith.constant 10 : i32
      %add3A_421 = arith.addi %mul3A_192, %add3A_420 : i32
      %add3A_422 = arith.constant 3 : i32
      %add3A_423 = arith.addi %add3A_421, %add3A_422 : i32
      %rem3A_424 = arith.constant 80 : i32
      %rem3A_425 = arith.remsi %add3A_423, %rem3A_424 : i32
      %dma_start3A_426 = arith.constant 0 : i32
      %dma_start3A_427 = tpu.memref_slice %arg9[%rem3A_425, %dma_start3A_426] : memref<80x128xi32, #tpu.memory_space<vmem>> -> memref<1x128xi32, #tpu.memory_space<vmem>>
      %dma_start3A_428 = tpu.memref_squeeze %dma_start3A_427 : memref<1x128xi32, #tpu.memory_space<vmem>> -> memref<128xi32, #tpu.memory_space<vmem>>
      %dma_start3A_429 = arith.constant 0 : i32
      %dma_start3A_430 = arith.constant 0 : i32
      %dma_start3A_431 = tpu.memref_slice %arg2[%dma_start3A_429, %dma_start3A_430] : memref<10000x16xf32, #tpu.memory_space<hbm>> -> memref<10000x16xf32, #tpu.memory_space<hbm>>
      tpu.enqueue_indirect_dma source(%dma_start3A_431 : memref<10000x16xf32, #tpu.memory_space<hbm>>) target(%arg13 : memref<128x16xf32, #tpu.memory_space<vmem>>) offsets(%dma_start3A_428 : memref<128xi32, #tpu.memory_space<vmem>>) semaphore(%arg23 : memref<!tpu.dma_semaphore, #tpu.memory_space<semaphore_mem>>)
      %add3A_432 = arith.constant 4 : i32
      %add3A_433 = arith.addi %mul3A_192, %add3A_432 : i32
      %dma_wait3A_434 = arith.constant 0 : i32
      %dma_wait3A_435 = tpu.memref_slice %arg7[%add3A_433, %dma_wait3A_434] : memref<80x128xi32, #tpu.memory_space<vmem>> -> memref<1x128xi32, #tpu.memory_space<vmem>>
      %dma_wait3A_436 = tpu.memref_squeeze %dma_wait3A_435 : memref<1x128xi32, #tpu.memory_space<vmem>> -> memref<128xi32, #tpu.memory_space<vmem>>
      %dma_wait3A_437 = arith.constant 0 : i32
      %dma_wait3A_438 = arith.constant 0 : i32
      %dma_wait3A_439 = tpu.memref_slice %arg8[%dma_wait3A_437, %dma_wait3A_438] : memref<10016x16xf32, #tpu.memory_space<vmem_shared>> -> memref<10016x16xf32, #tpu.memory_space<vmem_shared>>
      tpu.wait_indirect_dma semaphore(%arg34 : memref<!tpu.dma_semaphore, #tpu.memory_space<semaphore_mem>>) src(%arg14 : memref<128x16xf32, #tpu.memory_space<vmem>>) dst(%dma_wait3A_439 : memref<10016x16xf32, #tpu.memory_space<vmem_shared>>)
      %add3A_440 = arith.constant 10 : i32
      %add3A_441 = arith.addi %mul3A_192, %add3A_440 : i32
      %add3A_442 = arith.constant 4 : i32
      %add3A_443 = arith.addi %add3A_441, %add3A_442 : i32
      %rem3A_444 = arith.constant 80 : i32
      %rem3A_445 = arith.remsi %add3A_443, %rem3A_444 : i32
      %dma_start3A_446 = arith.constant 0 : i32
      %dma_start3A_447 = tpu.memref_slice %arg9[%rem3A_445, %dma_start3A_446] : memref<80x128xi32, #tpu.memory_space<vmem>> -> memref<1x128xi32, #tpu.memory_space<vmem>>
      %dma_start3A_448 = tpu.memref_squeeze %dma_start3A_447 : memref<1x128xi32, #tpu.memory_space<vmem>> -> memref<128xi32, #tpu.memory_space<vmem>>
      %dma_start3A_449 = arith.constant 0 : i32
      %dma_start3A_450 = arith.constant 0 : i32
      %dma_start3A_451 = tpu.memref_slice %arg2[%dma_start3A_449, %dma_start3A_450] : memref<10000x16xf32, #tpu.memory_space<hbm>> -> memref<10000x16xf32, #tpu.memory_space<hbm>>
      tpu.enqueue_indirect_dma source(%dma_start3A_451 : memref<10000x16xf32, #tpu.memory_space<hbm>>) target(%arg14 : memref<128x16xf32, #tpu.memory_space<vmem>>) offsets(%dma_start3A_448 : memref<128xi32, #tpu.memory_space<vmem>>) semaphore(%arg24 : memref<!tpu.dma_semaphore, #tpu.memory_space<semaphore_mem>>)
      %add3A_452 = arith.constant 5 : i32
      %add3A_453 = arith.addi %mul3A_192, %add3A_452 : i32
      %dma_wait3A_454 = arith.constant 0 : i32
      %dma_wait3A_455 = tpu.memref_slice %arg7[%add3A_453, %dma_wait3A_454] : memref<80x128xi32, #tpu.memory_space<vmem>> -> memref<1x128xi32, #tpu.memory_space<vmem>>
      %dma_wait3A_456 = tpu.memref_squeeze %dma_wait3A_455 : memref<1x128xi32, #tpu.memory_space<vmem>> -> memref<128xi32, #tpu.memory_space<vmem>>
      %dma_wait3A_457 = arith.constant 0 : i32
      %dma_wait3A_458 = arith.constant 0 : i32
      %dma_wait3A_459 = tpu.memref_slice %arg8[%dma_wait3A_457, %dma_wait3A_458] : memref<10016x16xf32, #tpu.memory_space<vmem_shared>> -> memref<10016x16xf32, #tpu.memory_space<vmem_shared>>
      tpu.wait_indirect_dma semaphore(%arg35 : memref<!tpu.dma_semaphore, #tpu.memory_space<semaphore_mem>>) src(%arg15 : memref<128x16xf32, #tpu.memory_space<vmem>>) dst(%dma_wait3A_459 : memref<10016x16xf32, #tpu.memory_space<vmem_shared>>)
      %add3A_460 = arith.constant 10 : i32
      %add3A_461 = arith.addi %mul3A_192, %add3A_460 : i32
      %add3A_462 = arith.constant 5 : i32
      %add3A_463 = arith.addi %add3A_461, %add3A_462 : i32
      %rem3A_464 = arith.constant 80 : i32
      %rem3A_465 = arith.remsi %add3A_463, %rem3A_464 : i32
      %dma_start3A_466 = arith.constant 0 : i32
      %dma_start3A_467 = tpu.memref_slice %arg9[%rem3A_465, %dma_start3A_466] : memref<80x128xi32, #tpu.memory_space<vmem>> -> memref<1x128xi32, #tpu.memory_space<vmem>>
      %dma_start3A_468 = tpu.memref_squeeze %dma_start3A_467 : memref<1x128xi32, #tpu.memory_space<vmem>> -> memref<128xi32, #tpu.memory_space<vmem>>
      %dma_start3A_469 = arith.constant 0 : i32
      %dma_start3A_470 = arith.constant 0 : i32
      %dma_start3A_471 = tpu.memref_slice %arg2[%dma_start3A_469, %dma_start3A_470] : memref<10000x16xf32, #tpu.memory_space<hbm>> -> memref<10000x16xf32, #tpu.memory_space<hbm>>
      tpu.enqueue_indirect_dma source(%dma_start3A_471 : memref<10000x16xf32, #tpu.memory_space<hbm>>) target(%arg15 : memref<128x16xf32, #tpu.memory_space<vmem>>) offsets(%dma_start3A_468 : memref<128xi32, #tpu.memory_space<vmem>>) semaphore(%arg25 : memref<!tpu.dma_semaphore, #tpu.memory_space<semaphore_mem>>)
      %add3A_472 = arith.constant 6 : i32
      %add3A_473 = arith.addi %mul3A_192, %add3A_472 : i32
      %dma_wait3A_474 = arith.constant 0 : i32
      %dma_wait3A_475 = tpu.memref_slice %arg7[%add3A_473, %dma_wait3A_474] : memref<80x128xi32, #tpu.memory_space<vmem>> -> memref<1x128xi32, #tpu.memory_space<vmem>>
      %dma_wait3A_476 = tpu.memref_squeeze %dma_wait3A_475 : memref<1x128xi32, #tpu.memory_space<vmem>> -> memref<128xi32, #tpu.memory_space<vmem>>
      %dma_wait3A_477 = arith.constant 0 : i32
      %dma_wait3A_478 = arith.constant 0 : i32
      %dma_wait3A_479 = tpu.memref_slice %arg8[%dma_wait3A_477, %dma_wait3A_478] : memref<10016x16xf32, #tpu.memory_space<vmem_shared>> -> memref<10016x16xf32, #tpu.memory_space<vmem_shared>>
      tpu.wait_indirect_dma semaphore(%arg36 : memref<!tpu.dma_semaphore, #tpu.memory_space<semaphore_mem>>) src(%arg16 : memref<128x16xf32, #tpu.memory_space<vmem>>) dst(%dma_wait3A_479 : memref<10016x16xf32, #tpu.memory_space<vmem_shared>>)
      %add3A_480 = arith.constant 10 : i32
      %add3A_481 = arith.addi %mul3A_192, %add3A_480 : i32
      %add3A_482 = arith.constant 6 : i32
      %add3A_483 = arith.addi %add3A_481, %add3A_482 : i32
      %rem3A_484 = arith.constant 80 : i32
      %rem3A_485 = arith.remsi %add3A_483, %rem3A_484 : i32
      %dma_start3A_486 = arith.constant 0 : i32
      %dma_start3A_487 = tpu.memref_slice %arg9[%rem3A_485, %dma_start3A_486] : memref<80x128xi32, #tpu.memory_space<vmem>> -> memref<1x128xi32, #tpu.memory_space<vmem>>
      %dma_start3A_488 = tpu.memref_squeeze %dma_start3A_487 : memref<1x128xi32, #tpu.memory_space<vmem>> -> memref<128xi32, #tpu.memory_space<vmem>>
      %dma_start3A_489 = arith.constant 0 : i32
      %dma_start3A_490 = arith.constant 0 : i32
      %dma_start3A_491 = tpu.memref_slice %arg2[%dma_start3A_489, %dma_start3A_490] : memref<10000x16xf32, #tpu.memory_space<hbm>> -> memref<10000x16xf32, #tpu.memory_space<hbm>>
      tpu.enqueue_indirect_dma source(%dma_start3A_491 : memref<10000x16xf32, #tpu.memory_space<hbm>>) target(%arg16 : memref<128x16xf32, #tpu.memory_space<vmem>>) offsets(%dma_start3A_488 : memref<128xi32, #tpu.memory_space<vmem>>) semaphore(%arg26 : memref<!tpu.dma_semaphore, #tpu.memory_space<semaphore_mem>>)
      %add3A_492 = arith.constant 7 : i32
      %add3A_493 = arith.addi %mul3A_192, %add3A_492 : i32
      %dma_wait3A_494 = arith.constant 0 : i32
      %dma_wait3A_495 = tpu.memref_slice %arg7[%add3A_493, %dma_wait3A_494] : memref<80x128xi32, #tpu.memory_space<vmem>> -> memref<1x128xi32, #tpu.memory_space<vmem>>
      %dma_wait3A_496 = tpu.memref_squeeze %dma_wait3A_495 : memref<1x128xi32, #tpu.memory_space<vmem>> -> memref<128xi32, #tpu.memory_space<vmem>>
      %dma_wait3A_497 = arith.constant 0 : i32
      %dma_wait3A_498 = arith.constant 0 : i32
      %dma_wait3A_499 = tpu.memref_slice %arg8[%dma_wait3A_497, %dma_wait3A_498] : memref<10016x16xf32, #tpu.memory_space<vmem_shared>> -> memref<10016x16xf32, #tpu.memory_space<vmem_shared>>
      tpu.wait_indirect_dma semaphore(%arg37 : memref<!tpu.dma_semaphore, #tpu.memory_space<semaphore_mem>>) src(%arg17 : memref<128x16xf32, #tpu.memory_space<vmem>>) dst(%dma_wait3A_499 : memref<10016x16xf32, #tpu.memory_space<vmem_shared>>)
      %add3A_500 = arith.constant 10 : i32
      %add3A_501 = arith.addi %mul3A_192, %add3A_500 : i32
      %add3A_502 = arith.constant 7 : i32
      %add3A_503 = arith.addi %add3A_501, %add3A_502 : i32
      %rem3A_504 = arith.constant 80 : i32
      %rem3A_505 = arith.remsi %add3A_503, %rem3A_504 : i32
      %dma_start3A_506 = arith.constant 0 : i32
      %dma_start3A_507 = tpu.memref_slice %arg9[%rem3A_505, %dma_start3A_506] : memref<80x128xi32, #tpu.memory_space<vmem>> -> memref<1x128xi32, #tpu.memory_space<vmem>>
      %dma_start3A_508 = tpu.memref_squeeze %dma_start3A_507 : memref<1x128xi32, #tpu.memory_space<vmem>> -> memref<128xi32, #tpu.memory_space<vmem>>
      %dma_start3A_509 = arith.constant 0 : i32
      %dma_start3A_510 = arith.constant 0 : i32
      %dma_start3A_511 = tpu.memref_slice %arg2[%dma_start3A_509, %dma_start3A_510] : memref<10000x16xf32, #tpu.memory_space<hbm>> -> memref<10000x16xf32, #tpu.memory_space<hbm>>
      tpu.enqueue_indirect_dma source(%dma_start3A_511 : memref<10000x16xf32, #tpu.memory_space<hbm>>) target(%arg17 : memref<128x16xf32, #tpu.memory_space<vmem>>) offsets(%dma_start3A_508 : memref<128xi32, #tpu.memory_space<vmem>>) semaphore(%arg27 : memref<!tpu.dma_semaphore, #tpu.memory_space<semaphore_mem>>)
      %add3A_512 = arith.constant 8 : i32
      %add3A_513 = arith.addi %mul3A_192, %add3A_512 : i32
      %dma_wait3A_514 = arith.constant 0 : i32
      %dma_wait3A_515 = tpu.memref_slice %arg7[%add3A_513, %dma_wait3A_514] : memref<80x128xi32, #tpu.memory_space<vmem>> -> memref<1x128xi32, #tpu.memory_space<vmem>>
      %dma_wait3A_516 = tpu.memref_squeeze %dma_wait3A_515 : memref<1x128xi32, #tpu.memory_space<vmem>> -> memref<128xi32, #tpu.memory_space<vmem>>
      %dma_wait3A_517 = arith.constant 0 : i32
      %dma_wait3A_518 = arith.constant 0 : i32
      %dma_wait3A_519 = tpu.memref_slice %arg8[%dma_wait3A_517, %dma_wait3A_518] : memref<10016x16xf32, #tpu.memory_space<vmem_shared>> -> memref<10016x16xf32, #tpu.memory_space<vmem_shared>>
      tpu.wait_indirect_dma semaphore(%arg38 : memref<!tpu.dma_semaphore, #tpu.memory_space<semaphore_mem>>) src(%arg18 : memref<128x16xf32, #tpu.memory_space<vmem>>) dst(%dma_wait3A_519 : memref<10016x16xf32, #tpu.memory_space<vmem_shared>>)
      %add3A_520 = arith.constant 10 : i32
      %add3A_521 = arith.addi %mul3A_192, %add3A_520 : i32
      %add3A_522 = arith.constant 8 : i32
      %add3A_523 = arith.addi %add3A_521, %add3A_522 : i32
      %rem3A_524 = arith.constant 80 : i32
      %rem3A_525 = arith.remsi %add3A_523, %rem3A_524 : i32
      %dma_start3A_526 = arith.constant 0 : i32
      %dma_start3A_527 = tpu.memref_slice %arg9[%rem3A_525, %dma_start3A_526] : memref<80x128xi32, #tpu.memory_space<vmem>> -> memref<1x128xi32, #tpu.memory_space<vmem>>
      %dma_start3A_528 = tpu.memref_squeeze %dma_start3A_527 : memref<1x128xi32, #tpu.memory_space<vmem>> -> memref<128xi32, #tpu.memory_space<vmem>>
      %dma_start3A_529 = arith.constant 0 : i32
      %dma_start3A_530 = arith.constant 0 : i32
      %dma_start3A_531 = tpu.memref_slice %arg2[%dma_start3A_529, %dma_start3A_530] : memref<10000x16xf32, #tpu.memory_space<hbm>> -> memref<10000x16xf32, #tpu.memory_space<hbm>>
      tpu.enqueue_indirect_dma source(%dma_start3A_531 : memref<10000x16xf32, #tpu.memory_space<hbm>>) target(%arg18 : memref<128x16xf32, #tpu.memory_space<vmem>>) offsets(%dma_start3A_528 : memref<128xi32, #tpu.memory_space<vmem>>) semaphore(%arg28 : memref<!tpu.dma_semaphore, #tpu.memory_space<semaphore_mem>>)
      %add3A_532 = arith.constant 9 : i32
      %add3A_533 = arith.addi %mul3A_192, %add3A_532 : i32
      %dma_wait3A_534 = arith.constant 0 : i32
      %dma_wait3A_535 = tpu.memref_slice %arg7[%add3A_533, %dma_wait3A_534] : memref<80x128xi32, #tpu.memory_space<vmem>> -> memref<1x128xi32, #tpu.memory_space<vmem>>
      %dma_wait3A_536 = tpu.memref_squeeze %dma_wait3A_535 : memref<1x128xi32, #tpu.memory_space<vmem>> -> memref<128xi32, #tpu.memory_space<vmem>>
      %dma_wait3A_537 = arith.constant 0 : i32
      %dma_wait3A_538 = arith.constant 0 : i32
      %dma_wait3A_539 = tpu.memref_slice %arg8[%dma_wait3A_537, %dma_wait3A_538] : memref<10016x16xf32, #tpu.memory_space<vmem_shared>> -> memref<10016x16xf32, #tpu.memory_space<vmem_shared>>
      tpu.wait_indirect_dma semaphore(%arg39 : memref<!tpu.dma_semaphore, #tpu.memory_space<semaphore_mem>>) src(%arg19 : memref<128x16xf32, #tpu.memory_space<vmem>>) dst(%dma_wait3A_539 : memref<10016x16xf32, #tpu.memory_space<vmem_shared>>)
      %add3A_540 = arith.constant 10 : i32
      %add3A_541 = arith.addi %mul3A_192, %add3A_540 : i32
      %add3A_542 = arith.constant 9 : i32
      %add3A_543 = arith.addi %add3A_541, %add3A_542 : i32
      %rem3A_544 = arith.constant 80 : i32
      %rem3A_545 = arith.remsi %add3A_543, %rem3A_544 : i32
      %dma_start3A_546 = arith.constant 0 : i32
      %dma_start3A_547 = tpu.memref_slice %arg9[%rem3A_545, %dma_start3A_546] : memref<80x128xi32, #tpu.memory_space<vmem>> -> memref<1x128xi32, #tpu.memory_space<vmem>>
      %dma_start3A_548 = tpu.memref_squeeze %dma_start3A_547 : memref<1x128xi32, #tpu.memory_space<vmem>> -> memref<128xi32, #tpu.memory_space<vmem>>
      %dma_start3A_549 = arith.constant 0 : i32
      %dma_start3A_550 = arith.constant 0 : i32
      %dma_start3A_551 = tpu.memref_slice %arg2[%dma_start3A_549, %dma_start3A_550] : memref<10000x16xf32, #tpu.memory_space<hbm>> -> memref<10000x16xf32, #tpu.memory_space<hbm>>
      tpu.enqueue_indirect_dma source(%dma_start3A_551 : memref<10000x16xf32, #tpu.memory_space<hbm>>) target(%arg19 : memref<128x16xf32, #tpu.memory_space<vmem>>) offsets(%dma_start3A_548 : memref<128xi32, #tpu.memory_space<vmem>>) semaphore(%arg29 : memref<!tpu.dma_semaphore, #tpu.memory_space<semaphore_mem>>)
    }
    %dma_wait3A = arith.constant 0 : i32
    %dma_wait3A_116 = arith.constant 0 : i32
    %dma_wait3A_117 = tpu.memref_slice %arg9[%dma_wait3A, %dma_wait3A_116] : memref<80x128xi32, #tpu.memory_space<vmem>> -> memref<1x128xi32, #tpu.memory_space<vmem>>
    %dma_wait3A_118 = tpu.memref_squeeze %dma_wait3A_117 : memref<1x128xi32, #tpu.memory_space<vmem>> -> memref<128xi32, #tpu.memory_space<vmem>>
    %dma_wait3A_119 = arith.constant 0 : i32
    %dma_wait3A_120 = arith.constant 0 : i32
    %dma_wait3A_121 = tpu.memref_slice %arg2[%dma_wait3A_119, %dma_wait3A_120] : memref<10000x16xf32, #tpu.memory_space<hbm>> -> memref<10000x16xf32, #tpu.memory_space<hbm>>
    tpu.wait_indirect_dma semaphore(%arg20 : memref<!tpu.dma_semaphore, #tpu.memory_space<semaphore_mem>>) src(%dma_wait3A_121 : memref<10000x16xf32, #tpu.memory_space<hbm>>) dst(%arg10 : memref<128x16xf32, #tpu.memory_space<vmem>>)
    %dma_wait3A_122 = arith.constant 1 : i32
    %dma_wait3A_123 = arith.constant 0 : i32
    %dma_wait3A_124 = tpu.memref_slice %arg9[%dma_wait3A_122, %dma_wait3A_123] : memref<80x128xi32, #tpu.memory_space<vmem>> -> memref<1x128xi32, #tpu.memory_space<vmem>>
    %dma_wait3A_125 = tpu.memref_squeeze %dma_wait3A_124 : memref<1x128xi32, #tpu.memory_space<vmem>> -> memref<128xi32, #tpu.memory_space<vmem>>
    %dma_wait3A_126 = arith.constant 0 : i32
    %dma_wait3A_127 = arith.constant 0 : i32
    %dma_wait3A_128 = tpu.memref_slice %arg2[%dma_wait3A_126, %dma_wait3A_127] : memref<10000x16xf32, #tpu.memory_space<hbm>> -> memref<10000x16xf32, #tpu.memory_space<hbm>>
    tpu.wait_indirect_dma semaphore(%arg21 : memref<!tpu.dma_semaphore, #tpu.memory_space<semaphore_mem>>) src(%dma_wait3A_128 : memref<10000x16xf32, #tpu.memory_space<hbm>>) dst(%arg11 : memref<128x16xf32, #tpu.memory_space<vmem>>)
    %dma_wait3A_129 = arith.constant 2 : i32
    %dma_wait3A_130 = arith.constant 0 : i32
    %dma_wait3A_131 = tpu.memref_slice %arg9[%dma_wait3A_129, %dma_wait3A_130] : memref<80x128xi32, #tpu.memory_space<vmem>> -> memref<1x128xi32, #tpu.memory_space<vmem>>
    %dma_wait3A_132 = tpu.memref_squeeze %dma_wait3A_131 : memref<1x128xi32, #tpu.memory_space<vmem>> -> memref<128xi32, #tpu.memory_space<vmem>>
    %dma_wait3A_133 = arith.constant 0 : i32
    %dma_wait3A_134 = arith.constant 0 : i32
    %dma_wait3A_135 = tpu.memref_slice %arg2[%dma_wait3A_133, %dma_wait3A_134] : memref<10000x16xf32, #tpu.memory_space<hbm>> -> memref<10000x16xf32, #tpu.memory_space<hbm>>
    tpu.wait_indirect_dma semaphore(%arg22 : memref<!tpu.dma_semaphore, #tpu.memory_space<semaphore_mem>>) src(%dma_wait3A_135 : memref<10000x16xf32, #tpu.memory_space<hbm>>) dst(%arg12 : memref<128x16xf32, #tpu.memory_space<vmem>>)
    %dma_wait3A_136 = arith.constant 3 : i32
    %dma_wait3A_137 = arith.constant 0 : i32
    %dma_wait3A_138 = tpu.memref_slice %arg9[%dma_wait3A_136, %dma_wait3A_137] : memref<80x128xi32, #tpu.memory_space<vmem>> -> memref<1x128xi32, #tpu.memory_space<vmem>>
    %dma_wait3A_139 = tpu.memref_squeeze %dma_wait3A_138 : memref<1x128xi32, #tpu.memory_space<vmem>> -> memref<128xi32, #tpu.memory_space<vmem>>
    %dma_wait3A_140 = arith.constant 0 : i32
    %dma_wait3A_141 = arith.constant 0 : i32
    %dma_wait3A_142 = tpu.memref_slice %arg2[%dma_wait3A_140, %dma_wait3A_141] : memref<10000x16xf32, #tpu.memory_space<hbm>> -> memref<10000x16xf32, #tpu.memory_space<hbm>>
    tpu.wait_indirect_dma semaphore(%arg23 : memref<!tpu.dma_semaphore, #tpu.memory_space<semaphore_mem>>) src(%dma_wait3A_142 : memref<10000x16xf32, #tpu.memory_space<hbm>>) dst(%arg13 : memref<128x16xf32, #tpu.memory_space<vmem>>)
    %dma_wait3A_143 = arith.constant 4 : i32
    %dma_wait3A_144 = arith.constant 0 : i32
    %dma_wait3A_145 = tpu.memref_slice %arg9[%dma_wait3A_143, %dma_wait3A_144] : memref<80x128xi32, #tpu.memory_space<vmem>> -> memref<1x128xi32, #tpu.memory_space<vmem>>
    %dma_wait3A_146 = tpu.memref_squeeze %dma_wait3A_145 : memref<1x128xi32, #tpu.memory_space<vmem>> -> memref<128xi32, #tpu.memory_space<vmem>>
    %dma_wait3A_147 = arith.constant 0 : i32
    %dma_wait3A_148 = arith.constant 0 : i32
    %dma_wait3A_149 = tpu.memref_slice %arg2[%dma_wait3A_147, %dma_wait3A_148] : memref<10000x16xf32, #tpu.memory_space<hbm>> -> memref<10000x16xf32, #tpu.memory_space<hbm>>
    tpu.wait_indirect_dma semaphore(%arg24 : memref<!tpu.dma_semaphore, #tpu.memory_space<semaphore_mem>>) src(%dma_wait3A_149 : memref<10000x16xf32, #tpu.memory_space<hbm>>) dst(%arg14 : memref<128x16xf32, #tpu.memory_space<vmem>>)
    %dma_wait3A_150 = arith.constant 5 : i32
    %dma_wait3A_151 = arith.constant 0 : i32
    %dma_wait3A_152 = tpu.memref_slice %arg9[%dma_wait3A_150, %dma_wait3A_151] : memref<80x128xi32, #tpu.memory_space<vmem>> -> memref<1x128xi32, #tpu.memory_space<vmem>>
    %dma_wait3A_153 = tpu.memref_squeeze %dma_wait3A_152 : memref<1x128xi32, #tpu.memory_space<vmem>> -> memref<128xi32, #tpu.memory_space<vmem>>
    %dma_wait3A_154 = arith.constant 0 : i32
    %dma_wait3A_155 = arith.constant 0 : i32
    %dma_wait3A_156 = tpu.memref_slice %arg2[%dma_wait3A_154, %dma_wait3A_155] : memref<10000x16xf32, #tpu.memory_space<hbm>> -> memref<10000x16xf32, #tpu.memory_space<hbm>>
    tpu.wait_indirect_dma semaphore(%arg25 : memref<!tpu.dma_semaphore, #tpu.memory_space<semaphore_mem>>) src(%dma_wait3A_156 : memref<10000x16xf32, #tpu.memory_space<hbm>>) dst(%arg15 : memref<128x16xf32, #tpu.memory_space<vmem>>)
    %dma_wait3A_157 = arith.constant 6 : i32
    %dma_wait3A_158 = arith.constant 0 : i32
    %dma_wait3A_159 = tpu.memref_slice %arg9[%dma_wait3A_157, %dma_wait3A_158] : memref<80x128xi32, #tpu.memory_space<vmem>> -> memref<1x128xi32, #tpu.memory_space<vmem>>
    %dma_wait3A_160 = tpu.memref_squeeze %dma_wait3A_159 : memref<1x128xi32, #tpu.memory_space<vmem>> -> memref<128xi32, #tpu.memory_space<vmem>>
    %dma_wait3A_161 = arith.constant 0 : i32
    %dma_wait3A_162 = arith.constant 0 : i32
    %dma_wait3A_163 = tpu.memref_slice %arg2[%dma_wait3A_161, %dma_wait3A_162] : memref<10000x16xf32, #tpu.memory_space<hbm>> -> memref<10000x16xf32, #tpu.memory_space<hbm>>
    tpu.wait_indirect_dma semaphore(%arg26 : memref<!tpu.dma_semaphore, #tpu.memory_space<semaphore_mem>>) src(%dma_wait3A_163 : memref<10000x16xf32, #tpu.memory_space<hbm>>) dst(%arg16 : memref<128x16xf32, #tpu.memory_space<vmem>>)
    %dma_wait3A_164 = arith.constant 7 : i32
    %dma_wait3A_165 = arith.constant 0 : i32
    %dma_wait3A_166 = tpu.memref_slice %arg9[%dma_wait3A_164, %dma_wait3A_165] : memref<80x128xi32, #tpu.memory_space<vmem>> -> memref<1x128xi32, #tpu.memory_space<vmem>>
    %dma_wait3A_167 = tpu.memref_squeeze %dma_wait3A_166 : memref<1x128xi32, #tpu.memory_space<vmem>> -> memref<128xi32, #tpu.memory_space<vmem>>
    %dma_wait3A_168 = arith.constant 0 : i32
    %dma_wait3A_169 = arith.constant 0 : i32
    %dma_wait3A_170 = tpu.memref_slice %arg2[%dma_wait3A_168, %dma_wait3A_169] : memref<10000x16xf32, #tpu.memory_space<hbm>> -> memref<10000x16xf32, #tpu.memory_space<hbm>>
    tpu.wait_indirect_dma semaphore(%arg27 : memref<!tpu.dma_semaphore, #tpu.memory_space<semaphore_mem>>) src(%dma_wait3A_170 : memref<10000x16xf32, #tpu.memory_space<hbm>>) dst(%arg17 : memref<128x16xf32, #tpu.memory_space<vmem>>)
    %dma_wait3A_171 = arith.constant 8 : i32
    %dma_wait3A_172 = arith.constant 0 : i32
    %dma_wait3A_173 = tpu.memref_slice %arg9[%dma_wait3A_171, %dma_wait3A_172] : memref<80x128xi32, #tpu.memory_space<vmem>> -> memref<1x128xi32, #tpu.memory_space<vmem>>
    %dma_wait3A_174 = tpu.memref_squeeze %dma_wait3A_173 : memref<1x128xi32, #tpu.memory_space<vmem>> -> memref<128xi32, #tpu.memory_space<vmem>>
    %dma_wait3A_175 = arith.constant 0 : i32
    %dma_wait3A_176 = arith.constant 0 : i32
    %dma_wait3A_177 = tpu.memref_slice %arg2[%dma_wait3A_175, %dma_wait3A_176] : memref<10000x16xf32, #tpu.memory_space<hbm>> -> memref<10000x16xf32, #tpu.memory_space<hbm>>
    tpu.wait_indirect_dma semaphore(%arg28 : memref<!tpu.dma_semaphore, #tpu.memory_space<semaphore_mem>>) src(%dma_wait3A_177 : memref<10000x16xf32, #tpu.memory_space<hbm>>) dst(%arg18 : memref<128x16xf32, #tpu.memory_space<vmem>>)
    %dma_wait3A_178 = arith.constant 9 : i32
    %dma_wait3A_179 = arith.constant 0 : i32
    %dma_wait3A_180 = tpu.memref_slice %arg9[%dma_wait3A_178, %dma_wait3A_179] : memref<80x128xi32, #tpu.memory_space<vmem>> -> memref<1x128xi32, #tpu.memory_space<vmem>>
    %dma_wait3A_181 = tpu.memref_squeeze %dma_wait3A_180 : memref<1x128xi32, #tpu.memory_space<vmem>> -> memref<128xi32, #tpu.memory_space<vmem>>
    %dma_wait3A_182 = arith.constant 0 : i32
    %dma_wait3A_183 = arith.constant 0 : i32
    %dma_wait3A_184 = tpu.memref_slice %arg2[%dma_wait3A_182, %dma_wait3A_183] : memref<10000x16xf32, #tpu.memory_space<hbm>> -> memref<10000x16xf32, #tpu.memory_space<hbm>>
    tpu.wait_indirect_dma semaphore(%arg29 : memref<!tpu.dma_semaphore, #tpu.memory_space<semaphore_mem>>) src(%dma_wait3A_184 : memref<10000x16xf32, #tpu.memory_space<hbm>>) dst(%arg19 : memref<128x16xf32, #tpu.memory_space<vmem>>)
    %barrier3A_185 = arith.constant 0 : index
    tpu.barrier barrier_id(%barrier3A_185)
    %mul3A_186 = arith.constant 626 : i32
    %mul3A_187 = arith.muli %arg1, %mul3A_186 : i32
    %mul3A_188 = arith.constant 626 : i32
    %mul3A_189 = arith.muli %add3A, %mul3A_188 : i32
    "tpu.region"() ({
      %run_scoped3A = tpu.sem_alloc : memref<!tpu.dma_semaphore, #tpu.memory_space<semaphore_mem>>
      %dma_start3A_190 = arith.constant 0 : i32
      %dma_start3A_191 = tpu.memref_slice %arg6[%mul3A_189, %dma_start3A_190] : memref<20032x16xf32, #tpu.memory_space<hbm>> -> memref<626x16xf32, #tpu.memory_space<hbm>>
      %dma_start3A_192 = arith.constant 0 : i32
      %dma_start3A_193 = tpu.memref_slice %arg8[%mul3A_187, %dma_start3A_192] : memref<10016x16xf32, #tpu.memory_space<vmem_shared>> -> memref<626x16xf32, #tpu.memory_space<vmem_shared>>
      tpu.enqueue_dma source(%dma_start3A_193 : memref<626x16xf32, #tpu.memory_space<vmem_shared>>) target(%dma_start3A_191 : memref<626x16xf32, #tpu.memory_space<hbm>>) target_semaphore(%run_scoped3A : memref<!tpu.dma_semaphore, #tpu.memory_space<semaphore_mem>>)
      %dma_wait3A_194 = arith.constant 0 : i32
      %dma_wait3A_195 = tpu.memref_slice %arg6[%mul3A_189, %dma_wait3A_194] : memref<20032x16xf32, #tpu.memory_space<hbm>> -> memref<626x16xf32, #tpu.memory_space<hbm>>
      %dma_wait3A_196 = arith.constant 0 : i32
      %dma_wait3A_197 = tpu.memref_slice %arg8[%mul3A_187, %dma_wait3A_196] : memref<10016x16xf32, #tpu.memory_space<vmem_shared>> -> memref<626x16xf32, #tpu.memory_space<vmem_shared>>
      tpu.wait_dma2 semaphore(%run_scoped3A : memref<!tpu.dma_semaphore, #tpu.memory_space<semaphore_mem>>) src(%dma_wait3A_197 : memref<626x16xf32, #tpu.memory_space<vmem_shared>>) dst(%dma_wait3A_195 : memref<626x16xf32, #tpu.memory_space<hbm>>)
      tpu.yield
    }) : () -> ()
    return
  }
}

#map = affine_map<(d0, d1) -> (0, 0)>
module attributes {stable_mosaic.version = 14 : i64} {
  func.func @sc_pass(%arg0: i32, %arg1: i32, %arg2: memref<2500x128xi32, #tpu.memory_space<hbm>>, %arg3: memref<626x16xf32, #tpu.memory_space<hbm>>, %arg4: memref<128x16xf32, #tpu.memory_space<hbm>>, %arg5: memref<20032x16xf32, #tpu.memory_space<hbm>>, %arg6: memref<80x128xi32, #tpu.memory_space<vmem>>, %arg7: memref<10016x16xf32, #tpu.memory_space<vmem_shared>>, %arg8: memref<128x16xf32, #tpu.memory_space<vmem>>, %arg9: memref<!tpu.dma_semaphore, #tpu.memory_space<semaphore_mem>>, %arg10: memref<!tpu.dma_semaphore, #tpu.memory_space<semaphore_mem>>, %arg11: memref<!tpu.dma_semaphore, #tpu.memory_space<semaphore_mem>>, %arg12: memref<!tpu.dma_semaphore, #tpu.memory_space<semaphore_mem>>, %arg13: memref<!tpu.dma_semaphore, #tpu.memory_space<semaphore_mem>>, %arg14: memref<!tpu.dma_semaphore, #tpu.memory_space<semaphore_mem>>, %arg15: memref<!tpu.dma_semaphore, #tpu.memory_space<semaphore_mem>>, %arg16: memref<!tpu.dma_semaphore, #tpu.memory_space<semaphore_mem>>, %arg17: memref<!tpu.dma_semaphore, #tpu.memory_space<semaphore_mem>>, %arg18: memref<!tpu.dma_semaphore, #tpu.memory_space<semaphore_mem>>) attributes {dimension_semantics = [#tpu.dimension_semantics<core_parallel>, #tpu.dimension_semantics<subcore_parallel>], iteration_bounds = array<i64: 2, 16>, scalar_prefetch = 0 : i64, scratch_operands = 13 : i64, tpu.core_type = #tpu.core_type<sc_vector_subcore>, window_params = [{transform_indices = #map}, {transform_indices = #map}, {transform_indices = #map}, {transform_indices = #map}]} {
    %mul3A = arith.constant 16 : i32
    %mul3A_0 = arith.muli %arg0, %mul3A : i32
    %add3A = arith.addi %mul3A_0, %arg1 : i32
    %mul3A_1 = arith.constant 80 : i32
    %mul3A_2 = arith.muli %add3A, %mul3A_1 : i32
    %min3A = arith.constant 2420 : i32
    %min3A_3 = arith.minsi %mul3A_2, %min3A : i32
    %eq3A = arith.constant 31 : i32
    %eq3A_4 = arith.cmpi eq, %add3A, %eq3A : i32
    %jit3A = arith.constant 6 : i32
    %jit3A_5 = arith.constant 0 : i32
    %select_n3A = arith.select %eq3A_4, %jit3A, %jit3A_5 : i32
    %mul3A_6 = arith.constant 626 : i32
    %mul3A_7 = arith.muli %arg1, %mul3A_6 : i32
    "tpu.region"() ({
      %run_scoped3A = tpu.sem_alloc : memref<!tpu.dma_semaphore, #tpu.memory_space<semaphore_mem>>
      %dma_start3A = arith.constant 0 : i32
      %dma_start3A_22 = tpu.memref_slice %arg7[%mul3A_7, %dma_start3A] : memref<10016x16xf32, #tpu.memory_space<vmem_shared>> -> memref<626x16xf32, #tpu.memory_space<vmem_shared>>
      tpu.enqueue_dma source(%arg3 : memref<626x16xf32, #tpu.memory_space<hbm>>) target(%dma_start3A_22 : memref<626x16xf32, #tpu.memory_space<vmem_shared>>) target_semaphore(%run_scoped3A : memref<!tpu.dma_semaphore, #tpu.memory_space<semaphore_mem>>)
      %dma_wait3A = arith.constant 0 : i32
      %dma_wait3A_23 = tpu.memref_slice %arg7[%mul3A_7, %dma_wait3A] : memref<10016x16xf32, #tpu.memory_space<vmem_shared>> -> memref<626x16xf32, #tpu.memory_space<vmem_shared>>
      tpu.wait_dma2 semaphore(%run_scoped3A : memref<!tpu.dma_semaphore, #tpu.memory_space<semaphore_mem>>) src(%arg3 : memref<626x16xf32, #tpu.memory_space<hbm>>) dst(%dma_wait3A_23 : memref<626x16xf32, #tpu.memory_space<vmem_shared>>)
      tpu.yield
    }) : () -> ()
    "tpu.region"() ({
      %run_scoped3A = tpu.sem_alloc : memref<!tpu.dma_semaphore, #tpu.memory_space<semaphore_mem>>
      %dma_start3A = arith.constant 0 : i32
      %dma_start3A_22 = tpu.memref_slice %arg2[%min3A_3, %dma_start3A] : memref<2500x128xi32, #tpu.memory_space<hbm>> -> memref<80x128xi32, #tpu.memory_space<hbm>>
      %dma_start3A_23 = arith.constant 0 : i32
      %dma_start3A_24 = tpu.memref_slice %arg2[%min3A_3, %dma_start3A_23] : memref<2500x128xi32, #tpu.memory_space<hbm>> -> memref<80x128xi32, #tpu.memory_space<hbm>>
      tpu.enqueue_dma source(%dma_start3A_24 : memref<80x128xi32, #tpu.memory_space<hbm>>) target(%arg6 : memref<80x128xi32, #tpu.memory_space<vmem>>) target_semaphore(%run_scoped3A : memref<!tpu.dma_semaphore, #tpu.memory_space<semaphore_mem>>)
      %dma_wait3A = arith.constant 0 : i32
      %dma_wait3A_25 = tpu.memref_slice %arg2[%min3A_3, %dma_wait3A] : memref<2500x128xi32, #tpu.memory_space<hbm>> -> memref<80x128xi32, #tpu.memory_space<hbm>>
      %dma_wait3A_26 = arith.constant 0 : i32
      %dma_wait3A_27 = tpu.memref_slice %arg2[%min3A_3, %dma_wait3A_26] : memref<2500x128xi32, #tpu.memory_space<hbm>> -> memref<80x128xi32, #tpu.memory_space<hbm>>
      tpu.wait_dma2 semaphore(%run_scoped3A : memref<!tpu.dma_semaphore, #tpu.memory_space<semaphore_mem>>) src(%dma_wait3A_27 : memref<80x128xi32, #tpu.memory_space<hbm>>) dst(%arg6 : memref<80x128xi32, #tpu.memory_space<vmem>>)
      tpu.yield
    }) : () -> ()
    "tpu.region"() ({
      %run_scoped3A = tpu.sem_alloc : memref<!tpu.dma_semaphore, #tpu.memory_space<semaphore_mem>>
      tpu.enqueue_dma source(%arg4 : memref<128x16xf32, #tpu.memory_space<hbm>>) target(%arg8 : memref<128x16xf32, #tpu.memory_space<vmem>>) target_semaphore(%run_scoped3A : memref<!tpu.dma_semaphore, #tpu.memory_space<semaphore_mem>>)
      tpu.wait_dma2 semaphore(%run_scoped3A : memref<!tpu.dma_semaphore, #tpu.memory_space<semaphore_mem>>) src(%arg4 : memref<128x16xf32, #tpu.memory_space<hbm>>) dst(%arg8 : memref<128x16xf32, #tpu.memory_space<vmem>>)
      tpu.yield
    }) : () -> ()
    %barrier3A = arith.constant 0 : index
    tpu.barrier barrier_id(%barrier3A)
    %while3A = arith.constant 0 : i32
    %while3A_8 = arith.constant 8 : i32
    %while3A_9 = arith.subi %while3A_8, %select_n3A : i32
    %while3A_10 = arith.addi %select_n3A, %while3A_9 : i32
    %while3A_11 = arith.constant 1 : i32
    %while3A_12 = arith.divsi %while3A_9, %while3A_11 : i32
    %while3A_13 = arith.muli %while3A_12, %while3A_11 : i32
    %while3A_14 = arith.addi %select_n3A, %while3A_13 : i32
    %while3A_15 = arith.constant 1 : i32
    scf.for %while3A_22 = %select_n3A to %while3A_14 step %while3A_15  : i32 {
      %mul3A_23 = arith.constant 10 : i32
      %mul3A_24 = arith.muli %while3A_22, %mul3A_23 : i32
      %add3A_25 = arith.constant 0 : i32
      %add3A_26 = arith.addi %mul3A_24, %add3A_25 : i32
      %dma_start3A = arith.constant 0 : i32
      %dma_start3A_27 = tpu.memref_slice %arg6[%add3A_26, %dma_start3A] : memref<80x128xi32, #tpu.memory_space<vmem>> -> memref<1x128xi32, #tpu.memory_space<vmem>>
      %dma_start3A_28 = tpu.memref_squeeze %dma_start3A_27 : memref<1x128xi32, #tpu.memory_space<vmem>> -> memref<128xi32, #tpu.memory_space<vmem>>
      %dma_start3A_29 = arith.constant 0 : i32
      %dma_start3A_30 = arith.constant 0 : i32
      %dma_start3A_31 = tpu.memref_slice %arg7[%dma_start3A_29, %dma_start3A_30] : memref<10016x16xf32, #tpu.memory_space<vmem_shared>> -> memref<10016x16xf32, #tpu.memory_space<vmem_shared>>
      tpu.enqueue_indirect_dma source(%arg8 : memref<128x16xf32, #tpu.memory_space<vmem>>) target(%dma_start3A_31 : memref<10016x16xf32, #tpu.memory_space<vmem_shared>>) offsets(%dma_start3A_28 : memref<128xi32, #tpu.memory_space<vmem>>) semaphore(%arg9 : memref<!tpu.dma_semaphore, #tpu.memory_space<semaphore_mem>>) {add = true}
      %add3A_32 = arith.constant 1 : i32
      %add3A_33 = arith.addi %mul3A_24, %add3A_32 : i32
      %dma_start3A_34 = arith.constant 0 : i32
      %dma_start3A_35 = tpu.memref_slice %arg6[%add3A_33, %dma_start3A_34] : memref<80x128xi32, #tpu.memory_space<vmem>> -> memref<1x128xi32, #tpu.memory_space<vmem>>
      %dma_start3A_36 = tpu.memref_squeeze %dma_start3A_35 : memref<1x128xi32, #tpu.memory_space<vmem>> -> memref<128xi32, #tpu.memory_space<vmem>>
      %dma_start3A_37 = arith.constant 0 : i32
      %dma_start3A_38 = arith.constant 0 : i32
      %dma_start3A_39 = tpu.memref_slice %arg7[%dma_start3A_37, %dma_start3A_38] : memref<10016x16xf32, #tpu.memory_space<vmem_shared>> -> memref<10016x16xf32, #tpu.memory_space<vmem_shared>>
      tpu.enqueue_indirect_dma source(%arg8 : memref<128x16xf32, #tpu.memory_space<vmem>>) target(%dma_start3A_39 : memref<10016x16xf32, #tpu.memory_space<vmem_shared>>) offsets(%dma_start3A_36 : memref<128xi32, #tpu.memory_space<vmem>>) semaphore(%arg10 : memref<!tpu.dma_semaphore, #tpu.memory_space<semaphore_mem>>) {add = true}
      %add3A_40 = arith.constant 2 : i32
      %add3A_41 = arith.addi %mul3A_24, %add3A_40 : i32
      %dma_start3A_42 = arith.constant 0 : i32
      %dma_start3A_43 = tpu.memref_slice %arg6[%add3A_41, %dma_start3A_42] : memref<80x128xi32, #tpu.memory_space<vmem>> -> memref<1x128xi32, #tpu.memory_space<vmem>>
      %dma_start3A_44 = tpu.memref_squeeze %dma_start3A_43 : memref<1x128xi32, #tpu.memory_space<vmem>> -> memref<128xi32, #tpu.memory_space<vmem>>
      %dma_start3A_45 = arith.constant 0 : i32
      %dma_start3A_46 = arith.constant 0 : i32
      %dma_start3A_47 = tpu.memref_slice %arg7[%dma_start3A_45, %dma_start3A_46] : memref<10016x16xf32, #tpu.memory_space<vmem_shared>> -> memref<10016x16xf32, #tpu.memory_space<vmem_shared>>
      tpu.enqueue_indirect_dma source(%arg8 : memref<128x16xf32, #tpu.memory_space<vmem>>) target(%dma_start3A_47 : memref<10016x16xf32, #tpu.memory_space<vmem_shared>>) offsets(%dma_start3A_44 : memref<128xi32, #tpu.memory_space<vmem>>) semaphore(%arg11 : memref<!tpu.dma_semaphore, #tpu.memory_space<semaphore_mem>>) {add = true}
      %add3A_48 = arith.constant 3 : i32
      %add3A_49 = arith.addi %mul3A_24, %add3A_48 : i32
      %dma_start3A_50 = arith.constant 0 : i32
      %dma_start3A_51 = tpu.memref_slice %arg6[%add3A_49, %dma_start3A_50] : memref<80x128xi32, #tpu.memory_space<vmem>> -> memref<1x128xi32, #tpu.memory_space<vmem>>
      %dma_start3A_52 = tpu.memref_squeeze %dma_start3A_51 : memref<1x128xi32, #tpu.memory_space<vmem>> -> memref<128xi32, #tpu.memory_space<vmem>>
      %dma_start3A_53 = arith.constant 0 : i32
      %dma_start3A_54 = arith.constant 0 : i32
      %dma_start3A_55 = tpu.memref_slice %arg7[%dma_start3A_53, %dma_start3A_54] : memref<10016x16xf32, #tpu.memory_space<vmem_shared>> -> memref<10016x16xf32, #tpu.memory_space<vmem_shared>>
      tpu.enqueue_indirect_dma source(%arg8 : memref<128x16xf32, #tpu.memory_space<vmem>>) target(%dma_start3A_55 : memref<10016x16xf32, #tpu.memory_space<vmem_shared>>) offsets(%dma_start3A_52 : memref<128xi32, #tpu.memory_space<vmem>>) semaphore(%arg12 : memref<!tpu.dma_semaphore, #tpu.memory_space<semaphore_mem>>) {add = true}
      %add3A_56 = arith.constant 4 : i32
      %add3A_57 = arith.addi %mul3A_24, %add3A_56 : i32
      %dma_start3A_58 = arith.constant 0 : i32
      %dma_start3A_59 = tpu.memref_slice %arg6[%add3A_57, %dma_start3A_58] : memref<80x128xi32, #tpu.memory_space<vmem>> -> memref<1x128xi32, #tpu.memory_space<vmem>>
      %dma_start3A_60 = tpu.memref_squeeze %dma_start3A_59 : memref<1x128xi32, #tpu.memory_space<vmem>> -> memref<128xi32, #tpu.memory_space<vmem>>
      %dma_start3A_61 = arith.constant 0 : i32
      %dma_start3A_62 = arith.constant 0 : i32
      %dma_start3A_63 = tpu.memref_slice %arg7[%dma_start3A_61, %dma_start3A_62] : memref<10016x16xf32, #tpu.memory_space<vmem_shared>> -> memref<10016x16xf32, #tpu.memory_space<vmem_shared>>
      tpu.enqueue_indirect_dma source(%arg8 : memref<128x16xf32, #tpu.memory_space<vmem>>) target(%dma_start3A_63 : memref<10016x16xf32, #tpu.memory_space<vmem_shared>>) offsets(%dma_start3A_60 : memref<128xi32, #tpu.memory_space<vmem>>) semaphore(%arg13 : memref<!tpu.dma_semaphore, #tpu.memory_space<semaphore_mem>>) {add = true}
      %add3A_64 = arith.constant 5 : i32
      %add3A_65 = arith.addi %mul3A_24, %add3A_64 : i32
      %dma_start3A_66 = arith.constant 0 : i32
      %dma_start3A_67 = tpu.memref_slice %arg6[%add3A_65, %dma_start3A_66] : memref<80x128xi32, #tpu.memory_space<vmem>> -> memref<1x128xi32, #tpu.memory_space<vmem>>
      %dma_start3A_68 = tpu.memref_squeeze %dma_start3A_67 : memref<1x128xi32, #tpu.memory_space<vmem>> -> memref<128xi32, #tpu.memory_space<vmem>>
      %dma_start3A_69 = arith.constant 0 : i32
      %dma_start3A_70 = arith.constant 0 : i32
      %dma_start3A_71 = tpu.memref_slice %arg7[%dma_start3A_69, %dma_start3A_70] : memref<10016x16xf32, #tpu.memory_space<vmem_shared>> -> memref<10016x16xf32, #tpu.memory_space<vmem_shared>>
      tpu.enqueue_indirect_dma source(%arg8 : memref<128x16xf32, #tpu.memory_space<vmem>>) target(%dma_start3A_71 : memref<10016x16xf32, #tpu.memory_space<vmem_shared>>) offsets(%dma_start3A_68 : memref<128xi32, #tpu.memory_space<vmem>>) semaphore(%arg14 : memref<!tpu.dma_semaphore, #tpu.memory_space<semaphore_mem>>) {add = true}
      %add3A_72 = arith.constant 6 : i32
      %add3A_73 = arith.addi %mul3A_24, %add3A_72 : i32
      %dma_start3A_74 = arith.constant 0 : i32
      %dma_start3A_75 = tpu.memref_slice %arg6[%add3A_73, %dma_start3A_74] : memref<80x128xi32, #tpu.memory_space<vmem>> -> memref<1x128xi32, #tpu.memory_space<vmem>>
      %dma_start3A_76 = tpu.memref_squeeze %dma_start3A_75 : memref<1x128xi32, #tpu.memory_space<vmem>> -> memref<128xi32, #tpu.memory_space<vmem>>
      %dma_start3A_77 = arith.constant 0 : i32
      %dma_start3A_78 = arith.constant 0 : i32
      %dma_start3A_79 = tpu.memref_slice %arg7[%dma_start3A_77, %dma_start3A_78] : memref<10016x16xf32, #tpu.memory_space<vmem_shared>> -> memref<10016x16xf32, #tpu.memory_space<vmem_shared>>
      tpu.enqueue_indirect_dma source(%arg8 : memref<128x16xf32, #tpu.memory_space<vmem>>) target(%dma_start3A_79 : memref<10016x16xf32, #tpu.memory_space<vmem_shared>>) offsets(%dma_start3A_76 : memref<128xi32, #tpu.memory_space<vmem>>) semaphore(%arg15 : memref<!tpu.dma_semaphore, #tpu.memory_space<semaphore_mem>>) {add = true}
      %add3A_80 = arith.constant 7 : i32
      %add3A_81 = arith.addi %mul3A_24, %add3A_80 : i32
      %dma_start3A_82 = arith.constant 0 : i32
      %dma_start3A_83 = tpu.memref_slice %arg6[%add3A_81, %dma_start3A_82] : memref<80x128xi32, #tpu.memory_space<vmem>> -> memref<1x128xi32, #tpu.memory_space<vmem>>
      %dma_start3A_84 = tpu.memref_squeeze %dma_start3A_83 : memref<1x128xi32, #tpu.memory_space<vmem>> -> memref<128xi32, #tpu.memory_space<vmem>>
      %dma_start3A_85 = arith.constant 0 : i32
      %dma_start3A_86 = arith.constant 0 : i32
      %dma_start3A_87 = tpu.memref_slice %arg7[%dma_start3A_85, %dma_start3A_86] : memref<10016x16xf32, #tpu.memory_space<vmem_shared>> -> memref<10016x16xf32, #tpu.memory_space<vmem_shared>>
      tpu.enqueue_indirect_dma source(%arg8 : memref<128x16xf32, #tpu.memory_space<vmem>>) target(%dma_start3A_87 : memref<10016x16xf32, #tpu.memory_space<vmem_shared>>) offsets(%dma_start3A_84 : memref<128xi32, #tpu.memory_space<vmem>>) semaphore(%arg16 : memref<!tpu.dma_semaphore, #tpu.memory_space<semaphore_mem>>) {add = true}
      %add3A_88 = arith.constant 8 : i32
      %add3A_89 = arith.addi %mul3A_24, %add3A_88 : i32
      %dma_start3A_90 = arith.constant 0 : i32
      %dma_start3A_91 = tpu.memref_slice %arg6[%add3A_89, %dma_start3A_90] : memref<80x128xi32, #tpu.memory_space<vmem>> -> memref<1x128xi32, #tpu.memory_space<vmem>>
      %dma_start3A_92 = tpu.memref_squeeze %dma_start3A_91 : memref<1x128xi32, #tpu.memory_space<vmem>> -> memref<128xi32, #tpu.memory_space<vmem>>
      %dma_start3A_93 = arith.constant 0 : i32
      %dma_start3A_94 = arith.constant 0 : i32
      %dma_start3A_95 = tpu.memref_slice %arg7[%dma_start3A_93, %dma_start3A_94] : memref<10016x16xf32, #tpu.memory_space<vmem_shared>> -> memref<10016x16xf32, #tpu.memory_space<vmem_shared>>
      tpu.enqueue_indirect_dma source(%arg8 : memref<128x16xf32, #tpu.memory_space<vmem>>) target(%dma_start3A_95 : memref<10016x16xf32, #tpu.memory_space<vmem_shared>>) offsets(%dma_start3A_92 : memref<128xi32, #tpu.memory_space<vmem>>) semaphore(%arg17 : memref<!tpu.dma_semaphore, #tpu.memory_space<semaphore_mem>>) {add = true}
      %add3A_96 = arith.constant 9 : i32
      %add3A_97 = arith.addi %mul3A_24, %add3A_96 : i32
      %dma_start3A_98 = arith.constant 0 : i32
      %dma_start3A_99 = tpu.memref_slice %arg6[%add3A_97, %dma_start3A_98] : memref<80x128xi32, #tpu.memory_space<vmem>> -> memref<1x128xi32, #tpu.memory_space<vmem>>
      %dma_start3A_100 = tpu.memref_squeeze %dma_start3A_99 : memref<1x128xi32, #tpu.memory_space<vmem>> -> memref<128xi32, #tpu.memory_space<vmem>>
      %dma_start3A_101 = arith.constant 0 : i32
      %dma_start3A_102 = arith.constant 0 : i32
      %dma_start3A_103 = tpu.memref_slice %arg7[%dma_start3A_101, %dma_start3A_102] : memref<10016x16xf32, #tpu.memory_space<vmem_shared>> -> memref<10016x16xf32, #tpu.memory_space<vmem_shared>>
      tpu.enqueue_indirect_dma source(%arg8 : memref<128x16xf32, #tpu.memory_space<vmem>>) target(%dma_start3A_103 : memref<10016x16xf32, #tpu.memory_space<vmem_shared>>) offsets(%dma_start3A_100 : memref<128xi32, #tpu.memory_space<vmem>>) semaphore(%arg18 : memref<!tpu.dma_semaphore, #tpu.memory_space<semaphore_mem>>) {add = true}
      %add3A_104 = arith.constant 0 : i32
      %add3A_105 = arith.addi %mul3A_24, %add3A_104 : i32
      %dma_wait3A = arith.constant 0 : i32
      %dma_wait3A_106 = tpu.memref_slice %arg6[%add3A_105, %dma_wait3A] : memref<80x128xi32, #tpu.memory_space<vmem>> -> memref<1x128xi32, #tpu.memory_space<vmem>>
      %dma_wait3A_107 = tpu.memref_squeeze %dma_wait3A_106 : memref<1x128xi32, #tpu.memory_space<vmem>> -> memref<128xi32, #tpu.memory_space<vmem>>
      %dma_wait3A_108 = arith.constant 0 : i32
      %dma_wait3A_109 = arith.constant 0 : i32
      %dma_wait3A_110 = tpu.memref_slice %arg7[%dma_wait3A_108, %dma_wait3A_109] : memref<10016x16xf32, #tpu.memory_space<vmem_shared>> -> memref<10016x16xf32, #tpu.memory_space<vmem_shared>>
      tpu.wait_indirect_dma semaphore(%arg9 : memref<!tpu.dma_semaphore, #tpu.memory_space<semaphore_mem>>) src(%arg8 : memref<128x16xf32, #tpu.memory_space<vmem>>) dst(%dma_wait3A_110 : memref<10016x16xf32, #tpu.memory_space<vmem_shared>>)
      %add3A_111 = arith.constant 1 : i32
      %add3A_112 = arith.addi %mul3A_24, %add3A_111 : i32
      %dma_wait3A_113 = arith.constant 0 : i32
      %dma_wait3A_114 = tpu.memref_slice %arg6[%add3A_112, %dma_wait3A_113] : memref<80x128xi32, #tpu.memory_space<vmem>> -> memref<1x128xi32, #tpu.memory_space<vmem>>
      %dma_wait3A_115 = tpu.memref_squeeze %dma_wait3A_114 : memref<1x128xi32, #tpu.memory_space<vmem>> -> memref<128xi32, #tpu.memory_space<vmem>>
      %dma_wait3A_116 = arith.constant 0 : i32
      %dma_wait3A_117 = arith.constant 0 : i32
      %dma_wait3A_118 = tpu.memref_slice %arg7[%dma_wait3A_116, %dma_wait3A_117] : memref<10016x16xf32, #tpu.memory_space<vmem_shared>> -> memref<10016x16xf32, #tpu.memory_space<vmem_shared>>
      tpu.wait_indirect_dma semaphore(%arg10 : memref<!tpu.dma_semaphore, #tpu.memory_space<semaphore_mem>>) src(%arg8 : memref<128x16xf32, #tpu.memory_space<vmem>>) dst(%dma_wait3A_118 : memref<10016x16xf32, #tpu.memory_space<vmem_shared>>)
      %add3A_119 = arith.constant 2 : i32
      %add3A_120 = arith.addi %mul3A_24, %add3A_119 : i32
      %dma_wait3A_121 = arith.constant 0 : i32
      %dma_wait3A_122 = tpu.memref_slice %arg6[%add3A_120, %dma_wait3A_121] : memref<80x128xi32, #tpu.memory_space<vmem>> -> memref<1x128xi32, #tpu.memory_space<vmem>>
      %dma_wait3A_123 = tpu.memref_squeeze %dma_wait3A_122 : memref<1x128xi32, #tpu.memory_space<vmem>> -> memref<128xi32, #tpu.memory_space<vmem>>
      %dma_wait3A_124 = arith.constant 0 : i32
      %dma_wait3A_125 = arith.constant 0 : i32
      %dma_wait3A_126 = tpu.memref_slice %arg7[%dma_wait3A_124, %dma_wait3A_125] : memref<10016x16xf32, #tpu.memory_space<vmem_shared>> -> memref<10016x16xf32, #tpu.memory_space<vmem_shared>>
      tpu.wait_indirect_dma semaphore(%arg11 : memref<!tpu.dma_semaphore, #tpu.memory_space<semaphore_mem>>) src(%arg8 : memref<128x16xf32, #tpu.memory_space<vmem>>) dst(%dma_wait3A_126 : memref<10016x16xf32, #tpu.memory_space<vmem_shared>>)
      %add3A_127 = arith.constant 3 : i32
      %add3A_128 = arith.addi %mul3A_24, %add3A_127 : i32
      %dma_wait3A_129 = arith.constant 0 : i32
      %dma_wait3A_130 = tpu.memref_slice %arg6[%add3A_128, %dma_wait3A_129] : memref<80x128xi32, #tpu.memory_space<vmem>> -> memref<1x128xi32, #tpu.memory_space<vmem>>
      %dma_wait3A_131 = tpu.memref_squeeze %dma_wait3A_130 : memref<1x128xi32, #tpu.memory_space<vmem>> -> memref<128xi32, #tpu.memory_space<vmem>>
      %dma_wait3A_132 = arith.constant 0 : i32
      %dma_wait3A_133 = arith.constant 0 : i32
      %dma_wait3A_134 = tpu.memref_slice %arg7[%dma_wait3A_132, %dma_wait3A_133] : memref<10016x16xf32, #tpu.memory_space<vmem_shared>> -> memref<10016x16xf32, #tpu.memory_space<vmem_shared>>
      tpu.wait_indirect_dma semaphore(%arg12 : memref<!tpu.dma_semaphore, #tpu.memory_space<semaphore_mem>>) src(%arg8 : memref<128x16xf32, #tpu.memory_space<vmem>>) dst(%dma_wait3A_134 : memref<10016x16xf32, #tpu.memory_space<vmem_shared>>)
      %add3A_135 = arith.constant 4 : i32
      %add3A_136 = arith.addi %mul3A_24, %add3A_135 : i32
      %dma_wait3A_137 = arith.constant 0 : i32
      %dma_wait3A_138 = tpu.memref_slice %arg6[%add3A_136, %dma_wait3A_137] : memref<80x128xi32, #tpu.memory_space<vmem>> -> memref<1x128xi32, #tpu.memory_space<vmem>>
      %dma_wait3A_139 = tpu.memref_squeeze %dma_wait3A_138 : memref<1x128xi32, #tpu.memory_space<vmem>> -> memref<128xi32, #tpu.memory_space<vmem>>
      %dma_wait3A_140 = arith.constant 0 : i32
      %dma_wait3A_141 = arith.constant 0 : i32
      %dma_wait3A_142 = tpu.memref_slice %arg7[%dma_wait3A_140, %dma_wait3A_141] : memref<10016x16xf32, #tpu.memory_space<vmem_shared>> -> memref<10016x16xf32, #tpu.memory_space<vmem_shared>>
      tpu.wait_indirect_dma semaphore(%arg13 : memref<!tpu.dma_semaphore, #tpu.memory_space<semaphore_mem>>) src(%arg8 : memref<128x16xf32, #tpu.memory_space<vmem>>) dst(%dma_wait3A_142 : memref<10016x16xf32, #tpu.memory_space<vmem_shared>>)
      %add3A_143 = arith.constant 5 : i32
      %add3A_144 = arith.addi %mul3A_24, %add3A_143 : i32
      %dma_wait3A_145 = arith.constant 0 : i32
      %dma_wait3A_146 = tpu.memref_slice %arg6[%add3A_144, %dma_wait3A_145] : memref<80x128xi32, #tpu.memory_space<vmem>> -> memref<1x128xi32, #tpu.memory_space<vmem>>
      %dma_wait3A_147 = tpu.memref_squeeze %dma_wait3A_146 : memref<1x128xi32, #tpu.memory_space<vmem>> -> memref<128xi32, #tpu.memory_space<vmem>>
      %dma_wait3A_148 = arith.constant 0 : i32
      %dma_wait3A_149 = arith.constant 0 : i32
      %dma_wait3A_150 = tpu.memref_slice %arg7[%dma_wait3A_148, %dma_wait3A_149] : memref<10016x16xf32, #tpu.memory_space<vmem_shared>> -> memref<10016x16xf32, #tpu.memory_space<vmem_shared>>
      tpu.wait_indirect_dma semaphore(%arg14 : memref<!tpu.dma_semaphore, #tpu.memory_space<semaphore_mem>>) src(%arg8 : memref<128x16xf32, #tpu.memory_space<vmem>>) dst(%dma_wait3A_150 : memref<10016x16xf32, #tpu.memory_space<vmem_shared>>)
      %add3A_151 = arith.constant 6 : i32
      %add3A_152 = arith.addi %mul3A_24, %add3A_151 : i32
      %dma_wait3A_153 = arith.constant 0 : i32
      %dma_wait3A_154 = tpu.memref_slice %arg6[%add3A_152, %dma_wait3A_153] : memref<80x128xi32, #tpu.memory_space<vmem>> -> memref<1x128xi32, #tpu.memory_space<vmem>>
      %dma_wait3A_155 = tpu.memref_squeeze %dma_wait3A_154 : memref<1x128xi32, #tpu.memory_space<vmem>> -> memref<128xi32, #tpu.memory_space<vmem>>
      %dma_wait3A_156 = arith.constant 0 : i32
      %dma_wait3A_157 = arith.constant 0 : i32
      %dma_wait3A_158 = tpu.memref_slice %arg7[%dma_wait3A_156, %dma_wait3A_157] : memref<10016x16xf32, #tpu.memory_space<vmem_shared>> -> memref<10016x16xf32, #tpu.memory_space<vmem_shared>>
      tpu.wait_indirect_dma semaphore(%arg15 : memref<!tpu.dma_semaphore, #tpu.memory_space<semaphore_mem>>) src(%arg8 : memref<128x16xf32, #tpu.memory_space<vmem>>) dst(%dma_wait3A_158 : memref<10016x16xf32, #tpu.memory_space<vmem_shared>>)
      %add3A_159 = arith.constant 7 : i32
      %add3A_160 = arith.addi %mul3A_24, %add3A_159 : i32
      %dma_wait3A_161 = arith.constant 0 : i32
      %dma_wait3A_162 = tpu.memref_slice %arg6[%add3A_160, %dma_wait3A_161] : memref<80x128xi32, #tpu.memory_space<vmem>> -> memref<1x128xi32, #tpu.memory_space<vmem>>
      %dma_wait3A_163 = tpu.memref_squeeze %dma_wait3A_162 : memref<1x128xi32, #tpu.memory_space<vmem>> -> memref<128xi32, #tpu.memory_space<vmem>>
      %dma_wait3A_164 = arith.constant 0 : i32
      %dma_wait3A_165 = arith.constant 0 : i32
      %dma_wait3A_166 = tpu.memref_slice %arg7[%dma_wait3A_164, %dma_wait3A_165] : memref<10016x16xf32, #tpu.memory_space<vmem_shared>> -> memref<10016x16xf32, #tpu.memory_space<vmem_shared>>
      tpu.wait_indirect_dma semaphore(%arg16 : memref<!tpu.dma_semaphore, #tpu.memory_space<semaphore_mem>>) src(%arg8 : memref<128x16xf32, #tpu.memory_space<vmem>>) dst(%dma_wait3A_166 : memref<10016x16xf32, #tpu.memory_space<vmem_shared>>)
      %add3A_167 = arith.constant 8 : i32
      %add3A_168 = arith.addi %mul3A_24, %add3A_167 : i32
      %dma_wait3A_169 = arith.constant 0 : i32
      %dma_wait3A_170 = tpu.memref_slice %arg6[%add3A_168, %dma_wait3A_169] : memref<80x128xi32, #tpu.memory_space<vmem>> -> memref<1x128xi32, #tpu.memory_space<vmem>>
      %dma_wait3A_171 = tpu.memref_squeeze %dma_wait3A_170 : memref<1x128xi32, #tpu.memory_space<vmem>> -> memref<128xi32, #tpu.memory_space<vmem>>
      %dma_wait3A_172 = arith.constant 0 : i32
      %dma_wait3A_173 = arith.constant 0 : i32
      %dma_wait3A_174 = tpu.memref_slice %arg7[%dma_wait3A_172, %dma_wait3A_173] : memref<10016x16xf32, #tpu.memory_space<vmem_shared>> -> memref<10016x16xf32, #tpu.memory_space<vmem_shared>>
      tpu.wait_indirect_dma semaphore(%arg17 : memref<!tpu.dma_semaphore, #tpu.memory_space<semaphore_mem>>) src(%arg8 : memref<128x16xf32, #tpu.memory_space<vmem>>) dst(%dma_wait3A_174 : memref<10016x16xf32, #tpu.memory_space<vmem_shared>>)
      %add3A_175 = arith.constant 9 : i32
      %add3A_176 = arith.addi %mul3A_24, %add3A_175 : i32
      %dma_wait3A_177 = arith.constant 0 : i32
      %dma_wait3A_178 = tpu.memref_slice %arg6[%add3A_176, %dma_wait3A_177] : memref<80x128xi32, #tpu.memory_space<vmem>> -> memref<1x128xi32, #tpu.memory_space<vmem>>
      %dma_wait3A_179 = tpu.memref_squeeze %dma_wait3A_178 : memref<1x128xi32, #tpu.memory_space<vmem>> -> memref<128xi32, #tpu.memory_space<vmem>>
      %dma_wait3A_180 = arith.constant 0 : i32
      %dma_wait3A_181 = arith.constant 0 : i32
      %dma_wait3A_182 = tpu.memref_slice %arg7[%dma_wait3A_180, %dma_wait3A_181] : memref<10016x16xf32, #tpu.memory_space<vmem_shared>> -> memref<10016x16xf32, #tpu.memory_space<vmem_shared>>
      tpu.wait_indirect_dma semaphore(%arg18 : memref<!tpu.dma_semaphore, #tpu.memory_space<semaphore_mem>>) src(%arg8 : memref<128x16xf32, #tpu.memory_space<vmem>>) dst(%dma_wait3A_182 : memref<10016x16xf32, #tpu.memory_space<vmem_shared>>)
    }
    %while3A_16 = arith.constant 1 : i32
    scf.for %while3A_22 = %while3A_14 to %while3A_10 step %while3A_16  : i32 {
      %mul3A_23 = arith.constant 10 : i32
      %mul3A_24 = arith.muli %while3A_22, %mul3A_23 : i32
      %add3A_25 = arith.constant 0 : i32
      %add3A_26 = arith.addi %mul3A_24, %add3A_25 : i32
      %dma_start3A = arith.constant 0 : i32
      %dma_start3A_27 = tpu.memref_slice %arg6[%add3A_26, %dma_start3A] : memref<80x128xi32, #tpu.memory_space<vmem>> -> memref<1x128xi32, #tpu.memory_space<vmem>>
      %dma_start3A_28 = tpu.memref_squeeze %dma_start3A_27 : memref<1x128xi32, #tpu.memory_space<vmem>> -> memref<128xi32, #tpu.memory_space<vmem>>
      %dma_start3A_29 = arith.constant 0 : i32
      %dma_start3A_30 = arith.constant 0 : i32
      %dma_start3A_31 = tpu.memref_slice %arg7[%dma_start3A_29, %dma_start3A_30] : memref<10016x16xf32, #tpu.memory_space<vmem_shared>> -> memref<10016x16xf32, #tpu.memory_space<vmem_shared>>
      tpu.enqueue_indirect_dma source(%arg8 : memref<128x16xf32, #tpu.memory_space<vmem>>) target(%dma_start3A_31 : memref<10016x16xf32, #tpu.memory_space<vmem_shared>>) offsets(%dma_start3A_28 : memref<128xi32, #tpu.memory_space<vmem>>) semaphore(%arg9 : memref<!tpu.dma_semaphore, #tpu.memory_space<semaphore_mem>>) {add = true}
      %add3A_32 = arith.constant 1 : i32
      %add3A_33 = arith.addi %mul3A_24, %add3A_32 : i32
      %dma_start3A_34 = arith.constant 0 : i32
      %dma_start3A_35 = tpu.memref_slice %arg6[%add3A_33, %dma_start3A_34] : memref<80x128xi32, #tpu.memory_space<vmem>> -> memref<1x128xi32, #tpu.memory_space<vmem>>
      %dma_start3A_36 = tpu.memref_squeeze %dma_start3A_35 : memref<1x128xi32, #tpu.memory_space<vmem>> -> memref<128xi32, #tpu.memory_space<vmem>>
      %dma_start3A_37 = arith.constant 0 : i32
      %dma_start3A_38 = arith.constant 0 : i32
      %dma_start3A_39 = tpu.memref_slice %arg7[%dma_start3A_37, %dma_start3A_38] : memref<10016x16xf32, #tpu.memory_space<vmem_shared>> -> memref<10016x16xf32, #tpu.memory_space<vmem_shared>>
      tpu.enqueue_indirect_dma source(%arg8 : memref<128x16xf32, #tpu.memory_space<vmem>>) target(%dma_start3A_39 : memref<10016x16xf32, #tpu.memory_space<vmem_shared>>) offsets(%dma_start3A_36 : memref<128xi32, #tpu.memory_space<vmem>>) semaphore(%arg10 : memref<!tpu.dma_semaphore, #tpu.memory_space<semaphore_mem>>) {add = true}
      %add3A_40 = arith.constant 2 : i32
      %add3A_41 = arith.addi %mul3A_24, %add3A_40 : i32
      %dma_start3A_42 = arith.constant 0 : i32
      %dma_start3A_43 = tpu.memref_slice %arg6[%add3A_41, %dma_start3A_42] : memref<80x128xi32, #tpu.memory_space<vmem>> -> memref<1x128xi32, #tpu.memory_space<vmem>>
      %dma_start3A_44 = tpu.memref_squeeze %dma_start3A_43 : memref<1x128xi32, #tpu.memory_space<vmem>> -> memref<128xi32, #tpu.memory_space<vmem>>
      %dma_start3A_45 = arith.constant 0 : i32
      %dma_start3A_46 = arith.constant 0 : i32
      %dma_start3A_47 = tpu.memref_slice %arg7[%dma_start3A_45, %dma_start3A_46] : memref<10016x16xf32, #tpu.memory_space<vmem_shared>> -> memref<10016x16xf32, #tpu.memory_space<vmem_shared>>
      tpu.enqueue_indirect_dma source(%arg8 : memref<128x16xf32, #tpu.memory_space<vmem>>) target(%dma_start3A_47 : memref<10016x16xf32, #tpu.memory_space<vmem_shared>>) offsets(%dma_start3A_44 : memref<128xi32, #tpu.memory_space<vmem>>) semaphore(%arg11 : memref<!tpu.dma_semaphore, #tpu.memory_space<semaphore_mem>>) {add = true}
      %add3A_48 = arith.constant 3 : i32
      %add3A_49 = arith.addi %mul3A_24, %add3A_48 : i32
      %dma_start3A_50 = arith.constant 0 : i32
      %dma_start3A_51 = tpu.memref_slice %arg6[%add3A_49, %dma_start3A_50] : memref<80x128xi32, #tpu.memory_space<vmem>> -> memref<1x128xi32, #tpu.memory_space<vmem>>
      %dma_start3A_52 = tpu.memref_squeeze %dma_start3A_51 : memref<1x128xi32, #tpu.memory_space<vmem>> -> memref<128xi32, #tpu.memory_space<vmem>>
      %dma_start3A_53 = arith.constant 0 : i32
      %dma_start3A_54 = arith.constant 0 : i32
      %dma_start3A_55 = tpu.memref_slice %arg7[%dma_start3A_53, %dma_start3A_54] : memref<10016x16xf32, #tpu.memory_space<vmem_shared>> -> memref<10016x16xf32, #tpu.memory_space<vmem_shared>>
      tpu.enqueue_indirect_dma source(%arg8 : memref<128x16xf32, #tpu.memory_space<vmem>>) target(%dma_start3A_55 : memref<10016x16xf32, #tpu.memory_space<vmem_shared>>) offsets(%dma_start3A_52 : memref<128xi32, #tpu.memory_space<vmem>>) semaphore(%arg12 : memref<!tpu.dma_semaphore, #tpu.memory_space<semaphore_mem>>) {add = true}
      %add3A_56 = arith.constant 4 : i32
      %add3A_57 = arith.addi %mul3A_24, %add3A_56 : i32
      %dma_start3A_58 = arith.constant 0 : i32
      %dma_start3A_59 = tpu.memref_slice %arg6[%add3A_57, %dma_start3A_58] : memref<80x128xi32, #tpu.memory_space<vmem>> -> memref<1x128xi32, #tpu.memory_space<vmem>>
      %dma_start3A_60 = tpu.memref_squeeze %dma_start3A_59 : memref<1x128xi32, #tpu.memory_space<vmem>> -> memref<128xi32, #tpu.memory_space<vmem>>
      %dma_start3A_61 = arith.constant 0 : i32
      %dma_start3A_62 = arith.constant 0 : i32
      %dma_start3A_63 = tpu.memref_slice %arg7[%dma_start3A_61, %dma_start3A_62] : memref<10016x16xf32, #tpu.memory_space<vmem_shared>> -> memref<10016x16xf32, #tpu.memory_space<vmem_shared>>
      tpu.enqueue_indirect_dma source(%arg8 : memref<128x16xf32, #tpu.memory_space<vmem>>) target(%dma_start3A_63 : memref<10016x16xf32, #tpu.memory_space<vmem_shared>>) offsets(%dma_start3A_60 : memref<128xi32, #tpu.memory_space<vmem>>) semaphore(%arg13 : memref<!tpu.dma_semaphore, #tpu.memory_space<semaphore_mem>>) {add = true}
      %add3A_64 = arith.constant 5 : i32
      %add3A_65 = arith.addi %mul3A_24, %add3A_64 : i32
      %dma_start3A_66 = arith.constant 0 : i32
      %dma_start3A_67 = tpu.memref_slice %arg6[%add3A_65, %dma_start3A_66] : memref<80x128xi32, #tpu.memory_space<vmem>> -> memref<1x128xi32, #tpu.memory_space<vmem>>
      %dma_start3A_68 = tpu.memref_squeeze %dma_start3A_67 : memref<1x128xi32, #tpu.memory_space<vmem>> -> memref<128xi32, #tpu.memory_space<vmem>>
      %dma_start3A_69 = arith.constant 0 : i32
      %dma_start3A_70 = arith.constant 0 : i32
      %dma_start3A_71 = tpu.memref_slice %arg7[%dma_start3A_69, %dma_start3A_70] : memref<10016x16xf32, #tpu.memory_space<vmem_shared>> -> memref<10016x16xf32, #tpu.memory_space<vmem_shared>>
      tpu.enqueue_indirect_dma source(%arg8 : memref<128x16xf32, #tpu.memory_space<vmem>>) target(%dma_start3A_71 : memref<10016x16xf32, #tpu.memory_space<vmem_shared>>) offsets(%dma_start3A_68 : memref<128xi32, #tpu.memory_space<vmem>>) semaphore(%arg14 : memref<!tpu.dma_semaphore, #tpu.memory_space<semaphore_mem>>) {add = true}
      %add3A_72 = arith.constant 6 : i32
      %add3A_73 = arith.addi %mul3A_24, %add3A_72 : i32
      %dma_start3A_74 = arith.constant 0 : i32
      %dma_start3A_75 = tpu.memref_slice %arg6[%add3A_73, %dma_start3A_74] : memref<80x128xi32, #tpu.memory_space<vmem>> -> memref<1x128xi32, #tpu.memory_space<vmem>>
      %dma_start3A_76 = tpu.memref_squeeze %dma_start3A_75 : memref<1x128xi32, #tpu.memory_space<vmem>> -> memref<128xi32, #tpu.memory_space<vmem>>
      %dma_start3A_77 = arith.constant 0 : i32
      %dma_start3A_78 = arith.constant 0 : i32
      %dma_start3A_79 = tpu.memref_slice %arg7[%dma_start3A_77, %dma_start3A_78] : memref<10016x16xf32, #tpu.memory_space<vmem_shared>> -> memref<10016x16xf32, #tpu.memory_space<vmem_shared>>
      tpu.enqueue_indirect_dma source(%arg8 : memref<128x16xf32, #tpu.memory_space<vmem>>) target(%dma_start3A_79 : memref<10016x16xf32, #tpu.memory_space<vmem_shared>>) offsets(%dma_start3A_76 : memref<128xi32, #tpu.memory_space<vmem>>) semaphore(%arg15 : memref<!tpu.dma_semaphore, #tpu.memory_space<semaphore_mem>>) {add = true}
      %add3A_80 = arith.constant 7 : i32
      %add3A_81 = arith.addi %mul3A_24, %add3A_80 : i32
      %dma_start3A_82 = arith.constant 0 : i32
      %dma_start3A_83 = tpu.memref_slice %arg6[%add3A_81, %dma_start3A_82] : memref<80x128xi32, #tpu.memory_space<vmem>> -> memref<1x128xi32, #tpu.memory_space<vmem>>
      %dma_start3A_84 = tpu.memref_squeeze %dma_start3A_83 : memref<1x128xi32, #tpu.memory_space<vmem>> -> memref<128xi32, #tpu.memory_space<vmem>>
      %dma_start3A_85 = arith.constant 0 : i32
      %dma_start3A_86 = arith.constant 0 : i32
      %dma_start3A_87 = tpu.memref_slice %arg7[%dma_start3A_85, %dma_start3A_86] : memref<10016x16xf32, #tpu.memory_space<vmem_shared>> -> memref<10016x16xf32, #tpu.memory_space<vmem_shared>>
      tpu.enqueue_indirect_dma source(%arg8 : memref<128x16xf32, #tpu.memory_space<vmem>>) target(%dma_start3A_87 : memref<10016x16xf32, #tpu.memory_space<vmem_shared>>) offsets(%dma_start3A_84 : memref<128xi32, #tpu.memory_space<vmem>>) semaphore(%arg16 : memref<!tpu.dma_semaphore, #tpu.memory_space<semaphore_mem>>) {add = true}
      %add3A_88 = arith.constant 8 : i32
      %add3A_89 = arith.addi %mul3A_24, %add3A_88 : i32
      %dma_start3A_90 = arith.constant 0 : i32
      %dma_start3A_91 = tpu.memref_slice %arg6[%add3A_89, %dma_start3A_90] : memref<80x128xi32, #tpu.memory_space<vmem>> -> memref<1x128xi32, #tpu.memory_space<vmem>>
      %dma_start3A_92 = tpu.memref_squeeze %dma_start3A_91 : memref<1x128xi32, #tpu.memory_space<vmem>> -> memref<128xi32, #tpu.memory_space<vmem>>
      %dma_start3A_93 = arith.constant 0 : i32
      %dma_start3A_94 = arith.constant 0 : i32
      %dma_start3A_95 = tpu.memref_slice %arg7[%dma_start3A_93, %dma_start3A_94] : memref<10016x16xf32, #tpu.memory_space<vmem_shared>> -> memref<10016x16xf32, #tpu.memory_space<vmem_shared>>
      tpu.enqueue_indirect_dma source(%arg8 : memref<128x16xf32, #tpu.memory_space<vmem>>) target(%dma_start3A_95 : memref<10016x16xf32, #tpu.memory_space<vmem_shared>>) offsets(%dma_start3A_92 : memref<128xi32, #tpu.memory_space<vmem>>) semaphore(%arg17 : memref<!tpu.dma_semaphore, #tpu.memory_space<semaphore_mem>>) {add = true}
      %add3A_96 = arith.constant 9 : i32
      %add3A_97 = arith.addi %mul3A_24, %add3A_96 : i32
      %dma_start3A_98 = arith.constant 0 : i32
      %dma_start3A_99 = tpu.memref_slice %arg6[%add3A_97, %dma_start3A_98] : memref<80x128xi32, #tpu.memory_space<vmem>> -> memref<1x128xi32, #tpu.memory_space<vmem>>
      %dma_start3A_100 = tpu.memref_squeeze %dma_start3A_99 : memref<1x128xi32, #tpu.memory_space<vmem>> -> memref<128xi32, #tpu.memory_space<vmem>>
      %dma_start3A_101 = arith.constant 0 : i32
      %dma_start3A_102 = arith.constant 0 : i32
      %dma_start3A_103 = tpu.memref_slice %arg7[%dma_start3A_101, %dma_start3A_102] : memref<10016x16xf32, #tpu.memory_space<vmem_shared>> -> memref<10016x16xf32, #tpu.memory_space<vmem_shared>>
      tpu.enqueue_indirect_dma source(%arg8 : memref<128x16xf32, #tpu.memory_space<vmem>>) target(%dma_start3A_103 : memref<10016x16xf32, #tpu.memory_space<vmem_shared>>) offsets(%dma_start3A_100 : memref<128xi32, #tpu.memory_space<vmem>>) semaphore(%arg18 : memref<!tpu.dma_semaphore, #tpu.memory_space<semaphore_mem>>) {add = true}
      %add3A_104 = arith.constant 0 : i32
      %add3A_105 = arith.addi %mul3A_24, %add3A_104 : i32
      %dma_wait3A = arith.constant 0 : i32
      %dma_wait3A_106 = tpu.memref_slice %arg6[%add3A_105, %dma_wait3A] : memref<80x128xi32, #tpu.memory_space<vmem>> -> memref<1x128xi32, #tpu.memory_space<vmem>>
      %dma_wait3A_107 = tpu.memref_squeeze %dma_wait3A_106 : memref<1x128xi32, #tpu.memory_space<vmem>> -> memref<128xi32, #tpu.memory_space<vmem>>
      %dma_wait3A_108 = arith.constant 0 : i32
      %dma_wait3A_109 = arith.constant 0 : i32
      %dma_wait3A_110 = tpu.memref_slice %arg7[%dma_wait3A_108, %dma_wait3A_109] : memref<10016x16xf32, #tpu.memory_space<vmem_shared>> -> memref<10016x16xf32, #tpu.memory_space<vmem_shared>>
      tpu.wait_indirect_dma semaphore(%arg9 : memref<!tpu.dma_semaphore, #tpu.memory_space<semaphore_mem>>) src(%arg8 : memref<128x16xf32, #tpu.memory_space<vmem>>) dst(%dma_wait3A_110 : memref<10016x16xf32, #tpu.memory_space<vmem_shared>>)
      %add3A_111 = arith.constant 1 : i32
      %add3A_112 = arith.addi %mul3A_24, %add3A_111 : i32
      %dma_wait3A_113 = arith.constant 0 : i32
      %dma_wait3A_114 = tpu.memref_slice %arg6[%add3A_112, %dma_wait3A_113] : memref<80x128xi32, #tpu.memory_space<vmem>> -> memref<1x128xi32, #tpu.memory_space<vmem>>
      %dma_wait3A_115 = tpu.memref_squeeze %dma_wait3A_114 : memref<1x128xi32, #tpu.memory_space<vmem>> -> memref<128xi32, #tpu.memory_space<vmem>>
      %dma_wait3A_116 = arith.constant 0 : i32
      %dma_wait3A_117 = arith.constant 0 : i32
      %dma_wait3A_118 = tpu.memref_slice %arg7[%dma_wait3A_116, %dma_wait3A_117] : memref<10016x16xf32, #tpu.memory_space<vmem_shared>> -> memref<10016x16xf32, #tpu.memory_space<vmem_shared>>
      tpu.wait_indirect_dma semaphore(%arg10 : memref<!tpu.dma_semaphore, #tpu.memory_space<semaphore_mem>>) src(%arg8 : memref<128x16xf32, #tpu.memory_space<vmem>>) dst(%dma_wait3A_118 : memref<10016x16xf32, #tpu.memory_space<vmem_shared>>)
      %add3A_119 = arith.constant 2 : i32
      %add3A_120 = arith.addi %mul3A_24, %add3A_119 : i32
      %dma_wait3A_121 = arith.constant 0 : i32
      %dma_wait3A_122 = tpu.memref_slice %arg6[%add3A_120, %dma_wait3A_121] : memref<80x128xi32, #tpu.memory_space<vmem>> -> memref<1x128xi32, #tpu.memory_space<vmem>>
      %dma_wait3A_123 = tpu.memref_squeeze %dma_wait3A_122 : memref<1x128xi32, #tpu.memory_space<vmem>> -> memref<128xi32, #tpu.memory_space<vmem>>
      %dma_wait3A_124 = arith.constant 0 : i32
      %dma_wait3A_125 = arith.constant 0 : i32
      %dma_wait3A_126 = tpu.memref_slice %arg7[%dma_wait3A_124, %dma_wait3A_125] : memref<10016x16xf32, #tpu.memory_space<vmem_shared>> -> memref<10016x16xf32, #tpu.memory_space<vmem_shared>>
      tpu.wait_indirect_dma semaphore(%arg11 : memref<!tpu.dma_semaphore, #tpu.memory_space<semaphore_mem>>) src(%arg8 : memref<128x16xf32, #tpu.memory_space<vmem>>) dst(%dma_wait3A_126 : memref<10016x16xf32, #tpu.memory_space<vmem_shared>>)
      %add3A_127 = arith.constant 3 : i32
      %add3A_128 = arith.addi %mul3A_24, %add3A_127 : i32
      %dma_wait3A_129 = arith.constant 0 : i32
      %dma_wait3A_130 = tpu.memref_slice %arg6[%add3A_128, %dma_wait3A_129] : memref<80x128xi32, #tpu.memory_space<vmem>> -> memref<1x128xi32, #tpu.memory_space<vmem>>
      %dma_wait3A_131 = tpu.memref_squeeze %dma_wait3A_130 : memref<1x128xi32, #tpu.memory_space<vmem>> -> memref<128xi32, #tpu.memory_space<vmem>>
      %dma_wait3A_132 = arith.constant 0 : i32
      %dma_wait3A_133 = arith.constant 0 : i32
      %dma_wait3A_134 = tpu.memref_slice %arg7[%dma_wait3A_132, %dma_wait3A_133] : memref<10016x16xf32, #tpu.memory_space<vmem_shared>> -> memref<10016x16xf32, #tpu.memory_space<vmem_shared>>
      tpu.wait_indirect_dma semaphore(%arg12 : memref<!tpu.dma_semaphore, #tpu.memory_space<semaphore_mem>>) src(%arg8 : memref<128x16xf32, #tpu.memory_space<vmem>>) dst(%dma_wait3A_134 : memref<10016x16xf32, #tpu.memory_space<vmem_shared>>)
      %add3A_135 = arith.constant 4 : i32
      %add3A_136 = arith.addi %mul3A_24, %add3A_135 : i32
      %dma_wait3A_137 = arith.constant 0 : i32
      %dma_wait3A_138 = tpu.memref_slice %arg6[%add3A_136, %dma_wait3A_137] : memref<80x128xi32, #tpu.memory_space<vmem>> -> memref<1x128xi32, #tpu.memory_space<vmem>>
      %dma_wait3A_139 = tpu.memref_squeeze %dma_wait3A_138 : memref<1x128xi32, #tpu.memory_space<vmem>> -> memref<128xi32, #tpu.memory_space<vmem>>
      %dma_wait3A_140 = arith.constant 0 : i32
      %dma_wait3A_141 = arith.constant 0 : i32
      %dma_wait3A_142 = tpu.memref_slice %arg7[%dma_wait3A_140, %dma_wait3A_141] : memref<10016x16xf32, #tpu.memory_space<vmem_shared>> -> memref<10016x16xf32, #tpu.memory_space<vmem_shared>>
      tpu.wait_indirect_dma semaphore(%arg13 : memref<!tpu.dma_semaphore, #tpu.memory_space<semaphore_mem>>) src(%arg8 : memref<128x16xf32, #tpu.memory_space<vmem>>) dst(%dma_wait3A_142 : memref<10016x16xf32, #tpu.memory_space<vmem_shared>>)
      %add3A_143 = arith.constant 5 : i32
      %add3A_144 = arith.addi %mul3A_24, %add3A_143 : i32
      %dma_wait3A_145 = arith.constant 0 : i32
      %dma_wait3A_146 = tpu.memref_slice %arg6[%add3A_144, %dma_wait3A_145] : memref<80x128xi32, #tpu.memory_space<vmem>> -> memref<1x128xi32, #tpu.memory_space<vmem>>
      %dma_wait3A_147 = tpu.memref_squeeze %dma_wait3A_146 : memref<1x128xi32, #tpu.memory_space<vmem>> -> memref<128xi32, #tpu.memory_space<vmem>>
      %dma_wait3A_148 = arith.constant 0 : i32
      %dma_wait3A_149 = arith.constant 0 : i32
      %dma_wait3A_150 = tpu.memref_slice %arg7[%dma_wait3A_148, %dma_wait3A_149] : memref<10016x16xf32, #tpu.memory_space<vmem_shared>> -> memref<10016x16xf32, #tpu.memory_space<vmem_shared>>
      tpu.wait_indirect_dma semaphore(%arg14 : memref<!tpu.dma_semaphore, #tpu.memory_space<semaphore_mem>>) src(%arg8 : memref<128x16xf32, #tpu.memory_space<vmem>>) dst(%dma_wait3A_150 : memref<10016x16xf32, #tpu.memory_space<vmem_shared>>)
      %add3A_151 = arith.constant 6 : i32
      %add3A_152 = arith.addi %mul3A_24, %add3A_151 : i32
      %dma_wait3A_153 = arith.constant 0 : i32
      %dma_wait3A_154 = tpu.memref_slice %arg6[%add3A_152, %dma_wait3A_153] : memref<80x128xi32, #tpu.memory_space<vmem>> -> memref<1x128xi32, #tpu.memory_space<vmem>>
      %dma_wait3A_155 = tpu.memref_squeeze %dma_wait3A_154 : memref<1x128xi32, #tpu.memory_space<vmem>> -> memref<128xi32, #tpu.memory_space<vmem>>
      %dma_wait3A_156 = arith.constant 0 : i32
      %dma_wait3A_157 = arith.constant 0 : i32
      %dma_wait3A_158 = tpu.memref_slice %arg7[%dma_wait3A_156, %dma_wait3A_157] : memref<10016x16xf32, #tpu.memory_space<vmem_shared>> -> memref<10016x16xf32, #tpu.memory_space<vmem_shared>>
      tpu.wait_indirect_dma semaphore(%arg15 : memref<!tpu.dma_semaphore, #tpu.memory_space<semaphore_mem>>) src(%arg8 : memref<128x16xf32, #tpu.memory_space<vmem>>) dst(%dma_wait3A_158 : memref<10016x16xf32, #tpu.memory_space<vmem_shared>>)
      %add3A_159 = arith.constant 7 : i32
      %add3A_160 = arith.addi %mul3A_24, %add3A_159 : i32
      %dma_wait3A_161 = arith.constant 0 : i32
      %dma_wait3A_162 = tpu.memref_slice %arg6[%add3A_160, %dma_wait3A_161] : memref<80x128xi32, #tpu.memory_space<vmem>> -> memref<1x128xi32, #tpu.memory_space<vmem>>
      %dma_wait3A_163 = tpu.memref_squeeze %dma_wait3A_162 : memref<1x128xi32, #tpu.memory_space<vmem>> -> memref<128xi32, #tpu.memory_space<vmem>>
      %dma_wait3A_164 = arith.constant 0 : i32
      %dma_wait3A_165 = arith.constant 0 : i32
      %dma_wait3A_166 = tpu.memref_slice %arg7[%dma_wait3A_164, %dma_wait3A_165] : memref<10016x16xf32, #tpu.memory_space<vmem_shared>> -> memref<10016x16xf32, #tpu.memory_space<vmem_shared>>
      tpu.wait_indirect_dma semaphore(%arg16 : memref<!tpu.dma_semaphore, #tpu.memory_space<semaphore_mem>>) src(%arg8 : memref<128x16xf32, #tpu.memory_space<vmem>>) dst(%dma_wait3A_166 : memref<10016x16xf32, #tpu.memory_space<vmem_shared>>)
      %add3A_167 = arith.constant 8 : i32
      %add3A_168 = arith.addi %mul3A_24, %add3A_167 : i32
      %dma_wait3A_169 = arith.constant 0 : i32
      %dma_wait3A_170 = tpu.memref_slice %arg6[%add3A_168, %dma_wait3A_169] : memref<80x128xi32, #tpu.memory_space<vmem>> -> memref<1x128xi32, #tpu.memory_space<vmem>>
      %dma_wait3A_171 = tpu.memref_squeeze %dma_wait3A_170 : memref<1x128xi32, #tpu.memory_space<vmem>> -> memref<128xi32, #tpu.memory_space<vmem>>
      %dma_wait3A_172 = arith.constant 0 : i32
      %dma_wait3A_173 = arith.constant 0 : i32
      %dma_wait3A_174 = tpu.memref_slice %arg7[%dma_wait3A_172, %dma_wait3A_173] : memref<10016x16xf32, #tpu.memory_space<vmem_shared>> -> memref<10016x16xf32, #tpu.memory_space<vmem_shared>>
      tpu.wait_indirect_dma semaphore(%arg17 : memref<!tpu.dma_semaphore, #tpu.memory_space<semaphore_mem>>) src(%arg8 : memref<128x16xf32, #tpu.memory_space<vmem>>) dst(%dma_wait3A_174 : memref<10016x16xf32, #tpu.memory_space<vmem_shared>>)
      %add3A_175 = arith.constant 9 : i32
      %add3A_176 = arith.addi %mul3A_24, %add3A_175 : i32
      %dma_wait3A_177 = arith.constant 0 : i32
      %dma_wait3A_178 = tpu.memref_slice %arg6[%add3A_176, %dma_wait3A_177] : memref<80x128xi32, #tpu.memory_space<vmem>> -> memref<1x128xi32, #tpu.memory_space<vmem>>
      %dma_wait3A_179 = tpu.memref_squeeze %dma_wait3A_178 : memref<1x128xi32, #tpu.memory_space<vmem>> -> memref<128xi32, #tpu.memory_space<vmem>>
      %dma_wait3A_180 = arith.constant 0 : i32
      %dma_wait3A_181 = arith.constant 0 : i32
      %dma_wait3A_182 = tpu.memref_slice %arg7[%dma_wait3A_180, %dma_wait3A_181] : memref<10016x16xf32, #tpu.memory_space<vmem_shared>> -> memref<10016x16xf32, #tpu.memory_space<vmem_shared>>
      tpu.wait_indirect_dma semaphore(%arg18 : memref<!tpu.dma_semaphore, #tpu.memory_space<semaphore_mem>>) src(%arg8 : memref<128x16xf32, #tpu.memory_space<vmem>>) dst(%dma_wait3A_182 : memref<10016x16xf32, #tpu.memory_space<vmem_shared>>)
    }
    %barrier3A_17 = arith.constant 0 : index
    tpu.barrier barrier_id(%barrier3A_17)
    %mul3A_18 = arith.constant 626 : i32
    %mul3A_19 = arith.muli %arg1, %mul3A_18 : i32
    %mul3A_20 = arith.constant 626 : i32
    %mul3A_21 = arith.muli %add3A, %mul3A_20 : i32
    "tpu.region"() ({
      %run_scoped3A = tpu.sem_alloc : memref<!tpu.dma_semaphore, #tpu.memory_space<semaphore_mem>>
      %dma_start3A = arith.constant 0 : i32
      %dma_start3A_22 = tpu.memref_slice %arg5[%mul3A_21, %dma_start3A] : memref<20032x16xf32, #tpu.memory_space<hbm>> -> memref<626x16xf32, #tpu.memory_space<hbm>>
      %dma_start3A_23 = arith.constant 0 : i32
      %dma_start3A_24 = tpu.memref_slice %arg7[%mul3A_19, %dma_start3A_23] : memref<10016x16xf32, #tpu.memory_space<vmem_shared>> -> memref<626x16xf32, #tpu.memory_space<vmem_shared>>
      tpu.enqueue_dma source(%dma_start3A_24 : memref<626x16xf32, #tpu.memory_space<vmem_shared>>) target(%dma_start3A_22 : memref<626x16xf32, #tpu.memory_space<hbm>>) target_semaphore(%run_scoped3A : memref<!tpu.dma_semaphore, #tpu.memory_space<semaphore_mem>>)
      %dma_wait3A = arith.constant 0 : i32
      %dma_wait3A_25 = tpu.memref_slice %arg5[%mul3A_21, %dma_wait3A] : memref<20032x16xf32, #tpu.memory_space<hbm>> -> memref<626x16xf32, #tpu.memory_space<hbm>>
      %dma_wait3A_26 = arith.constant 0 : i32
      %dma_wait3A_27 = tpu.memref_slice %arg7[%mul3A_19, %dma_wait3A_26] : memref<10016x16xf32, #tpu.memory_space<vmem_shared>> -> memref<626x16xf32, #tpu.memory_space<vmem_shared>>
      tpu.wait_dma2 semaphore(%run_scoped3A : memref<!tpu.dma_semaphore, #tpu.memory_space<semaphore_mem>>) src(%dma_wait3A_27 : memref<626x16xf32, #tpu.memory_space<vmem_shared>>) dst(%dma_wait3A_25 : memref<626x16xf32, #tpu.memory_space<hbm>>)
      tpu.yield
    }) : () -> ()
    return
  }
}

#map = affine_map<(d0, d1) -> (0, 0)>
module attributes {stable_mosaic.version = 14 : i64} {
  func.func @sc_pass(%arg0: i32, %arg1: i32, %arg2: memref<10000x16xf32, #tpu.memory_space<hbm>>, %arg3: memref<2500x128xi32, #tpu.memory_space<hbm>>, %arg4: memref<2500x128xi32, #tpu.memory_space<hbm>>, %arg5: memref<626x16xf32, #tpu.memory_space<hbm>>, %arg6: memref<20032x16xf32, #tpu.memory_space<hbm>>, %arg7: memref<80x128xi32, #tpu.memory_space<vmem>>, %arg8: memref<10016x16xf32, #tpu.memory_space<vmem_shared>>, %arg9: memref<80x128xi32, #tpu.memory_space<vmem>>, %arg10: memref<128x16xf32, #tpu.memory_space<vmem>>, %arg11: memref<128x16xf32, #tpu.memory_space<vmem>>, %arg12: memref<128x16xf32, #tpu.memory_space<vmem>>, %arg13: memref<128x16xf32, #tpu.memory_space<vmem>>, %arg14: memref<128x16xf32, #tpu.memory_space<vmem>>, %arg15: memref<128x16xf32, #tpu.memory_space<vmem>>, %arg16: memref<128x16xf32, #tpu.memory_space<vmem>>, %arg17: memref<128x16xf32, #tpu.memory_space<vmem>>, %arg18: memref<128x16xf32, #tpu.memory_space<vmem>>, %arg19: memref<128x16xf32, #tpu.memory_space<vmem>>, %arg20: memref<!tpu.dma_semaphore, #tpu.memory_space<semaphore_mem>>, %arg21: memref<!tpu.dma_semaphore, #tpu.memory_space<semaphore_mem>>, %arg22: memref<!tpu.dma_semaphore, #tpu.memory_space<semaphore_mem>>, %arg23: memref<!tpu.dma_semaphore, #tpu.memory_space<semaphore_mem>>, %arg24: memref<!tpu.dma_semaphore, #tpu.memory_space<semaphore_mem>>, %arg25: memref<!tpu.dma_semaphore, #tpu.memory_space<semaphore_mem>>, %arg26: memref<!tpu.dma_semaphore, #tpu.memory_space<semaphore_mem>>, %arg27: memref<!tpu.dma_semaphore, #tpu.memory_space<semaphore_mem>>, %arg28: memref<!tpu.dma_semaphore, #tpu.memory_space<semaphore_mem>>, %arg29: memref<!tpu.dma_semaphore, #tpu.memory_space<semaphore_mem>>, %arg30: memref<!tpu.dma_semaphore, #tpu.memory_space<semaphore_mem>>, %arg31: memref<!tpu.dma_semaphore, #tpu.memory_space<semaphore_mem>>, %arg32: memref<!tpu.dma_semaphore, #tpu.memory_space<semaphore_mem>>, %arg33: memref<!tpu.dma_semaphore, #tpu.memory_space<semaphore_mem>>, %arg34: memref<!tpu.dma_semaphore, #tpu.memory_space<semaphore_mem>>, %arg35: memref<!tpu.dma_semaphore, #tpu.memory_space<semaphore_mem>>, %arg36: memref<!tpu.dma_semaphore, #tpu.memory_space<semaphore_mem>>, %arg37: memref<!tpu.dma_semaphore, #tpu.memory_space<semaphore_mem>>, %arg38: memref<!tpu.dma_semaphore, #tpu.memory_space<semaphore_mem>>, %arg39: memref<!tpu.dma_semaphore, #tpu.memory_space<semaphore_mem>>) attributes {dimension_semantics = [#tpu.dimension_semantics<core_parallel>, #tpu.dimension_semantics<subcore_parallel>], iteration_bounds = array<i64: 2, 16>, scalar_prefetch = 0 : i64, scratch_operands = 33 : i64, tpu.core_type = #tpu.core_type<sc_vector_subcore>, window_params = [{transform_indices = #map}, {transform_indices = #map}, {transform_indices = #map}, {transform_indices = #map}, {transform_indices = #map}]} {
    %mul3A = arith.constant 16 : i32
    %mul3A_0 = arith.muli %arg0, %mul3A : i32
    %add3A = arith.addi %mul3A_0, %arg1 : i32
    %mul3A_1 = arith.constant 80 : i32
    %mul3A_2 = arith.muli %add3A, %mul3A_1 : i32
    %min3A = arith.constant 2420 : i32
    %min3A_3 = arith.minsi %mul3A_2, %min3A : i32
    %eq3A = arith.constant 31 : i32
    %eq3A_4 = arith.cmpi eq, %add3A, %eq3A : i32
    %jit3A = arith.constant 6 : i32
    %jit3A_5 = arith.constant 0 : i32
    %select_n3A = arith.select %eq3A_4, %jit3A, %jit3A_5 : i32
    %mul3A_6 = arith.constant 626 : i32
    %mul3A_7 = arith.muli %arg1, %mul3A_6 : i32
    "tpu.region"() ({
      %run_scoped3A = tpu.sem_alloc : memref<!tpu.dma_semaphore, #tpu.memory_space<semaphore_mem>>
      %dma_start3A_190 = arith.constant 0 : i32
      %dma_start3A_191 = tpu.memref_slice %arg8[%mul3A_7, %dma_start3A_190] : memref<10016x16xf32, #tpu.memory_space<vmem_shared>> -> memref<626x16xf32, #tpu.memory_space<vmem_shared>>
      tpu.enqueue_dma source(%arg5 : memref<626x16xf32, #tpu.memory_space<hbm>>) target(%dma_start3A_191 : memref<626x16xf32, #tpu.memory_space<vmem_shared>>) target_semaphore(%run_scoped3A : memref<!tpu.dma_semaphore, #tpu.memory_space<semaphore_mem>>)
      %dma_wait3A_192 = arith.constant 0 : i32
      %dma_wait3A_193 = tpu.memref_slice %arg8[%mul3A_7, %dma_wait3A_192] : memref<10016x16xf32, #tpu.memory_space<vmem_shared>> -> memref<626x16xf32, #tpu.memory_space<vmem_shared>>
      tpu.wait_dma2 semaphore(%run_scoped3A : memref<!tpu.dma_semaphore, #tpu.memory_space<semaphore_mem>>) src(%arg5 : memref<626x16xf32, #tpu.memory_space<hbm>>) dst(%dma_wait3A_193 : memref<626x16xf32, #tpu.memory_space<vmem_shared>>)
      tpu.yield
    }) : () -> ()
    "tpu.region"() ({
      %run_scoped3A = tpu.sem_alloc : memref<!tpu.dma_semaphore, #tpu.memory_space<semaphore_mem>>
      %dma_start3A_190 = arith.constant 0 : i32
      %dma_start3A_191 = tpu.memref_slice %arg4[%min3A_3, %dma_start3A_190] : memref<2500x128xi32, #tpu.memory_space<hbm>> -> memref<80x128xi32, #tpu.memory_space<hbm>>
      %dma_start3A_192 = arith.constant 0 : i32
      %dma_start3A_193 = tpu.memref_slice %arg4[%min3A_3, %dma_start3A_192] : memref<2500x128xi32, #tpu.memory_space<hbm>> -> memref<80x128xi32, #tpu.memory_space<hbm>>
      tpu.enqueue_dma source(%dma_start3A_193 : memref<80x128xi32, #tpu.memory_space<hbm>>) target(%arg7 : memref<80x128xi32, #tpu.memory_space<vmem>>) target_semaphore(%run_scoped3A : memref<!tpu.dma_semaphore, #tpu.memory_space<semaphore_mem>>)
      %dma_wait3A_194 = arith.constant 0 : i32
      %dma_wait3A_195 = tpu.memref_slice %arg4[%min3A_3, %dma_wait3A_194] : memref<2500x128xi32, #tpu.memory_space<hbm>> -> memref<80x128xi32, #tpu.memory_space<hbm>>
      %dma_wait3A_196 = arith.constant 0 : i32
      %dma_wait3A_197 = tpu.memref_slice %arg4[%min3A_3, %dma_wait3A_196] : memref<2500x128xi32, #tpu.memory_space<hbm>> -> memref<80x128xi32, #tpu.memory_space<hbm>>
      tpu.wait_dma2 semaphore(%run_scoped3A : memref<!tpu.dma_semaphore, #tpu.memory_space<semaphore_mem>>) src(%dma_wait3A_197 : memref<80x128xi32, #tpu.memory_space<hbm>>) dst(%arg7 : memref<80x128xi32, #tpu.memory_space<vmem>>)
      tpu.yield
    }) : () -> ()
    "tpu.region"() ({
      %run_scoped3A = tpu.sem_alloc : memref<!tpu.dma_semaphore, #tpu.memory_space<semaphore_mem>>
      %dma_start3A_190 = arith.constant 0 : i32
      %dma_start3A_191 = tpu.memref_slice %arg3[%min3A_3, %dma_start3A_190] : memref<2500x128xi32, #tpu.memory_space<hbm>> -> memref<80x128xi32, #tpu.memory_space<hbm>>
      %dma_start3A_192 = arith.constant 0 : i32
      %dma_start3A_193 = tpu.memref_slice %arg3[%min3A_3, %dma_start3A_192] : memref<2500x128xi32, #tpu.memory_space<hbm>> -> memref<80x128xi32, #tpu.memory_space<hbm>>
      tpu.enqueue_dma source(%dma_start3A_193 : memref<80x128xi32, #tpu.memory_space<hbm>>) target(%arg9 : memref<80x128xi32, #tpu.memory_space<vmem>>) target_semaphore(%run_scoped3A : memref<!tpu.dma_semaphore, #tpu.memory_space<semaphore_mem>>)
      %dma_wait3A_194 = arith.constant 0 : i32
      %dma_wait3A_195 = tpu.memref_slice %arg3[%min3A_3, %dma_wait3A_194] : memref<2500x128xi32, #tpu.memory_space<hbm>> -> memref<80x128xi32, #tpu.memory_space<hbm>>
      %dma_wait3A_196 = arith.constant 0 : i32
      %dma_wait3A_197 = tpu.memref_slice %arg3[%min3A_3, %dma_wait3A_196] : memref<2500x128xi32, #tpu.memory_space<hbm>> -> memref<80x128xi32, #tpu.memory_space<hbm>>
      tpu.wait_dma2 semaphore(%run_scoped3A : memref<!tpu.dma_semaphore, #tpu.memory_space<semaphore_mem>>) src(%dma_wait3A_197 : memref<80x128xi32, #tpu.memory_space<hbm>>) dst(%arg9 : memref<80x128xi32, #tpu.memory_space<vmem>>)
      tpu.yield
    }) : () -> ()
    %barrier3A = arith.constant 0 : index
    tpu.barrier barrier_id(%barrier3A)
    %mul3A_8 = arith.constant 10 : i32
    %mul3A_9 = arith.muli %select_n3A, %mul3A_8 : i32
    %add3A_10 = arith.constant 0 : i32
    %add3A_11 = arith.addi %mul3A_9, %add3A_10 : i32
    %dma_start3A = arith.constant 0 : i32
    %dma_start3A_12 = tpu.memref_slice %arg9[%add3A_11, %dma_start3A] : memref<80x128xi32, #tpu.memory_space<vmem>> -> memref<1x128xi32, #tpu.memory_space<vmem>>
    %dma_start3A_13 = tpu.memref_squeeze %dma_start3A_12 : memref<1x128xi32, #tpu.memory_space<vmem>> -> memref<128xi32, #tpu.memory_space<vmem>>
    %dma_start3A_14 = arith.constant 0 : i32
    %dma_start3A_15 = arith.constant 0 : i32
    %dma_start3A_16 = tpu.memref_slice %arg2[%dma_start3A_14, %dma_start3A_15] : memref<10000x16xf32, #tpu.memory_space<hbm>> -> memref<10000x16xf32, #tpu.memory_space<hbm>>
    tpu.enqueue_indirect_dma source(%dma_start3A_16 : memref<10000x16xf32, #tpu.memory_space<hbm>>) target(%arg10 : memref<128x16xf32, #tpu.memory_space<vmem>>) offsets(%dma_start3A_13 : memref<128xi32, #tpu.memory_space<vmem>>) semaphore(%arg20 : memref<!tpu.dma_semaphore, #tpu.memory_space<semaphore_mem>>)
    %mul3A_17 = arith.constant 10 : i32
    %mul3A_18 = arith.muli %select_n3A, %mul3A_17 : i32
    %add3A_19 = arith.constant 1 : i32
    %add3A_20 = arith.addi %mul3A_18, %add3A_19 : i32
    %dma_start3A_21 = arith.constant 0 : i32
    %dma_start3A_22 = tpu.memref_slice %arg9[%add3A_20, %dma_start3A_21] : memref<80x128xi32, #tpu.memory_space<vmem>> -> memref<1x128xi32, #tpu.memory_space<vmem>>
    %dma_start3A_23 = tpu.memref_squeeze %dma_start3A_22 : memref<1x128xi32, #tpu.memory_space<vmem>> -> memref<128xi32, #tpu.memory_space<vmem>>
    %dma_start3A_24 = arith.constant 0 : i32
    %dma_start3A_25 = arith.constant 0 : i32
    %dma_start3A_26 = tpu.memref_slice %arg2[%dma_start3A_24, %dma_start3A_25] : memref<10000x16xf32, #tpu.memory_space<hbm>> -> memref<10000x16xf32, #tpu.memory_space<hbm>>
    tpu.enqueue_indirect_dma source(%dma_start3A_26 : memref<10000x16xf32, #tpu.memory_space<hbm>>) target(%arg11 : memref<128x16xf32, #tpu.memory_space<vmem>>) offsets(%dma_start3A_23 : memref<128xi32, #tpu.memory_space<vmem>>) semaphore(%arg21 : memref<!tpu.dma_semaphore, #tpu.memory_space<semaphore_mem>>)
    %mul3A_27 = arith.constant 10 : i32
    %mul3A_28 = arith.muli %select_n3A, %mul3A_27 : i32
    %add3A_29 = arith.constant 2 : i32
    %add3A_30 = arith.addi %mul3A_28, %add3A_29 : i32
    %dma_start3A_31 = arith.constant 0 : i32
    %dma_start3A_32 = tpu.memref_slice %arg9[%add3A_30, %dma_start3A_31] : memref<80x128xi32, #tpu.memory_space<vmem>> -> memref<1x128xi32, #tpu.memory_space<vmem>>
    %dma_start3A_33 = tpu.memref_squeeze %dma_start3A_32 : memref<1x128xi32, #tpu.memory_space<vmem>> -> memref<128xi32, #tpu.memory_space<vmem>>
    %dma_start3A_34 = arith.constant 0 : i32
    %dma_start3A_35 = arith.constant 0 : i32
    %dma_start3A_36 = tpu.memref_slice %arg2[%dma_start3A_34, %dma_start3A_35] : memref<10000x16xf32, #tpu.memory_space<hbm>> -> memref<10000x16xf32, #tpu.memory_space<hbm>>
    tpu.enqueue_indirect_dma source(%dma_start3A_36 : memref<10000x16xf32, #tpu.memory_space<hbm>>) target(%arg12 : memref<128x16xf32, #tpu.memory_space<vmem>>) offsets(%dma_start3A_33 : memref<128xi32, #tpu.memory_space<vmem>>) semaphore(%arg22 : memref<!tpu.dma_semaphore, #tpu.memory_space<semaphore_mem>>)
    %mul3A_37 = arith.constant 10 : i32
    %mul3A_38 = arith.muli %select_n3A, %mul3A_37 : i32
    %add3A_39 = arith.constant 3 : i32
    %add3A_40 = arith.addi %mul3A_38, %add3A_39 : i32
    %dma_start3A_41 = arith.constant 0 : i32
    %dma_start3A_42 = tpu.memref_slice %arg9[%add3A_40, %dma_start3A_41] : memref<80x128xi32, #tpu.memory_space<vmem>> -> memref<1x128xi32, #tpu.memory_space<vmem>>
    %dma_start3A_43 = tpu.memref_squeeze %dma_start3A_42 : memref<1x128xi32, #tpu.memory_space<vmem>> -> memref<128xi32, #tpu.memory_space<vmem>>
    %dma_start3A_44 = arith.constant 0 : i32
    %dma_start3A_45 = arith.constant 0 : i32
    %dma_start3A_46 = tpu.memref_slice %arg2[%dma_start3A_44, %dma_start3A_45] : memref<10000x16xf32, #tpu.memory_space<hbm>> -> memref<10000x16xf32, #tpu.memory_space<hbm>>
    tpu.enqueue_indirect_dma source(%dma_start3A_46 : memref<10000x16xf32, #tpu.memory_space<hbm>>) target(%arg13 : memref<128x16xf32, #tpu.memory_space<vmem>>) offsets(%dma_start3A_43 : memref<128xi32, #tpu.memory_space<vmem>>) semaphore(%arg23 : memref<!tpu.dma_semaphore, #tpu.memory_space<semaphore_mem>>)
    %mul3A_47 = arith.constant 10 : i32
    %mul3A_48 = arith.muli %select_n3A, %mul3A_47 : i32
    %add3A_49 = arith.constant 4 : i32
    %add3A_50 = arith.addi %mul3A_48, %add3A_49 : i32
    %dma_start3A_51 = arith.constant 0 : i32
    %dma_start3A_52 = tpu.memref_slice %arg9[%add3A_50, %dma_start3A_51] : memref<80x128xi32, #tpu.memory_space<vmem>> -> memref<1x128xi32, #tpu.memory_space<vmem>>
    %dma_start3A_53 = tpu.memref_squeeze %dma_start3A_52 : memref<1x128xi32, #tpu.memory_space<vmem>> -> memref<128xi32, #tpu.memory_space<vmem>>
    %dma_start3A_54 = arith.constant 0 : i32
    %dma_start3A_55 = arith.constant 0 : i32
    %dma_start3A_56 = tpu.memref_slice %arg2[%dma_start3A_54, %dma_start3A_55] : memref<10000x16xf32, #tpu.memory_space<hbm>> -> memref<10000x16xf32, #tpu.memory_space<hbm>>
    tpu.enqueue_indirect_dma source(%dma_start3A_56 : memref<10000x16xf32, #tpu.memory_space<hbm>>) target(%arg14 : memref<128x16xf32, #tpu.memory_space<vmem>>) offsets(%dma_start3A_53 : memref<128xi32, #tpu.memory_space<vmem>>) semaphore(%arg24 : memref<!tpu.dma_semaphore, #tpu.memory_space<semaphore_mem>>)
    %mul3A_57 = arith.constant 10 : i32
    %mul3A_58 = arith.muli %select_n3A, %mul3A_57 : i32
    %add3A_59 = arith.constant 5 : i32
    %add3A_60 = arith.addi %mul3A_58, %add3A_59 : i32
    %dma_start3A_61 = arith.constant 0 : i32
    %dma_start3A_62 = tpu.memref_slice %arg9[%add3A_60, %dma_start3A_61] : memref<80x128xi32, #tpu.memory_space<vmem>> -> memref<1x128xi32, #tpu.memory_space<vmem>>
    %dma_start3A_63 = tpu.memref_squeeze %dma_start3A_62 : memref<1x128xi32, #tpu.memory_space<vmem>> -> memref<128xi32, #tpu.memory_space<vmem>>
    %dma_start3A_64 = arith.constant 0 : i32
    %dma_start3A_65 = arith.constant 0 : i32
    %dma_start3A_66 = tpu.memref_slice %arg2[%dma_start3A_64, %dma_start3A_65] : memref<10000x16xf32, #tpu.memory_space<hbm>> -> memref<10000x16xf32, #tpu.memory_space<hbm>>
    tpu.enqueue_indirect_dma source(%dma_start3A_66 : memref<10000x16xf32, #tpu.memory_space<hbm>>) target(%arg15 : memref<128x16xf32, #tpu.memory_space<vmem>>) offsets(%dma_start3A_63 : memref<128xi32, #tpu.memory_space<vmem>>) semaphore(%arg25 : memref<!tpu.dma_semaphore, #tpu.memory_space<semaphore_mem>>)
    %mul3A_67 = arith.constant 10 : i32
    %mul3A_68 = arith.muli %select_n3A, %mul3A_67 : i32
    %add3A_69 = arith.constant 6 : i32
    %add3A_70 = arith.addi %mul3A_68, %add3A_69 : i32
    %dma_start3A_71 = arith.constant 0 : i32
    %dma_start3A_72 = tpu.memref_slice %arg9[%add3A_70, %dma_start3A_71] : memref<80x128xi32, #tpu.memory_space<vmem>> -> memref<1x128xi32, #tpu.memory_space<vmem>>
    %dma_start3A_73 = tpu.memref_squeeze %dma_start3A_72 : memref<1x128xi32, #tpu.memory_space<vmem>> -> memref<128xi32, #tpu.memory_space<vmem>>
    %dma_start3A_74 = arith.constant 0 : i32
    %dma_start3A_75 = arith.constant 0 : i32
    %dma_start3A_76 = tpu.memref_slice %arg2[%dma_start3A_74, %dma_start3A_75] : memref<10000x16xf32, #tpu.memory_space<hbm>> -> memref<10000x16xf32, #tpu.memory_space<hbm>>
    tpu.enqueue_indirect_dma source(%dma_start3A_76 : memref<10000x16xf32, #tpu.memory_space<hbm>>) target(%arg16 : memref<128x16xf32, #tpu.memory_space<vmem>>) offsets(%dma_start3A_73 : memref<128xi32, #tpu.memory_space<vmem>>) semaphore(%arg26 : memref<!tpu.dma_semaphore, #tpu.memory_space<semaphore_mem>>)
    %mul3A_77 = arith.constant 10 : i32
    %mul3A_78 = arith.muli %select_n3A, %mul3A_77 : i32
    %add3A_79 = arith.constant 7 : i32
    %add3A_80 = arith.addi %mul3A_78, %add3A_79 : i32
    %dma_start3A_81 = arith.constant 0 : i32
    %dma_start3A_82 = tpu.memref_slice %arg9[%add3A_80, %dma_start3A_81] : memref<80x128xi32, #tpu.memory_space<vmem>> -> memref<1x128xi32, #tpu.memory_space<vmem>>
    %dma_start3A_83 = tpu.memref_squeeze %dma_start3A_82 : memref<1x128xi32, #tpu.memory_space<vmem>> -> memref<128xi32, #tpu.memory_space<vmem>>
    %dma_start3A_84 = arith.constant 0 : i32
    %dma_start3A_85 = arith.constant 0 : i32
    %dma_start3A_86 = tpu.memref_slice %arg2[%dma_start3A_84, %dma_start3A_85] : memref<10000x16xf32, #tpu.memory_space<hbm>> -> memref<10000x16xf32, #tpu.memory_space<hbm>>
    tpu.enqueue_indirect_dma source(%dma_start3A_86 : memref<10000x16xf32, #tpu.memory_space<hbm>>) target(%arg17 : memref<128x16xf32, #tpu.memory_space<vmem>>) offsets(%dma_start3A_83 : memref<128xi32, #tpu.memory_space<vmem>>) semaphore(%arg27 : memref<!tpu.dma_semaphore, #tpu.memory_space<semaphore_mem>>)
    %mul3A_87 = arith.constant 10 : i32
    %mul3A_88 = arith.muli %select_n3A, %mul3A_87 : i32
    %add3A_89 = arith.constant 8 : i32
    %add3A_90 = arith.addi %mul3A_88, %add3A_89 : i32
    %dma_start3A_91 = arith.constant 0 : i32
    %dma_start3A_92 = tpu.memref_slice %arg9[%add3A_90, %dma_start3A_91] : memref<80x128xi32, #tpu.memory_space<vmem>> -> memref<1x128xi32, #tpu.memory_space<vmem>>
    %dma_start3A_93 = tpu.memref_squeeze %dma_start3A_92 : memref<1x128xi32, #tpu.memory_space<vmem>> -> memref<128xi32, #tpu.memory_space<vmem>>
    %dma_start3A_94 = arith.constant 0 : i32
    %dma_start3A_95 = arith.constant 0 : i32
    %dma_start3A_96 = tpu.memref_slice %arg2[%dma_start3A_94, %dma_start3A_95] : memref<10000x16xf32, #tpu.memory_space<hbm>> -> memref<10000x16xf32, #tpu.memory_space<hbm>>
    tpu.enqueue_indirect_dma source(%dma_start3A_96 : memref<10000x16xf32, #tpu.memory_space<hbm>>) target(%arg18 : memref<128x16xf32, #tpu.memory_space<vmem>>) offsets(%dma_start3A_93 : memref<128xi32, #tpu.memory_space<vmem>>) semaphore(%arg28 : memref<!tpu.dma_semaphore, #tpu.memory_space<semaphore_mem>>)
    %mul3A_97 = arith.constant 10 : i32
    %mul3A_98 = arith.muli %select_n3A, %mul3A_97 : i32
    %add3A_99 = arith.constant 9 : i32
    %add3A_100 = arith.addi %mul3A_98, %add3A_99 : i32
    %dma_start3A_101 = arith.constant 0 : i32
    %dma_start3A_102 = tpu.memref_slice %arg9[%add3A_100, %dma_start3A_101] : memref<80x128xi32, #tpu.memory_space<vmem>> -> memref<1x128xi32, #tpu.memory_space<vmem>>
    %dma_start3A_103 = tpu.memref_squeeze %dma_start3A_102 : memref<1x128xi32, #tpu.memory_space<vmem>> -> memref<128xi32, #tpu.memory_space<vmem>>
    %dma_start3A_104 = arith.constant 0 : i32
    %dma_start3A_105 = arith.constant 0 : i32
    %dma_start3A_106 = tpu.memref_slice %arg2[%dma_start3A_104, %dma_start3A_105] : memref<10000x16xf32, #tpu.memory_space<hbm>> -> memref<10000x16xf32, #tpu.memory_space<hbm>>
    tpu.enqueue_indirect_dma source(%dma_start3A_106 : memref<10000x16xf32, #tpu.memory_space<hbm>>) target(%arg19 : memref<128x16xf32, #tpu.memory_space<vmem>>) offsets(%dma_start3A_103 : memref<128xi32, #tpu.memory_space<vmem>>) semaphore(%arg29 : memref<!tpu.dma_semaphore, #tpu.memory_space<semaphore_mem>>)
    %while3A = arith.constant 0 : i32
    %while3A_107 = arith.constant 8 : i32
    %while3A_108 = arith.subi %while3A_107, %select_n3A : i32
    %while3A_109 = arith.addi %select_n3A, %while3A_108 : i32
    %while3A_110 = arith.constant 1 : i32
    %while3A_111 = arith.divsi %while3A_108, %while3A_110 : i32
    %while3A_112 = arith.muli %while3A_111, %while3A_110 : i32
    %while3A_113 = arith.addi %select_n3A, %while3A_112 : i32
    %while3A_114 = arith.constant 1 : i32
    scf.for %while3A_190 = %select_n3A to %while3A_113 step %while3A_114  : i32 {
      %mul3A_191 = arith.constant 10 : i32
      %mul3A_192 = arith.muli %while3A_190, %mul3A_191 : i32
      %add3A_193 = arith.constant 0 : i32
      %add3A_194 = arith.addi %mul3A_192, %add3A_193 : i32
      %dma_wait3A_195 = arith.constant 0 : i32
      %dma_wait3A_196 = tpu.memref_slice %arg9[%add3A_194, %dma_wait3A_195] : memref<80x128xi32, #tpu.memory_space<vmem>> -> memref<1x128xi32, #tpu.memory_space<vmem>>
      %dma_wait3A_197 = tpu.memref_squeeze %dma_wait3A_196 : memref<1x128xi32, #tpu.memory_space<vmem>> -> memref<128xi32, #tpu.memory_space<vmem>>
      %dma_wait3A_198 = arith.constant 0 : i32
      %dma_wait3A_199 = arith.constant 0 : i32
      %dma_wait3A_200 = tpu.memref_slice %arg2[%dma_wait3A_198, %dma_wait3A_199] : memref<10000x16xf32, #tpu.memory_space<hbm>> -> memref<10000x16xf32, #tpu.memory_space<hbm>>
      tpu.wait_indirect_dma semaphore(%arg20 : memref<!tpu.dma_semaphore, #tpu.memory_space<semaphore_mem>>) src(%dma_wait3A_200 : memref<10000x16xf32, #tpu.memory_space<hbm>>) dst(%arg10 : memref<128x16xf32, #tpu.memory_space<vmem>>)
      %add3A_201 = arith.constant 0 : i32
      %add3A_202 = arith.addi %mul3A_192, %add3A_201 : i32
      %dma_start3A_203 = arith.constant 0 : i32
      %dma_start3A_204 = tpu.memref_slice %arg7[%add3A_202, %dma_start3A_203] : memref<80x128xi32, #tpu.memory_space<vmem>> -> memref<1x128xi32, #tpu.memory_space<vmem>>
      %dma_start3A_205 = tpu.memref_squeeze %dma_start3A_204 : memref<1x128xi32, #tpu.memory_space<vmem>> -> memref<128xi32, #tpu.memory_space<vmem>>
      %dma_start3A_206 = arith.constant 0 : i32
      %dma_start3A_207 = arith.constant 0 : i32
      %dma_start3A_208 = tpu.memref_slice %arg8[%dma_start3A_206, %dma_start3A_207] : memref<10016x16xf32, #tpu.memory_space<vmem_shared>> -> memref<10016x16xf32, #tpu.memory_space<vmem_shared>>
      tpu.enqueue_indirect_dma source(%arg10 : memref<128x16xf32, #tpu.memory_space<vmem>>) target(%dma_start3A_208 : memref<10016x16xf32, #tpu.memory_space<vmem_shared>>) offsets(%dma_start3A_205 : memref<128xi32, #tpu.memory_space<vmem>>) semaphore(%arg30 : memref<!tpu.dma_semaphore, #tpu.memory_space<semaphore_mem>>) {add = true}
      %add3A_209 = arith.constant 1 : i32
      %add3A_210 = arith.addi %mul3A_192, %add3A_209 : i32
      %dma_wait3A_211 = arith.constant 0 : i32
      %dma_wait3A_212 = tpu.memref_slice %arg9[%add3A_210, %dma_wait3A_211] : memref<80x128xi32, #tpu.memory_space<vmem>> -> memref<1x128xi32, #tpu.memory_space<vmem>>
      %dma_wait3A_213 = tpu.memref_squeeze %dma_wait3A_212 : memref<1x128xi32, #tpu.memory_space<vmem>> -> memref<128xi32, #tpu.memory_space<vmem>>
      %dma_wait3A_214 = arith.constant 0 : i32
      %dma_wait3A_215 = arith.constant 0 : i32
      %dma_wait3A_216 = tpu.memref_slice %arg2[%dma_wait3A_214, %dma_wait3A_215] : memref<10000x16xf32, #tpu.memory_space<hbm>> -> memref<10000x16xf32, #tpu.memory_space<hbm>>
      tpu.wait_indirect_dma semaphore(%arg21 : memref<!tpu.dma_semaphore, #tpu.memory_space<semaphore_mem>>) src(%dma_wait3A_216 : memref<10000x16xf32, #tpu.memory_space<hbm>>) dst(%arg11 : memref<128x16xf32, #tpu.memory_space<vmem>>)
      %add3A_217 = arith.constant 1 : i32
      %add3A_218 = arith.addi %mul3A_192, %add3A_217 : i32
      %dma_start3A_219 = arith.constant 0 : i32
      %dma_start3A_220 = tpu.memref_slice %arg7[%add3A_218, %dma_start3A_219] : memref<80x128xi32, #tpu.memory_space<vmem>> -> memref<1x128xi32, #tpu.memory_space<vmem>>
      %dma_start3A_221 = tpu.memref_squeeze %dma_start3A_220 : memref<1x128xi32, #tpu.memory_space<vmem>> -> memref<128xi32, #tpu.memory_space<vmem>>
      %dma_start3A_222 = arith.constant 0 : i32
      %dma_start3A_223 = arith.constant 0 : i32
      %dma_start3A_224 = tpu.memref_slice %arg8[%dma_start3A_222, %dma_start3A_223] : memref<10016x16xf32, #tpu.memory_space<vmem_shared>> -> memref<10016x16xf32, #tpu.memory_space<vmem_shared>>
      tpu.enqueue_indirect_dma source(%arg11 : memref<128x16xf32, #tpu.memory_space<vmem>>) target(%dma_start3A_224 : memref<10016x16xf32, #tpu.memory_space<vmem_shared>>) offsets(%dma_start3A_221 : memref<128xi32, #tpu.memory_space<vmem>>) semaphore(%arg31 : memref<!tpu.dma_semaphore, #tpu.memory_space<semaphore_mem>>) {add = true}
      %add3A_225 = arith.constant 2 : i32
      %add3A_226 = arith.addi %mul3A_192, %add3A_225 : i32
      %dma_wait3A_227 = arith.constant 0 : i32
      %dma_wait3A_228 = tpu.memref_slice %arg9[%add3A_226, %dma_wait3A_227] : memref<80x128xi32, #tpu.memory_space<vmem>> -> memref<1x128xi32, #tpu.memory_space<vmem>>
      %dma_wait3A_229 = tpu.memref_squeeze %dma_wait3A_228 : memref<1x128xi32, #tpu.memory_space<vmem>> -> memref<128xi32, #tpu.memory_space<vmem>>
      %dma_wait3A_230 = arith.constant 0 : i32
      %dma_wait3A_231 = arith.constant 0 : i32
      %dma_wait3A_232 = tpu.memref_slice %arg2[%dma_wait3A_230, %dma_wait3A_231] : memref<10000x16xf32, #tpu.memory_space<hbm>> -> memref<10000x16xf32, #tpu.memory_space<hbm>>
      tpu.wait_indirect_dma semaphore(%arg22 : memref<!tpu.dma_semaphore, #tpu.memory_space<semaphore_mem>>) src(%dma_wait3A_232 : memref<10000x16xf32, #tpu.memory_space<hbm>>) dst(%arg12 : memref<128x16xf32, #tpu.memory_space<vmem>>)
      %add3A_233 = arith.constant 2 : i32
      %add3A_234 = arith.addi %mul3A_192, %add3A_233 : i32
      %dma_start3A_235 = arith.constant 0 : i32
      %dma_start3A_236 = tpu.memref_slice %arg7[%add3A_234, %dma_start3A_235] : memref<80x128xi32, #tpu.memory_space<vmem>> -> memref<1x128xi32, #tpu.memory_space<vmem>>
      %dma_start3A_237 = tpu.memref_squeeze %dma_start3A_236 : memref<1x128xi32, #tpu.memory_space<vmem>> -> memref<128xi32, #tpu.memory_space<vmem>>
      %dma_start3A_238 = arith.constant 0 : i32
      %dma_start3A_239 = arith.constant 0 : i32
      %dma_start3A_240 = tpu.memref_slice %arg8[%dma_start3A_238, %dma_start3A_239] : memref<10016x16xf32, #tpu.memory_space<vmem_shared>> -> memref<10016x16xf32, #tpu.memory_space<vmem_shared>>
      tpu.enqueue_indirect_dma source(%arg12 : memref<128x16xf32, #tpu.memory_space<vmem>>) target(%dma_start3A_240 : memref<10016x16xf32, #tpu.memory_space<vmem_shared>>) offsets(%dma_start3A_237 : memref<128xi32, #tpu.memory_space<vmem>>) semaphore(%arg32 : memref<!tpu.dma_semaphore, #tpu.memory_space<semaphore_mem>>) {add = true}
      %add3A_241 = arith.constant 3 : i32
      %add3A_242 = arith.addi %mul3A_192, %add3A_241 : i32
      %dma_wait3A_243 = arith.constant 0 : i32
      %dma_wait3A_244 = tpu.memref_slice %arg9[%add3A_242, %dma_wait3A_243] : memref<80x128xi32, #tpu.memory_space<vmem>> -> memref<1x128xi32, #tpu.memory_space<vmem>>
      %dma_wait3A_245 = tpu.memref_squeeze %dma_wait3A_244 : memref<1x128xi32, #tpu.memory_space<vmem>> -> memref<128xi32, #tpu.memory_space<vmem>>
      %dma_wait3A_246 = arith.constant 0 : i32
      %dma_wait3A_247 = arith.constant 0 : i32
      %dma_wait3A_248 = tpu.memref_slice %arg2[%dma_wait3A_246, %dma_wait3A_247] : memref<10000x16xf32, #tpu.memory_space<hbm>> -> memref<10000x16xf32, #tpu.memory_space<hbm>>
      tpu.wait_indirect_dma semaphore(%arg23 : memref<!tpu.dma_semaphore, #tpu.memory_space<semaphore_mem>>) src(%dma_wait3A_248 : memref<10000x16xf32, #tpu.memory_space<hbm>>) dst(%arg13 : memref<128x16xf32, #tpu.memory_space<vmem>>)
      %add3A_249 = arith.constant 3 : i32
      %add3A_250 = arith.addi %mul3A_192, %add3A_249 : i32
      %dma_start3A_251 = arith.constant 0 : i32
      %dma_start3A_252 = tpu.memref_slice %arg7[%add3A_250, %dma_start3A_251] : memref<80x128xi32, #tpu.memory_space<vmem>> -> memref<1x128xi32, #tpu.memory_space<vmem>>
      %dma_start3A_253 = tpu.memref_squeeze %dma_start3A_252 : memref<1x128xi32, #tpu.memory_space<vmem>> -> memref<128xi32, #tpu.memory_space<vmem>>
      %dma_start3A_254 = arith.constant 0 : i32
      %dma_start3A_255 = arith.constant 0 : i32
      %dma_start3A_256 = tpu.memref_slice %arg8[%dma_start3A_254, %dma_start3A_255] : memref<10016x16xf32, #tpu.memory_space<vmem_shared>> -> memref<10016x16xf32, #tpu.memory_space<vmem_shared>>
      tpu.enqueue_indirect_dma source(%arg13 : memref<128x16xf32, #tpu.memory_space<vmem>>) target(%dma_start3A_256 : memref<10016x16xf32, #tpu.memory_space<vmem_shared>>) offsets(%dma_start3A_253 : memref<128xi32, #tpu.memory_space<vmem>>) semaphore(%arg33 : memref<!tpu.dma_semaphore, #tpu.memory_space<semaphore_mem>>) {add = true}
      %add3A_257 = arith.constant 4 : i32
      %add3A_258 = arith.addi %mul3A_192, %add3A_257 : i32
      %dma_wait3A_259 = arith.constant 0 : i32
      %dma_wait3A_260 = tpu.memref_slice %arg9[%add3A_258, %dma_wait3A_259] : memref<80x128xi32, #tpu.memory_space<vmem>> -> memref<1x128xi32, #tpu.memory_space<vmem>>
      %dma_wait3A_261 = tpu.memref_squeeze %dma_wait3A_260 : memref<1x128xi32, #tpu.memory_space<vmem>> -> memref<128xi32, #tpu.memory_space<vmem>>
      %dma_wait3A_262 = arith.constant 0 : i32
      %dma_wait3A_263 = arith.constant 0 : i32
      %dma_wait3A_264 = tpu.memref_slice %arg2[%dma_wait3A_262, %dma_wait3A_263] : memref<10000x16xf32, #tpu.memory_space<hbm>> -> memref<10000x16xf32, #tpu.memory_space<hbm>>
      tpu.wait_indirect_dma semaphore(%arg24 : memref<!tpu.dma_semaphore, #tpu.memory_space<semaphore_mem>>) src(%dma_wait3A_264 : memref<10000x16xf32, #tpu.memory_space<hbm>>) dst(%arg14 : memref<128x16xf32, #tpu.memory_space<vmem>>)
      %add3A_265 = arith.constant 4 : i32
      %add3A_266 = arith.addi %mul3A_192, %add3A_265 : i32
      %dma_start3A_267 = arith.constant 0 : i32
      %dma_start3A_268 = tpu.memref_slice %arg7[%add3A_266, %dma_start3A_267] : memref<80x128xi32, #tpu.memory_space<vmem>> -> memref<1x128xi32, #tpu.memory_space<vmem>>
      %dma_start3A_269 = tpu.memref_squeeze %dma_start3A_268 : memref<1x128xi32, #tpu.memory_space<vmem>> -> memref<128xi32, #tpu.memory_space<vmem>>
      %dma_start3A_270 = arith.constant 0 : i32
      %dma_start3A_271 = arith.constant 0 : i32
      %dma_start3A_272 = tpu.memref_slice %arg8[%dma_start3A_270, %dma_start3A_271] : memref<10016x16xf32, #tpu.memory_space<vmem_shared>> -> memref<10016x16xf32, #tpu.memory_space<vmem_shared>>
      tpu.enqueue_indirect_dma source(%arg14 : memref<128x16xf32, #tpu.memory_space<vmem>>) target(%dma_start3A_272 : memref<10016x16xf32, #tpu.memory_space<vmem_shared>>) offsets(%dma_start3A_269 : memref<128xi32, #tpu.memory_space<vmem>>) semaphore(%arg34 : memref<!tpu.dma_semaphore, #tpu.memory_space<semaphore_mem>>) {add = true}
      %add3A_273 = arith.constant 5 : i32
      %add3A_274 = arith.addi %mul3A_192, %add3A_273 : i32
      %dma_wait3A_275 = arith.constant 0 : i32
      %dma_wait3A_276 = tpu.memref_slice %arg9[%add3A_274, %dma_wait3A_275] : memref<80x128xi32, #tpu.memory_space<vmem>> -> memref<1x128xi32, #tpu.memory_space<vmem>>
      %dma_wait3A_277 = tpu.memref_squeeze %dma_wait3A_276 : memref<1x128xi32, #tpu.memory_space<vmem>> -> memref<128xi32, #tpu.memory_space<vmem>>
      %dma_wait3A_278 = arith.constant 0 : i32
      %dma_wait3A_279 = arith.constant 0 : i32
      %dma_wait3A_280 = tpu.memref_slice %arg2[%dma_wait3A_278, %dma_wait3A_279] : memref<10000x16xf32, #tpu.memory_space<hbm>> -> memref<10000x16xf32, #tpu.memory_space<hbm>>
      tpu.wait_indirect_dma semaphore(%arg25 : memref<!tpu.dma_semaphore, #tpu.memory_space<semaphore_mem>>) src(%dma_wait3A_280 : memref<10000x16xf32, #tpu.memory_space<hbm>>) dst(%arg15 : memref<128x16xf32, #tpu.memory_space<vmem>>)
      %add3A_281 = arith.constant 5 : i32
      %add3A_282 = arith.addi %mul3A_192, %add3A_281 : i32
      %dma_start3A_283 = arith.constant 0 : i32
      %dma_start3A_284 = tpu.memref_slice %arg7[%add3A_282, %dma_start3A_283] : memref<80x128xi32, #tpu.memory_space<vmem>> -> memref<1x128xi32, #tpu.memory_space<vmem>>
      %dma_start3A_285 = tpu.memref_squeeze %dma_start3A_284 : memref<1x128xi32, #tpu.memory_space<vmem>> -> memref<128xi32, #tpu.memory_space<vmem>>
      %dma_start3A_286 = arith.constant 0 : i32
      %dma_start3A_287 = arith.constant 0 : i32
      %dma_start3A_288 = tpu.memref_slice %arg8[%dma_start3A_286, %dma_start3A_287] : memref<10016x16xf32, #tpu.memory_space<vmem_shared>> -> memref<10016x16xf32, #tpu.memory_space<vmem_shared>>
      tpu.enqueue_indirect_dma source(%arg15 : memref<128x16xf32, #tpu.memory_space<vmem>>) target(%dma_start3A_288 : memref<10016x16xf32, #tpu.memory_space<vmem_shared>>) offsets(%dma_start3A_285 : memref<128xi32, #tpu.memory_space<vmem>>) semaphore(%arg35 : memref<!tpu.dma_semaphore, #tpu.memory_space<semaphore_mem>>) {add = true}
      %add3A_289 = arith.constant 6 : i32
      %add3A_290 = arith.addi %mul3A_192, %add3A_289 : i32
      %dma_wait3A_291 = arith.constant 0 : i32
      %dma_wait3A_292 = tpu.memref_slice %arg9[%add3A_290, %dma_wait3A_291] : memref<80x128xi32, #tpu.memory_space<vmem>> -> memref<1x128xi32, #tpu.memory_space<vmem>>
      %dma_wait3A_293 = tpu.memref_squeeze %dma_wait3A_292 : memref<1x128xi32, #tpu.memory_space<vmem>> -> memref<128xi32, #tpu.memory_space<vmem>>
      %dma_wait3A_294 = arith.constant 0 : i32
      %dma_wait3A_295 = arith.constant 0 : i32
      %dma_wait3A_296 = tpu.memref_slice %arg2[%dma_wait3A_294, %dma_wait3A_295] : memref<10000x16xf32, #tpu.memory_space<hbm>> -> memref<10000x16xf32, #tpu.memory_space<hbm>>
      tpu.wait_indirect_dma semaphore(%arg26 : memref<!tpu.dma_semaphore, #tpu.memory_space<semaphore_mem>>) src(%dma_wait3A_296 : memref<10000x16xf32, #tpu.memory_space<hbm>>) dst(%arg16 : memref<128x16xf32, #tpu.memory_space<vmem>>)
      %add3A_297 = arith.constant 6 : i32
      %add3A_298 = arith.addi %mul3A_192, %add3A_297 : i32
      %dma_start3A_299 = arith.constant 0 : i32
      %dma_start3A_300 = tpu.memref_slice %arg7[%add3A_298, %dma_start3A_299] : memref<80x128xi32, #tpu.memory_space<vmem>> -> memref<1x128xi32, #tpu.memory_space<vmem>>
      %dma_start3A_301 = tpu.memref_squeeze %dma_start3A_300 : memref<1x128xi32, #tpu.memory_space<vmem>> -> memref<128xi32, #tpu.memory_space<vmem>>
      %dma_start3A_302 = arith.constant 0 : i32
      %dma_start3A_303 = arith.constant 0 : i32
      %dma_start3A_304 = tpu.memref_slice %arg8[%dma_start3A_302, %dma_start3A_303] : memref<10016x16xf32, #tpu.memory_space<vmem_shared>> -> memref<10016x16xf32, #tpu.memory_space<vmem_shared>>
      tpu.enqueue_indirect_dma source(%arg16 : memref<128x16xf32, #tpu.memory_space<vmem>>) target(%dma_start3A_304 : memref<10016x16xf32, #tpu.memory_space<vmem_shared>>) offsets(%dma_start3A_301 : memref<128xi32, #tpu.memory_space<vmem>>) semaphore(%arg36 : memref<!tpu.dma_semaphore, #tpu.memory_space<semaphore_mem>>) {add = true}
      %add3A_305 = arith.constant 7 : i32
      %add3A_306 = arith.addi %mul3A_192, %add3A_305 : i32
      %dma_wait3A_307 = arith.constant 0 : i32
      %dma_wait3A_308 = tpu.memref_slice %arg9[%add3A_306, %dma_wait3A_307] : memref<80x128xi32, #tpu.memory_space<vmem>> -> memref<1x128xi32, #tpu.memory_space<vmem>>
      %dma_wait3A_309 = tpu.memref_squeeze %dma_wait3A_308 : memref<1x128xi32, #tpu.memory_space<vmem>> -> memref<128xi32, #tpu.memory_space<vmem>>
      %dma_wait3A_310 = arith.constant 0 : i32
      %dma_wait3A_311 = arith.constant 0 : i32
      %dma_wait3A_312 = tpu.memref_slice %arg2[%dma_wait3A_310, %dma_wait3A_311] : memref<10000x16xf32, #tpu.memory_space<hbm>> -> memref<10000x16xf32, #tpu.memory_space<hbm>>
      tpu.wait_indirect_dma semaphore(%arg27 : memref<!tpu.dma_semaphore, #tpu.memory_space<semaphore_mem>>) src(%dma_wait3A_312 : memref<10000x16xf32, #tpu.memory_space<hbm>>) dst(%arg17 : memref<128x16xf32, #tpu.memory_space<vmem>>)
      %add3A_313 = arith.constant 7 : i32
      %add3A_314 = arith.addi %mul3A_192, %add3A_313 : i32
      %dma_start3A_315 = arith.constant 0 : i32
      %dma_start3A_316 = tpu.memref_slice %arg7[%add3A_314, %dma_start3A_315] : memref<80x128xi32, #tpu.memory_space<vmem>> -> memref<1x128xi32, #tpu.memory_space<vmem>>
      %dma_start3A_317 = tpu.memref_squeeze %dma_start3A_316 : memref<1x128xi32, #tpu.memory_space<vmem>> -> memref<128xi32, #tpu.memory_space<vmem>>
      %dma_start3A_318 = arith.constant 0 : i32
      %dma_start3A_319 = arith.constant 0 : i32
      %dma_start3A_320 = tpu.memref_slice %arg8[%dma_start3A_318, %dma_start3A_319] : memref<10016x16xf32, #tpu.memory_space<vmem_shared>> -> memref<10016x16xf32, #tpu.memory_space<vmem_shared>>
      tpu.enqueue_indirect_dma source(%arg17 : memref<128x16xf32, #tpu.memory_space<vmem>>) target(%dma_start3A_320 : memref<10016x16xf32, #tpu.memory_space<vmem_shared>>) offsets(%dma_start3A_317 : memref<128xi32, #tpu.memory_space<vmem>>) semaphore(%arg37 : memref<!tpu.dma_semaphore, #tpu.memory_space<semaphore_mem>>) {add = true}
      %add3A_321 = arith.constant 8 : i32
      %add3A_322 = arith.addi %mul3A_192, %add3A_321 : i32
      %dma_wait3A_323 = arith.constant 0 : i32
      %dma_wait3A_324 = tpu.memref_slice %arg9[%add3A_322, %dma_wait3A_323] : memref<80x128xi32, #tpu.memory_space<vmem>> -> memref<1x128xi32, #tpu.memory_space<vmem>>
      %dma_wait3A_325 = tpu.memref_squeeze %dma_wait3A_324 : memref<1x128xi32, #tpu.memory_space<vmem>> -> memref<128xi32, #tpu.memory_space<vmem>>
      %dma_wait3A_326 = arith.constant 0 : i32
      %dma_wait3A_327 = arith.constant 0 : i32
      %dma_wait3A_328 = tpu.memref_slice %arg2[%dma_wait3A_326, %dma_wait3A_327] : memref<10000x16xf32, #tpu.memory_space<hbm>> -> memref<10000x16xf32, #tpu.memory_space<hbm>>
      tpu.wait_indirect_dma semaphore(%arg28 : memref<!tpu.dma_semaphore, #tpu.memory_space<semaphore_mem>>) src(%dma_wait3A_328 : memref<10000x16xf32, #tpu.memory_space<hbm>>) dst(%arg18 : memref<128x16xf32, #tpu.memory_space<vmem>>)
      %add3A_329 = arith.constant 8 : i32
      %add3A_330 = arith.addi %mul3A_192, %add3A_329 : i32
      %dma_start3A_331 = arith.constant 0 : i32
      %dma_start3A_332 = tpu.memref_slice %arg7[%add3A_330, %dma_start3A_331] : memref<80x128xi32, #tpu.memory_space<vmem>> -> memref<1x128xi32, #tpu.memory_space<vmem>>
      %dma_start3A_333 = tpu.memref_squeeze %dma_start3A_332 : memref<1x128xi32, #tpu.memory_space<vmem>> -> memref<128xi32, #tpu.memory_space<vmem>>
      %dma_start3A_334 = arith.constant 0 : i32
      %dma_start3A_335 = arith.constant 0 : i32
      %dma_start3A_336 = tpu.memref_slice %arg8[%dma_start3A_334, %dma_start3A_335] : memref<10016x16xf32, #tpu.memory_space<vmem_shared>> -> memref<10016x16xf32, #tpu.memory_space<vmem_shared>>
      tpu.enqueue_indirect_dma source(%arg18 : memref<128x16xf32, #tpu.memory_space<vmem>>) target(%dma_start3A_336 : memref<10016x16xf32, #tpu.memory_space<vmem_shared>>) offsets(%dma_start3A_333 : memref<128xi32, #tpu.memory_space<vmem>>) semaphore(%arg38 : memref<!tpu.dma_semaphore, #tpu.memory_space<semaphore_mem>>) {add = true}
      %add3A_337 = arith.constant 9 : i32
      %add3A_338 = arith.addi %mul3A_192, %add3A_337 : i32
      %dma_wait3A_339 = arith.constant 0 : i32
      %dma_wait3A_340 = tpu.memref_slice %arg9[%add3A_338, %dma_wait3A_339] : memref<80x128xi32, #tpu.memory_space<vmem>> -> memref<1x128xi32, #tpu.memory_space<vmem>>
      %dma_wait3A_341 = tpu.memref_squeeze %dma_wait3A_340 : memref<1x128xi32, #tpu.memory_space<vmem>> -> memref<128xi32, #tpu.memory_space<vmem>>
      %dma_wait3A_342 = arith.constant 0 : i32
      %dma_wait3A_343 = arith.constant 0 : i32
      %dma_wait3A_344 = tpu.memref_slice %arg2[%dma_wait3A_342, %dma_wait3A_343] : memref<10000x16xf32, #tpu.memory_space<hbm>> -> memref<10000x16xf32, #tpu.memory_space<hbm>>
      tpu.wait_indirect_dma semaphore(%arg29 : memref<!tpu.dma_semaphore, #tpu.memory_space<semaphore_mem>>) src(%dma_wait3A_344 : memref<10000x16xf32, #tpu.memory_space<hbm>>) dst(%arg19 : memref<128x16xf32, #tpu.memory_space<vmem>>)
      %add3A_345 = arith.constant 9 : i32
      %add3A_346 = arith.addi %mul3A_192, %add3A_345 : i32
      %dma_start3A_347 = arith.constant 0 : i32
      %dma_start3A_348 = tpu.memref_slice %arg7[%add3A_346, %dma_start3A_347] : memref<80x128xi32, #tpu.memory_space<vmem>> -> memref<1x128xi32, #tpu.memory_space<vmem>>
      %dma_start3A_349 = tpu.memref_squeeze %dma_start3A_348 : memref<1x128xi32, #tpu.memory_space<vmem>> -> memref<128xi32, #tpu.memory_space<vmem>>
      %dma_start3A_350 = arith.constant 0 : i32
      %dma_start3A_351 = arith.constant 0 : i32
      %dma_start3A_352 = tpu.memref_slice %arg8[%dma_start3A_350, %dma_start3A_351] : memref<10016x16xf32, #tpu.memory_space<vmem_shared>> -> memref<10016x16xf32, #tpu.memory_space<vmem_shared>>
      tpu.enqueue_indirect_dma source(%arg19 : memref<128x16xf32, #tpu.memory_space<vmem>>) target(%dma_start3A_352 : memref<10016x16xf32, #tpu.memory_space<vmem_shared>>) offsets(%dma_start3A_349 : memref<128xi32, #tpu.memory_space<vmem>>) semaphore(%arg39 : memref<!tpu.dma_semaphore, #tpu.memory_space<semaphore_mem>>) {add = true}
      %add3A_353 = arith.constant 0 : i32
      %add3A_354 = arith.addi %mul3A_192, %add3A_353 : i32
      %dma_wait3A_355 = arith.constant 0 : i32
      %dma_wait3A_356 = tpu.memref_slice %arg7[%add3A_354, %dma_wait3A_355] : memref<80x128xi32, #tpu.memory_space<vmem>> -> memref<1x128xi32, #tpu.memory_space<vmem>>
      %dma_wait3A_357 = tpu.memref_squeeze %dma_wait3A_356 : memref<1x128xi32, #tpu.memory_space<vmem>> -> memref<128xi32, #tpu.memory_space<vmem>>
      %dma_wait3A_358 = arith.constant 0 : i32
      %dma_wait3A_359 = arith.constant 0 : i32
      %dma_wait3A_360 = tpu.memref_slice %arg8[%dma_wait3A_358, %dma_wait3A_359] : memref<10016x16xf32, #tpu.memory_space<vmem_shared>> -> memref<10016x16xf32, #tpu.memory_space<vmem_shared>>
      tpu.wait_indirect_dma semaphore(%arg30 : memref<!tpu.dma_semaphore, #tpu.memory_space<semaphore_mem>>) src(%arg10 : memref<128x16xf32, #tpu.memory_space<vmem>>) dst(%dma_wait3A_360 : memref<10016x16xf32, #tpu.memory_space<vmem_shared>>)
      %add3A_361 = arith.constant 10 : i32
      %add3A_362 = arith.addi %mul3A_192, %add3A_361 : i32
      %add3A_363 = arith.constant 0 : i32
      %add3A_364 = arith.addi %add3A_362, %add3A_363 : i32
      %rem3A = arith.constant 80 : i32
      %rem3A_365 = arith.remsi %add3A_364, %rem3A : i32
      %dma_start3A_366 = arith.constant 0 : i32
      %dma_start3A_367 = tpu.memref_slice %arg9[%rem3A_365, %dma_start3A_366] : memref<80x128xi32, #tpu.memory_space<vmem>> -> memref<1x128xi32, #tpu.memory_space<vmem>>
      %dma_start3A_368 = tpu.memref_squeeze %dma_start3A_367 : memref<1x128xi32, #tpu.memory_space<vmem>> -> memref<128xi32, #tpu.memory_space<vmem>>
      %dma_start3A_369 = arith.constant 0 : i32
      %dma_start3A_370 = arith.constant 0 : i32
      %dma_start3A_371 = tpu.memref_slice %arg2[%dma_start3A_369, %dma_start3A_370] : memref<10000x16xf32, #tpu.memory_space<hbm>> -> memref<10000x16xf32, #tpu.memory_space<hbm>>
      tpu.enqueue_indirect_dma source(%dma_start3A_371 : memref<10000x16xf32, #tpu.memory_space<hbm>>) target(%arg10 : memref<128x16xf32, #tpu.memory_space<vmem>>) offsets(%dma_start3A_368 : memref<128xi32, #tpu.memory_space<vmem>>) semaphore(%arg20 : memref<!tpu.dma_semaphore, #tpu.memory_space<semaphore_mem>>)
      %add3A_372 = arith.constant 1 : i32
      %add3A_373 = arith.addi %mul3A_192, %add3A_372 : i32
      %dma_wait3A_374 = arith.constant 0 : i32
      %dma_wait3A_375 = tpu.memref_slice %arg7[%add3A_373, %dma_wait3A_374] : memref<80x128xi32, #tpu.memory_space<vmem>> -> memref<1x128xi32, #tpu.memory_space<vmem>>
      %dma_wait3A_376 = tpu.memref_squeeze %dma_wait3A_375 : memref<1x128xi32, #tpu.memory_space<vmem>> -> memref<128xi32, #tpu.memory_space<vmem>>
      %dma_wait3A_377 = arith.constant 0 : i32
      %dma_wait3A_378 = arith.constant 0 : i32
      %dma_wait3A_379 = tpu.memref_slice %arg8[%dma_wait3A_377, %dma_wait3A_378] : memref<10016x16xf32, #tpu.memory_space<vmem_shared>> -> memref<10016x16xf32, #tpu.memory_space<vmem_shared>>
      tpu.wait_indirect_dma semaphore(%arg31 : memref<!tpu.dma_semaphore, #tpu.memory_space<semaphore_mem>>) src(%arg11 : memref<128x16xf32, #tpu.memory_space<vmem>>) dst(%dma_wait3A_379 : memref<10016x16xf32, #tpu.memory_space<vmem_shared>>)
      %add3A_380 = arith.constant 10 : i32
      %add3A_381 = arith.addi %mul3A_192, %add3A_380 : i32
      %add3A_382 = arith.constant 1 : i32
      %add3A_383 = arith.addi %add3A_381, %add3A_382 : i32
      %rem3A_384 = arith.constant 80 : i32
      %rem3A_385 = arith.remsi %add3A_383, %rem3A_384 : i32
      %dma_start3A_386 = arith.constant 0 : i32
      %dma_start3A_387 = tpu.memref_slice %arg9[%rem3A_385, %dma_start3A_386] : memref<80x128xi32, #tpu.memory_space<vmem>> -> memref<1x128xi32, #tpu.memory_space<vmem>>
      %dma_start3A_388 = tpu.memref_squeeze %dma_start3A_387 : memref<1x128xi32, #tpu.memory_space<vmem>> -> memref<128xi32, #tpu.memory_space<vmem>>
      %dma_start3A_389 = arith.constant 0 : i32
      %dma_start3A_390 = arith.constant 0 : i32
      %dma_start3A_391 = tpu.memref_slice %arg2[%dma_start3A_389, %dma_start3A_390] : memref<10000x16xf32, #tpu.memory_space<hbm>> -> memref<10000x16xf32, #tpu.memory_space<hbm>>
      tpu.enqueue_indirect_dma source(%dma_start3A_391 : memref<10000x16xf32, #tpu.memory_space<hbm>>) target(%arg11 : memref<128x16xf32, #tpu.memory_space<vmem>>) offsets(%dma_start3A_388 : memref<128xi32, #tpu.memory_space<vmem>>) semaphore(%arg21 : memref<!tpu.dma_semaphore, #tpu.memory_space<semaphore_mem>>)
      %add3A_392 = arith.constant 2 : i32
      %add3A_393 = arith.addi %mul3A_192, %add3A_392 : i32
      %dma_wait3A_394 = arith.constant 0 : i32
      %dma_wait3A_395 = tpu.memref_slice %arg7[%add3A_393, %dma_wait3A_394] : memref<80x128xi32, #tpu.memory_space<vmem>> -> memref<1x128xi32, #tpu.memory_space<vmem>>
      %dma_wait3A_396 = tpu.memref_squeeze %dma_wait3A_395 : memref<1x128xi32, #tpu.memory_space<vmem>> -> memref<128xi32, #tpu.memory_space<vmem>>
      %dma_wait3A_397 = arith.constant 0 : i32
      %dma_wait3A_398 = arith.constant 0 : i32
      %dma_wait3A_399 = tpu.memref_slice %arg8[%dma_wait3A_397, %dma_wait3A_398] : memref<10016x16xf32, #tpu.memory_space<vmem_shared>> -> memref<10016x16xf32, #tpu.memory_space<vmem_shared>>
      tpu.wait_indirect_dma semaphore(%arg32 : memref<!tpu.dma_semaphore, #tpu.memory_space<semaphore_mem>>) src(%arg12 : memref<128x16xf32, #tpu.memory_space<vmem>>) dst(%dma_wait3A_399 : memref<10016x16xf32, #tpu.memory_space<vmem_shared>>)
      %add3A_400 = arith.constant 10 : i32
      %add3A_401 = arith.addi %mul3A_192, %add3A_400 : i32
      %add3A_402 = arith.constant 2 : i32
      %add3A_403 = arith.addi %add3A_401, %add3A_402 : i32
      %rem3A_404 = arith.constant 80 : i32
      %rem3A_405 = arith.remsi %add3A_403, %rem3A_404 : i32
      %dma_start3A_406 = arith.constant 0 : i32
      %dma_start3A_407 = tpu.memref_slice %arg9[%rem3A_405, %dma_start3A_406] : memref<80x128xi32, #tpu.memory_space<vmem>> -> memref<1x128xi32, #tpu.memory_space<vmem>>
      %dma_start3A_408 = tpu.memref_squeeze %dma_start3A_407 : memref<1x128xi32, #tpu.memory_space<vmem>> -> memref<128xi32, #tpu.memory_space<vmem>>
      %dma_start3A_409 = arith.constant 0 : i32
      %dma_start3A_410 = arith.constant 0 : i32
      %dma_start3A_411 = tpu.memref_slice %arg2[%dma_start3A_409, %dma_start3A_410] : memref<10000x16xf32, #tpu.memory_space<hbm>> -> memref<10000x16xf32, #tpu.memory_space<hbm>>
      tpu.enqueue_indirect_dma source(%dma_start3A_411 : memref<10000x16xf32, #tpu.memory_space<hbm>>) target(%arg12 : memref<128x16xf32, #tpu.memory_space<vmem>>) offsets(%dma_start3A_408 : memref<128xi32, #tpu.memory_space<vmem>>) semaphore(%arg22 : memref<!tpu.dma_semaphore, #tpu.memory_space<semaphore_mem>>)
      %add3A_412 = arith.constant 3 : i32
      %add3A_413 = arith.addi %mul3A_192, %add3A_412 : i32
      %dma_wait3A_414 = arith.constant 0 : i32
      %dma_wait3A_415 = tpu.memref_slice %arg7[%add3A_413, %dma_wait3A_414] : memref<80x128xi32, #tpu.memory_space<vmem>> -> memref<1x128xi32, #tpu.memory_space<vmem>>
      %dma_wait3A_416 = tpu.memref_squeeze %dma_wait3A_415 : memref<1x128xi32, #tpu.memory_space<vmem>> -> memref<128xi32, #tpu.memory_space<vmem>>
      %dma_wait3A_417 = arith.constant 0 : i32
      %dma_wait3A_418 = arith.constant 0 : i32
      %dma_wait3A_419 = tpu.memref_slice %arg8[%dma_wait3A_417, %dma_wait3A_418] : memref<10016x16xf32, #tpu.memory_space<vmem_shared>> -> memref<10016x16xf32, #tpu.memory_space<vmem_shared>>
      tpu.wait_indirect_dma semaphore(%arg33 : memref<!tpu.dma_semaphore, #tpu.memory_space<semaphore_mem>>) src(%arg13 : memref<128x16xf32, #tpu.memory_space<vmem>>) dst(%dma_wait3A_419 : memref<10016x16xf32, #tpu.memory_space<vmem_shared>>)
      %add3A_420 = arith.constant 10 : i32
      %add3A_421 = arith.addi %mul3A_192, %add3A_420 : i32
      %add3A_422 = arith.constant 3 : i32
      %add3A_423 = arith.addi %add3A_421, %add3A_422 : i32
      %rem3A_424 = arith.constant 80 : i32
      %rem3A_425 = arith.remsi %add3A_423, %rem3A_424 : i32
      %dma_start3A_426 = arith.constant 0 : i32
      %dma_start3A_427 = tpu.memref_slice %arg9[%rem3A_425, %dma_start3A_426] : memref<80x128xi32, #tpu.memory_space<vmem>> -> memref<1x128xi32, #tpu.memory_space<vmem>>
      %dma_start3A_428 = tpu.memref_squeeze %dma_start3A_427 : memref<1x128xi32, #tpu.memory_space<vmem>> -> memref<128xi32, #tpu.memory_space<vmem>>
      %dma_start3A_429 = arith.constant 0 : i32
      %dma_start3A_430 = arith.constant 0 : i32
      %dma_start3A_431 = tpu.memref_slice %arg2[%dma_start3A_429, %dma_start3A_430] : memref<10000x16xf32, #tpu.memory_space<hbm>> -> memref<10000x16xf32, #tpu.memory_space<hbm>>
      tpu.enqueue_indirect_dma source(%dma_start3A_431 : memref<10000x16xf32, #tpu.memory_space<hbm>>) target(%arg13 : memref<128x16xf32, #tpu.memory_space<vmem>>) offsets(%dma_start3A_428 : memref<128xi32, #tpu.memory_space<vmem>>) semaphore(%arg23 : memref<!tpu.dma_semaphore, #tpu.memory_space<semaphore_mem>>)
      %add3A_432 = arith.constant 4 : i32
      %add3A_433 = arith.addi %mul3A_192, %add3A_432 : i32
      %dma_wait3A_434 = arith.constant 0 : i32
      %dma_wait3A_435 = tpu.memref_slice %arg7[%add3A_433, %dma_wait3A_434] : memref<80x128xi32, #tpu.memory_space<vmem>> -> memref<1x128xi32, #tpu.memory_space<vmem>>
      %dma_wait3A_436 = tpu.memref_squeeze %dma_wait3A_435 : memref<1x128xi32, #tpu.memory_space<vmem>> -> memref<128xi32, #tpu.memory_space<vmem>>
      %dma_wait3A_437 = arith.constant 0 : i32
      %dma_wait3A_438 = arith.constant 0 : i32
      %dma_wait3A_439 = tpu.memref_slice %arg8[%dma_wait3A_437, %dma_wait3A_438] : memref<10016x16xf32, #tpu.memory_space<vmem_shared>> -> memref<10016x16xf32, #tpu.memory_space<vmem_shared>>
      tpu.wait_indirect_dma semaphore(%arg34 : memref<!tpu.dma_semaphore, #tpu.memory_space<semaphore_mem>>) src(%arg14 : memref<128x16xf32, #tpu.memory_space<vmem>>) dst(%dma_wait3A_439 : memref<10016x16xf32, #tpu.memory_space<vmem_shared>>)
      %add3A_440 = arith.constant 10 : i32
      %add3A_441 = arith.addi %mul3A_192, %add3A_440 : i32
      %add3A_442 = arith.constant 4 : i32
      %add3A_443 = arith.addi %add3A_441, %add3A_442 : i32
      %rem3A_444 = arith.constant 80 : i32
      %rem3A_445 = arith.remsi %add3A_443, %rem3A_444 : i32
      %dma_start3A_446 = arith.constant 0 : i32
      %dma_start3A_447 = tpu.memref_slice %arg9[%rem3A_445, %dma_start3A_446] : memref<80x128xi32, #tpu.memory_space<vmem>> -> memref<1x128xi32, #tpu.memory_space<vmem>>
      %dma_start3A_448 = tpu.memref_squeeze %dma_start3A_447 : memref<1x128xi32, #tpu.memory_space<vmem>> -> memref<128xi32, #tpu.memory_space<vmem>>
      %dma_start3A_449 = arith.constant 0 : i32
      %dma_start3A_450 = arith.constant 0 : i32
      %dma_start3A_451 = tpu.memref_slice %arg2[%dma_start3A_449, %dma_start3A_450] : memref<10000x16xf32, #tpu.memory_space<hbm>> -> memref<10000x16xf32, #tpu.memory_space<hbm>>
      tpu.enqueue_indirect_dma source(%dma_start3A_451 : memref<10000x16xf32, #tpu.memory_space<hbm>>) target(%arg14 : memref<128x16xf32, #tpu.memory_space<vmem>>) offsets(%dma_start3A_448 : memref<128xi32, #tpu.memory_space<vmem>>) semaphore(%arg24 : memref<!tpu.dma_semaphore, #tpu.memory_space<semaphore_mem>>)
      %add3A_452 = arith.constant 5 : i32
      %add3A_453 = arith.addi %mul3A_192, %add3A_452 : i32
      %dma_wait3A_454 = arith.constant 0 : i32
      %dma_wait3A_455 = tpu.memref_slice %arg7[%add3A_453, %dma_wait3A_454] : memref<80x128xi32, #tpu.memory_space<vmem>> -> memref<1x128xi32, #tpu.memory_space<vmem>>
      %dma_wait3A_456 = tpu.memref_squeeze %dma_wait3A_455 : memref<1x128xi32, #tpu.memory_space<vmem>> -> memref<128xi32, #tpu.memory_space<vmem>>
      %dma_wait3A_457 = arith.constant 0 : i32
      %dma_wait3A_458 = arith.constant 0 : i32
      %dma_wait3A_459 = tpu.memref_slice %arg8[%dma_wait3A_457, %dma_wait3A_458] : memref<10016x16xf32, #tpu.memory_space<vmem_shared>> -> memref<10016x16xf32, #tpu.memory_space<vmem_shared>>
      tpu.wait_indirect_dma semaphore(%arg35 : memref<!tpu.dma_semaphore, #tpu.memory_space<semaphore_mem>>) src(%arg15 : memref<128x16xf32, #tpu.memory_space<vmem>>) dst(%dma_wait3A_459 : memref<10016x16xf32, #tpu.memory_space<vmem_shared>>)
      %add3A_460 = arith.constant 10 : i32
      %add3A_461 = arith.addi %mul3A_192, %add3A_460 : i32
      %add3A_462 = arith.constant 5 : i32
      %add3A_463 = arith.addi %add3A_461, %add3A_462 : i32
      %rem3A_464 = arith.constant 80 : i32
      %rem3A_465 = arith.remsi %add3A_463, %rem3A_464 : i32
      %dma_start3A_466 = arith.constant 0 : i32
      %dma_start3A_467 = tpu.memref_slice %arg9[%rem3A_465, %dma_start3A_466] : memref<80x128xi32, #tpu.memory_space<vmem>> -> memref<1x128xi32, #tpu.memory_space<vmem>>
      %dma_start3A_468 = tpu.memref_squeeze %dma_start3A_467 : memref<1x128xi32, #tpu.memory_space<vmem>> -> memref<128xi32, #tpu.memory_space<vmem>>
      %dma_start3A_469 = arith.constant 0 : i32
      %dma_start3A_470 = arith.constant 0 : i32
      %dma_start3A_471 = tpu.memref_slice %arg2[%dma_start3A_469, %dma_start3A_470] : memref<10000x16xf32, #tpu.memory_space<hbm>> -> memref<10000x16xf32, #tpu.memory_space<hbm>>
      tpu.enqueue_indirect_dma source(%dma_start3A_471 : memref<10000x16xf32, #tpu.memory_space<hbm>>) target(%arg15 : memref<128x16xf32, #tpu.memory_space<vmem>>) offsets(%dma_start3A_468 : memref<128xi32, #tpu.memory_space<vmem>>) semaphore(%arg25 : memref<!tpu.dma_semaphore, #tpu.memory_space<semaphore_mem>>)
      %add3A_472 = arith.constant 6 : i32
      %add3A_473 = arith.addi %mul3A_192, %add3A_472 : i32
      %dma_wait3A_474 = arith.constant 0 : i32
      %dma_wait3A_475 = tpu.memref_slice %arg7[%add3A_473, %dma_wait3A_474] : memref<80x128xi32, #tpu.memory_space<vmem>> -> memref<1x128xi32, #tpu.memory_space<vmem>>
      %dma_wait3A_476 = tpu.memref_squeeze %dma_wait3A_475 : memref<1x128xi32, #tpu.memory_space<vmem>> -> memref<128xi32, #tpu.memory_space<vmem>>
      %dma_wait3A_477 = arith.constant 0 : i32
      %dma_wait3A_478 = arith.constant 0 : i32
      %dma_wait3A_479 = tpu.memref_slice %arg8[%dma_wait3A_477, %dma_wait3A_478] : memref<10016x16xf32, #tpu.memory_space<vmem_shared>> -> memref<10016x16xf32, #tpu.memory_space<vmem_shared>>
      tpu.wait_indirect_dma semaphore(%arg36 : memref<!tpu.dma_semaphore, #tpu.memory_space<semaphore_mem>>) src(%arg16 : memref<128x16xf32, #tpu.memory_space<vmem>>) dst(%dma_wait3A_479 : memref<10016x16xf32, #tpu.memory_space<vmem_shared>>)
      %add3A_480 = arith.constant 10 : i32
      %add3A_481 = arith.addi %mul3A_192, %add3A_480 : i32
      %add3A_482 = arith.constant 6 : i32
      %add3A_483 = arith.addi %add3A_481, %add3A_482 : i32
      %rem3A_484 = arith.constant 80 : i32
      %rem3A_485 = arith.remsi %add3A_483, %rem3A_484 : i32
      %dma_start3A_486 = arith.constant 0 : i32
      %dma_start3A_487 = tpu.memref_slice %arg9[%rem3A_485, %dma_start3A_486] : memref<80x128xi32, #tpu.memory_space<vmem>> -> memref<1x128xi32, #tpu.memory_space<vmem>>
      %dma_start3A_488 = tpu.memref_squeeze %dma_start3A_487 : memref<1x128xi32, #tpu.memory_space<vmem>> -> memref<128xi32, #tpu.memory_space<vmem>>
      %dma_start3A_489 = arith.constant 0 : i32
      %dma_start3A_490 = arith.constant 0 : i32
      %dma_start3A_491 = tpu.memref_slice %arg2[%dma_start3A_489, %dma_start3A_490] : memref<10000x16xf32, #tpu.memory_space<hbm>> -> memref<10000x16xf32, #tpu.memory_space<hbm>>
      tpu.enqueue_indirect_dma source(%dma_start3A_491 : memref<10000x16xf32, #tpu.memory_space<hbm>>) target(%arg16 : memref<128x16xf32, #tpu.memory_space<vmem>>) offsets(%dma_start3A_488 : memref<128xi32, #tpu.memory_space<vmem>>) semaphore(%arg26 : memref<!tpu.dma_semaphore, #tpu.memory_space<semaphore_mem>>)
      %add3A_492 = arith.constant 7 : i32
      %add3A_493 = arith.addi %mul3A_192, %add3A_492 : i32
      %dma_wait3A_494 = arith.constant 0 : i32
      %dma_wait3A_495 = tpu.memref_slice %arg7[%add3A_493, %dma_wait3A_494] : memref<80x128xi32, #tpu.memory_space<vmem>> -> memref<1x128xi32, #tpu.memory_space<vmem>>
      %dma_wait3A_496 = tpu.memref_squeeze %dma_wait3A_495 : memref<1x128xi32, #tpu.memory_space<vmem>> -> memref<128xi32, #tpu.memory_space<vmem>>
      %dma_wait3A_497 = arith.constant 0 : i32
      %dma_wait3A_498 = arith.constant 0 : i32
      %dma_wait3A_499 = tpu.memref_slice %arg8[%dma_wait3A_497, %dma_wait3A_498] : memref<10016x16xf32, #tpu.memory_space<vmem_shared>> -> memref<10016x16xf32, #tpu.memory_space<vmem_shared>>
      tpu.wait_indirect_dma semaphore(%arg37 : memref<!tpu.dma_semaphore, #tpu.memory_space<semaphore_mem>>) src(%arg17 : memref<128x16xf32, #tpu.memory_space<vmem>>) dst(%dma_wait3A_499 : memref<10016x16xf32, #tpu.memory_space<vmem_shared>>)
      %add3A_500 = arith.constant 10 : i32
      %add3A_501 = arith.addi %mul3A_192, %add3A_500 : i32
      %add3A_502 = arith.constant 7 : i32
      %add3A_503 = arith.addi %add3A_501, %add3A_502 : i32
      %rem3A_504 = arith.constant 80 : i32
      %rem3A_505 = arith.remsi %add3A_503, %rem3A_504 : i32
      %dma_start3A_506 = arith.constant 0 : i32
      %dma_start3A_507 = tpu.memref_slice %arg9[%rem3A_505, %dma_start3A_506] : memref<80x128xi32, #tpu.memory_space<vmem>> -> memref<1x128xi32, #tpu.memory_space<vmem>>
      %dma_start3A_508 = tpu.memref_squeeze %dma_start3A_507 : memref<1x128xi32, #tpu.memory_space<vmem>> -> memref<128xi32, #tpu.memory_space<vmem>>
      %dma_start3A_509 = arith.constant 0 : i32
      %dma_start3A_510 = arith.constant 0 : i32
      %dma_start3A_511 = tpu.memref_slice %arg2[%dma_start3A_509, %dma_start3A_510] : memref<10000x16xf32, #tpu.memory_space<hbm>> -> memref<10000x16xf32, #tpu.memory_space<hbm>>
      tpu.enqueue_indirect_dma source(%dma_start3A_511 : memref<10000x16xf32, #tpu.memory_space<hbm>>) target(%arg17 : memref<128x16xf32, #tpu.memory_space<vmem>>) offsets(%dma_start3A_508 : memref<128xi32, #tpu.memory_space<vmem>>) semaphore(%arg27 : memref<!tpu.dma_semaphore, #tpu.memory_space<semaphore_mem>>)
      %add3A_512 = arith.constant 8 : i32
      %add3A_513 = arith.addi %mul3A_192, %add3A_512 : i32
      %dma_wait3A_514 = arith.constant 0 : i32
      %dma_wait3A_515 = tpu.memref_slice %arg7[%add3A_513, %dma_wait3A_514] : memref<80x128xi32, #tpu.memory_space<vmem>> -> memref<1x128xi32, #tpu.memory_space<vmem>>
      %dma_wait3A_516 = tpu.memref_squeeze %dma_wait3A_515 : memref<1x128xi32, #tpu.memory_space<vmem>> -> memref<128xi32, #tpu.memory_space<vmem>>
      %dma_wait3A_517 = arith.constant 0 : i32
      %dma_wait3A_518 = arith.constant 0 : i32
      %dma_wait3A_519 = tpu.memref_slice %arg8[%dma_wait3A_517, %dma_wait3A_518] : memref<10016x16xf32, #tpu.memory_space<vmem_shared>> -> memref<10016x16xf32, #tpu.memory_space<vmem_shared>>
      tpu.wait_indirect_dma semaphore(%arg38 : memref<!tpu.dma_semaphore, #tpu.memory_space<semaphore_mem>>) src(%arg18 : memref<128x16xf32, #tpu.memory_space<vmem>>) dst(%dma_wait3A_519 : memref<10016x16xf32, #tpu.memory_space<vmem_shared>>)
      %add3A_520 = arith.constant 10 : i32
      %add3A_521 = arith.addi %mul3A_192, %add3A_520 : i32
      %add3A_522 = arith.constant 8 : i32
      %add3A_523 = arith.addi %add3A_521, %add3A_522 : i32
      %rem3A_524 = arith.constant 80 : i32
      %rem3A_525 = arith.remsi %add3A_523, %rem3A_524 : i32
      %dma_start3A_526 = arith.constant 0 : i32
      %dma_start3A_527 = tpu.memref_slice %arg9[%rem3A_525, %dma_start3A_526] : memref<80x128xi32, #tpu.memory_space<vmem>> -> memref<1x128xi32, #tpu.memory_space<vmem>>
      %dma_start3A_528 = tpu.memref_squeeze %dma_start3A_527 : memref<1x128xi32, #tpu.memory_space<vmem>> -> memref<128xi32, #tpu.memory_space<vmem>>
      %dma_start3A_529 = arith.constant 0 : i32
      %dma_start3A_530 = arith.constant 0 : i32
      %dma_start3A_531 = tpu.memref_slice %arg2[%dma_start3A_529, %dma_start3A_530] : memref<10000x16xf32, #tpu.memory_space<hbm>> -> memref<10000x16xf32, #tpu.memory_space<hbm>>
      tpu.enqueue_indirect_dma source(%dma_start3A_531 : memref<10000x16xf32, #tpu.memory_space<hbm>>) target(%arg18 : memref<128x16xf32, #tpu.memory_space<vmem>>) offsets(%dma_start3A_528 : memref<128xi32, #tpu.memory_space<vmem>>) semaphore(%arg28 : memref<!tpu.dma_semaphore, #tpu.memory_space<semaphore_mem>>)
      %add3A_532 = arith.constant 9 : i32
      %add3A_533 = arith.addi %mul3A_192, %add3A_532 : i32
      %dma_wait3A_534 = arith.constant 0 : i32
      %dma_wait3A_535 = tpu.memref_slice %arg7[%add3A_533, %dma_wait3A_534] : memref<80x128xi32, #tpu.memory_space<vmem>> -> memref<1x128xi32, #tpu.memory_space<vmem>>
      %dma_wait3A_536 = tpu.memref_squeeze %dma_wait3A_535 : memref<1x128xi32, #tpu.memory_space<vmem>> -> memref<128xi32, #tpu.memory_space<vmem>>
      %dma_wait3A_537 = arith.constant 0 : i32
      %dma_wait3A_538 = arith.constant 0 : i32
      %dma_wait3A_539 = tpu.memref_slice %arg8[%dma_wait3A_537, %dma_wait3A_538] : memref<10016x16xf32, #tpu.memory_space<vmem_shared>> -> memref<10016x16xf32, #tpu.memory_space<vmem_shared>>
      tpu.wait_indirect_dma semaphore(%arg39 : memref<!tpu.dma_semaphore, #tpu.memory_space<semaphore_mem>>) src(%arg19 : memref<128x16xf32, #tpu.memory_space<vmem>>) dst(%dma_wait3A_539 : memref<10016x16xf32, #tpu.memory_space<vmem_shared>>)
      %add3A_540 = arith.constant 10 : i32
      %add3A_541 = arith.addi %mul3A_192, %add3A_540 : i32
      %add3A_542 = arith.constant 9 : i32
      %add3A_543 = arith.addi %add3A_541, %add3A_542 : i32
      %rem3A_544 = arith.constant 80 : i32
      %rem3A_545 = arith.remsi %add3A_543, %rem3A_544 : i32
      %dma_start3A_546 = arith.constant 0 : i32
      %dma_start3A_547 = tpu.memref_slice %arg9[%rem3A_545, %dma_start3A_546] : memref<80x128xi32, #tpu.memory_space<vmem>> -> memref<1x128xi32, #tpu.memory_space<vmem>>
      %dma_start3A_548 = tpu.memref_squeeze %dma_start3A_547 : memref<1x128xi32, #tpu.memory_space<vmem>> -> memref<128xi32, #tpu.memory_space<vmem>>
      %dma_start3A_549 = arith.constant 0 : i32
      %dma_start3A_550 = arith.constant 0 : i32
      %dma_start3A_551 = tpu.memref_slice %arg2[%dma_start3A_549, %dma_start3A_550] : memref<10000x16xf32, #tpu.memory_space<hbm>> -> memref<10000x16xf32, #tpu.memory_space<hbm>>
      tpu.enqueue_indirect_dma source(%dma_start3A_551 : memref<10000x16xf32, #tpu.memory_space<hbm>>) target(%arg19 : memref<128x16xf32, #tpu.memory_space<vmem>>) offsets(%dma_start3A_548 : memref<128xi32, #tpu.memory_space<vmem>>) semaphore(%arg29 : memref<!tpu.dma_semaphore, #tpu.memory_space<semaphore_mem>>)
    }
    %while3A_115 = arith.constant 1 : i32
    scf.for %while3A_190 = %while3A_113 to %while3A_109 step %while3A_115  : i32 {
      %mul3A_191 = arith.constant 10 : i32
      %mul3A_192 = arith.muli %while3A_190, %mul3A_191 : i32
      %add3A_193 = arith.constant 0 : i32
      %add3A_194 = arith.addi %mul3A_192, %add3A_193 : i32
      %dma_wait3A_195 = arith.constant 0 : i32
      %dma_wait3A_196 = tpu.memref_slice %arg9[%add3A_194, %dma_wait3A_195] : memref<80x128xi32, #tpu.memory_space<vmem>> -> memref<1x128xi32, #tpu.memory_space<vmem>>
      %dma_wait3A_197 = tpu.memref_squeeze %dma_wait3A_196 : memref<1x128xi32, #tpu.memory_space<vmem>> -> memref<128xi32, #tpu.memory_space<vmem>>
      %dma_wait3A_198 = arith.constant 0 : i32
      %dma_wait3A_199 = arith.constant 0 : i32
      %dma_wait3A_200 = tpu.memref_slice %arg2[%dma_wait3A_198, %dma_wait3A_199] : memref<10000x16xf32, #tpu.memory_space<hbm>> -> memref<10000x16xf32, #tpu.memory_space<hbm>>
      tpu.wait_indirect_dma semaphore(%arg20 : memref<!tpu.dma_semaphore, #tpu.memory_space<semaphore_mem>>) src(%dma_wait3A_200 : memref<10000x16xf32, #tpu.memory_space<hbm>>) dst(%arg10 : memref<128x16xf32, #tpu.memory_space<vmem>>)
      %add3A_201 = arith.constant 0 : i32
      %add3A_202 = arith.addi %mul3A_192, %add3A_201 : i32
      %dma_start3A_203 = arith.constant 0 : i32
      %dma_start3A_204 = tpu.memref_slice %arg7[%add3A_202, %dma_start3A_203] : memref<80x128xi32, #tpu.memory_space<vmem>> -> memref<1x128xi32, #tpu.memory_space<vmem>>
      %dma_start3A_205 = tpu.memref_squeeze %dma_start3A_204 : memref<1x128xi32, #tpu.memory_space<vmem>> -> memref<128xi32, #tpu.memory_space<vmem>>
      %dma_start3A_206 = arith.constant 0 : i32
      %dma_start3A_207 = arith.constant 0 : i32
      %dma_start3A_208 = tpu.memref_slice %arg8[%dma_start3A_206, %dma_start3A_207] : memref<10016x16xf32, #tpu.memory_space<vmem_shared>> -> memref<10016x16xf32, #tpu.memory_space<vmem_shared>>
      tpu.enqueue_indirect_dma source(%arg10 : memref<128x16xf32, #tpu.memory_space<vmem>>) target(%dma_start3A_208 : memref<10016x16xf32, #tpu.memory_space<vmem_shared>>) offsets(%dma_start3A_205 : memref<128xi32, #tpu.memory_space<vmem>>) semaphore(%arg30 : memref<!tpu.dma_semaphore, #tpu.memory_space<semaphore_mem>>) {add = true}
      %add3A_209 = arith.constant 1 : i32
      %add3A_210 = arith.addi %mul3A_192, %add3A_209 : i32
      %dma_wait3A_211 = arith.constant 0 : i32
      %dma_wait3A_212 = tpu.memref_slice %arg9[%add3A_210, %dma_wait3A_211] : memref<80x128xi32, #tpu.memory_space<vmem>> -> memref<1x128xi32, #tpu.memory_space<vmem>>
      %dma_wait3A_213 = tpu.memref_squeeze %dma_wait3A_212 : memref<1x128xi32, #tpu.memory_space<vmem>> -> memref<128xi32, #tpu.memory_space<vmem>>
      %dma_wait3A_214 = arith.constant 0 : i32
      %dma_wait3A_215 = arith.constant 0 : i32
      %dma_wait3A_216 = tpu.memref_slice %arg2[%dma_wait3A_214, %dma_wait3A_215] : memref<10000x16xf32, #tpu.memory_space<hbm>> -> memref<10000x16xf32, #tpu.memory_space<hbm>>
      tpu.wait_indirect_dma semaphore(%arg21 : memref<!tpu.dma_semaphore, #tpu.memory_space<semaphore_mem>>) src(%dma_wait3A_216 : memref<10000x16xf32, #tpu.memory_space<hbm>>) dst(%arg11 : memref<128x16xf32, #tpu.memory_space<vmem>>)
      %add3A_217 = arith.constant 1 : i32
      %add3A_218 = arith.addi %mul3A_192, %add3A_217 : i32
      %dma_start3A_219 = arith.constant 0 : i32
      %dma_start3A_220 = tpu.memref_slice %arg7[%add3A_218, %dma_start3A_219] : memref<80x128xi32, #tpu.memory_space<vmem>> -> memref<1x128xi32, #tpu.memory_space<vmem>>
      %dma_start3A_221 = tpu.memref_squeeze %dma_start3A_220 : memref<1x128xi32, #tpu.memory_space<vmem>> -> memref<128xi32, #tpu.memory_space<vmem>>
      %dma_start3A_222 = arith.constant 0 : i32
      %dma_start3A_223 = arith.constant 0 : i32
      %dma_start3A_224 = tpu.memref_slice %arg8[%dma_start3A_222, %dma_start3A_223] : memref<10016x16xf32, #tpu.memory_space<vmem_shared>> -> memref<10016x16xf32, #tpu.memory_space<vmem_shared>>
      tpu.enqueue_indirect_dma source(%arg11 : memref<128x16xf32, #tpu.memory_space<vmem>>) target(%dma_start3A_224 : memref<10016x16xf32, #tpu.memory_space<vmem_shared>>) offsets(%dma_start3A_221 : memref<128xi32, #tpu.memory_space<vmem>>) semaphore(%arg31 : memref<!tpu.dma_semaphore, #tpu.memory_space<semaphore_mem>>) {add = true}
      %add3A_225 = arith.constant 2 : i32
      %add3A_226 = arith.addi %mul3A_192, %add3A_225 : i32
      %dma_wait3A_227 = arith.constant 0 : i32
      %dma_wait3A_228 = tpu.memref_slice %arg9[%add3A_226, %dma_wait3A_227] : memref<80x128xi32, #tpu.memory_space<vmem>> -> memref<1x128xi32, #tpu.memory_space<vmem>>
      %dma_wait3A_229 = tpu.memref_squeeze %dma_wait3A_228 : memref<1x128xi32, #tpu.memory_space<vmem>> -> memref<128xi32, #tpu.memory_space<vmem>>
      %dma_wait3A_230 = arith.constant 0 : i32
      %dma_wait3A_231 = arith.constant 0 : i32
      %dma_wait3A_232 = tpu.memref_slice %arg2[%dma_wait3A_230, %dma_wait3A_231] : memref<10000x16xf32, #tpu.memory_space<hbm>> -> memref<10000x16xf32, #tpu.memory_space<hbm>>
      tpu.wait_indirect_dma semaphore(%arg22 : memref<!tpu.dma_semaphore, #tpu.memory_space<semaphore_mem>>) src(%dma_wait3A_232 : memref<10000x16xf32, #tpu.memory_space<hbm>>) dst(%arg12 : memref<128x16xf32, #tpu.memory_space<vmem>>)
      %add3A_233 = arith.constant 2 : i32
      %add3A_234 = arith.addi %mul3A_192, %add3A_233 : i32
      %dma_start3A_235 = arith.constant 0 : i32
      %dma_start3A_236 = tpu.memref_slice %arg7[%add3A_234, %dma_start3A_235] : memref<80x128xi32, #tpu.memory_space<vmem>> -> memref<1x128xi32, #tpu.memory_space<vmem>>
      %dma_start3A_237 = tpu.memref_squeeze %dma_start3A_236 : memref<1x128xi32, #tpu.memory_space<vmem>> -> memref<128xi32, #tpu.memory_space<vmem>>
      %dma_start3A_238 = arith.constant 0 : i32
      %dma_start3A_239 = arith.constant 0 : i32
      %dma_start3A_240 = tpu.memref_slice %arg8[%dma_start3A_238, %dma_start3A_239] : memref<10016x16xf32, #tpu.memory_space<vmem_shared>> -> memref<10016x16xf32, #tpu.memory_space<vmem_shared>>
      tpu.enqueue_indirect_dma source(%arg12 : memref<128x16xf32, #tpu.memory_space<vmem>>) target(%dma_start3A_240 : memref<10016x16xf32, #tpu.memory_space<vmem_shared>>) offsets(%dma_start3A_237 : memref<128xi32, #tpu.memory_space<vmem>>) semaphore(%arg32 : memref<!tpu.dma_semaphore, #tpu.memory_space<semaphore_mem>>) {add = true}
      %add3A_241 = arith.constant 3 : i32
      %add3A_242 = arith.addi %mul3A_192, %add3A_241 : i32
      %dma_wait3A_243 = arith.constant 0 : i32
      %dma_wait3A_244 = tpu.memref_slice %arg9[%add3A_242, %dma_wait3A_243] : memref<80x128xi32, #tpu.memory_space<vmem>> -> memref<1x128xi32, #tpu.memory_space<vmem>>
      %dma_wait3A_245 = tpu.memref_squeeze %dma_wait3A_244 : memref<1x128xi32, #tpu.memory_space<vmem>> -> memref<128xi32, #tpu.memory_space<vmem>>
      %dma_wait3A_246 = arith.constant 0 : i32
      %dma_wait3A_247 = arith.constant 0 : i32
      %dma_wait3A_248 = tpu.memref_slice %arg2[%dma_wait3A_246, %dma_wait3A_247] : memref<10000x16xf32, #tpu.memory_space<hbm>> -> memref<10000x16xf32, #tpu.memory_space<hbm>>
      tpu.wait_indirect_dma semaphore(%arg23 : memref<!tpu.dma_semaphore, #tpu.memory_space<semaphore_mem>>) src(%dma_wait3A_248 : memref<10000x16xf32, #tpu.memory_space<hbm>>) dst(%arg13 : memref<128x16xf32, #tpu.memory_space<vmem>>)
      %add3A_249 = arith.constant 3 : i32
      %add3A_250 = arith.addi %mul3A_192, %add3A_249 : i32
      %dma_start3A_251 = arith.constant 0 : i32
      %dma_start3A_252 = tpu.memref_slice %arg7[%add3A_250, %dma_start3A_251] : memref<80x128xi32, #tpu.memory_space<vmem>> -> memref<1x128xi32, #tpu.memory_space<vmem>>
      %dma_start3A_253 = tpu.memref_squeeze %dma_start3A_252 : memref<1x128xi32, #tpu.memory_space<vmem>> -> memref<128xi32, #tpu.memory_space<vmem>>
      %dma_start3A_254 = arith.constant 0 : i32
      %dma_start3A_255 = arith.constant 0 : i32
      %dma_start3A_256 = tpu.memref_slice %arg8[%dma_start3A_254, %dma_start3A_255] : memref<10016x16xf32, #tpu.memory_space<vmem_shared>> -> memref<10016x16xf32, #tpu.memory_space<vmem_shared>>
      tpu.enqueue_indirect_dma source(%arg13 : memref<128x16xf32, #tpu.memory_space<vmem>>) target(%dma_start3A_256 : memref<10016x16xf32, #tpu.memory_space<vmem_shared>>) offsets(%dma_start3A_253 : memref<128xi32, #tpu.memory_space<vmem>>) semaphore(%arg33 : memref<!tpu.dma_semaphore, #tpu.memory_space<semaphore_mem>>) {add = true}
      %add3A_257 = arith.constant 4 : i32
      %add3A_258 = arith.addi %mul3A_192, %add3A_257 : i32
      %dma_wait3A_259 = arith.constant 0 : i32
      %dma_wait3A_260 = tpu.memref_slice %arg9[%add3A_258, %dma_wait3A_259] : memref<80x128xi32, #tpu.memory_space<vmem>> -> memref<1x128xi32, #tpu.memory_space<vmem>>
      %dma_wait3A_261 = tpu.memref_squeeze %dma_wait3A_260 : memref<1x128xi32, #tpu.memory_space<vmem>> -> memref<128xi32, #tpu.memory_space<vmem>>
      %dma_wait3A_262 = arith.constant 0 : i32
      %dma_wait3A_263 = arith.constant 0 : i32
      %dma_wait3A_264 = tpu.memref_slice %arg2[%dma_wait3A_262, %dma_wait3A_263] : memref<10000x16xf32, #tpu.memory_space<hbm>> -> memref<10000x16xf32, #tpu.memory_space<hbm>>
      tpu.wait_indirect_dma semaphore(%arg24 : memref<!tpu.dma_semaphore, #tpu.memory_space<semaphore_mem>>) src(%dma_wait3A_264 : memref<10000x16xf32, #tpu.memory_space<hbm>>) dst(%arg14 : memref<128x16xf32, #tpu.memory_space<vmem>>)
      %add3A_265 = arith.constant 4 : i32
      %add3A_266 = arith.addi %mul3A_192, %add3A_265 : i32
      %dma_start3A_267 = arith.constant 0 : i32
      %dma_start3A_268 = tpu.memref_slice %arg7[%add3A_266, %dma_start3A_267] : memref<80x128xi32, #tpu.memory_space<vmem>> -> memref<1x128xi32, #tpu.memory_space<vmem>>
      %dma_start3A_269 = tpu.memref_squeeze %dma_start3A_268 : memref<1x128xi32, #tpu.memory_space<vmem>> -> memref<128xi32, #tpu.memory_space<vmem>>
      %dma_start3A_270 = arith.constant 0 : i32
      %dma_start3A_271 = arith.constant 0 : i32
      %dma_start3A_272 = tpu.memref_slice %arg8[%dma_start3A_270, %dma_start3A_271] : memref<10016x16xf32, #tpu.memory_space<vmem_shared>> -> memref<10016x16xf32, #tpu.memory_space<vmem_shared>>
      tpu.enqueue_indirect_dma source(%arg14 : memref<128x16xf32, #tpu.memory_space<vmem>>) target(%dma_start3A_272 : memref<10016x16xf32, #tpu.memory_space<vmem_shared>>) offsets(%dma_start3A_269 : memref<128xi32, #tpu.memory_space<vmem>>) semaphore(%arg34 : memref<!tpu.dma_semaphore, #tpu.memory_space<semaphore_mem>>) {add = true}
      %add3A_273 = arith.constant 5 : i32
      %add3A_274 = arith.addi %mul3A_192, %add3A_273 : i32
      %dma_wait3A_275 = arith.constant 0 : i32
      %dma_wait3A_276 = tpu.memref_slice %arg9[%add3A_274, %dma_wait3A_275] : memref<80x128xi32, #tpu.memory_space<vmem>> -> memref<1x128xi32, #tpu.memory_space<vmem>>
      %dma_wait3A_277 = tpu.memref_squeeze %dma_wait3A_276 : memref<1x128xi32, #tpu.memory_space<vmem>> -> memref<128xi32, #tpu.memory_space<vmem>>
      %dma_wait3A_278 = arith.constant 0 : i32
      %dma_wait3A_279 = arith.constant 0 : i32
      %dma_wait3A_280 = tpu.memref_slice %arg2[%dma_wait3A_278, %dma_wait3A_279] : memref<10000x16xf32, #tpu.memory_space<hbm>> -> memref<10000x16xf32, #tpu.memory_space<hbm>>
      tpu.wait_indirect_dma semaphore(%arg25 : memref<!tpu.dma_semaphore, #tpu.memory_space<semaphore_mem>>) src(%dma_wait3A_280 : memref<10000x16xf32, #tpu.memory_space<hbm>>) dst(%arg15 : memref<128x16xf32, #tpu.memory_space<vmem>>)
      %add3A_281 = arith.constant 5 : i32
      %add3A_282 = arith.addi %mul3A_192, %add3A_281 : i32
      %dma_start3A_283 = arith.constant 0 : i32
      %dma_start3A_284 = tpu.memref_slice %arg7[%add3A_282, %dma_start3A_283] : memref<80x128xi32, #tpu.memory_space<vmem>> -> memref<1x128xi32, #tpu.memory_space<vmem>>
      %dma_start3A_285 = tpu.memref_squeeze %dma_start3A_284 : memref<1x128xi32, #tpu.memory_space<vmem>> -> memref<128xi32, #tpu.memory_space<vmem>>
      %dma_start3A_286 = arith.constant 0 : i32
      %dma_start3A_287 = arith.constant 0 : i32
      %dma_start3A_288 = tpu.memref_slice %arg8[%dma_start3A_286, %dma_start3A_287] : memref<10016x16xf32, #tpu.memory_space<vmem_shared>> -> memref<10016x16xf32, #tpu.memory_space<vmem_shared>>
      tpu.enqueue_indirect_dma source(%arg15 : memref<128x16xf32, #tpu.memory_space<vmem>>) target(%dma_start3A_288 : memref<10016x16xf32, #tpu.memory_space<vmem_shared>>) offsets(%dma_start3A_285 : memref<128xi32, #tpu.memory_space<vmem>>) semaphore(%arg35 : memref<!tpu.dma_semaphore, #tpu.memory_space<semaphore_mem>>) {add = true}
      %add3A_289 = arith.constant 6 : i32
      %add3A_290 = arith.addi %mul3A_192, %add3A_289 : i32
      %dma_wait3A_291 = arith.constant 0 : i32
      %dma_wait3A_292 = tpu.memref_slice %arg9[%add3A_290, %dma_wait3A_291] : memref<80x128xi32, #tpu.memory_space<vmem>> -> memref<1x128xi32, #tpu.memory_space<vmem>>
      %dma_wait3A_293 = tpu.memref_squeeze %dma_wait3A_292 : memref<1x128xi32, #tpu.memory_space<vmem>> -> memref<128xi32, #tpu.memory_space<vmem>>
      %dma_wait3A_294 = arith.constant 0 : i32
      %dma_wait3A_295 = arith.constant 0 : i32
      %dma_wait3A_296 = tpu.memref_slice %arg2[%dma_wait3A_294, %dma_wait3A_295] : memref<10000x16xf32, #tpu.memory_space<hbm>> -> memref<10000x16xf32, #tpu.memory_space<hbm>>
      tpu.wait_indirect_dma semaphore(%arg26 : memref<!tpu.dma_semaphore, #tpu.memory_space<semaphore_mem>>) src(%dma_wait3A_296 : memref<10000x16xf32, #tpu.memory_space<hbm>>) dst(%arg16 : memref<128x16xf32, #tpu.memory_space<vmem>>)
      %add3A_297 = arith.constant 6 : i32
      %add3A_298 = arith.addi %mul3A_192, %add3A_297 : i32
      %dma_start3A_299 = arith.constant 0 : i32
      %dma_start3A_300 = tpu.memref_slice %arg7[%add3A_298, %dma_start3A_299] : memref<80x128xi32, #tpu.memory_space<vmem>> -> memref<1x128xi32, #tpu.memory_space<vmem>>
      %dma_start3A_301 = tpu.memref_squeeze %dma_start3A_300 : memref<1x128xi32, #tpu.memory_space<vmem>> -> memref<128xi32, #tpu.memory_space<vmem>>
      %dma_start3A_302 = arith.constant 0 : i32
      %dma_start3A_303 = arith.constant 0 : i32
      %dma_start3A_304 = tpu.memref_slice %arg8[%dma_start3A_302, %dma_start3A_303] : memref<10016x16xf32, #tpu.memory_space<vmem_shared>> -> memref<10016x16xf32, #tpu.memory_space<vmem_shared>>
      tpu.enqueue_indirect_dma source(%arg16 : memref<128x16xf32, #tpu.memory_space<vmem>>) target(%dma_start3A_304 : memref<10016x16xf32, #tpu.memory_space<vmem_shared>>) offsets(%dma_start3A_301 : memref<128xi32, #tpu.memory_space<vmem>>) semaphore(%arg36 : memref<!tpu.dma_semaphore, #tpu.memory_space<semaphore_mem>>) {add = true}
      %add3A_305 = arith.constant 7 : i32
      %add3A_306 = arith.addi %mul3A_192, %add3A_305 : i32
      %dma_wait3A_307 = arith.constant 0 : i32
      %dma_wait3A_308 = tpu.memref_slice %arg9[%add3A_306, %dma_wait3A_307] : memref<80x128xi32, #tpu.memory_space<vmem>> -> memref<1x128xi32, #tpu.memory_space<vmem>>
      %dma_wait3A_309 = tpu.memref_squeeze %dma_wait3A_308 : memref<1x128xi32, #tpu.memory_space<vmem>> -> memref<128xi32, #tpu.memory_space<vmem>>
      %dma_wait3A_310 = arith.constant 0 : i32
      %dma_wait3A_311 = arith.constant 0 : i32
      %dma_wait3A_312 = tpu.memref_slice %arg2[%dma_wait3A_310, %dma_wait3A_311] : memref<10000x16xf32, #tpu.memory_space<hbm>> -> memref<10000x16xf32, #tpu.memory_space<hbm>>
      tpu.wait_indirect_dma semaphore(%arg27 : memref<!tpu.dma_semaphore, #tpu.memory_space<semaphore_mem>>) src(%dma_wait3A_312 : memref<10000x16xf32, #tpu.memory_space<hbm>>) dst(%arg17 : memref<128x16xf32, #tpu.memory_space<vmem>>)
      %add3A_313 = arith.constant 7 : i32
      %add3A_314 = arith.addi %mul3A_192, %add3A_313 : i32
      %dma_start3A_315 = arith.constant 0 : i32
      %dma_start3A_316 = tpu.memref_slice %arg7[%add3A_314, %dma_start3A_315] : memref<80x128xi32, #tpu.memory_space<vmem>> -> memref<1x128xi32, #tpu.memory_space<vmem>>
      %dma_start3A_317 = tpu.memref_squeeze %dma_start3A_316 : memref<1x128xi32, #tpu.memory_space<vmem>> -> memref<128xi32, #tpu.memory_space<vmem>>
      %dma_start3A_318 = arith.constant 0 : i32
      %dma_start3A_319 = arith.constant 0 : i32
      %dma_start3A_320 = tpu.memref_slice %arg8[%dma_start3A_318, %dma_start3A_319] : memref<10016x16xf32, #tpu.memory_space<vmem_shared>> -> memref<10016x16xf32, #tpu.memory_space<vmem_shared>>
      tpu.enqueue_indirect_dma source(%arg17 : memref<128x16xf32, #tpu.memory_space<vmem>>) target(%dma_start3A_320 : memref<10016x16xf32, #tpu.memory_space<vmem_shared>>) offsets(%dma_start3A_317 : memref<128xi32, #tpu.memory_space<vmem>>) semaphore(%arg37 : memref<!tpu.dma_semaphore, #tpu.memory_space<semaphore_mem>>) {add = true}
      %add3A_321 = arith.constant 8 : i32
      %add3A_322 = arith.addi %mul3A_192, %add3A_321 : i32
      %dma_wait3A_323 = arith.constant 0 : i32
      %dma_wait3A_324 = tpu.memref_slice %arg9[%add3A_322, %dma_wait3A_323] : memref<80x128xi32, #tpu.memory_space<vmem>> -> memref<1x128xi32, #tpu.memory_space<vmem>>
      %dma_wait3A_325 = tpu.memref_squeeze %dma_wait3A_324 : memref<1x128xi32, #tpu.memory_space<vmem>> -> memref<128xi32, #tpu.memory_space<vmem>>
      %dma_wait3A_326 = arith.constant 0 : i32
      %dma_wait3A_327 = arith.constant 0 : i32
      %dma_wait3A_328 = tpu.memref_slice %arg2[%dma_wait3A_326, %dma_wait3A_327] : memref<10000x16xf32, #tpu.memory_space<hbm>> -> memref<10000x16xf32, #tpu.memory_space<hbm>>
      tpu.wait_indirect_dma semaphore(%arg28 : memref<!tpu.dma_semaphore, #tpu.memory_space<semaphore_mem>>) src(%dma_wait3A_328 : memref<10000x16xf32, #tpu.memory_space<hbm>>) dst(%arg18 : memref<128x16xf32, #tpu.memory_space<vmem>>)
      %add3A_329 = arith.constant 8 : i32
      %add3A_330 = arith.addi %mul3A_192, %add3A_329 : i32
      %dma_start3A_331 = arith.constant 0 : i32
      %dma_start3A_332 = tpu.memref_slice %arg7[%add3A_330, %dma_start3A_331] : memref<80x128xi32, #tpu.memory_space<vmem>> -> memref<1x128xi32, #tpu.memory_space<vmem>>
      %dma_start3A_333 = tpu.memref_squeeze %dma_start3A_332 : memref<1x128xi32, #tpu.memory_space<vmem>> -> memref<128xi32, #tpu.memory_space<vmem>>
      %dma_start3A_334 = arith.constant 0 : i32
      %dma_start3A_335 = arith.constant 0 : i32
      %dma_start3A_336 = tpu.memref_slice %arg8[%dma_start3A_334, %dma_start3A_335] : memref<10016x16xf32, #tpu.memory_space<vmem_shared>> -> memref<10016x16xf32, #tpu.memory_space<vmem_shared>>
      tpu.enqueue_indirect_dma source(%arg18 : memref<128x16xf32, #tpu.memory_space<vmem>>) target(%dma_start3A_336 : memref<10016x16xf32, #tpu.memory_space<vmem_shared>>) offsets(%dma_start3A_333 : memref<128xi32, #tpu.memory_space<vmem>>) semaphore(%arg38 : memref<!tpu.dma_semaphore, #tpu.memory_space<semaphore_mem>>) {add = true}
      %add3A_337 = arith.constant 9 : i32
      %add3A_338 = arith.addi %mul3A_192, %add3A_337 : i32
      %dma_wait3A_339 = arith.constant 0 : i32
      %dma_wait3A_340 = tpu.memref_slice %arg9[%add3A_338, %dma_wait3A_339] : memref<80x128xi32, #tpu.memory_space<vmem>> -> memref<1x128xi32, #tpu.memory_space<vmem>>
      %dma_wait3A_341 = tpu.memref_squeeze %dma_wait3A_340 : memref<1x128xi32, #tpu.memory_space<vmem>> -> memref<128xi32, #tpu.memory_space<vmem>>
      %dma_wait3A_342 = arith.constant 0 : i32
      %dma_wait3A_343 = arith.constant 0 : i32
      %dma_wait3A_344 = tpu.memref_slice %arg2[%dma_wait3A_342, %dma_wait3A_343] : memref<10000x16xf32, #tpu.memory_space<hbm>> -> memref<10000x16xf32, #tpu.memory_space<hbm>>
      tpu.wait_indirect_dma semaphore(%arg29 : memref<!tpu.dma_semaphore, #tpu.memory_space<semaphore_mem>>) src(%dma_wait3A_344 : memref<10000x16xf32, #tpu.memory_space<hbm>>) dst(%arg19 : memref<128x16xf32, #tpu.memory_space<vmem>>)
      %add3A_345 = arith.constant 9 : i32
      %add3A_346 = arith.addi %mul3A_192, %add3A_345 : i32
      %dma_start3A_347 = arith.constant 0 : i32
      %dma_start3A_348 = tpu.memref_slice %arg7[%add3A_346, %dma_start3A_347] : memref<80x128xi32, #tpu.memory_space<vmem>> -> memref<1x128xi32, #tpu.memory_space<vmem>>
      %dma_start3A_349 = tpu.memref_squeeze %dma_start3A_348 : memref<1x128xi32, #tpu.memory_space<vmem>> -> memref<128xi32, #tpu.memory_space<vmem>>
      %dma_start3A_350 = arith.constant 0 : i32
      %dma_start3A_351 = arith.constant 0 : i32
      %dma_start3A_352 = tpu.memref_slice %arg8[%dma_start3A_350, %dma_start3A_351] : memref<10016x16xf32, #tpu.memory_space<vmem_shared>> -> memref<10016x16xf32, #tpu.memory_space<vmem_shared>>
      tpu.enqueue_indirect_dma source(%arg19 : memref<128x16xf32, #tpu.memory_space<vmem>>) target(%dma_start3A_352 : memref<10016x16xf32, #tpu.memory_space<vmem_shared>>) offsets(%dma_start3A_349 : memref<128xi32, #tpu.memory_space<vmem>>) semaphore(%arg39 : memref<!tpu.dma_semaphore, #tpu.memory_space<semaphore_mem>>) {add = true}
      %add3A_353 = arith.constant 0 : i32
      %add3A_354 = arith.addi %mul3A_192, %add3A_353 : i32
      %dma_wait3A_355 = arith.constant 0 : i32
      %dma_wait3A_356 = tpu.memref_slice %arg7[%add3A_354, %dma_wait3A_355] : memref<80x128xi32, #tpu.memory_space<vmem>> -> memref<1x128xi32, #tpu.memory_space<vmem>>
      %dma_wait3A_357 = tpu.memref_squeeze %dma_wait3A_356 : memref<1x128xi32, #tpu.memory_space<vmem>> -> memref<128xi32, #tpu.memory_space<vmem>>
      %dma_wait3A_358 = arith.constant 0 : i32
      %dma_wait3A_359 = arith.constant 0 : i32
      %dma_wait3A_360 = tpu.memref_slice %arg8[%dma_wait3A_358, %dma_wait3A_359] : memref<10016x16xf32, #tpu.memory_space<vmem_shared>> -> memref<10016x16xf32, #tpu.memory_space<vmem_shared>>
      tpu.wait_indirect_dma semaphore(%arg30 : memref<!tpu.dma_semaphore, #tpu.memory_space<semaphore_mem>>) src(%arg10 : memref<128x16xf32, #tpu.memory_space<vmem>>) dst(%dma_wait3A_360 : memref<10016x16xf32, #tpu.memory_space<vmem_shared>>)
      %add3A_361 = arith.constant 10 : i32
      %add3A_362 = arith.addi %mul3A_192, %add3A_361 : i32
      %add3A_363 = arith.constant 0 : i32
      %add3A_364 = arith.addi %add3A_362, %add3A_363 : i32
      %rem3A = arith.constant 80 : i32
      %rem3A_365 = arith.remsi %add3A_364, %rem3A : i32
      %dma_start3A_366 = arith.constant 0 : i32
      %dma_start3A_367 = tpu.memref_slice %arg9[%rem3A_365, %dma_start3A_366] : memref<80x128xi32, #tpu.memory_space<vmem>> -> memref<1x128xi32, #tpu.memory_space<vmem>>
      %dma_start3A_368 = tpu.memref_squeeze %dma_start3A_367 : memref<1x128xi32, #tpu.memory_space<vmem>> -> memref<128xi32, #tpu.memory_space<vmem>>
      %dma_start3A_369 = arith.constant 0 : i32
      %dma_start3A_370 = arith.constant 0 : i32
      %dma_start3A_371 = tpu.memref_slice %arg2[%dma_start3A_369, %dma_start3A_370] : memref<10000x16xf32, #tpu.memory_space<hbm>> -> memref<10000x16xf32, #tpu.memory_space<hbm>>
      tpu.enqueue_indirect_dma source(%dma_start3A_371 : memref<10000x16xf32, #tpu.memory_space<hbm>>) target(%arg10 : memref<128x16xf32, #tpu.memory_space<vmem>>) offsets(%dma_start3A_368 : memref<128xi32, #tpu.memory_space<vmem>>) semaphore(%arg20 : memref<!tpu.dma_semaphore, #tpu.memory_space<semaphore_mem>>)
      %add3A_372 = arith.constant 1 : i32
      %add3A_373 = arith.addi %mul3A_192, %add3A_372 : i32
      %dma_wait3A_374 = arith.constant 0 : i32
      %dma_wait3A_375 = tpu.memref_slice %arg7[%add3A_373, %dma_wait3A_374] : memref<80x128xi32, #tpu.memory_space<vmem>> -> memref<1x128xi32, #tpu.memory_space<vmem>>
      %dma_wait3A_376 = tpu.memref_squeeze %dma_wait3A_375 : memref<1x128xi32, #tpu.memory_space<vmem>> -> memref<128xi32, #tpu.memory_space<vmem>>
      %dma_wait3A_377 = arith.constant 0 : i32
      %dma_wait3A_378 = arith.constant 0 : i32
      %dma_wait3A_379 = tpu.memref_slice %arg8[%dma_wait3A_377, %dma_wait3A_378] : memref<10016x16xf32, #tpu.memory_space<vmem_shared>> -> memref<10016x16xf32, #tpu.memory_space<vmem_shared>>
      tpu.wait_indirect_dma semaphore(%arg31 : memref<!tpu.dma_semaphore, #tpu.memory_space<semaphore_mem>>) src(%arg11 : memref<128x16xf32, #tpu.memory_space<vmem>>) dst(%dma_wait3A_379 : memref<10016x16xf32, #tpu.memory_space<vmem_shared>>)
      %add3A_380 = arith.constant 10 : i32
      %add3A_381 = arith.addi %mul3A_192, %add3A_380 : i32
      %add3A_382 = arith.constant 1 : i32
      %add3A_383 = arith.addi %add3A_381, %add3A_382 : i32
      %rem3A_384 = arith.constant 80 : i32
      %rem3A_385 = arith.remsi %add3A_383, %rem3A_384 : i32
      %dma_start3A_386 = arith.constant 0 : i32
      %dma_start3A_387 = tpu.memref_slice %arg9[%rem3A_385, %dma_start3A_386] : memref<80x128xi32, #tpu.memory_space<vmem>> -> memref<1x128xi32, #tpu.memory_space<vmem>>
      %dma_start3A_388 = tpu.memref_squeeze %dma_start3A_387 : memref<1x128xi32, #tpu.memory_space<vmem>> -> memref<128xi32, #tpu.memory_space<vmem>>
      %dma_start3A_389 = arith.constant 0 : i32
      %dma_start3A_390 = arith.constant 0 : i32
      %dma_start3A_391 = tpu.memref_slice %arg2[%dma_start3A_389, %dma_start3A_390] : memref<10000x16xf32, #tpu.memory_space<hbm>> -> memref<10000x16xf32, #tpu.memory_space<hbm>>
      tpu.enqueue_indirect_dma source(%dma_start3A_391 : memref<10000x16xf32, #tpu.memory_space<hbm>>) target(%arg11 : memref<128x16xf32, #tpu.memory_space<vmem>>) offsets(%dma_start3A_388 : memref<128xi32, #tpu.memory_space<vmem>>) semaphore(%arg21 : memref<!tpu.dma_semaphore, #tpu.memory_space<semaphore_mem>>)
      %add3A_392 = arith.constant 2 : i32
      %add3A_393 = arith.addi %mul3A_192, %add3A_392 : i32
      %dma_wait3A_394 = arith.constant 0 : i32
      %dma_wait3A_395 = tpu.memref_slice %arg7[%add3A_393, %dma_wait3A_394] : memref<80x128xi32, #tpu.memory_space<vmem>> -> memref<1x128xi32, #tpu.memory_space<vmem>>
      %dma_wait3A_396 = tpu.memref_squeeze %dma_wait3A_395 : memref<1x128xi32, #tpu.memory_space<vmem>> -> memref<128xi32, #tpu.memory_space<vmem>>
      %dma_wait3A_397 = arith.constant 0 : i32
      %dma_wait3A_398 = arith.constant 0 : i32
      %dma_wait3A_399 = tpu.memref_slice %arg8[%dma_wait3A_397, %dma_wait3A_398] : memref<10016x16xf32, #tpu.memory_space<vmem_shared>> -> memref<10016x16xf32, #tpu.memory_space<vmem_shared>>
      tpu.wait_indirect_dma semaphore(%arg32 : memref<!tpu.dma_semaphore, #tpu.memory_space<semaphore_mem>>) src(%arg12 : memref<128x16xf32, #tpu.memory_space<vmem>>) dst(%dma_wait3A_399 : memref<10016x16xf32, #tpu.memory_space<vmem_shared>>)
      %add3A_400 = arith.constant 10 : i32
      %add3A_401 = arith.addi %mul3A_192, %add3A_400 : i32
      %add3A_402 = arith.constant 2 : i32
      %add3A_403 = arith.addi %add3A_401, %add3A_402 : i32
      %rem3A_404 = arith.constant 80 : i32
      %rem3A_405 = arith.remsi %add3A_403, %rem3A_404 : i32
      %dma_start3A_406 = arith.constant 0 : i32
      %dma_start3A_407 = tpu.memref_slice %arg9[%rem3A_405, %dma_start3A_406] : memref<80x128xi32, #tpu.memory_space<vmem>> -> memref<1x128xi32, #tpu.memory_space<vmem>>
      %dma_start3A_408 = tpu.memref_squeeze %dma_start3A_407 : memref<1x128xi32, #tpu.memory_space<vmem>> -> memref<128xi32, #tpu.memory_space<vmem>>
      %dma_start3A_409 = arith.constant 0 : i32
      %dma_start3A_410 = arith.constant 0 : i32
      %dma_start3A_411 = tpu.memref_slice %arg2[%dma_start3A_409, %dma_start3A_410] : memref<10000x16xf32, #tpu.memory_space<hbm>> -> memref<10000x16xf32, #tpu.memory_space<hbm>>
      tpu.enqueue_indirect_dma source(%dma_start3A_411 : memref<10000x16xf32, #tpu.memory_space<hbm>>) target(%arg12 : memref<128x16xf32, #tpu.memory_space<vmem>>) offsets(%dma_start3A_408 : memref<128xi32, #tpu.memory_space<vmem>>) semaphore(%arg22 : memref<!tpu.dma_semaphore, #tpu.memory_space<semaphore_mem>>)
      %add3A_412 = arith.constant 3 : i32
      %add3A_413 = arith.addi %mul3A_192, %add3A_412 : i32
      %dma_wait3A_414 = arith.constant 0 : i32
      %dma_wait3A_415 = tpu.memref_slice %arg7[%add3A_413, %dma_wait3A_414] : memref<80x128xi32, #tpu.memory_space<vmem>> -> memref<1x128xi32, #tpu.memory_space<vmem>>
      %dma_wait3A_416 = tpu.memref_squeeze %dma_wait3A_415 : memref<1x128xi32, #tpu.memory_space<vmem>> -> memref<128xi32, #tpu.memory_space<vmem>>
      %dma_wait3A_417 = arith.constant 0 : i32
      %dma_wait3A_418 = arith.constant 0 : i32
      %dma_wait3A_419 = tpu.memref_slice %arg8[%dma_wait3A_417, %dma_wait3A_418] : memref<10016x16xf32, #tpu.memory_space<vmem_shared>> -> memref<10016x16xf32, #tpu.memory_space<vmem_shared>>
      tpu.wait_indirect_dma semaphore(%arg33 : memref<!tpu.dma_semaphore, #tpu.memory_space<semaphore_mem>>) src(%arg13 : memref<128x16xf32, #tpu.memory_space<vmem>>) dst(%dma_wait3A_419 : memref<10016x16xf32, #tpu.memory_space<vmem_shared>>)
      %add3A_420 = arith.constant 10 : i32
      %add3A_421 = arith.addi %mul3A_192, %add3A_420 : i32
      %add3A_422 = arith.constant 3 : i32
      %add3A_423 = arith.addi %add3A_421, %add3A_422 : i32
      %rem3A_424 = arith.constant 80 : i32
      %rem3A_425 = arith.remsi %add3A_423, %rem3A_424 : i32
      %dma_start3A_426 = arith.constant 0 : i32
      %dma_start3A_427 = tpu.memref_slice %arg9[%rem3A_425, %dma_start3A_426] : memref<80x128xi32, #tpu.memory_space<vmem>> -> memref<1x128xi32, #tpu.memory_space<vmem>>
      %dma_start3A_428 = tpu.memref_squeeze %dma_start3A_427 : memref<1x128xi32, #tpu.memory_space<vmem>> -> memref<128xi32, #tpu.memory_space<vmem>>
      %dma_start3A_429 = arith.constant 0 : i32
      %dma_start3A_430 = arith.constant 0 : i32
      %dma_start3A_431 = tpu.memref_slice %arg2[%dma_start3A_429, %dma_start3A_430] : memref<10000x16xf32, #tpu.memory_space<hbm>> -> memref<10000x16xf32, #tpu.memory_space<hbm>>
      tpu.enqueue_indirect_dma source(%dma_start3A_431 : memref<10000x16xf32, #tpu.memory_space<hbm>>) target(%arg13 : memref<128x16xf32, #tpu.memory_space<vmem>>) offsets(%dma_start3A_428 : memref<128xi32, #tpu.memory_space<vmem>>) semaphore(%arg23 : memref<!tpu.dma_semaphore, #tpu.memory_space<semaphore_mem>>)
      %add3A_432 = arith.constant 4 : i32
      %add3A_433 = arith.addi %mul3A_192, %add3A_432 : i32
      %dma_wait3A_434 = arith.constant 0 : i32
      %dma_wait3A_435 = tpu.memref_slice %arg7[%add3A_433, %dma_wait3A_434] : memref<80x128xi32, #tpu.memory_space<vmem>> -> memref<1x128xi32, #tpu.memory_space<vmem>>
      %dma_wait3A_436 = tpu.memref_squeeze %dma_wait3A_435 : memref<1x128xi32, #tpu.memory_space<vmem>> -> memref<128xi32, #tpu.memory_space<vmem>>
      %dma_wait3A_437 = arith.constant 0 : i32
      %dma_wait3A_438 = arith.constant 0 : i32
      %dma_wait3A_439 = tpu.memref_slice %arg8[%dma_wait3A_437, %dma_wait3A_438] : memref<10016x16xf32, #tpu.memory_space<vmem_shared>> -> memref<10016x16xf32, #tpu.memory_space<vmem_shared>>
      tpu.wait_indirect_dma semaphore(%arg34 : memref<!tpu.dma_semaphore, #tpu.memory_space<semaphore_mem>>) src(%arg14 : memref<128x16xf32, #tpu.memory_space<vmem>>) dst(%dma_wait3A_439 : memref<10016x16xf32, #tpu.memory_space<vmem_shared>>)
      %add3A_440 = arith.constant 10 : i32
      %add3A_441 = arith.addi %mul3A_192, %add3A_440 : i32
      %add3A_442 = arith.constant 4 : i32
      %add3A_443 = arith.addi %add3A_441, %add3A_442 : i32
      %rem3A_444 = arith.constant 80 : i32
      %rem3A_445 = arith.remsi %add3A_443, %rem3A_444 : i32
      %dma_start3A_446 = arith.constant 0 : i32
      %dma_start3A_447 = tpu.memref_slice %arg9[%rem3A_445, %dma_start3A_446] : memref<80x128xi32, #tpu.memory_space<vmem>> -> memref<1x128xi32, #tpu.memory_space<vmem>>
      %dma_start3A_448 = tpu.memref_squeeze %dma_start3A_447 : memref<1x128xi32, #tpu.memory_space<vmem>> -> memref<128xi32, #tpu.memory_space<vmem>>
      %dma_start3A_449 = arith.constant 0 : i32
      %dma_start3A_450 = arith.constant 0 : i32
      %dma_start3A_451 = tpu.memref_slice %arg2[%dma_start3A_449, %dma_start3A_450] : memref<10000x16xf32, #tpu.memory_space<hbm>> -> memref<10000x16xf32, #tpu.memory_space<hbm>>
      tpu.enqueue_indirect_dma source(%dma_start3A_451 : memref<10000x16xf32, #tpu.memory_space<hbm>>) target(%arg14 : memref<128x16xf32, #tpu.memory_space<vmem>>) offsets(%dma_start3A_448 : memref<128xi32, #tpu.memory_space<vmem>>) semaphore(%arg24 : memref<!tpu.dma_semaphore, #tpu.memory_space<semaphore_mem>>)
      %add3A_452 = arith.constant 5 : i32
      %add3A_453 = arith.addi %mul3A_192, %add3A_452 : i32
      %dma_wait3A_454 = arith.constant 0 : i32
      %dma_wait3A_455 = tpu.memref_slice %arg7[%add3A_453, %dma_wait3A_454] : memref<80x128xi32, #tpu.memory_space<vmem>> -> memref<1x128xi32, #tpu.memory_space<vmem>>
      %dma_wait3A_456 = tpu.memref_squeeze %dma_wait3A_455 : memref<1x128xi32, #tpu.memory_space<vmem>> -> memref<128xi32, #tpu.memory_space<vmem>>
      %dma_wait3A_457 = arith.constant 0 : i32
      %dma_wait3A_458 = arith.constant 0 : i32
      %dma_wait3A_459 = tpu.memref_slice %arg8[%dma_wait3A_457, %dma_wait3A_458] : memref<10016x16xf32, #tpu.memory_space<vmem_shared>> -> memref<10016x16xf32, #tpu.memory_space<vmem_shared>>
      tpu.wait_indirect_dma semaphore(%arg35 : memref<!tpu.dma_semaphore, #tpu.memory_space<semaphore_mem>>) src(%arg15 : memref<128x16xf32, #tpu.memory_space<vmem>>) dst(%dma_wait3A_459 : memref<10016x16xf32, #tpu.memory_space<vmem_shared>>)
      %add3A_460 = arith.constant 10 : i32
      %add3A_461 = arith.addi %mul3A_192, %add3A_460 : i32
      %add3A_462 = arith.constant 5 : i32
      %add3A_463 = arith.addi %add3A_461, %add3A_462 : i32
      %rem3A_464 = arith.constant 80 : i32
      %rem3A_465 = arith.remsi %add3A_463, %rem3A_464 : i32
      %dma_start3A_466 = arith.constant 0 : i32
      %dma_start3A_467 = tpu.memref_slice %arg9[%rem3A_465, %dma_start3A_466] : memref<80x128xi32, #tpu.memory_space<vmem>> -> memref<1x128xi32, #tpu.memory_space<vmem>>
      %dma_start3A_468 = tpu.memref_squeeze %dma_start3A_467 : memref<1x128xi32, #tpu.memory_space<vmem>> -> memref<128xi32, #tpu.memory_space<vmem>>
      %dma_start3A_469 = arith.constant 0 : i32
      %dma_start3A_470 = arith.constant 0 : i32
      %dma_start3A_471 = tpu.memref_slice %arg2[%dma_start3A_469, %dma_start3A_470] : memref<10000x16xf32, #tpu.memory_space<hbm>> -> memref<10000x16xf32, #tpu.memory_space<hbm>>
      tpu.enqueue_indirect_dma source(%dma_start3A_471 : memref<10000x16xf32, #tpu.memory_space<hbm>>) target(%arg15 : memref<128x16xf32, #tpu.memory_space<vmem>>) offsets(%dma_start3A_468 : memref<128xi32, #tpu.memory_space<vmem>>) semaphore(%arg25 : memref<!tpu.dma_semaphore, #tpu.memory_space<semaphore_mem>>)
      %add3A_472 = arith.constant 6 : i32
      %add3A_473 = arith.addi %mul3A_192, %add3A_472 : i32
      %dma_wait3A_474 = arith.constant 0 : i32
      %dma_wait3A_475 = tpu.memref_slice %arg7[%add3A_473, %dma_wait3A_474] : memref<80x128xi32, #tpu.memory_space<vmem>> -> memref<1x128xi32, #tpu.memory_space<vmem>>
      %dma_wait3A_476 = tpu.memref_squeeze %dma_wait3A_475 : memref<1x128xi32, #tpu.memory_space<vmem>> -> memref<128xi32, #tpu.memory_space<vmem>>
      %dma_wait3A_477 = arith.constant 0 : i32
      %dma_wait3A_478 = arith.constant 0 : i32
      %dma_wait3A_479 = tpu.memref_slice %arg8[%dma_wait3A_477, %dma_wait3A_478] : memref<10016x16xf32, #tpu.memory_space<vmem_shared>> -> memref<10016x16xf32, #tpu.memory_space<vmem_shared>>
      tpu.wait_indirect_dma semaphore(%arg36 : memref<!tpu.dma_semaphore, #tpu.memory_space<semaphore_mem>>) src(%arg16 : memref<128x16xf32, #tpu.memory_space<vmem>>) dst(%dma_wait3A_479 : memref<10016x16xf32, #tpu.memory_space<vmem_shared>>)
      %add3A_480 = arith.constant 10 : i32
      %add3A_481 = arith.addi %mul3A_192, %add3A_480 : i32
      %add3A_482 = arith.constant 6 : i32
      %add3A_483 = arith.addi %add3A_481, %add3A_482 : i32
      %rem3A_484 = arith.constant 80 : i32
      %rem3A_485 = arith.remsi %add3A_483, %rem3A_484 : i32
      %dma_start3A_486 = arith.constant 0 : i32
      %dma_start3A_487 = tpu.memref_slice %arg9[%rem3A_485, %dma_start3A_486] : memref<80x128xi32, #tpu.memory_space<vmem>> -> memref<1x128xi32, #tpu.memory_space<vmem>>
      %dma_start3A_488 = tpu.memref_squeeze %dma_start3A_487 : memref<1x128xi32, #tpu.memory_space<vmem>> -> memref<128xi32, #tpu.memory_space<vmem>>
      %dma_start3A_489 = arith.constant 0 : i32
      %dma_start3A_490 = arith.constant 0 : i32
      %dma_start3A_491 = tpu.memref_slice %arg2[%dma_start3A_489, %dma_start3A_490] : memref<10000x16xf32, #tpu.memory_space<hbm>> -> memref<10000x16xf32, #tpu.memory_space<hbm>>
      tpu.enqueue_indirect_dma source(%dma_start3A_491 : memref<10000x16xf32, #tpu.memory_space<hbm>>) target(%arg16 : memref<128x16xf32, #tpu.memory_space<vmem>>) offsets(%dma_start3A_488 : memref<128xi32, #tpu.memory_space<vmem>>) semaphore(%arg26 : memref<!tpu.dma_semaphore, #tpu.memory_space<semaphore_mem>>)
      %add3A_492 = arith.constant 7 : i32
      %add3A_493 = arith.addi %mul3A_192, %add3A_492 : i32
      %dma_wait3A_494 = arith.constant 0 : i32
      %dma_wait3A_495 = tpu.memref_slice %arg7[%add3A_493, %dma_wait3A_494] : memref<80x128xi32, #tpu.memory_space<vmem>> -> memref<1x128xi32, #tpu.memory_space<vmem>>
      %dma_wait3A_496 = tpu.memref_squeeze %dma_wait3A_495 : memref<1x128xi32, #tpu.memory_space<vmem>> -> memref<128xi32, #tpu.memory_space<vmem>>
      %dma_wait3A_497 = arith.constant 0 : i32
      %dma_wait3A_498 = arith.constant 0 : i32
      %dma_wait3A_499 = tpu.memref_slice %arg8[%dma_wait3A_497, %dma_wait3A_498] : memref<10016x16xf32, #tpu.memory_space<vmem_shared>> -> memref<10016x16xf32, #tpu.memory_space<vmem_shared>>
      tpu.wait_indirect_dma semaphore(%arg37 : memref<!tpu.dma_semaphore, #tpu.memory_space<semaphore_mem>>) src(%arg17 : memref<128x16xf32, #tpu.memory_space<vmem>>) dst(%dma_wait3A_499 : memref<10016x16xf32, #tpu.memory_space<vmem_shared>>)
      %add3A_500 = arith.constant 10 : i32
      %add3A_501 = arith.addi %mul3A_192, %add3A_500 : i32
      %add3A_502 = arith.constant 7 : i32
      %add3A_503 = arith.addi %add3A_501, %add3A_502 : i32
      %rem3A_504 = arith.constant 80 : i32
      %rem3A_505 = arith.remsi %add3A_503, %rem3A_504 : i32
      %dma_start3A_506 = arith.constant 0 : i32
      %dma_start3A_507 = tpu.memref_slice %arg9[%rem3A_505, %dma_start3A_506] : memref<80x128xi32, #tpu.memory_space<vmem>> -> memref<1x128xi32, #tpu.memory_space<vmem>>
      %dma_start3A_508 = tpu.memref_squeeze %dma_start3A_507 : memref<1x128xi32, #tpu.memory_space<vmem>> -> memref<128xi32, #tpu.memory_space<vmem>>
      %dma_start3A_509 = arith.constant 0 : i32
      %dma_start3A_510 = arith.constant 0 : i32
      %dma_start3A_511 = tpu.memref_slice %arg2[%dma_start3A_509, %dma_start3A_510] : memref<10000x16xf32, #tpu.memory_space<hbm>> -> memref<10000x16xf32, #tpu.memory_space<hbm>>
      tpu.enqueue_indirect_dma source(%dma_start3A_511 : memref<10000x16xf32, #tpu.memory_space<hbm>>) target(%arg17 : memref<128x16xf32, #tpu.memory_space<vmem>>) offsets(%dma_start3A_508 : memref<128xi32, #tpu.memory_space<vmem>>) semaphore(%arg27 : memref<!tpu.dma_semaphore, #tpu.memory_space<semaphore_mem>>)
      %add3A_512 = arith.constant 8 : i32
      %add3A_513 = arith.addi %mul3A_192, %add3A_512 : i32
      %dma_wait3A_514 = arith.constant 0 : i32
      %dma_wait3A_515 = tpu.memref_slice %arg7[%add3A_513, %dma_wait3A_514] : memref<80x128xi32, #tpu.memory_space<vmem>> -> memref<1x128xi32, #tpu.memory_space<vmem>>
      %dma_wait3A_516 = tpu.memref_squeeze %dma_wait3A_515 : memref<1x128xi32, #tpu.memory_space<vmem>> -> memref<128xi32, #tpu.memory_space<vmem>>
      %dma_wait3A_517 = arith.constant 0 : i32
      %dma_wait3A_518 = arith.constant 0 : i32
      %dma_wait3A_519 = tpu.memref_slice %arg8[%dma_wait3A_517, %dma_wait3A_518] : memref<10016x16xf32, #tpu.memory_space<vmem_shared>> -> memref<10016x16xf32, #tpu.memory_space<vmem_shared>>
      tpu.wait_indirect_dma semaphore(%arg38 : memref<!tpu.dma_semaphore, #tpu.memory_space<semaphore_mem>>) src(%arg18 : memref<128x16xf32, #tpu.memory_space<vmem>>) dst(%dma_wait3A_519 : memref<10016x16xf32, #tpu.memory_space<vmem_shared>>)
      %add3A_520 = arith.constant 10 : i32
      %add3A_521 = arith.addi %mul3A_192, %add3A_520 : i32
      %add3A_522 = arith.constant 8 : i32
      %add3A_523 = arith.addi %add3A_521, %add3A_522 : i32
      %rem3A_524 = arith.constant 80 : i32
      %rem3A_525 = arith.remsi %add3A_523, %rem3A_524 : i32
      %dma_start3A_526 = arith.constant 0 : i32
      %dma_start3A_527 = tpu.memref_slice %arg9[%rem3A_525, %dma_start3A_526] : memref<80x128xi32, #tpu.memory_space<vmem>> -> memref<1x128xi32, #tpu.memory_space<vmem>>
      %dma_start3A_528 = tpu.memref_squeeze %dma_start3A_527 : memref<1x128xi32, #tpu.memory_space<vmem>> -> memref<128xi32, #tpu.memory_space<vmem>>
      %dma_start3A_529 = arith.constant 0 : i32
      %dma_start3A_530 = arith.constant 0 : i32
      %dma_start3A_531 = tpu.memref_slice %arg2[%dma_start3A_529, %dma_start3A_530] : memref<10000x16xf32, #tpu.memory_space<hbm>> -> memref<10000x16xf32, #tpu.memory_space<hbm>>
      tpu.enqueue_indirect_dma source(%dma_start3A_531 : memref<10000x16xf32, #tpu.memory_space<hbm>>) target(%arg18 : memref<128x16xf32, #tpu.memory_space<vmem>>) offsets(%dma_start3A_528 : memref<128xi32, #tpu.memory_space<vmem>>) semaphore(%arg28 : memref<!tpu.dma_semaphore, #tpu.memory_space<semaphore_mem>>)
      %add3A_532 = arith.constant 9 : i32
      %add3A_533 = arith.addi %mul3A_192, %add3A_532 : i32
      %dma_wait3A_534 = arith.constant 0 : i32
      %dma_wait3A_535 = tpu.memref_slice %arg7[%add3A_533, %dma_wait3A_534] : memref<80x128xi32, #tpu.memory_space<vmem>> -> memref<1x128xi32, #tpu.memory_space<vmem>>
      %dma_wait3A_536 = tpu.memref_squeeze %dma_wait3A_535 : memref<1x128xi32, #tpu.memory_space<vmem>> -> memref<128xi32, #tpu.memory_space<vmem>>
      %dma_wait3A_537 = arith.constant 0 : i32
      %dma_wait3A_538 = arith.constant 0 : i32
      %dma_wait3A_539 = tpu.memref_slice %arg8[%dma_wait3A_537, %dma_wait3A_538] : memref<10016x16xf32, #tpu.memory_space<vmem_shared>> -> memref<10016x16xf32, #tpu.memory_space<vmem_shared>>
      tpu.wait_indirect_dma semaphore(%arg39 : memref<!tpu.dma_semaphore, #tpu.memory_space<semaphore_mem>>) src(%arg19 : memref<128x16xf32, #tpu.memory_space<vmem>>) dst(%dma_wait3A_539 : memref<10016x16xf32, #tpu.memory_space<vmem_shared>>)
      %add3A_540 = arith.constant 10 : i32
      %add3A_541 = arith.addi %mul3A_192, %add3A_540 : i32
      %add3A_542 = arith.constant 9 : i32
      %add3A_543 = arith.addi %add3A_541, %add3A_542 : i32
      %rem3A_544 = arith.constant 80 : i32
      %rem3A_545 = arith.remsi %add3A_543, %rem3A_544 : i32
      %dma_start3A_546 = arith.constant 0 : i32
      %dma_start3A_547 = tpu.memref_slice %arg9[%rem3A_545, %dma_start3A_546] : memref<80x128xi32, #tpu.memory_space<vmem>> -> memref<1x128xi32, #tpu.memory_space<vmem>>
      %dma_start3A_548 = tpu.memref_squeeze %dma_start3A_547 : memref<1x128xi32, #tpu.memory_space<vmem>> -> memref<128xi32, #tpu.memory_space<vmem>>
      %dma_start3A_549 = arith.constant 0 : i32
      %dma_start3A_550 = arith.constant 0 : i32
      %dma_start3A_551 = tpu.memref_slice %arg2[%dma_start3A_549, %dma_start3A_550] : memref<10000x16xf32, #tpu.memory_space<hbm>> -> memref<10000x16xf32, #tpu.memory_space<hbm>>
      tpu.enqueue_indirect_dma source(%dma_start3A_551 : memref<10000x16xf32, #tpu.memory_space<hbm>>) target(%arg19 : memref<128x16xf32, #tpu.memory_space<vmem>>) offsets(%dma_start3A_548 : memref<128xi32, #tpu.memory_space<vmem>>) semaphore(%arg29 : memref<!tpu.dma_semaphore, #tpu.memory_space<semaphore_mem>>)
    }
    %dma_wait3A = arith.constant 0 : i32
    %dma_wait3A_116 = arith.constant 0 : i32
    %dma_wait3A_117 = tpu.memref_slice %arg9[%dma_wait3A, %dma_wait3A_116] : memref<80x128xi32, #tpu.memory_space<vmem>> -> memref<1x128xi32, #tpu.memory_space<vmem>>
    %dma_wait3A_118 = tpu.memref_squeeze %dma_wait3A_117 : memref<1x128xi32, #tpu.memory_space<vmem>> -> memref<128xi32, #tpu.memory_space<vmem>>
    %dma_wait3A_119 = arith.constant 0 : i32
    %dma_wait3A_120 = arith.constant 0 : i32
    %dma_wait3A_121 = tpu.memref_slice %arg2[%dma_wait3A_119, %dma_wait3A_120] : memref<10000x16xf32, #tpu.memory_space<hbm>> -> memref<10000x16xf32, #tpu.memory_space<hbm>>
    tpu.wait_indirect_dma semaphore(%arg20 : memref<!tpu.dma_semaphore, #tpu.memory_space<semaphore_mem>>) src(%dma_wait3A_121 : memref<10000x16xf32, #tpu.memory_space<hbm>>) dst(%arg10 : memref<128x16xf32, #tpu.memory_space<vmem>>)
    %dma_wait3A_122 = arith.constant 1 : i32
    %dma_wait3A_123 = arith.constant 0 : i32
    %dma_wait3A_124 = tpu.memref_slice %arg9[%dma_wait3A_122, %dma_wait3A_123] : memref<80x128xi32, #tpu.memory_space<vmem>> -> memref<1x128xi32, #tpu.memory_space<vmem>>
    %dma_wait3A_125 = tpu.memref_squeeze %dma_wait3A_124 : memref<1x128xi32, #tpu.memory_space<vmem>> -> memref<128xi32, #tpu.memory_space<vmem>>
    %dma_wait3A_126 = arith.constant 0 : i32
    %dma_wait3A_127 = arith.constant 0 : i32
    %dma_wait3A_128 = tpu.memref_slice %arg2[%dma_wait3A_126, %dma_wait3A_127] : memref<10000x16xf32, #tpu.memory_space<hbm>> -> memref<10000x16xf32, #tpu.memory_space<hbm>>
    tpu.wait_indirect_dma semaphore(%arg21 : memref<!tpu.dma_semaphore, #tpu.memory_space<semaphore_mem>>) src(%dma_wait3A_128 : memref<10000x16xf32, #tpu.memory_space<hbm>>) dst(%arg11 : memref<128x16xf32, #tpu.memory_space<vmem>>)
    %dma_wait3A_129 = arith.constant 2 : i32
    %dma_wait3A_130 = arith.constant 0 : i32
    %dma_wait3A_131 = tpu.memref_slice %arg9[%dma_wait3A_129, %dma_wait3A_130] : memref<80x128xi32, #tpu.memory_space<vmem>> -> memref<1x128xi32, #tpu.memory_space<vmem>>
    %dma_wait3A_132 = tpu.memref_squeeze %dma_wait3A_131 : memref<1x128xi32, #tpu.memory_space<vmem>> -> memref<128xi32, #tpu.memory_space<vmem>>
    %dma_wait3A_133 = arith.constant 0 : i32
    %dma_wait3A_134 = arith.constant 0 : i32
    %dma_wait3A_135 = tpu.memref_slice %arg2[%dma_wait3A_133, %dma_wait3A_134] : memref<10000x16xf32, #tpu.memory_space<hbm>> -> memref<10000x16xf32, #tpu.memory_space<hbm>>
    tpu.wait_indirect_dma semaphore(%arg22 : memref<!tpu.dma_semaphore, #tpu.memory_space<semaphore_mem>>) src(%dma_wait3A_135 : memref<10000x16xf32, #tpu.memory_space<hbm>>) dst(%arg12 : memref<128x16xf32, #tpu.memory_space<vmem>>)
    %dma_wait3A_136 = arith.constant 3 : i32
    %dma_wait3A_137 = arith.constant 0 : i32
    %dma_wait3A_138 = tpu.memref_slice %arg9[%dma_wait3A_136, %dma_wait3A_137] : memref<80x128xi32, #tpu.memory_space<vmem>> -> memref<1x128xi32, #tpu.memory_space<vmem>>
    %dma_wait3A_139 = tpu.memref_squeeze %dma_wait3A_138 : memref<1x128xi32, #tpu.memory_space<vmem>> -> memref<128xi32, #tpu.memory_space<vmem>>
    %dma_wait3A_140 = arith.constant 0 : i32
    %dma_wait3A_141 = arith.constant 0 : i32
    %dma_wait3A_142 = tpu.memref_slice %arg2[%dma_wait3A_140, %dma_wait3A_141] : memref<10000x16xf32, #tpu.memory_space<hbm>> -> memref<10000x16xf32, #tpu.memory_space<hbm>>
    tpu.wait_indirect_dma semaphore(%arg23 : memref<!tpu.dma_semaphore, #tpu.memory_space<semaphore_mem>>) src(%dma_wait3A_142 : memref<10000x16xf32, #tpu.memory_space<hbm>>) dst(%arg13 : memref<128x16xf32, #tpu.memory_space<vmem>>)
    %dma_wait3A_143 = arith.constant 4 : i32
    %dma_wait3A_144 = arith.constant 0 : i32
    %dma_wait3A_145 = tpu.memref_slice %arg9[%dma_wait3A_143, %dma_wait3A_144] : memref<80x128xi32, #tpu.memory_space<vmem>> -> memref<1x128xi32, #tpu.memory_space<vmem>>
    %dma_wait3A_146 = tpu.memref_squeeze %dma_wait3A_145 : memref<1x128xi32, #tpu.memory_space<vmem>> -> memref<128xi32, #tpu.memory_space<vmem>>
    %dma_wait3A_147 = arith.constant 0 : i32
    %dma_wait3A_148 = arith.constant 0 : i32
    %dma_wait3A_149 = tpu.memref_slice %arg2[%dma_wait3A_147, %dma_wait3A_148] : memref<10000x16xf32, #tpu.memory_space<hbm>> -> memref<10000x16xf32, #tpu.memory_space<hbm>>
    tpu.wait_indirect_dma semaphore(%arg24 : memref<!tpu.dma_semaphore, #tpu.memory_space<semaphore_mem>>) src(%dma_wait3A_149 : memref<10000x16xf32, #tpu.memory_space<hbm>>) dst(%arg14 : memref<128x16xf32, #tpu.memory_space<vmem>>)
    %dma_wait3A_150 = arith.constant 5 : i32
    %dma_wait3A_151 = arith.constant 0 : i32
    %dma_wait3A_152 = tpu.memref_slice %arg9[%dma_wait3A_150, %dma_wait3A_151] : memref<80x128xi32, #tpu.memory_space<vmem>> -> memref<1x128xi32, #tpu.memory_space<vmem>>
    %dma_wait3A_153 = tpu.memref_squeeze %dma_wait3A_152 : memref<1x128xi32, #tpu.memory_space<vmem>> -> memref<128xi32, #tpu.memory_space<vmem>>
    %dma_wait3A_154 = arith.constant 0 : i32
    %dma_wait3A_155 = arith.constant 0 : i32
    %dma_wait3A_156 = tpu.memref_slice %arg2[%dma_wait3A_154, %dma_wait3A_155] : memref<10000x16xf32, #tpu.memory_space<hbm>> -> memref<10000x16xf32, #tpu.memory_space<hbm>>
    tpu.wait_indirect_dma semaphore(%arg25 : memref<!tpu.dma_semaphore, #tpu.memory_space<semaphore_mem>>) src(%dma_wait3A_156 : memref<10000x16xf32, #tpu.memory_space<hbm>>) dst(%arg15 : memref<128x16xf32, #tpu.memory_space<vmem>>)
    %dma_wait3A_157 = arith.constant 6 : i32
    %dma_wait3A_158 = arith.constant 0 : i32
    %dma_wait3A_159 = tpu.memref_slice %arg9[%dma_wait3A_157, %dma_wait3A_158] : memref<80x128xi32, #tpu.memory_space<vmem>> -> memref<1x128xi32, #tpu.memory_space<vmem>>
    %dma_wait3A_160 = tpu.memref_squeeze %dma_wait3A_159 : memref<1x128xi32, #tpu.memory_space<vmem>> -> memref<128xi32, #tpu.memory_space<vmem>>
    %dma_wait3A_161 = arith.constant 0 : i32
    %dma_wait3A_162 = arith.constant 0 : i32
    %dma_wait3A_163 = tpu.memref_slice %arg2[%dma_wait3A_161, %dma_wait3A_162] : memref<10000x16xf32, #tpu.memory_space<hbm>> -> memref<10000x16xf32, #tpu.memory_space<hbm>>
    tpu.wait_indirect_dma semaphore(%arg26 : memref<!tpu.dma_semaphore, #tpu.memory_space<semaphore_mem>>) src(%dma_wait3A_163 : memref<10000x16xf32, #tpu.memory_space<hbm>>) dst(%arg16 : memref<128x16xf32, #tpu.memory_space<vmem>>)
    %dma_wait3A_164 = arith.constant 7 : i32
    %dma_wait3A_165 = arith.constant 0 : i32
    %dma_wait3A_166 = tpu.memref_slice %arg9[%dma_wait3A_164, %dma_wait3A_165] : memref<80x128xi32, #tpu.memory_space<vmem>> -> memref<1x128xi32, #tpu.memory_space<vmem>>
    %dma_wait3A_167 = tpu.memref_squeeze %dma_wait3A_166 : memref<1x128xi32, #tpu.memory_space<vmem>> -> memref<128xi32, #tpu.memory_space<vmem>>
    %dma_wait3A_168 = arith.constant 0 : i32
    %dma_wait3A_169 = arith.constant 0 : i32
    %dma_wait3A_170 = tpu.memref_slice %arg2[%dma_wait3A_168, %dma_wait3A_169] : memref<10000x16xf32, #tpu.memory_space<hbm>> -> memref<10000x16xf32, #tpu.memory_space<hbm>>
    tpu.wait_indirect_dma semaphore(%arg27 : memref<!tpu.dma_semaphore, #tpu.memory_space<semaphore_mem>>) src(%dma_wait3A_170 : memref<10000x16xf32, #tpu.memory_space<hbm>>) dst(%arg17 : memref<128x16xf32, #tpu.memory_space<vmem>>)
    %dma_wait3A_171 = arith.constant 8 : i32
    %dma_wait3A_172 = arith.constant 0 : i32
    %dma_wait3A_173 = tpu.memref_slice %arg9[%dma_wait3A_171, %dma_wait3A_172] : memref<80x128xi32, #tpu.memory_space<vmem>> -> memref<1x128xi32, #tpu.memory_space<vmem>>
    %dma_wait3A_174 = tpu.memref_squeeze %dma_wait3A_173 : memref<1x128xi32, #tpu.memory_space<vmem>> -> memref<128xi32, #tpu.memory_space<vmem>>
    %dma_wait3A_175 = arith.constant 0 : i32
    %dma_wait3A_176 = arith.constant 0 : i32
    %dma_wait3A_177 = tpu.memref_slice %arg2[%dma_wait3A_175, %dma_wait3A_176] : memref<10000x16xf32, #tpu.memory_space<hbm>> -> memref<10000x16xf32, #tpu.memory_space<hbm>>
    tpu.wait_indirect_dma semaphore(%arg28 : memref<!tpu.dma_semaphore, #tpu.memory_space<semaphore_mem>>) src(%dma_wait3A_177 : memref<10000x16xf32, #tpu.memory_space<hbm>>) dst(%arg18 : memref<128x16xf32, #tpu.memory_space<vmem>>)
    %dma_wait3A_178 = arith.constant 9 : i32
    %dma_wait3A_179 = arith.constant 0 : i32
    %dma_wait3A_180 = tpu.memref_slice %arg9[%dma_wait3A_178, %dma_wait3A_179] : memref<80x128xi32, #tpu.memory_space<vmem>> -> memref<1x128xi32, #tpu.memory_space<vmem>>
    %dma_wait3A_181 = tpu.memref_squeeze %dma_wait3A_180 : memref<1x128xi32, #tpu.memory_space<vmem>> -> memref<128xi32, #tpu.memory_space<vmem>>
    %dma_wait3A_182 = arith.constant 0 : i32
    %dma_wait3A_183 = arith.constant 0 : i32
    %dma_wait3A_184 = tpu.memref_slice %arg2[%dma_wait3A_182, %dma_wait3A_183] : memref<10000x16xf32, #tpu.memory_space<hbm>> -> memref<10000x16xf32, #tpu.memory_space<hbm>>
    tpu.wait_indirect_dma semaphore(%arg29 : memref<!tpu.dma_semaphore, #tpu.memory_space<semaphore_mem>>) src(%dma_wait3A_184 : memref<10000x16xf32, #tpu.memory_space<hbm>>) dst(%arg19 : memref<128x16xf32, #tpu.memory_space<vmem>>)
    %barrier3A_185 = arith.constant 0 : index
    tpu.barrier barrier_id(%barrier3A_185)
    %mul3A_186 = arith.constant 626 : i32
    %mul3A_187 = arith.muli %arg1, %mul3A_186 : i32
    %mul3A_188 = arith.constant 626 : i32
    %mul3A_189 = arith.muli %add3A, %mul3A_188 : i32
    "tpu.region"() ({
      %run_scoped3A = tpu.sem_alloc : memref<!tpu.dma_semaphore, #tpu.memory_space<semaphore_mem>>
      %dma_start3A_190 = arith.constant 0 : i32
      %dma_start3A_191 = tpu.memref_slice %arg6[%mul3A_189, %dma_start3A_190] : memref<20032x16xf32, #tpu.memory_space<hbm>> -> memref<626x16xf32, #tpu.memory_space<hbm>>
      %dma_start3A_192 = arith.constant 0 : i32
      %dma_start3A_193 = tpu.memref_slice %arg8[%mul3A_187, %dma_start3A_192] : memref<10016x16xf32, #tpu.memory_space<vmem_shared>> -> memref<626x16xf32, #tpu.memory_space<vmem_shared>>
      tpu.enqueue_dma source(%dma_start3A_193 : memref<626x16xf32, #tpu.memory_space<vmem_shared>>) target(%dma_start3A_191 : memref<626x16xf32, #tpu.memory_space<hbm>>) target_semaphore(%run_scoped3A : memref<!tpu.dma_semaphore, #tpu.memory_space<semaphore_mem>>)
      %dma_wait3A_194 = arith.constant 0 : i32
      %dma_wait3A_195 = tpu.memref_slice %arg6[%mul3A_189, %dma_wait3A_194] : memref<20032x16xf32, #tpu.memory_space<hbm>> -> memref<626x16xf32, #tpu.memory_space<hbm>>
      %dma_wait3A_196 = arith.constant 0 : i32
      %dma_wait3A_197 = tpu.memref_slice %arg8[%mul3A_187, %dma_wait3A_196] : memref<10016x16xf32, #tpu.memory_space<vmem_shared>> -> memref<626x16xf32, #tpu.memory_space<vmem_shared>>
      tpu.wait_dma2 semaphore(%run_scoped3A : memref<!tpu.dma_semaphore, #tpu.memory_space<semaphore_mem>>) src(%dma_wait3A_197 : memref<626x16xf32, #tpu.memory_space<vmem_shared>>) dst(%dma_wait3A_195 : memref<626x16xf32, #tpu.memory_space<hbm>>)
      tpu.yield
    }) : () -> ()
    return
  }
}

module attributes {stable_mosaic.version = 14 : i64} {
  func.func @_tc_xw(%arg0: memref<10000x128xf32, #tpu.memory_space<vmem>>, %arg1: memref<128x16xf32, #tpu.memory_space<vmem>>, %arg2: memref<10000x16xf32, #tpu.memory_space<vmem>>) attributes {dimension_semantics = [], scalar_prefetch = 0 : i64, scratch_operands = 0 : i64, tpu.core_type = #tpu.core_type<tc>} {
    %get3A = arith.constant 0 : index
    %get3A_0 = arith.constant 0 : index
    %get3A_1 = vector.load %arg0[%get3A, %get3A_0] : memref<10000x128xf32, #tpu.memory_space<vmem>>, vector<10000x128xf32>
    %get3A_2 = arith.constant 0 : index
    %get3A_3 = arith.constant 0 : index
    %get3A_4 = vector.load %arg1[%get3A_2, %get3A_3] : memref<128x16xf32, #tpu.memory_space<vmem>>, vector<128x16xf32>
    %dot_general3A = arith.constant dense<0.000000e+00> : vector<10000x16xf32>
    %dot_general3A_5 = tpu.matmul %get3A_1, %get3A_4, %dot_general3A {dimension_numbers = #tpu.dot_dimension_numbers<[1], [0], [0], [1], [0, 0, 1, 1], [], []>, transpose_lhs_hint = false} : vector<10000x128xf32>, vector<128x16xf32>, vector<10000x16xf32> -> vector<10000x16xf32>
    %swap3A = arith.constant 0 : index
    %swap3A_6 = arith.constant 0 : index
    %swap3A_7 = vector.load %arg2[%swap3A, %swap3A_6] : memref<10000x16xf32, #tpu.memory_space<vmem>>, vector<10000x16xf32>
    tpu.vector_store %arg2[%swap3A, %swap3A_6], %dot_general3A_5 {strides = array<i32>} : memref<10000x16xf32, #tpu.memory_space<vmem>>, vector<10000x16xf32>,
    return
  }
}

module attributes {stable_mosaic.version = 14 : i64} {
  func.func @_tc_y1(%arg0: memref<20032x16xf32, #tpu.memory_space<vmem>>, %arg1: memref<10000x16xf32, #tpu.memory_space<vmem>>, %arg2: memref<10000x16xf32, #tpu.memory_space<vmem>>) attributes {dimension_semantics = [], scalar_prefetch = 0 : i64, scratch_operands = 0 : i64, tpu.core_type = #tpu.core_type<tc>} {
    %get3A = arith.constant 0 : index
    %get3A_0 = arith.constant 0 : index
    %get3A_1 = vector.load %arg0[%get3A, %get3A_0] : memref<20032x16xf32, #tpu.memory_space<vmem>>, vector<10000x1xf32>
    %get3A_2 = vector.shape_cast %get3A_1 : vector<10000x1xf32> to vector<10000xf32>
    %get3A_3 = arith.constant 10016 : index
    %get3A_4 = arith.constant 0 : index
    %get3A_5 = vector.load %arg0[%get3A_3, %get3A_4] : memref<20032x16xf32, #tpu.memory_space<vmem>>, vector<10000x1xf32>
    %get3A_6 = vector.shape_cast %get3A_5 : vector<10000x1xf32> to vector<10000xf32>
    %add3A = arith.addf %get3A_2, %get3A_6 : vector<10000xf32>
    %add3A_7 = arith.constant 1.000000e+00 : f32
    %add3A_8 = vector.broadcast %add3A_7 : f32 to vector<10000xf32>
    %add3A_9 = arith.addf %add3A, %add3A_8 : vector<10000xf32>
    %rsqrt3A = math.rsqrt %add3A_9 : vector<10000xf32>
    %get3A_10 = arith.constant 0 : index
    %get3A_11 = arith.constant 0 : index
    %get3A_12 = vector.load %arg1[%get3A_10, %get3A_11] : memref<10000x16xf32, #tpu.memory_space<vmem>>, vector<10000x16xf32>
    %broadcast_in_dim3A = vector.shape_cast %rsqrt3A : vector<10000xf32> to vector<10000x1xf32>
    %mul3A = vector.broadcast %broadcast_in_dim3A : vector<10000x1xf32> to vector<10000x16xf32>
    %mul3A_13 = arith.mulf %get3A_12, %mul3A : vector<10000x16xf32>
    %swap3A = arith.constant 0 : index
    %swap3A_14 = arith.constant 0 : index
    %swap3A_15 = vector.load %arg2[%swap3A, %swap3A_14] : memref<10000x16xf32, #tpu.memory_space<vmem>>, vector<10000x16xf32>
    tpu.vector_store %arg2[%swap3A, %swap3A_14], %mul3A_13 {strides = array<i32>} : memref<10000x16xf32, #tpu.memory_space<vmem>>, vector<10000x16xf32>,
    return
  }
}

module attributes {stable_mosaic.version = 14 : i64} {
  func.func @_tc_y2(%arg0: memref<20032x16xf32, #tpu.memory_space<vmem>>, %arg1: memref<20032x16xf32, #tpu.memory_space<vmem>>, %arg2: memref<10000x16xf32, #tpu.memory_space<vmem>>, %arg3: memref<16xf32, #tpu.memory_space<vmem>>, %arg4: memref<10000x16xf32, #tpu.memory_space<vmem>>) attributes {dimension_semantics = [], scalar_prefetch = 0 : i64, scratch_operands = 0 : i64, tpu.core_type = #tpu.core_type<tc>} {
    %get3A = arith.constant 0 : index
    %get3A_0 = arith.constant 0 : index
    %get3A_1 = vector.load %arg0[%get3A, %get3A_0] : memref<20032x16xf32, #tpu.memory_space<vmem>>, vector<10000x1xf32>
    %get3A_2 = vector.shape_cast %get3A_1 : vector<10000x1xf32> to vector<10000xf32>
    %get3A_3 = arith.constant 10016 : index
    %get3A_4 = arith.constant 0 : index
    %get3A_5 = vector.load %arg0[%get3A_3, %get3A_4] : memref<20032x16xf32, #tpu.memory_space<vmem>>, vector<10000x1xf32>
    %get3A_6 = vector.shape_cast %get3A_5 : vector<10000x1xf32> to vector<10000xf32>
    %add3A = arith.addf %get3A_2, %get3A_6 : vector<10000xf32>
    %add3A_7 = arith.constant 1.000000e+00 : f32
    %add3A_8 = vector.broadcast %add3A_7 : f32 to vector<10000xf32>
    %add3A_9 = arith.addf %add3A, %add3A_8 : vector<10000xf32>
    %rsqrt3A = math.rsqrt %add3A_9 : vector<10000xf32>
    %get3A_10 = arith.constant 0 : index
    %get3A_11 = arith.constant 0 : index
    %get3A_12 = vector.load %arg1[%get3A_10, %get3A_11] : memref<20032x16xf32, #tpu.memory_space<vmem>>, vector<10000x16xf32>
    %get3A_13 = arith.constant 10016 : index
    %get3A_14 = arith.constant 0 : index
    %get3A_15 = vector.load %arg1[%get3A_13, %get3A_14] : memref<20032x16xf32, #tpu.memory_space<vmem>>, vector<10000x16xf32>
    %add3A_16 = arith.addf %get3A_12, %get3A_15 : vector<10000x16xf32>
    %get3A_17 = arith.constant 0 : index
    %get3A_18 = arith.constant 0 : index
    %get3A_19 = vector.load %arg2[%get3A_17, %get3A_18] : memref<10000x16xf32, #tpu.memory_space<vmem>>, vector<10000x16xf32>
    %add3A_20 = arith.addf %add3A_16, %get3A_19 : vector<10000x16xf32>
    %broadcast_in_dim3A = vector.shape_cast %rsqrt3A : vector<10000xf32> to vector<10000x1xf32>
    %mul3A = vector.broadcast %broadcast_in_dim3A : vector<10000x1xf32> to vector<10000x16xf32>
    %mul3A_21 = arith.mulf %mul3A, %add3A_20 : vector<10000x16xf32>
    %get3A_22 = arith.constant 0 : index
    %get3A_23 = vector.load %arg3[%get3A_22] : memref<16xf32, #tpu.memory_space<vmem>>, vector<16xf32>
    %broadcast_in_dim3A_24 = vector.shape_cast %get3A_23 : vector<16xf32> to vector<1x16xf32>
    %add3A_25 = vector.broadcast %broadcast_in_dim3A_24 : vector<1x16xf32> to vector<10000x16xf32>
    %add3A_26 = arith.addf %mul3A_21, %add3A_25 : vector<10000x16xf32>
    %max3A = arith.constant 0.000000e+00 : f32
    %max3A_27 = vector.broadcast %max3A : f32 to vector<10000x16xf32>
    %max3A_28 = arith.maximumf %add3A_26, %max3A_27 : vector<10000x16xf32>
    %broadcast_in_dim3A_29 = vector.shape_cast %rsqrt3A : vector<10000xf32> to vector<10000x1xf32>
    %mul3A_30 = vector.broadcast %broadcast_in_dim3A_29 : vector<10000x1xf32> to vector<10000x16xf32>
    %mul3A_31 = arith.mulf %max3A_28, %mul3A_30 : vector<10000x16xf32>
    %swap3A = arith.constant 0 : index
    %swap3A_32 = arith.constant 0 : index
    %swap3A_33 = vector.load %arg4[%swap3A, %swap3A_32] : memref<10000x16xf32, #tpu.memory_space<vmem>>, vector<10000x16xf32>
    tpu.vector_store %arg4[%swap3A, %swap3A_32], %mul3A_31 {strides = array<i32>} : memref<10000x16xf32, #tpu.memory_space<vmem>>, vector<10000x16xf32>,
    return
  }
}

module attributes {stable_mosaic.version = 14 : i64} {
  func.func @_tc_out(%arg0: memref<20032x16xf32, #tpu.memory_space<vmem>>, %arg1: memref<20032x16xf32, #tpu.memory_space<vmem>>, %arg2: memref<10000x16xf32, #tpu.memory_space<vmem>>, %arg3: memref<16x40xf32, #tpu.memory_space<vmem>>, %arg4: memref<40xf32, #tpu.memory_space<vmem>>, %arg5: memref<10000x40xf32, #tpu.memory_space<vmem>>) attributes {dimension_semantics = [], scalar_prefetch = 0 : i64, scratch_operands = 0 : i64, tpu.core_type = #tpu.core_type<tc>} {
    %get3A = arith.constant 0 : index
    %get3A_0 = arith.constant 0 : index
    %get3A_1 = vector.load %arg0[%get3A, %get3A_0] : memref<20032x16xf32, #tpu.memory_space<vmem>>, vector<10000x1xf32>
    %get3A_2 = vector.shape_cast %get3A_1 : vector<10000x1xf32> to vector<10000xf32>
    %get3A_3 = arith.constant 10016 : index
    %get3A_4 = arith.constant 0 : index
    %get3A_5 = vector.load %arg0[%get3A_3, %get3A_4] : memref<20032x16xf32, #tpu.memory_space<vmem>>, vector<10000x1xf32>
    %get3A_6 = vector.shape_cast %get3A_5 : vector<10000x1xf32> to vector<10000xf32>
    %add3A = arith.addf %get3A_2, %get3A_6 : vector<10000xf32>
    %add3A_7 = arith.constant 1.000000e+00 : f32
    %add3A_8 = vector.broadcast %add3A_7 : f32 to vector<10000xf32>
    %add3A_9 = arith.addf %add3A, %add3A_8 : vector<10000xf32>
    %rsqrt3A = math.rsqrt %add3A_9 : vector<10000xf32>
    %broadcast_in_dim3A = vector.shape_cast %rsqrt3A : vector<10000xf32> to vector<10000x1xf32>
    %get3A_10 = arith.constant 0 : index
    %get3A_11 = arith.constant 0 : index
    %get3A_12 = vector.load %arg1[%get3A_10, %get3A_11] : memref<20032x16xf32, #tpu.memory_space<vmem>>, vector<10000x16xf32>
    %get3A_13 = arith.constant 10016 : index
    %get3A_14 = arith.constant 0 : index
    %get3A_15 = vector.load %arg1[%get3A_13, %get3A_14] : memref<20032x16xf32, #tpu.memory_space<vmem>>, vector<10000x16xf32>
    %add3A_16 = arith.addf %get3A_12, %get3A_15 : vector<10000x16xf32>
    %get3A_17 = arith.constant 0 : index
    %get3A_18 = arith.constant 0 : index
    %get3A_19 = vector.load %arg2[%get3A_17, %get3A_18] : memref<10000x16xf32, #tpu.memory_space<vmem>>, vector<10000x16xf32>
    %add3A_20 = arith.addf %add3A_16, %get3A_19 : vector<10000x16xf32>
    %mul3A = vector.broadcast %broadcast_in_dim3A : vector<10000x1xf32> to vector<10000x16xf32>
    %mul3A_21 = arith.mulf %mul3A, %add3A_20 : vector<10000x16xf32>
    %get3A_22 = arith.constant 0 : index
    %get3A_23 = arith.constant 0 : index
    %get3A_24 = vector.load %arg3[%get3A_22, %get3A_23] : memref<16x40xf32, #tpu.memory_space<vmem>>, vector<16x40xf32>
    %dot_general3A = arith.constant dense<0.000000e+00> : vector<10000x40xf32>
    %dot_general3A_25 = tpu.matmul %mul3A_21, %get3A_24, %dot_general3A {dimension_numbers = #tpu.dot_dimension_numbers<[1], [0], [0], [1], [0, 0, 1, 1], [], []>, transpose_lhs_hint = false} : vector<10000x16xf32>, vector<16x40xf32>, vector<10000x40xf32> -> vector<10000x40xf32>
    %get3A_26 = arith.constant 0 : index
    %get3A_27 = vector.load %arg4[%get3A_26] : memref<40xf32, #tpu.memory_space<vmem>>, vector<40xf32>
    %broadcast_in_dim3A_28 = vector.shape_cast %get3A_27 : vector<40xf32> to vector<1x40xf32>
    %add3A_29 = vector.broadcast %broadcast_in_dim3A_28 : vector<1x40xf32> to vector<10000x40xf32>
    %add3A_30 = arith.addf %dot_general3A_25, %add3A_29 : vector<10000x40xf32>
    %reduce_max3A = arith.constant dense<0xFF800000> : vector<10000xf32>
    %reduce_max3A_31 = vector.multi_reduction <maximumf>, %add3A_30, %reduce_max3A [1] : vector<10000x40xf32> to vector<10000xf32>
    %broadcast_in_dim3A_32 = vector.shape_cast %reduce_max3A_31 : vector<10000xf32> to vector<10000x1xf32>
    %sub3A = vector.broadcast %broadcast_in_dim3A_32 : vector<10000x1xf32> to vector<10000x40xf32>
    %sub3A_33 = arith.subf %add3A_30, %sub3A : vector<10000x40xf32>
    %exp3A = math.exp %sub3A_33 : vector<10000x40xf32>
    %reduce_sum3A = arith.constant dense<0.000000e+00> : vector<10000xf32>
    %reduce_sum3A_34 = vector.multi_reduction <add>, %exp3A, %reduce_sum3A [1] : vector<10000x40xf32> to vector<10000xf32>
    %broadcast_in_dim3A_35 = vector.shape_cast %reduce_sum3A_34 : vector<10000xf32> to vector<10000x1xf32>
    %log3A = math.log %broadcast_in_dim3A_35 : vector<10000x1xf32>
    %sub3A_36 = vector.broadcast %log3A : vector<10000x1xf32> to vector<10000x40xf32>
    %sub3A_37 = arith.subf %sub3A_33, %sub3A_36 : vector<10000x40xf32>
    %swap3A = arith.constant 0 : index
    %swap3A_38 = arith.constant 0 : index
    %swap3A_39 = vector.load %arg5[%swap3A, %swap3A_38] : memref<10000x40xf32, #tpu.memory_space<vmem>>, vector<10000x40xf32>
    tpu.vector_store %arg5[%swap3A, %swap3A_38], %sub3A_37 {strides = array<i32>} : memref<10000x40xf32, #tpu.memory_space<vmem>>, vector<10000x40xf32>,
    return
  }
}

</mosaic_0001>

<sc_bundles>
// kernel: kernel.12.cloned.1.call-start
scs
__scs_entry_jumppad:
0x0: {  	(pc) =	sbr.rel $0x88, $3  }
0x1: {  	(tag) =	ssettag $0x0;
	lr =	simm.s32 $0x1  }
0x2: {  	[smem:$0x3F9B] =	sst lr;
	_ =	strace $0xD0000000  }
0x3: {  	_ = 	snop  }
0x4: {  	_ = 	snop  }
0x5: {  	_ = 	snop  }
0x6: {  	_ = 	snop  }
0x7: {  	_ = 	snop  }
__scs_overlays_trampoline_lowered:
0x8: {  	[smem:$0x3FAA] =	sst s0  }
0x9: {  	[smem:$0x3FAB] =	sst s1  }
0xa: {  	[smem:$0x3FAC] =	sst s2  }
0xb: {  	[smem:$0x3FAD] =	sst s3  }
0xc: {  	[smem:$0x3FAE] =	sst s4  }
0xd: {  	[smem:$0x3FAF] =	sst s5  }
0xe: {  	[smem:$0x3FB0] =	sst s6  }
0xf: {  	[smem:$0x3FB1] =	sst s7  }
0x10: {  	[smem:$0x3FB2] =	sst s8  }
0x11: {  	[smem:$0x3FB3] =	sst s9;
	s0 =	simm.s32 @!p0 $0x0  }
0x12: {  	s1 =	sld [smem:$0x3F99];
	s0 =	simm.s32 @p0 $0x1  }
0x13: {  	[smem:$0x3FB4] =	sst s0;
	s0 =	simm.s32 @!p1 $0x0  }
0x14: {  	s2 =	sld [smem:$0x3F98];
	s0 =	simm.s32 @p1 $0x1  }
0x15: {  	[smem:$0x3FB5] =	sst s0;
	s0 =	simm.s32 @!p2 $0x0  }
0x16: {  	s3 =	sld [smem:$0x3FDB];
	s0 =	simm.s32 @p2 $0x1  }
0x17: {  	s4 =	simm.s32 $0x1BF5;
	[smem:$0x3FB7] =	sst s0  }
0x18: {  	s0 =	sld [smem:$0x3F9A];
	_ =	swait.ge [sflag:s4], $0x0  }
0x19: {  	s7 =	sld [smem:$0x3F9B]  }
0x1a: {  	s8 =	sadd.s32 $0xFFFFE003, lr  }
0x1b: {  	s9 =	sadd.s32 $0xFFFFFEF7, lr;
	s5 =	simm.s32 $0xFFFFFFFF;
	p2 =	slt.u32 s8, $0xFFFFF086  }
0x1c: {  	p1 =	slt.u32 s9, $0xF7A;
	s5 =	simm.s32 @!p2 $0x0  }
0x1d: {  	s5 =	simm.s32 @p1 $0x1;
	p0 =	seq.s32 s7, s2  }
0x1e: {  	s7 =	smul.u32 @!p0 $0xF7A, s2;
	p2 =	seq.s32 @!p0 s5, $0x0  }
0x1f: {  	s9 =	smul.u32 $0xF7A, s1;
	s8 =	simm.s32 @!p0 $0x1BF5;
	p2 =	por !p2, p0  }
0x20: {  	[sflag:s8] =	ssyncset.s32 @!p0 $0xFFFFF086;
	s6 =	sadd.s32 @!p0 s3, s7;
	s7 =	simm.s32 @!p0 $0x108  }
0x21: {  	s3 =	sadd.s32 s3, s9;
	s6 =	sadd.s32 @!p0 $0x88, s6;
	s7 =	simm.s32 @p2 $0x1082  }
0x22: {  	[simem:s7], [sflag:s8] =	dma.local @!p0 [hbm:s6], $0xF7A  }
0x23: {  	s9 =	sor.u32 $0xD0000000, s2;
	s6 =	simm.s32 $0x108;
	_ =	swait.ge @!p0 [sflag:s8], $0x0  }
0x24: {  	s3 =	sadd.s32 $0x88, s3;
	s6 =	simm.s32 @!p1 $0x1082;
	[sflag:s4] =	ssyncset.s32 $0xFFFFF086  }
0x25: {  	[simem:s6], [sflag:s4] =	dma.local [hbm:s3], $0xF7A  }
0x26: {  	[smem:$0x3F9B] =	sst s1;
	(tag) =	ssettag s2;
	_ =	strace s9  }
0x27: {  	s1 =	sld [smem:$0x3FAB]  }
0x28: {  	s2 =	sld [smem:$0x3FAC]  }
0x29: {  	s4 =	sld [smem:$0x3FAE]  }
0x2a: {  	p0 =	seq.s32 s5, $0x0;
	s5 =	sld [smem:$0x3FAF]  }
0x2b: {  	s6 =	sld [smem:$0x3FB0]  }
0x2c: {  	s7 =	sld [smem:$0x3FB1]  }
0x2d: {  	s3 =	simm.s32 $0x108;
	s8 =	sld [smem:$0x3FB2]  }
0x2e: {  	s3 =	simm.s32 @!p0 $0x1082;
	s9 =	sld [smem:$0x3FB3]  }
0x2f: {  	lr =	sadd.s32 s0, s3;
	s0 =	sld [smem:$0x3FAA]  }
0x30: {  	s3 =	sld [smem:$0x3FAD]  }
0x31: {  	[smem:$0x3FB6] =	sst s10  }
0x32: {  	s10 =	sld [smem:$0x3FB4];
	_ =	sdelay $0x3  }
0x33: {  	p0 =	seq.s32 s10, $0x1;
	s10 =	sld [smem:$0x3FB6];
	_ =	sdelay $0x3  }
0x34: {  	[smem:$0x3FB6] =	sst s10  }
0x35: {  	s10 =	sld [smem:$0x3FB5];
	_ =	sdelay $0x3  }
0x36: {  	p1 =	seq.s32 s10, $0x1;
	s10 =	sld [smem:$0x3FB6];
	_ =	sdelay $0x3  }
0x37: {  	[smem:$0x3FB6] =	sst s10  }
0x38: {  	s10 =	sld [smem:$0x3FB7]  }
0x39: {  	_ = 	snop;
	(pc) =	sbr.ind lr, $3  }
0x3a: {  	_ = 	snop  }
0x3b: {  	_ = 	snop  }
0x3c: {  	p2 =	seq.s32 s10, $0x1;
	s10 =	sld [smem:$0x3FB6]  }
0x3d: {  	_ =	shalt  }
0x3e: {  	_ =	shalt  }
0x3f: {  	_ =	shalt  }
0x40: {  	_ =	shalt  }
0x41: {  	_ =	shalt  }
0x42: {  	_ =	shalt  }
0x43: {  	_ =	shalt  }
0x44: {  	_ =	shalt  }
0x45: {  	_ =	shalt  }
0x46: {  	_ =	shalt  }
0x47: {  	_ =	shalt  }
0x48: {  	_ =	shalt  }
0x49: {  	_ =	shalt  }
0x4a: {  	_ =	shalt  }
0x4b: {  	_ =	shalt  }
0x4c: {  	_ =	shalt  }
0x4d: {  	_ =	shalt  }
0x4e: {  	_ =	shalt  }
0x4f: {  	_ =	shalt  }
0x50: {  	_ =	shalt  }
0x51: {  	_ =	shalt  }
0x52: {  	_ =	shalt  }
0x53: {  	_ =	shalt  }
0x54: {  	_ =	shalt  }
0x55: {  	_ =	shalt  }
0x56: {  	_ =	shalt  }
0x57: {  	_ =	shalt  }
0x58: {  	_ =	shalt  }
0x59: {  	_ =	shalt  }
0x5a: {  	_ =	shalt  }
0x5b: {  	_ =	shalt  }
0x5c: {  	_ =	shalt  }
0x5d: {  	_ =	shalt  }
0x5e: {  	_ =	shalt  }
0x5f: {  	_ =	shalt  }
0x60: {  	_ =	shalt  }
0x61: {  	_ =	shalt  }
0x62: {  	_ =	shalt  }
0x63: {  	_ =	shalt  }
0x64: {  	_ =	shalt  }
0x65: {  	_ =	shalt  }
0x66: {  	_ =	shalt  }
0x67: {  	_ =	shalt  }
0x68: {  	_ =	shalt  }
0x69: {  	_ =	shalt  }
0x6a: {  	_ =	shalt  }
0x6b: {  	_ =	shalt  }
0x6c: {  	_ =	shalt  }
0x6d: {  	_ =	shalt  }
0x6e: {  	_ =	shalt  }
0x6f: {  	_ =	shalt  }
0x70: {  	_ =	shalt  }
0x71: {  	_ =	shalt  }
0x72: {  	_ =	shalt  }
0x73: {  	_ =	shalt  }
0x74: {  	_ =	shalt  }
0x75: {  	_ =	shalt  }
0x76: {  	_ =	shalt  }
0x77: {  	_ =	shalt  }
0x78: {  	_ =	shalt  }
0x79: {  	_ =	shalt  }
0x7a: {  	_ =	shalt  }
0x7b: {  	_ =	shalt  }
0x7c: {  	_ =	shalt  }
0x7d: {  	_ =	shalt  }
0x7e: {  	_ =	shalt  }
0x7f: {  	_ =	shalt  }
0x80: {  	_ =	shalt  }
0x81: {  	_ =	shalt  }
0x82: {  	_ =	shalt  }
0x83: {  	_ =	shalt  }
0x84: {  	_ =	shalt  }
0x85: {  	_ =	shalt  }
0x86: {  	_ =	shalt  }
0x87: {  	_ =	shalt  }
.Lfunc_end0:
.L_simem_size_0:
called_computation.1_lowered:
.L_overlay_start_0:
0x88: {  	s2 =	sld [smem:$0x3FD9]  }
0x89: {  	s3 =	sld [smem:$0x3FFE];
	_ =	sdelay $0x1  }
0x8a: {  	s1 =	srdreg.scid  }
0x8b: {  	s0 =	sand.u32 $0x1, s1  }
0x8c: {  	s17 =	sshll.u32 s0, $0xA;
	s2 =	sadd.s32 s3, s2  }
0x8d: {  	s2 =	sadd.s32 s2, s17  }
0x8e: {  	[smem:$0x3FC2] =	sst s2  }
0x8f: {  	_ = 	snop  }
0x90: {  	s2 =	sld [smem:$0x3FD0];
	(tm) =	ssettm $0x1  }
0x91: {  	s18 =	sld [smem:$0x3FFB];
	_ =	sdelay $0x3  }
0x92: {  	_ =	strace s18  }
0x93: {  	s3 =	sld [smem:$0x3FFC];
	_ =	sdelay $0x3  }
0x94: {  	_ =	strace s3  }
0x95: {  	s3 =	sld [smem:$0x3FFD];
	_ =	sdelay $0x3  }
0x96: {  	_ =	strace s3  }
0x97: {  	_ =	strace $0x8FFFFFFF  }
0x98: {  	s19 =	sld [smem:$0x3FDB];
	_ =	sdelay $0x1  }
0x99: {  	s4 =	simm.s32 $_scs_section_size  }
0x9a: {  	s5 =	simm.s32 $_size__tile_overlayer_lowered;
	s6 =	simm.s32 $_tile_overlayer_lowered  }
0x9b: {  	s22 =	simm.s32 $0x1BFF;
	s21 =	sshll.u32 s6, $0x1;
	s3 =	sadd.s32 s4, s19  }
0x9c: {  	s7 =	simm.s32 $0x0;
	s20 =	sshll.u32 s5, $0x1;
	s5 =	sadd.s32 s21, s3  }
0x9d: {  	[timem:s7], [sflag:s22] =	dma.local [hbm:s5], s20  }
0x9e: {  	_ =	swait.ge [sflag:s22], s20  }
0x9f: {  	s4 =	ssub.s32 $0x0, s20;
	[sflag:s22] =	ssyncset.done $0x0  }
0xa0: {  	[sflag:s22] =	ssyncadd.s32 s4;
	_ =	sdelay $0x1  }
0xa1: {  	s23 =	simm.s32 $0x1B8B  }
0xa2: {  	_ =	swait.ge [sflag:s23], $0x1  }
0xa3: {  	[sflag:s23] =	ssyncset.done $0x0  }
0xa4: {  	s25 =	simm.s32 $0x1B8E;
	s24 =	sld [smem:$0x3FFE];
	[sflag:s23] =	ssyncadd.s32 $0xFFFFFFFF  }
0xa5: {  	s26 =	simm.s32 $execute0_lowered;
	[smem:$0x3FD2] =	sst s25  }
0xa6: {  	s5 =	sshll.u32 s26, $0x1;
	_ =	strace $0x80000049;
	[dreg:$0x1] =	wrdreg $0xFFFFFFFF  }
0xa7: {  	s28 =	simm.s32 $_size_execute0_lowered;
	s3 =	sadd.s32 s3, s5;
	[dreg:$0x0] =	wrdreg $0x0  }
0xa8: {  	s5 =	sshll.u32 s28, $0x1;
	[dreg:$0x2] =	wrdreg s3  }
0xa9: {  	[dreg:$0x3] =	wrdreg s5  }
0xaa: {  	[dreg:$0x4] =	wrdreg $0xC0  }
0xab: {  	_ =	task [dreg:s7], $0x5FFFF  }
0xac: {  	[dreg:$0x1] =	wrdreg $0xFFFFFFFF  }
0xad: {  	[dreg:$0x0] =	wrdreg $0x60  }
0xae: {  	[dreg:$0x2] =	wrdreg s24  }
0xaf: {  	[dreg:$0x3] =	wrdreg s2  }
0xb0: {  	[dreg:$0x4] =	wrdreg $0x28000  }
0xb1: {  	[dreg:$0x5] =	wrdreg $0x9  }
0xb2: {  	_ =	task.clear_ibuf [dreg:s7], $0x6FFFF;
	_ =	strace $0x90000049  }
0xb3: {  	s29 =	simm.s32 $0x9;
	_ =	strace $0x8000004B  }
0xb4: {  	_ =	swait.ge [sflag:s29], $0x1  }
0xb5: {  	[sflag:s29] =	ssyncadd.s32 $0xFFFFFFFF  }
0xb6: {  	_ =	strace $0x9000004B  }
0xb7: {  	_ =	sfence  }
0xb8: {  	s30 =	sld [smem:$0x0];
	_ =	sdelay $0x2  }
0xb9: {  	s31 =	sshll.u32 s1, $0xD;
	s1 =	sshrl.u32 s1, $0x2  }
0xba: {  	s3 =	sand.u32 $0x4000, s31;
	s1 =	sadd.s32 s1, s30  }
0xbb: {  	s0 =	sor.u32 s3, s0;
	s1 =	sshll.u32 s1, $0x11  }
0xbc: {  	s0 =	sor.u32 s1, s0  }
0xbd: {  	s0 =	sadd.s32 $0x8F2B, s0  }
0xbe: {  	[sflag:s0] =	ssyncadd.remote.s32 $0x1  }
0xbf: {  	_ =	sfence.sel $0xFFFF  }
0xc0: {  	[dreg:$0x0] =	wrdreg $0xFFFFFFFF;
	(pc) =	sbr.abs _section_cstart, $3  }
0xc1: {  	[dreg:$0x1] =	wrdreg $0xFFFFFFFF  }
0xc2: {  	_ =	task.clear_ibuf [dreg:s7], $0x2FFFF;
	_ =	strace $0x9FFFFFFF  }
0xc3: {  	(tm) =	ssettm $0x7FFFFFFF  }
tec
execute0_lowered:
.L_overlay_start_1:
0x0: {  	(tag) =	ssettag $0x1  }
0x1: {  	s3 =	rddreg [dreg:$0x0]  }
0x2: {  	s0 =	srdreg.scid;
	s5 =	rddreg [dreg:$0x1]  }
0x3: {  	s11 =	stileid.u32;
	s2 =	rddreg [dreg:$0x2]  }
0x4: {  	s6 =	simm.s32 $0x0;
	s28 =	simm.s32 $0x80;
	s29 =	simm.s32 $0x12  }
0x5: {  	s30 =	simm.s32 $0x13;
	s0 =	sand.u32 $0x1, s0;
	[smem:$0x7FF] =	sst s6  }
0x6: {  	s9 =	sadd.s32 $0xB400, s3;
	s14 =	sshll.u32 s11, $0x6;
	s1 =	sshll.u32 s0, $0x4  }
0x7: {  	_ =	strace $0x8000004A;
	[dreg:$0x4] =	wrdreg s9;
	s0 =	ssub.s32 $0x2, s0  }
0x8: {  	s9 =	smul.u32 $0x9C80, s11;
	s6 =	sor.u32 $0x1C15, s14;
	s1 =	sor.u32 s11, s1  }
0x9: {  	s12 =	sshrl.u32 s0, $0x1;
	[dreg:$0x6] =	wrdreg s6;
	s4 =	smul.u32 $0x50, s1  }
0xa: {  	s10 =	smul.u32 $0x4E4, s1;
	p0 =	seq.s32 s1, $0x1F;
	s9 =	sshrl.u32 s9, $0x2  }
0xb: {  	s1 =	simm.s32 $0x6;
	s0 =	ssub.s32 s0, s12;
	s13 =	sadd.s32 s9, s2  }
0xc: {  	s1 =	simm.s32 @!p0 $0x0;
	s0 =	smax.u32 s0, $0x1;
	[dreg:$0x5] =	wrdreg s13  }
0xd: {  	s4 =	smin.u32 s4, $0x974;
	[dreg:$0x14] =	wrdreg s0;
	s26 =	ssub.s32 $0x8, s1  }
0xe: {  	s7 =	sshll.u32 s4, $0x4;
	s4 =	sadd.s32 $0xBA00, s3;
	[dreg:$0x15] =	wrdreg s26  }
0xf: {  	s8 =	sadd.s32 s7, s3;
	s3 =	sadd.s32 s10, s3;
	s5 =	sadd.s32 s5, s7  }
0x10: {  	s10 =	smul.u32 $0x1400, s1;
	s8 =	sadd.s32 $0x1400, s8;
	[dreg:$0x8] =	wrdreg s5  }
0x11: {  	s14 =	simm.s32 $0xA720;
	s3 =	sadd.s32 $0x10A00, s3;
	[dreg:$0x7] =	wrdreg s8  }
0x12: {  	s15 =	sshrl.u32 s10, $0x2;
	[dreg:$0x13] =	wrdreg s3;
	s31 =	sadd.s32 $0x2600, s10  }
0x13: {  	s11 =	simm.s32 $0x7720;
	s16 =	sadd.s32 $0x4F20, s15;
	[dreg:$0x16] =	wrdreg s31  }
0x14: {  	s12 =	simm.s32 $0x9720;
	s17 =	sadd.s32 $0x4FA0, s15;
	[dreg:$0x9] =	wrdreg s16  }
0x15: {  	s9 =	simm.s32 $0x8F20;
	s18 =	sadd.s32 $0x5020, s15;
	[dreg:$0xa] =	wrdreg s17  }
0x16: {  	s13 =	simm.s32 $0x9F20;
	s19 =	sadd.s32 $0x50A0, s15;
	[dreg:$0xb] =	wrdreg s18  }
0x17: {  	s26 =	simm.s32 $0x13;
	s20 =	sadd.s32 $0x5120, s15;
	[dreg:$0xc] =	wrdreg s19  }
0x18: {  	s7 =	simm.s32 $0x8720;
	s21 =	sadd.s32 $0x51A0, s15;
	[dreg:$0xd] =	wrdreg s20  }
0x19: {  	s1 =	simm.s32 $0x0;
	s22 =	sadd.s32 $0x5220, s15;
	[dreg:$0xe] =	wrdreg s21  }
0x1a: {  	s3 =	simm.s32 $0x15;
	s23 =	sadd.s32 $0x52A0, s15;
	[dreg:$0xf] =	wrdreg s22  }
0x1b: {  	s10 =	simm.s32 $0x7F20;
	s24 =	sadd.s32 $0x5320, s15;
	[dreg:$0x10] =	wrdreg s23  }
0x1c: {  	s8 =	simm.s32 $0xE;
	s25 =	sadd.s32 $0x53A0, s15;
	[dreg:$0x11] =	wrdreg s24  }
0x1d: {  	s15 =	simm.s32 $0xAF20;
	[dreg:$0x12] =	wrdreg s25;
	s20 =	simm.s32 $0xB  }
0x1e: {  	s17 =	simm.s32 $0xC;
	s21 =	simm.s32 $0xD;
	s22 =	simm.s32 $0xF  }
0x1f: {  	s23 =	simm.s32 $0x10;
	s24 =	simm.s32 $0x11;
	s25 =	simm.s32 $0x12  }
.LBB2_1:
0x20: {  	[dreg:$0x17] =	wrdreg s1  }
0x21: {  	s0 =	rddreg [dreg:$0x5]  }
0x22: {  	s5 =	rddreg [dreg:$0x4];
	s0 =	sshrl.u32 s0, $0x3  }
0x23: {  	[dreg:$0x18] =	wrdreg s0  }
0x24: {  	[spmem:s0], [sflag:s6] =	dma.local [hbm:s5], $0x4E4  }
0x25: {  	_ =	swait.ge [sflag:s3], $0x4E4  }
0x26: {  	[sflag:s3] =	ssyncset.done $0x0  }
0x27: {  	s6 =	simm.s32 $0x0;
	s16 =	rddreg [dreg:$0x7];
	[sflag:s3] =	ssyncadd.s32 $0xFFFFFB1C  }
0x28: {  	[tilespmem:s6], [sflag:$0x15] =	stream.linear.gather [hbm4b:s16+s6], $0x2800, $0x38;
	[tilespmem:$0xC720] =	vst v63  }
0x29: {  	_ =	swait.ge [sflag:s3], $0x2800  }
0x2a: {  	[sflag:s3] =	ssyncset.done $0x0  }
0x2b: {  	s5 =	simm.s32 $0x4F20;
	s18 =	rddreg [dreg:$0x8];
	[sflag:s3] =	ssyncadd.s32 $0xFFFFD800  }
0x2c: {  	[tilespmem:s5], [sflag:$0x15] =	stream.linear.gather [hbm4b:s18+s6], $0x2800, $0x38;
	[tilespmem:$0xC720] =	vst v63  }
0x2d: {  	_ =	swait.ge [sflag:s3], $0x2800  }
0x2e: {  	[sflag:s3] =	ssyncset.done $0x0  }
0x2f: {  	[sflag:s3] =	ssyncadd.s32 $0xFFFFD800  }
0x30: {  	[bflag:$0x0] =	sbarrier.arrive $0xFFFF  }
0x31: {  	s19 =	rddreg [dreg:$0x9]  }
0x32: {  	[tilespmem:s11], [sflag:$0x1] =	stream.indirect.gather [hbm4b:s4+s28], $0x10, s19, s28, $0xb8;
	[tilespmem:$0xC720] =	vst v63  }
0x33: {  	s1 =	rddreg [dreg:$0xa]  }
0x34: {  	[tilespmem:s10], [sflag:$0x2] =	stream.indirect.gather [hbm4b:s4+s28], $0x10, s1, s28, $0xb8;
	[tilespmem:$0xC720] =	vst v63  }
0x35: {  	s3 =	rddreg [dreg:$0xb]  }
0x36: {  	[tilespmem:s7], [sflag:$0x3] =	stream.indirect.gather [hbm4b:s4+s28], $0x10, s3, s28, $0xb8;
	[tilespmem:$0xC720] =	vst v63  }
0x37: {  	s5 =	rddreg [dreg:$0xc]  }
0x38: {  	[tilespmem:s9], [sflag:$0x4] =	stream.indirect.gather [hbm4b:s4+s28], $0x10, s5, s28, $0xb8;
	[tilespmem:$0xC720] =	vst v63  }
0x39: {  	s6 =	rddreg [dreg:$0xd]  }
0x3a: {  	[tilespmem:s12], [sflag:$0x5] =	stream.indirect.gather [hbm4b:s4+s28], $0x10, s6, s28, $0xb8;
	[tilespmem:$0xC720] =	vst v63  }
0x3b: {  	s16 =	rddreg [dreg:$0xe]  }
0x3c: {  	[tilespmem:s13], [sflag:$0x6] =	stream.indirect.gather [hbm4b:s4+s28], $0x10, s16, s28, $0xb8;
	[tilespmem:$0xC720] =	vst v63  }
0x3d: {  	s18 =	rddreg [dreg:$0xf]  }
0x3e: {  	[tilespmem:s14], [sflag:$0x7] =	stream.indirect.gather [hbm4b:s4+s28], $0x10, s18, s28, $0xb8;
	[tilespmem:$0xC720] =	vst v63  }
0x3f: {  	s19 =	rddreg [dreg:$0x10]  }
0x40: {  	[tilespmem:s15], [sflag:$0x8] =	stream.indirect.gather [hbm4b:s4+s28], $0x10, s19, s28, $0xb8;
	[tilespmem:$0xC720] =	vst v63  }
0x41: {  	s1 =	rddreg [dreg:$0x11];
	s3 =	simm.s32 $0xB720  }
0x42: {  	[tilespmem:s3], [sflag:$0x9] =	stream.indirect.gather [hbm4b:s4+s28], $0x10, s1, s28, $0xb8;
	[tilespmem:$0xC720] =	vst v63  }
0x43: {  	s5 =	rddreg [dreg:$0x12];
	s6 =	simm.s32 $0xBF20;
	s16 =	simm.s32 $0x1  }
0x44: {  	[tilespmem:s6], [sflag:$0xA] =	stream.indirect.gather [hbm4b:s4+s28], $0x10, s5, s28, $0xb8;
	[tilespmem:$0xC720] =	vst v63  }
0x45: {  	_ =	swait.ge [sflag:s16], $0x800  }
0x46: {  	s5 =	rddreg [dreg:$0x16]  }
0x47: {  	[sflag:s16] =	ssyncset.done $0x0;
	s0 =	sshra.s32 s5, $0x2  }
0x48: {  	s19 =	simm.s32 $0x2;
	[sflag:s16] =	ssyncadd.s32 $0xFFFFF800;
	s18 =	sadd.s32 $0xFFFFF680, s0  }
0x49: {  	[spmem:s2] =	stream.indirect.scatter.add.f32 [tilespmem:s11], [sflag:$0xB], $0x10, s18, s28, $0xb8;
	[tilespmem:$0xC720] =	vst v63  }
0x4a: {  	_ =	swait.ge [sflag:s19], $0x800  }
0x4b: {  	[sflag:s19] =	ssyncset.done $0x0  }
0x4c: {  	s16 =	sadd.s32 $0xFFFFF700, s0;
	s18 =	simm.s32 $0x3;
	[sflag:s19] =	ssyncadd.s32 $0xFFFFF800  }
0x4d: {  	[spmem:s2] =	stream.indirect.scatter.add.f32 [tilespmem:s10], [sflag:$0xC], $0x10, s16, s28, $0xb8;
	[tilespmem:$0xC720] =	vst v63  }
0x4e: {  	_ =	swait.ge [sflag:s18], $0x800  }
0x4f: {  	[sflag:s18] =	ssyncset.done $0x0  }
0x50: {  	s19 =	sadd.s32 $0xFFFFF780, s0;
	s16 =	simm.s32 $0x4;
	[sflag:s18] =	ssyncadd.s32 $0xFFFFF800  }
0x51: {  	[spmem:s2] =	stream.indirect.scatter.add.f32 [tilespmem:s7], [sflag:$0xD], $0x10, s19, s28, $0xb8;
	[tilespmem:$0xC720] =	vst v63  }
0x52: {  	_ =	swait.ge [sflag:s16], $0x800  }
0x53: {  	[sflag:s16] =	ssyncset.done $0x0  }
0x54: {  	s18 =	sadd.s32 $0xFFFFF800, s0;
	s19 =	simm.s32 $0x5;
	[sflag:s16] =	ssyncadd.s32 $0xFFFFF800  }
0x55: {  	[spmem:s2] =	stream.indirect.scatter.add.f32 [tilespmem:s9], [sflag:$0xE], $0x10, s18, s28, $0xb8;
	[tilespmem:$0xC720] =	vst v63  }
0x56: {  	_ =	swait.ge [sflag:s19], $0x800  }
0x57: {  	[sflag:s19] =	ssyncset.done $0x0  }
0x58: {  	s16 =	sadd.s32 $0xFFFFF880, s0;
	s18 =	simm.s32 $0x6;
	[sflag:s19] =	ssyncadd.s32 $0xFFFFF800  }
0x59: {  	[spmem:s2] =	stream.indirect.scatter.add.f32 [tilespmem:s12], [sflag:$0xF], $0x10, s16, s28, $0xb8;
	[tilespmem:$0xC720] =	vst v63  }
0x5a: {  	_ =	swait.ge [sflag:s18], $0x800  }
0x5b: {  	[sflag:s18] =	ssyncset.done $0x0  }
0x5c: {  	s19 =	sadd.s32 $0xFFFFF900, s0;
	s16 =	simm.s32 $0x7;
	[sflag:s18] =	ssyncadd.s32 $0xFFFFF800  }
0x5d: {  	[spmem:s2] =	stream.indirect.scatter.add.f32 [tilespmem:s13], [sflag:$0x10], $0x10, s19, s28, $0xb8;
	[tilespmem:$0xC720] =	vst v63  }
0x5e: {  	_ =	swait.ge [sflag:s16], $0x800  }
0x5f: {  	[sflag:s16] =	ssyncset.done $0x0  }
0x60: {  	s18 =	sadd.s32 $0xFFFFF980, s0;
	s19 =	simm.s32 $0x8;
	[sflag:s16] =	ssyncadd.s32 $0xFFFFF800  }
0x61: {  	[spmem:s2] =	stream.indirect.scatter.add.f32 [tilespmem:s14], [sflag:$0x11], $0x10, s18, s28, $0xb8;
	[tilespmem:$0xC720] =	vst v63  }
0x62: {  	_ =	swait.ge [sflag:s19], $0x800  }
0x63: {  	[sflag:s19] =	ssyncset.done $0x0  }
0x64: {  	s16 =	sadd.s32 $0xFFFFFA00, s0;
	s18 =	simm.s32 $0x9;
	[sflag:s19] =	ssyncadd.s32 $0xFFFFF800  }
0x65: {  	[spmem:s2] =	stream.indirect.scatter.add.f32 [tilespmem:s15], [sflag:$0x12], $0x10, s16, s28, $0xb8;
	[tilespmem:$0xC720] =	vst v63  }
0x66: {  	_ =	swait.ge [sflag:s18], $0x800  }
0x67: {  	[sflag:s18] =	ssyncset.done $0x0  }
0x68: {  	s19 =	sadd.s32 $0xFFFFFA80, s0;
	s16 =	simm.s32 $0xA;
	[sflag:s18] =	ssyncadd.s32 $0xFFFFF800  }
0x69: {  	[spmem:s2] =	stream.indirect.scatter.add.f32 [tilespmem:s3], [sflag:$0x13], $0x10, s19, s28, $0xb8;
	[tilespmem:$0xC720] =	vst v63  }
0x6a: {  	s1 =	sadd.s32 $0xFFFFEE00, s5;
	s0 =	sadd.s32 $0xFFFFFB00, s0;
	_ =	swait.ge [sflag:s16], $0x800  }
0x6b: {  	s18 =	simm.s32 $0xB720;
	[sflag:s16] =	ssyncset.done $0x0;
	s3 =	rddreg [dreg:$0x15]  }
0x6c: {  	s19 =	simm.s32 $0xBF20;
	p0 =	seq.s32 s3, $0x1;
	[sflag:s16] =	ssyncadd.s32 $0xFFFFF800  }
0x6d: {  	[spmem:s2] =	stream.indirect.scatter.add.f32 [tilespmem:s6], [sflag:$0x14], $0x10, s0, s28, $0xb8;
	[tilespmem:$0xC720] =	vst v63  }
0x6e: {  	p1 =	sne.s32 s3, $0x1;
	s1 =	simm.s32 @p0 $0x0;
	_ =	swait.ge [sflag:s20], $0x800  }
0x6f: {  	s16 =	sshra.s32 s1, $0x2;
	s1 =	sadd.s32 $0xFFFFF000, s5;
	[sflag:s20] =	ssyncset.done $0x0  }
0x70: {  	s0 =	sadd.s32 $0x4F20, s16;
	s1 =	simm.s32 @p0 $0x200;
	[sflag:s20] =	ssyncadd.s32 $0xFFFFF800  }
0x71: {  	[tilespmem:s11], [sflag:$0x1] =	stream.indirect.gather [hbm4b:s4+s28], $0x10, s0, s28, $0xb8;
	[tilespmem:$0xC720] =	vst v63  }
0x72: {  	s6 =	sshra.s32 s1, $0x2;
	s1 =	sadd.s32 $0xFFFFF200, s5;
	_ =	swait.ge [sflag:s17], $0x800  }
0x73: {  	s0 =	sadd.s32 $0x4F20, s6;
	s1 =	simm.s32 @p0 $0x400;
	[sflag:s17] =	ssyncset.done $0x0  }
0x74: {  	s16 =	sshra.s32 s1, $0x2;
	s1 =	sadd.s32 $0xFFFFF400, s5;
	[sflag:s17] =	ssyncadd.s32 $0xFFFFF800  }
0x75: {  	[tilespmem:s10], [sflag:$0x2] =	stream.indirect.gather [hbm4b:s4+s28], $0x10, s0, s28, $0xb8;
	[tilespmem:$0xC720] =	vst v63  }
0x76: {  	s31 =	sadd.s32 $0xFFFFFFFF, s3;
	s1 =	simm.s32 @p0 $0x600;
	_ =	swait.ge [sflag:s21], $0x800  }
0x77: {  	s17 =	sshra.s32 s1, $0x2;
	s1 =	sadd.s32 $0xFFFFF600, s5;
	[sflag:s21] =	ssyncset.done $0x0  }
0x78: {  	s0 =	sadd.s32 $0x4F20, s16;
	s1 =	simm.s32 @p0 $0x800;
	[sflag:s21] =	ssyncadd.s32 $0xFFFFF800  }
0x79: {  	[tilespmem:s7], [sflag:$0x3] =	stream.indirect.gather [hbm4b:s4+s28], $0x10, s0, s28, $0xb8;
	[tilespmem:$0xC720] =	vst v63  }
0x7a: {  	s21 =	sshra.s32 s1, $0x2;
	s1 =	sadd.s32 $0xFFFFF800, s5;
	_ =	swait.ge [sflag:s8], $0x800  }
0x7b: {  	s0 =	sadd.s32 $0x4F20, s17;
	s1 =	simm.s32 @p0 $0xA00;
	[sflag:s8] =	ssyncset.done $0x0  }
0x7c: {  	s6 =	sshra.s32 s1, $0x2;
	s1 =	sadd.s32 $0xFFFFFA00, s5;
	[sflag:s8] =	ssyncadd.s32 $0xFFFFF800  }
0x7d: {  	[tilespmem:s9], [sflag:$0x4] =	stream.indirect.gather [hbm4b:s4+s28], $0x10, s0, s28, $0xb8;
	[tilespmem:$0xC720] =	vst v63  }
0x7e: {  	s3 =	smov.u32 s5;
	s1 =	simm.s32 @p0 $0xC00;
	_ =	swait.ge [sflag:s22], $0x800  }
0x7f: {  	s3 =	simm.s32 @p0 $0x1200;
	s7 =	sshra.s32 s1, $0x2;
	[sflag:s22] =	ssyncset.done $0x0  }
0x80: {  	s1 =	sadd.s32 $0xFFFFFC00, s5;
	s0 =	sadd.s32 $0x4F20, s21;
	[sflag:s22] =	ssyncadd.s32 $0xFFFFF800  }
0x81: {  	[tilespmem:s12], [sflag:$0x5] =	stream.indirect.gather [hbm4b:s4+s28], $0x10, s0, s28, $0xb8;
	[tilespmem:$0xC720] =	vst v63  }
0x82: {  	s16 =	simm.s32 $0xA720;
	s1 =	simm.s32 @p0 $0xE00;
	_ =	swait.ge [sflag:s23], $0x800  }
0x83: {  	s17 =	simm.s32 $0xAF20;
	s8 =	sshra.s32 s1, $0x2;
	[sflag:s23] =	ssyncset.done $0x0  }
0x84: {  	s1 =	sadd.s32 $0xFFFFFE00, s5;
	s0 =	sadd.s32 $0x4F20, s6;
	[sflag:s23] =	ssyncadd.s32 $0xFFFFF800  }
0x85: {  	[tilespmem:s13], [sflag:$0x6] =	stream.indirect.gather [hbm4b:s4+s28], $0x10, s0, s28, $0xb8;
	[tilespmem:$0xC720] =	vst v63  }
0x86: {  	s21 =	simm.s32 $0xC;
	s1 =	simm.s32 @p0 $0x1000;
	_ =	swait.ge [sflag:s24], $0x800  }
0x87: {  	s9 =	sshra.s32 s1, $0x2;
	s22 =	simm.s32 $0xD;
	[sflag:s24] =	ssyncset.done $0x0  }
0x88: {  	s1 =	sadd.s32 $0x1400, s5;
	s0 =	sadd.s32 $0x4F20, s7;
	[sflag:s24] =	ssyncadd.s32 $0xFFFFF800  }
0x89: {  	[tilespmem:s14], [sflag:$0x7] =	stream.indirect.gather [hbm4b:s4+s28], $0x10, s0, s28, $0xb8;
	[tilespmem:$0xC720] =	vst v63  }
0x8a: {  	s12 =	simm.s32 $0x8720;
	s23 =	simm.s32 $0xF;
	_ =	swait.ge [sflag:s25], $0x800  }
0x8b: {  	s13 =	simm.s32 $0x8F20;
	s24 =	simm.s32 $0x11;
	[sflag:s25] =	ssyncset.done $0x0  }
.Ltmp0:
0x8c: {  	s0 =	sadd.s32 $0x4F20, s8;
	[sflag:s25] =	ssyncadd.s32 $0xFFFFF800;
	(pc) =	sbr.rel @!p1 .LBB2_3-.Ltmp0, $4  }
0x8d: {  	[tilespmem:s15], [sflag:$0x8] =	stream.indirect.gather [hbm4b:s4+s28], $0x10, s0, s28, $0xb8;
	[tilespmem:$0xC720] =	vst v63  }
0x8e: {  	s8 =	simm.s32 $0xE;
	s14 =	simm.s32 $0x9720;
	_ =	swait.ge [sflag:s26], $0x800  }
0x8f: {  	s25 =	simm.s32 $0x10;
	s15 =	simm.s32 $0x9F20;
	[sflag:s30] =	ssyncset.done $0x0  }
0x90: {  	s0 =	sadd.s32 $0x4F20, s9;
	s26 =	sshra.s32 s3, $0x2;
	[sflag:s30] =	ssyncadd.s32 $0xFFFFF800  }
.LBB2_2:
0x91: {  	s19 =	simm.s32 $0xB720;
	s3 =	smov.u32 s31;
	s5 =	simm.s32 $0x14  }
0x92: {  	[tilespmem:s19], [sflag:$0x9] =	stream.indirect.gather [hbm4b:s4+s28], $0x10, s0, s28, $0xb8;
	[tilespmem:$0xC720] =	vst v63  }
0x93: {  	p0 =	sne.s32 s31, $0x1;
	s31 =	sadd.s32 $0xFFFFFFFF, s31;
	_ =	swait.ge [sflag:s5], $0x800  }
0x94: {  	s26 =	sadd.s32 $0x4F20, s26;
	s0 =	sshra.s32 s1, $0x2;
	[sflag:s5] =	ssyncset.done $0x0  }
0x95: {  	s20 =	simm.s32 $0xBF20;
	[sflag:s5] =	ssyncadd.s32 $0xFFFFF800;
	s5 =	simm.s32 $0x1  }
0x96: {  	[tilespmem:s20], [sflag:$0xA] =	stream.indirect.gather [hbm4b:s4+s28], $0x10, s26, s28, $0xb8;
	[tilespmem:$0xC720] =	vst v63  }
0x97: {  	_ =	swait.ge [sflag:s5], $0x800  }
0x98: {  	[sflag:s5] =	ssyncset.done $0x0  }
0x99: {  	s26 =	sadd.s32 $0xFFFFF680, s0;
	[sflag:s5] =	ssyncadd.s32 $0xFFFFF800;
	s5 =	simm.s32 $0x2  }
0x9a: {  	[spmem:s2] =	stream.indirect.scatter.add.f32 [tilespmem:s11], [sflag:$0xB], $0x10, s26, s28, $0xb8;
	[tilespmem:$0xC720] =	vst v63  }
0x9b: {  	_ =	swait.ge [sflag:s5], $0x800  }
0x9c: {  	[sflag:s5] =	ssyncset.done $0x0  }
0x9d: {  	s26 =	sadd.s32 $0xFFFFF700, s0;
	[sflag:s5] =	ssyncadd.s32 $0xFFFFF800;
	s5 =	simm.s32 $0x3  }
0x9e: {  	[spmem:s2] =	stream.indirect.scatter.add.f32 [tilespmem:s10], [sflag:$0xC], $0x10, s26, s28, $0xb8;
	[tilespmem:$0xC720] =	vst v63  }
0x9f: {  	_ =	swait.ge [sflag:s5], $0x800  }
0xa0: {  	[sflag:s5] =	ssyncset.done $0x0  }
0xa1: {  	s26 =	sadd.s32 $0xFFFFF780, s0;
	[sflag:s5] =	ssyncadd.s32 $0xFFFFF800;
	s5 =	simm.s32 $0x4  }
0xa2: {  	[spmem:s2] =	stream.indirect.scatter.add.f32 [tilespmem:s12], [sflag:$0xD], $0x10, s26, s28, $0xb8;
	[tilespmem:$0xC720] =	vst v63  }
0xa3: {  	_ =	swait.ge [sflag:s5], $0x800  }
0xa4: {  	[sflag:s5] =	ssyncset.done $0x0  }
0xa5: {  	s26 =	sadd.s32 $0xFFFFF800, s0;
	[sflag:s5] =	ssyncadd.s32 $0xFFFFF800;
	s5 =	simm.s32 $0x5  }
0xa6: {  	[spmem:s2] =	stream.indirect.scatter.add.f32 [tilespmem:s13], [sflag:$0xE], $0x10, s26, s28, $0xb8;
	[tilespmem:$0xC720] =	vst v63  }
0xa7: {  	_ =	swait.ge [sflag:s5], $0x800  }
0xa8: {  	[sflag:s5] =	ssyncset.done $0x0  }
0xa9: {  	s26 =	sadd.s32 $0xFFFFF880, s0;
	[sflag:s5] =	ssyncadd.s32 $0xFFFFF800;
	s5 =	simm.s32 $0x6  }
0xaa: {  	[spmem:s2] =	stream.indirect.scatter.add.f32 [tilespmem:s14], [sflag:$0xF], $0x10, s26, s28, $0xb8;
	[tilespmem:$0xC720] =	vst v63  }
0xab: {  	_ =	swait.ge [sflag:s5], $0x800  }
0xac: {  	[sflag:s5] =	ssyncset.done $0x0  }
0xad: {  	s26 =	sadd.s32 $0xFFFFF900, s0;
	[sflag:s5] =	ssyncadd.s32 $0xFFFFF800;
	s5 =	simm.s32 $0x7  }
0xae: {  	[spmem:s2] =	stream.indirect.scatter.add.f32 [tilespmem:s15], [sflag:$0x10], $0x10, s26, s28, $0xb8;
	[tilespmem:$0xC720] =	vst v63  }
0xaf: {  	_ =	swait.ge [sflag:s5], $0x800  }
0xb0: {  	[sflag:s5] =	ssyncset.done $0x0  }
0xb1: {  	s26 =	sadd.s32 $0xFFFFF980, s0;
	[sflag:s5] =	ssyncadd.s32 $0xFFFFF800;
	s5 =	simm.s32 $0x8  }
0xb2: {  	[spmem:s2] =	stream.indirect.scatter.add.f32 [tilespmem:s16], [sflag:$0x11], $0x10, s26, s28, $0xb8;
	[tilespmem:$0xC720] =	vst v63  }
0xb3: {  	s7 =	sadd.s32 $0xFFFFF600, s1;
	_ =	swait.ge [sflag:s5], $0x800  }
0xb4: {  	s9 =	sadd.s32 $0xFFFFF800, s1;
	s26 =	sadd.s32 $0xFFFFFE00, s1;
	[sflag:s5] =	ssyncset.done $0x0  }
0xb5: {  	s11 =	simm.s32 $0x9;
	[sflag:s5] =	ssyncadd.s32 $0xFFFFF800;
	s5 =	sadd.s32 $0xFFFFFA00, s0  }
0xb6: {  	[spmem:s2] =	stream.indirect.scatter.add.f32 [tilespmem:s17], [sflag:$0x12], $0x10, s5, s28, $0xb8;
	[tilespmem:$0xC720] =	vst v63  }
0xb7: {  	s6 =	sadd.s32 $0xFFFFEE00, s1;
	s5 =	sadd.s32 $0xFFFFF200, s1;
	_ =	swait.ge [sflag:s11], $0x800  }
0xb8: {  	s18 =	simm.s32 $0xB720;
	s10 =	sadd.s32 $0xFFFFF000, s1;
	[sflag:s11] =	ssyncset.done $0x0  }
0xb9: {  	p1 =	seq.s32 s3, $0x1;
	[sflag:s11] =	ssyncadd.s32 $0xFFFFF800;
	s11 =	sadd.s32 $0xFFFFFA80, s0  }
0xba: {  	[spmem:s2] =	stream.indirect.scatter.add.f32 [tilespmem:s19], [sflag:$0x13], $0x10, s11, s28, $0xb8;
	[tilespmem:$0xC720] =	vst v63  }
0xbb: {  	s3 =	smov.u32 s1;
	s11 =	simm.s32 $0x7720;
	s19 =	simm.s32 $0xA  }
0xbc: {  	s6 =	simm.s32 @p1 $0x0;
	s3 =	simm.s32 @p1 $0x1200;
	_ =	swait.ge [sflag:s19], $0x800  }
0xbd: {  	s6 =	sshra.s32 s6, $0x2;
	s10 =	simm.s32 @p1 $0x200;
	[sflag:s19] =	ssyncset.done $0x0  }
0xbe: {  	s9 =	simm.s32 @p1 $0xA00;
	s5 =	simm.s32 @p1 $0x400;
	[sflag:s19] =	ssyncadd.s32 $0xFFFFF800  }
0xbf: {  	s7 =	simm.s32 @p1 $0x800;
	s26 =	simm.s32 @p1 $0x1000;
	s0 =	sadd.s32 $0xFFFFFB00, s0  }
0xc0: {  	[spmem:s2] =	stream.indirect.scatter.add.f32 [tilespmem:s20], [sflag:$0x14], $0x10, s0, s28, $0xb8;
	[tilespmem:$0xC720] =	vst v63  }
0xc1: {  	s19 =	simm.s32 $0xBF20;
	s20 =	simm.s32 $0xB  }
0xc2: {  	s7 =	sshra.s32 s7, $0x2;
	s9 =	sshra.s32 s9, $0x2;
	_ =	swait.ge [sflag:s20], $0x800  }
0xc3: {  	s6 =	sadd.s32 $0x4F20, s6;
	s0 =	sshra.s32 s26, $0x2;
	[sflag:s20] =	ssyncset.done $0x0  }
0xc4: {  	s10 =	sshra.s32 s10, $0x2;
	s26 =	sshra.s32 s3, $0x2;
	[sflag:s20] =	ssyncadd.s32 $0xFFFFF800  }
0xc5: {  	[tilespmem:s11], [sflag:$0x1] =	stream.indirect.gather [hbm4b:s4+s28], $0x10, s6, s28, $0xb8;
	[tilespmem:$0xC720] =	vst v63  }
0xc6: {  	s3 =	sadd.s32 $0x4F20, s10;
	s10 =	simm.s32 $0x7F20;
	_ =	swait.ge [sflag:s21], $0x800  }
0xc7: {  	[sflag:s21] =	ssyncset.done $0x0  }
0xc8: {  	s5 =	sshra.s32 s5, $0x2;
	[sflag:s21] =	ssyncadd.s32 $0xFFFFF800  }
0xc9: {  	[tilespmem:s10], [sflag:$0x2] =	stream.indirect.gather [hbm4b:s4+s28], $0x10, s3, s28, $0xb8;
	[tilespmem:$0xC720] =	vst v63  }
0xca: {  	s3 =	sadd.s32 $0x4F20, s5;
	s5 =	sadd.s32 $0xFFFFF400, s1;
	_ =	swait.ge [sflag:s22], $0x800  }
0xcb: {  	s5 =	simm.s32 @p1 $0x600;
	[sflag:s22] =	ssyncset.done $0x0  }
0xcc: {  	s5 =	sshra.s32 s5, $0x2;
	[sflag:s22] =	ssyncadd.s32 $0xFFFFF800  }
0xcd: {  	[tilespmem:s12], [sflag:$0x3] =	stream.indirect.gather [hbm4b:s4+s28], $0x10, s3, s28, $0xb8;
	[tilespmem:$0xC720] =	vst v63  }
0xce: {  	s3 =	sadd.s32 $0x4F20, s5;
	_ =	swait.ge [sflag:s8], $0x800  }
0xcf: {  	[sflag:s8] =	ssyncset.done $0x0  }
0xd0: {  	[sflag:s8] =	ssyncadd.s32 $0xFFFFF800  }
0xd1: {  	[tilespmem:s13], [sflag:$0x4] =	stream.indirect.gather [hbm4b:s4+s28], $0x10, s3, s28, $0xb8;
	[tilespmem:$0xC720] =	vst v63  }
0xd2: {  	s3 =	sadd.s32 $0x4F20, s7;
	_ =	swait.ge [sflag:s23], $0x800  }
0xd3: {  	[sflag:s23] =	ssyncset.done $0x0  }
0xd4: {  	[sflag:s23] =	ssyncadd.s32 $0xFFFFF800  }
0xd5: {  	[tilespmem:s14], [sflag:$0x5] =	stream.indirect.gather [hbm4b:s4+s28], $0x10, s3, s28, $0xb8;
	[tilespmem:$0xC720] =	vst v63  }
0xd6: {  	s5 =	sadd.s32 $0xFFFFFA00, s1;
	s3 =	sadd.s32 $0x4F20, s9;
	_ =	swait.ge [sflag:s25], $0x800  }
0xd7: {  	s6 =	sadd.s32 $0xFFFFFC00, s1;
	s5 =	simm.s32 @p1 $0xC00;
	[sflag:s25] =	ssyncset.done $0x0  }
0xd8: {  	s6 =	simm.s32 @p1 $0xE00;
	s5 =	sshra.s32 s5, $0x2;
	[sflag:s25] =	ssyncadd.s32 $0xFFFFF800  }
0xd9: {  	[tilespmem:s15], [sflag:$0x6] =	stream.indirect.gather [hbm4b:s4+s28], $0x10, s3, s28, $0xb8;
	[tilespmem:$0xC720] =	vst v63  }
0xda: {  	s3 =	sadd.s32 $0x4F20, s5;
	s5 =	sshra.s32 s6, $0x2;
	_ =	swait.ge [sflag:s24], $0x800  }
0xdb: {  	[sflag:s24] =	ssyncset.done $0x0  }
0xdc: {  	[sflag:s24] =	ssyncadd.s32 $0xFFFFF800  }
0xdd: {  	[tilespmem:s16], [sflag:$0x7] =	stream.indirect.gather [hbm4b:s4+s28], $0x10, s3, s28, $0xb8;
	[tilespmem:$0xC720] =	vst v63  }
0xde: {  	_ =	swait.ge [sflag:s29], $0x800  }
0xdf: {  	s3 =	sadd.s32 $0x4F20, s5;
	[sflag:s29] =	ssyncset.done $0x0  }
.Ltmp1:
0xe0: {  	[sflag:s29] =	ssyncadd.s32 $0xFFFFF800;
	(pc) =	sbr.rel @p0 .LBB2_2-.Ltmp1, $4  }
0xe1: {  	[tilespmem:s17], [sflag:$0x8] =	stream.indirect.gather [hbm4b:s4+s28], $0x10, s3, s28, $0xb8;
	[tilespmem:$0xC720] =	vst v63  }
0xe2: {  	s0 =	sadd.s32 $0x4F20, s0;
	_ =	swait.ge [sflag:s30], $0x800  }
0xe3: {  	[sflag:s30] =	ssyncset.done $0x0  }
0xe4: {  	s1 =	sadd.s32 $0x1400, s1;
	[sflag:s30] =	ssyncadd.s32 $0xFFFFF800  }
.LBB2_3:
0xe5: {  	[tilespmem:s18], [sflag:$0x9] =	stream.indirect.gather [hbm4b:s4+s28], $0x10, s0, s28, $0xb8;
	[tilespmem:$0xC720] =	vst v63  }
0xe6: {  	s1 =	simm.s32 $0x14  }
0xe7: {  	_ =	swait.ge [sflag:s1], $0x800  }
0xe8: {  	[sflag:s1] =	ssyncset.done $0x0  }
0xe9: {  	s12 =	sadd.s32 $0x4F20, s26;
	s13 =	simm.s32 $0x1;
	[sflag:s1] =	ssyncadd.s32 $0xFFFFF800  }
0xea: {  	[tilespmem:s19], [sflag:$0xA] =	stream.indirect.gather [hbm4b:s4+s28], $0x10, s12, s28, $0xb8;
	[tilespmem:$0xC720] =	vst v63  }
0xeb: {  	_ =	swait.ge [sflag:s13], $0x800  }
0xec: {  	[sflag:s13] =	ssyncset.done $0x0  }
0xed: {  	s14 =	simm.s32 $0x2;
	[sflag:s13] =	ssyncadd.s32 $0xFFFFF800  }
0xee: {  	_ =	swait.ge [sflag:s14], $0x800  }
0xef: {  	[sflag:s14] =	ssyncset.done $0x0  }
0xf0: {  	s15 =	simm.s32 $0x3;
	[sflag:s14] =	ssyncadd.s32 $0xFFFFF800  }
0xf1: {  	_ =	swait.ge [sflag:s15], $0x800  }
0xf2: {  	[sflag:s15] =	ssyncset.done $0x0  }
0xf3: {  	s16 =	simm.s32 $0x4;
	[sflag:s15] =	ssyncadd.s32 $0xFFFFF800  }
0xf4: {  	_ =	swait.ge [sflag:s16], $0x800  }
0xf5: {  	[sflag:s16] =	ssyncset.done $0x0  }
0xf6: {  	s17 =	simm.s32 $0x5;
	[sflag:s16] =	ssyncadd.s32 $0xFFFFF800  }
0xf7: {  	_ =	swait.ge [sflag:s17], $0x800  }
0xf8: {  	[sflag:s17] =	ssyncset.done $0x0  }
0xf9: {  	s18 =	simm.s32 $0x6;
	[sflag:s17] =	ssyncadd.s32 $0xFFFFF800  }
0xfa: {  	_ =	swait.ge [sflag:s18], $0x800  }
0xfb: {  	[sflag:s18] =	ssyncset.done $0x0  }
0xfc: {  	s19 =	simm.s32 $0x7;
	[sflag:s18] =	ssyncadd.s32 $0xFFFFF800  }
0xfd: {  	_ =	swait.ge [sflag:s19], $0x800  }
0xfe: {  	[sflag:s19] =	ssyncset.done $0x0  }
0xff: {  	s21 =	simm.s32 $0x8;
	[sflag:s19] =	ssyncadd.s32 $0xFFFFF800  }
0x100: {  	_ =	swait.ge [sflag:s21], $0x800  }
0x101: {  	[sflag:s21] =	ssyncset.done $0x0  }
0x102: {  	s22 =	simm.s32 $0x9;
	[sflag:s21] =	ssyncadd.s32 $0xFFFFF800  }
0x103: {  	_ =	swait.ge [sflag:s22], $0x800  }
0x104: {  	[sflag:s22] =	ssyncset.done $0x0  }
0x105: {  	s23 =	simm.s32 $0xA;
	[sflag:s22] =	ssyncadd.s32 $0xFFFFF800  }
0x106: {  	_ =	swait.ge [sflag:s23], $0x800  }
0x107: {  	[sflag:s23] =	ssyncset.done $0x0  }
0x108: {  	[sflag:s23] =	ssyncadd.s32 $0xFFFFF800  }
0x109: {  	[bflag:$0x0] =	sbarrier.arrive $0xFFFF  }
0x10a: {  	s6 =	rddreg [dreg:$0x6]  }
0x10b: {  	s24 =	rddreg [dreg:$0x13]  }
0x10c: {  	s3 =	simm.s32 $0x15;
	s25 =	rddreg [dreg:$0x18]  }
0x10d: {  	[hbm:s24], [sflag:s6] =	dma.local [spmem:s25], $0x4E4  }
0x10e: {  	_ =	swait.ge [sflag:s3], $0x4E4  }
0x10f: {  	s26 =	rddreg [dreg:$0x17]  }
0x110: {  	s31 =	rddreg [dreg:$0x14];
	s1 =	sadd.s32 $0x1, s26  }
0x111: {  	s7 =	simm.s32 $0x8720;
	s9 =	simm.s32 $0x8F20;
	p0 =	sne.s32 s1, s31  }
.Ltmp2:
0x112: {  	s8 =	simm.s32 $0xE;
	s12 =	simm.s32 $0x9720;
	(pc) =	sbr.rel @p0 .LBB2_1-.Ltmp2, $4  }
0x113: {  	s13 =	simm.s32 $0x9F20;
	s14 =	simm.s32 $0xA720;
	s15 =	simm.s32 $0xAF20  }
0x114: {  	s17 =	simm.s32 $0xC;
	s21 =	simm.s32 $0xD;
	s22 =	simm.s32 $0xF  }
0x115: {  	s23 =	simm.s32 $0x10;
	s24 =	simm.s32 $0x11;
	[sflag:s3] =	ssyncset.done $0x0  }
0x116: {  	s25 =	simm.s32 $0x12;
	[sflag:s3] =	ssyncadd.s32 $0xFFFFFB1C;
	s26 =	simm.s32 $0x13  }
0x117: {  	_ =	sfence.sel $0x180000  }
0x118: {  	[bflag:$0x0] =	sbarrier.arrive $0xFFFF  }
0x119: {  	_ =	strace $0x9000004A  }
0x11a: {  	s0 =	stileid.u32;
	[bflag:$0x2] =	sbarrier.arrive $0xFFFF  }
0x11b: {  	p0 =	sne.s32 s0, $0x0;
	s0 =	rddreg [dreg:$0x3]  }
0x11c: {  	s0 =	sadd.s32 @!p0 $0x100000, s0  }
0x11d: {  	[sflag:s0] =	ssyncadd.tile.s32 @!p0 $0x1;
	_ =	shalt  }
.Lfunc_end2:
_tile_overlayer_lowered:
.L_overlay_start_2:
0x11e: {  	(tag) =	ssettag $0x2  }
0x11f: {  	s0 =	rddreg [dreg:$0x0];
	s2 =	stileid.u32  }
0x120: {  	s1 =	rddreg [dreg:$0x1];
	p0 =	sne.s32 s2, $0x0  }
0x121: {  	s3 =	rddreg [dreg:$0x2];
	[bflag:$0x3] =	sbarrier.arrive $0xFFFF;
	s2 =	simm.s32 @!p0 $0x1C15  }
0x122: {  	[timem:s3], [sflag:s2] =	dma.local @!p0 [hbm:s0], s1  }
0x123: {  	s0 =	simm.s32 @!p0 $0x15  }
0x124: {  	_ =	swait.ge @!p0 [sflag:s0], s1  }
0x125: {  	s1 =	ssub.s32 @!p0 $0x0, s1;
	[sflag:s0] =	ssyncset.done @!p0 $0x0  }
0x126: {  	[sflag:s0] =	ssyncadd.s32 @!p0 s1  }
0x127: {  	[bflag:$0x3] =	sbarrier.arrive $0xFFFF  }
0x128: {  	_ =	shalt  }

// kernel: kernel.15.cloned.1.call-start
scs
__scs_entry_jumppad:
0x0: {  	(pc) =	sbr.rel $0x88, $3  }
0x1: {  	(tag) =	ssettag $0x0;
	lr =	simm.s32 $0x1  }
0x2: {  	[smem:$0x3F9B] =	sst lr;
	_ =	strace $0xD0000000  }
0x3: {  	_ = 	snop  }
0x4: {  	_ = 	snop  }
0x5: {  	_ = 	snop  }
0x6: {  	_ = 	snop  }
0x7: {  	_ = 	snop  }
__scs_overlays_trampoline_lowered:
0x8: {  	[smem:$0x3FAA] =	sst s0  }
0x9: {  	[smem:$0x3FAB] =	sst s1  }
0xa: {  	[smem:$0x3FAC] =	sst s2  }
0xb: {  	[smem:$0x3FAD] =	sst s3  }
0xc: {  	[smem:$0x3FAE] =	sst s4  }
0xd: {  	[smem:$0x3FAF] =	sst s5  }
0xe: {  	[smem:$0x3FB0] =	sst s6  }
0xf: {  	[smem:$0x3FB1] =	sst s7  }
0x10: {  	[smem:$0x3FB2] =	sst s8  }
0x11: {  	[smem:$0x3FB3] =	sst s9;
	s0 =	simm.s32 @!p0 $0x0  }
0x12: {  	s1 =	sld [smem:$0x3F99];
	s0 =	simm.s32 @p0 $0x1  }
0x13: {  	[smem:$0x3FB4] =	sst s0;
	s0 =	simm.s32 @!p1 $0x0  }
0x14: {  	s2 =	sld [smem:$0x3F98];
	s0 =	simm.s32 @p1 $0x1  }
0x15: {  	[smem:$0x3FB5] =	sst s0;
	s0 =	simm.s32 @!p2 $0x0  }
0x16: {  	s3 =	sld [smem:$0x3FDB];
	s0 =	simm.s32 @p2 $0x1  }
0x17: {  	s4 =	simm.s32 $0x1BF5;
	[smem:$0x3FB7] =	sst s0  }
0x18: {  	s0 =	sld [smem:$0x3F9A];
	_ =	swait.ge [sflag:s4], $0x0  }
0x19: {  	s7 =	sld [smem:$0x3F9B]  }
0x1a: {  	s8 =	sadd.s32 $0xFFFFE003, lr  }
0x1b: {  	s9 =	sadd.s32 $0xFFFFFEF7, lr;
	s5 =	simm.s32 $0xFFFFFFFF;
	p2 =	slt.u32 s8, $0xFFFFF086  }
0x1c: {  	p1 =	slt.u32 s9, $0xF7A;
	s5 =	simm.s32 @!p2 $0x0  }
0x1d: {  	s5 =	simm.s32 @p1 $0x1;
	p0 =	seq.s32 s7, s2  }
0x1e: {  	s7 =	smul.u32 @!p0 $0xF7A, s2;
	p2 =	seq.s32 @!p0 s5, $0x0  }
0x1f: {  	s9 =	smul.u32 $0xF7A, s1;
	s8 =	simm.s32 @!p0 $0x1BF5;
	p2 =	por !p2, p0  }
0x20: {  	[sflag:s8] =	ssyncset.s32 @!p0 $0xFFFFF086;
	s6 =	sadd.s32 @!p0 s3, s7;
	s7 =	simm.s32 @!p0 $0x108  }
0x21: {  	s3 =	sadd.s32 s3, s9;
	s6 =	sadd.s32 @!p0 $0x88, s6;
	s7 =	simm.s32 @p2 $0x1082  }
0x22: {  	[simem:s7], [sflag:s8] =	dma.local @!p0 [hbm:s6], $0xF7A  }
0x23: {  	s9 =	sor.u32 $0xD0000000, s2;
	s6 =	simm.s32 $0x108;
	_ =	swait.ge @!p0 [sflag:s8], $0x0  }
0x24: {  	s3 =	sadd.s32 $0x88, s3;
	s6 =	simm.s32 @!p1 $0x1082;
	[sflag:s4] =	ssyncset.s32 $0xFFFFF086  }
0x25: {  	[simem:s6], [sflag:s4] =	dma.local [hbm:s3], $0xF7A  }
0x26: {  	[smem:$0x3F9B] =	sst s1;
	(tag) =	ssettag s2;
	_ =	strace s9  }
0x27: {  	s1 =	sld [smem:$0x3FAB]  }
0x28: {  	s2 =	sld [smem:$0x3FAC]  }
0x29: {  	s4 =	sld [smem:$0x3FAE]  }
0x2a: {  	p0 =	seq.s32 s5, $0x0;
	s5 =	sld [smem:$0x3FAF]  }
0x2b: {  	s6 =	sld [smem:$0x3FB0]  }
0x2c: {  	s7 =	sld [smem:$0x3FB1]  }
0x2d: {  	s3 =	simm.s32 $0x108;
	s8 =	sld [smem:$0x3FB2]  }
0x2e: {  	s3 =	simm.s32 @!p0 $0x1082;
	s9 =	sld [smem:$0x3FB3]  }
0x2f: {  	lr =	sadd.s32 s0, s3;
	s0 =	sld [smem:$0x3FAA]  }
0x30: {  	s3 =	sld [smem:$0x3FAD]  }
0x31: {  	[smem:$0x3FB6] =	sst s10  }
0x32: {  	s10 =	sld [smem:$0x3FB4];
	_ =	sdelay $0x3  }
0x33: {  	p0 =	seq.s32 s10, $0x1;
	s10 =	sld [smem:$0x3FB6];
	_ =	sdelay $0x3  }
0x34: {  	[smem:$0x3FB6] =	sst s10  }
0x35: {  	s10 =	sld [smem:$0x3FB5];
	_ =	sdelay $0x3  }
0x36: {  	p1 =	seq.s32 s10, $0x1;
	s10 =	sld [smem:$0x3FB6];
	_ =	sdelay $0x3  }
0x37: {  	[smem:$0x3FB6] =	sst s10  }
0x38: {  	s10 =	sld [smem:$0x3FB7]  }
0x39: {  	_ = 	snop;
	(pc) =	sbr.ind lr, $3  }
0x3a: {  	_ = 	snop  }
0x3b: {  	_ = 	snop  }
0x3c: {  	p2 =	seq.s32 s10, $0x1;
	s10 =	sld [smem:$0x3FB6]  }
0x3d: {  	_ =	shalt  }
0x3e: {  	_ =	shalt  }
0x3f: {  	_ =	shalt  }
0x40: {  	_ =	shalt  }
0x41: {  	_ =	shalt  }
0x42: {  	_ =	shalt  }
0x43: {  	_ =	shalt  }
0x44: {  	_ =	shalt  }
0x45: {  	_ =	shalt  }
0x46: {  	_ =	shalt  }
0x47: {  	_ =	shalt  }
0x48: {  	_ =	shalt  }
0x49: {  	_ =	shalt  }
0x4a: {  	_ =	shalt  }
0x4b: {  	_ =	shalt  }
0x4c: {  	_ =	shalt  }
0x4d: {  	_ =	shalt  }
0x4e: {  	_ =	shalt  }
0x4f: {  	_ =	shalt  }
0x50: {  	_ =	shalt  }
0x51: {  	_ =	shalt  }
0x52: {  	_ =	shalt  }
0x53: {  	_ =	shalt  }
0x54: {  	_ =	shalt  }
0x55: {  	_ =	shalt  }
0x56: {  	_ =	shalt  }
0x57: {  	_ =	shalt  }
0x58: {  	_ =	shalt  }
0x59: {  	_ =	shalt  }
0x5a: {  	_ =	shalt  }
0x5b: {  	_ =	shalt  }
0x5c: {  	_ =	shalt  }
0x5d: {  	_ =	shalt  }
0x5e: {  	_ =	shalt  }
0x5f: {  	_ =	shalt  }
0x60: {  	_ =	shalt  }
0x61: {  	_ =	shalt  }
0x62: {  	_ =	shalt  }
0x63: {  	_ =	shalt  }
0x64: {  	_ =	shalt  }
0x65: {  	_ =	shalt  }
0x66: {  	_ =	shalt  }
0x67: {  	_ =	shalt  }
0x68: {  	_ =	shalt  }
0x69: {  	_ =	shalt  }
0x6a: {  	_ =	shalt  }
0x6b: {  	_ =	shalt  }
0x6c: {  	_ =	shalt  }
0x6d: {  	_ =	shalt  }
0x6e: {  	_ =	shalt  }
0x6f: {  	_ =	shalt  }
0x70: {  	_ =	shalt  }
0x71: {  	_ =	shalt  }
0x72: {  	_ =	shalt  }
0x73: {  	_ =	shalt  }
0x74: {  	_ =	shalt  }
0x75: {  	_ =	shalt  }
0x76: {  	_ =	shalt  }
0x77: {  	_ =	shalt  }
0x78: {  	_ =	shalt  }
0x79: {  	_ =	shalt  }
0x7a: {  	_ =	shalt  }
0x7b: {  	_ =	shalt  }
0x7c: {  	_ =	shalt  }
0x7d: {  	_ =	shalt  }
0x7e: {  	_ =	shalt  }
0x7f: {  	_ =	shalt  }
0x80: {  	_ =	shalt  }
0x81: {  	_ =	shalt  }
0x82: {  	_ =	shalt  }
0x83: {  	_ =	shalt  }
0x84: {  	_ =	shalt  }
0x85: {  	_ =	shalt  }
0x86: {  	_ =	shalt  }
0x87: {  	_ =	shalt  }
.Lfunc_end0:
.L_simem_size_0:
called_computation.2_lowered:
.L_overlay_start_0:
0x88: {  	s2 =	sld [smem:$0x3FD9]  }
0x89: {  	s3 =	sld [smem:$0x3FFE];
	_ =	sdelay $0x1  }
0x8a: {  	s1 =	srdreg.scid  }
0x8b: {  	s0 =	sand.u32 $0x1, s1  }
0x8c: {  	s17 =	sshll.u32 s0, $0xA;
	s2 =	sadd.s32 s3, s2  }
0x8d: {  	s2 =	sadd.s32 s2, s17  }
0x8e: {  	[smem:$0x3FC2] =	sst s2  }
0x8f: {  	_ = 	snop  }
0x90: {  	s2 =	sld [smem:$0x3FD0];
	(tm) =	ssettm $0x1  }
0x91: {  	s18 =	sld [smem:$0x3FFB];
	_ =	sdelay $0x3  }
0x92: {  	_ =	strace s18  }
0x93: {  	s3 =	sld [smem:$0x3FFC];
	_ =	sdelay $0x3  }
0x94: {  	_ =	strace s3  }
0x95: {  	s3 =	sld [smem:$0x3FFD];
	_ =	sdelay $0x3  }
0x96: {  	_ =	strace s3  }
0x97: {  	_ =	strace $0x8FFFFFFF  }
0x98: {  	s19 =	sld [smem:$0x3FDB];
	_ =	sdelay $0x1  }
0x99: {  	s4 =	simm.s32 $_scs_section_size  }
0x9a: {  	s5 =	simm.s32 $_size__tile_overlayer_lowered;
	s6 =	simm.s32 $_tile_overlayer_lowered  }
0x9b: {  	s22 =	simm.s32 $0x1BFF;
	s21 =	sshll.u32 s6, $0x1;
	s3 =	sadd.s32 s4, s19  }
0x9c: {  	s7 =	simm.s32 $0x0;
	s20 =	sshll.u32 s5, $0x1;
	s5 =	sadd.s32 s21, s3  }
0x9d: {  	[timem:s7], [sflag:s22] =	dma.local [hbm:s5], s20  }
0x9e: {  	_ =	swait.ge [sflag:s22], s20  }
0x9f: {  	s4 =	ssub.s32 $0x0, s20;
	[sflag:s22] =	ssyncset.done $0x0  }
0xa0: {  	[sflag:s22] =	ssyncadd.s32 s4;
	_ =	sdelay $0x1  }
0xa1: {  	s23 =	simm.s32 $0x1B8B  }
0xa2: {  	_ =	swait.ge [sflag:s23], $0x1  }
0xa3: {  	[sflag:s23] =	ssyncset.done $0x0  }
0xa4: {  	s25 =	simm.s32 $0x1B8E;
	s24 =	sld [smem:$0x3FFE];
	[sflag:s23] =	ssyncadd.s32 $0xFFFFFFFF  }
0xa5: {  	s26 =	simm.s32 $execute0_lowered;
	[smem:$0x3FD2] =	sst s25  }
0xa6: {  	s5 =	sshll.u32 s26, $0x1;
	_ =	strace $0x8000004C;
	[dreg:$0x1] =	wrdreg $0xFFFFFFFF  }
0xa7: {  	s28 =	simm.s32 $_size_execute0_lowered;
	s3 =	sadd.s32 s3, s5;
	[dreg:$0x0] =	wrdreg $0x0  }
0xa8: {  	s5 =	sshll.u32 s28, $0x1;
	[dreg:$0x2] =	wrdreg s3  }
0xa9: {  	[dreg:$0x3] =	wrdreg s5  }
0xaa: {  	[dreg:$0x4] =	wrdreg $0xC0  }
0xab: {  	_ =	task [dreg:s7], $0x5FFFF  }
0xac: {  	[dreg:$0x1] =	wrdreg $0xFFFFFFFF  }
0xad: {  	[dreg:$0x0] =	wrdreg $0x60  }
0xae: {  	[dreg:$0x2] =	wrdreg s24  }
0xaf: {  	[dreg:$0x3] =	wrdreg s2  }
0xb0: {  	[dreg:$0x4] =	wrdreg $0x28000  }
0xb1: {  	[dreg:$0x5] =	wrdreg $0x9  }
0xb2: {  	_ =	task.clear_ibuf [dreg:s7], $0x6FFFF;
	_ =	strace $0x9000004C  }
0xb3: {  	s29 =	simm.s32 $0x9;
	_ =	strace $0x8000004E  }
0xb4: {  	_ =	swait.ge [sflag:s29], $0x1  }
0xb5: {  	[sflag:s29] =	ssyncadd.s32 $0xFFFFFFFF  }
0xb6: {  	_ =	strace $0x9000004E  }
0xb7: {  	_ =	sfence  }
0xb8: {  	s30 =	sld [smem:$0x0];
	_ =	sdelay $0x2  }
0xb9: {  	s31 =	sshll.u32 s1, $0xD;
	s1 =	sshrl.u32 s1, $0x2  }
0xba: {  	s3 =	sand.u32 $0x4000, s31;
	s1 =	sadd.s32 s1, s30  }
0xbb: {  	s0 =	sor.u32 s3, s0;
	s1 =	sshll.u32 s1, $0x11  }
0xbc: {  	s0 =	sor.u32 s1, s0  }
0xbd: {  	s0 =	sadd.s32 $0x8F2B, s0  }
0xbe: {  	[sflag:s0] =	ssyncadd.remote.s32 $0x1  }
0xbf: {  	_ =	sfence.sel $0xFFFF  }
0xc0: {  	[dreg:$0x0] =	wrdreg $0xFFFFFFFF;
	(pc) =	sbr.abs _section_cstart, $3  }
0xc1: {  	[dreg:$0x1] =	wrdreg $0xFFFFFFFF  }
0xc2: {  	_ =	task.clear_ibuf [dreg:s7], $0x2FFFF;
	_ =	strace $0x9FFFFFFF  }
0xc3: {  	(tm) =	ssettm $0x7FFFFFFF  }
tec
execute0_lowered:
.L_overlay_start_1:
0x0: {  	(tag) =	ssettag $0x1  }
0x1: {  	s3 =	rddreg [dreg:$0x0]  }
0x2: {  	s0 =	srdreg.scid;
	s5 =	rddreg [dreg:$0x1]  }
0x3: {  	s11 =	stileid.u32;
	s2 =	rddreg [dreg:$0x2]  }
0x4: {  	s6 =	simm.s32 $0x0;
	s28 =	simm.s32 $0x80;
	s29 =	simm.s32 $0x12  }
0x5: {  	s30 =	simm.s32 $0x13;
	s0 =	sand.u32 $0x1, s0;
	[smem:$0x7FF] =	sst s6  }
0x6: {  	s9 =	sadd.s32 $0xB400, s3;
	s14 =	sshll.u32 s11, $0x6;
	s1 =	sshll.u32 s0, $0x4  }
0x7: {  	_ =	strace $0x8000004D;
	[dreg:$0x4] =	wrdreg s9;
	s0 =	ssub.s32 $0x2, s0  }
0x8: {  	s9 =	smul.u32 $0x9C80, s11;
	s6 =	sor.u32 $0x1C15, s14;
	s1 =	sor.u32 s11, s1  }
0x9: {  	s12 =	sshrl.u32 s0, $0x1;
	[dreg:$0x6] =	wrdreg s6;
	s4 =	smul.u32 $0x50, s1  }
0xa: {  	s10 =	smul.u32 $0x4E4, s1;
	p0 =	seq.s32 s1, $0x1F;
	s9 =	sshrl.u32 s9, $0x2  }
0xb: {  	s1 =	simm.s32 $0x6;
	s0 =	ssub.s32 s0, s12;
	s13 =	sadd.s32 s9, s2  }
0xc: {  	s1 =	simm.s32 @!p0 $0x0;
	s0 =	smax.u32 s0, $0x1;
	[dreg:$0x5] =	wrdreg s13  }
0xd: {  	s4 =	smin.u32 s4, $0x974;
	[dreg:$0x14] =	wrdreg s0;
	s26 =	ssub.s32 $0x8, s1  }
0xe: {  	s7 =	sshll.u32 s4, $0x4;
	s4 =	sadd.s32 $0xBA00, s3;
	[dreg:$0x15] =	wrdreg s26  }
0xf: {  	s8 =	sadd.s32 s7, s3;
	s3 =	sadd.s32 s10, s3;
	s5 =	sadd.s32 s5, s7  }
0x10: {  	s10 =	smul.u32 $0x1400, s1;
	s8 =	sadd.s32 $0x1400, s8;
	[dreg:$0x8] =	wrdreg s5  }
0x11: {  	s14 =	simm.s32 $0xA720;
	s3 =	sadd.s32 $0x10A00, s3;
	[dreg:$0x7] =	wrdreg s8  }
0x12: {  	s15 =	sshrl.u32 s10, $0x2;
	[dreg:$0x13] =	wrdreg s3;
	s31 =	sadd.s32 $0x2600, s10  }
0x13: {  	s11 =	simm.s32 $0x7720;
	s16 =	sadd.s32 $0x4F20, s15;
	[dreg:$0x16] =	wrdreg s31  }
0x14: {  	s12 =	simm.s32 $0x9720;
	s17 =	sadd.s32 $0x4FA0, s15;
	[dreg:$0x9] =	wrdreg s16  }
0x15: {  	s9 =	simm.s32 $0x8F20;
	s18 =	sadd.s32 $0x5020, s15;
	[dreg:$0xa] =	wrdreg s17  }
0x16: {  	s13 =	simm.s32 $0x9F20;
	s19 =	sadd.s32 $0x50A0, s15;
	[dreg:$0xb] =	wrdreg s18  }
0x17: {  	s26 =	simm.s32 $0x13;
	s20 =	sadd.s32 $0x5120, s15;
	[dreg:$0xc] =	wrdreg s19  }
0x18: {  	s7 =	simm.s32 $0x8720;
	s21 =	sadd.s32 $0x51A0, s15;
	[dreg:$0xd] =	wrdreg s20  }
0x19: {  	s1 =	simm.s32 $0x0;
	s22 =	sadd.s32 $0x5220, s15;
	[dreg:$0xe] =	wrdreg s21  }
0x1a: {  	s3 =	simm.s32 $0x15;
	s23 =	sadd.s32 $0x52A0, s15;
	[dreg:$0xf] =	wrdreg s22  }
0x1b: {  	s10 =	simm.s32 $0x7F20;
	s24 =	sadd.s32 $0x5320, s15;
	[dreg:$0x10] =	wrdreg s23  }
0x1c: {  	s8 =	simm.s32 $0xE;
	s25 =	sadd.s32 $0x53A0, s15;
	[dreg:$0x11] =	wrdreg s24  }
0x1d: {  	s15 =	simm.s32 $0xAF20;
	[dreg:$0x12] =	wrdreg s25;
	s20 =	simm.s32 $0xB  }
0x1e: {  	s17 =	simm.s32 $0xC;
	s21 =	simm.s32 $0xD;
	s22 =	simm.s32 $0xF  }
0x1f: {  	s23 =	simm.s32 $0x10;
	s24 =	simm.s32 $0x11;
	s25 =	simm.s32 $0x12  }
.LBB2_1:
0x20: {  	[dreg:$0x17] =	wrdreg s1  }
0x21: {  	s0 =	rddreg [dreg:$0x5]  }
0x22: {  	s5 =	rddreg [dreg:$0x4];
	s0 =	sshrl.u32 s0, $0x3  }
0x23: {  	[dreg:$0x18] =	wrdreg s0  }
0x24: {  	[spmem:s0], [sflag:s6] =	dma.local [hbm:s5], $0x4E4  }
0x25: {  	_ =	swait.ge [sflag:s3], $0x4E4  }
0x26: {  	[sflag:s3] =	ssyncset.done $0x0  }
0x27: {  	s6 =	simm.s32 $0x0;
	s16 =	rddreg [dreg:$0x7];
	[sflag:s3] =	ssyncadd.s32 $0xFFFFFB1C  }
0x28: {  	[tilespmem:s6], [sflag:$0x15] =	stream.linear.gather [hbm4b:s16+s6], $0x2800, $0x38;
	[tilespmem:$0xC720] =	vst v63  }
0x29: {  	_ =	swait.ge [sflag:s3], $0x2800  }
0x2a: {  	[sflag:s3] =	ssyncset.done $0x0  }
0x2b: {  	s5 =	simm.s32 $0x4F20;
	s18 =	rddreg [dreg:$0x8];
	[sflag:s3] =	ssyncadd.s32 $0xFFFFD800  }
0x2c: {  	[tilespmem:s5], [sflag:$0x15] =	stream.linear.gather [hbm4b:s18+s6], $0x2800, $0x38;
	[tilespmem:$0xC720] =	vst v63  }
0x2d: {  	_ =	swait.ge [sflag:s3], $0x2800  }
0x2e: {  	[sflag:s3] =	ssyncset.done $0x0  }
0x2f: {  	[sflag:s3] =	ssyncadd.s32 $0xFFFFD800  }
0x30: {  	[bflag:$0x0] =	sbarrier.arrive $0xFFFF  }
0x31: {  	s19 =	rddreg [dreg:$0x9]  }
0x32: {  	[tilespmem:s11], [sflag:$0x1] =	stream.indirect.gather [hbm4b:s4+s28], $0x10, s19, s28, $0xb8;
	[tilespmem:$0xC720] =	vst v63  }
0x33: {  	s1 =	rddreg [dreg:$0xa]  }
0x34: {  	[tilespmem:s10], [sflag:$0x2] =	stream.indirect.gather [hbm4b:s4+s28], $0x10, s1, s28, $0xb8;
	[tilespmem:$0xC720] =	vst v63  }
0x35: {  	s3 =	rddreg [dreg:$0xb]  }
0x36: {  	[tilespmem:s7], [sflag:$0x3] =	stream.indirect.gather [hbm4b:s4+s28], $0x10, s3, s28, $0xb8;
	[tilespmem:$0xC720] =	vst v63  }
0x37: {  	s5 =	rddreg [dreg:$0xc]  }
0x38: {  	[tilespmem:s9], [sflag:$0x4] =	stream.indirect.gather [hbm4b:s4+s28], $0x10, s5, s28, $0xb8;
	[tilespmem:$0xC720] =	vst v63  }
0x39: {  	s6 =	rddreg [dreg:$0xd]  }
0x3a: {  	[tilespmem:s12], [sflag:$0x5] =	stream.indirect.gather [hbm4b:s4+s28], $0x10, s6, s28, $0xb8;
	[tilespmem:$0xC720] =	vst v63  }
0x3b: {  	s16 =	rddreg [dreg:$0xe]  }
0x3c: {  	[tilespmem:s13], [sflag:$0x6] =	stream.indirect.gather [hbm4b:s4+s28], $0x10, s16, s28, $0xb8;
	[tilespmem:$0xC720] =	vst v63  }
0x3d: {  	s18 =	rddreg [dreg:$0xf]  }
0x3e: {  	[tilespmem:s14], [sflag:$0x7] =	stream.indirect.gather [hbm4b:s4+s28], $0x10, s18, s28, $0xb8;
	[tilespmem:$0xC720] =	vst v63  }
0x3f: {  	s19 =	rddreg [dreg:$0x10]  }
0x40: {  	[tilespmem:s15], [sflag:$0x8] =	stream.indirect.gather [hbm4b:s4+s28], $0x10, s19, s28, $0xb8;
	[tilespmem:$0xC720] =	vst v63  }
0x41: {  	s1 =	rddreg [dreg:$0x11];
	s3 =	simm.s32 $0xB720  }
0x42: {  	[tilespmem:s3], [sflag:$0x9] =	stream.indirect.gather [hbm4b:s4+s28], $0x10, s1, s28, $0xb8;
	[tilespmem:$0xC720] =	vst v63  }
0x43: {  	s5 =	rddreg [dreg:$0x12];
	s6 =	simm.s32 $0xBF20;
	s16 =	simm.s32 $0x1  }
0x44: {  	[tilespmem:s6], [sflag:$0xA] =	stream.indirect.gather [hbm4b:s4+s28], $0x10, s5, s28, $0xb8;
	[tilespmem:$0xC720] =	vst v63  }
0x45: {  	_ =	swait.ge [sflag:s16], $0x800  }
0x46: {  	s5 =	rddreg [dreg:$0x16]  }
0x47: {  	[sflag:s16] =	ssyncset.done $0x0;
	s0 =	sshra.s32 s5, $0x2  }
0x48: {  	s19 =	simm.s32 $0x2;
	[sflag:s16] =	ssyncadd.s32 $0xFFFFF800;
	s18 =	sadd.s32 $0xFFFFF680, s0  }
0x49: {  	[spmem:s2] =	stream.indirect.scatter.add.f32 [tilespmem:s11], [sflag:$0xB], $0x10, s18, s28, $0xb8;
	[tilespmem:$0xC720] =	vst v63  }
0x4a: {  	_ =	swait.ge [sflag:s19], $0x800  }
0x4b: {  	[sflag:s19] =	ssyncset.done $0x0  }
0x4c: {  	s16 =	sadd.s32 $0xFFFFF700, s0;
	s18 =	simm.s32 $0x3;
	[sflag:s19] =	ssyncadd.s32 $0xFFFFF800  }
0x4d: {  	[spmem:s2] =	stream.indirect.scatter.add.f32 [tilespmem:s10], [sflag:$0xC], $0x10, s16, s28, $0xb8;
	[tilespmem:$0xC720] =	vst v63  }
0x4e: {  	_ =	swait.ge [sflag:s18], $0x800  }
0x4f: {  	[sflag:s18] =	ssyncset.done $0x0  }
0x50: {  	s19 =	sadd.s32 $0xFFFFF780, s0;
	s16 =	simm.s32 $0x4;
	[sflag:s18] =	ssyncadd.s32 $0xFFFFF800  }
0x51: {  	[spmem:s2] =	stream.indirect.scatter.add.f32 [tilespmem:s7], [sflag:$0xD], $0x10, s19, s28, $0xb8;
	[tilespmem:$0xC720] =	vst v63  }
0x52: {  	_ =	swait.ge [sflag:s16], $0x800  }
0x53: {  	[sflag:s16] =	ssyncset.done $0x0  }
0x54: {  	s18 =	sadd.s32 $0xFFFFF800, s0;
	s19 =	simm.s32 $0x5;
	[sflag:s16] =	ssyncadd.s32 $0xFFFFF800  }
0x55: {  	[spmem:s2] =	stream.indirect.scatter.add.f32 [tilespmem:s9], [sflag:$0xE], $0x10, s18, s28, $0xb8;
	[tilespmem:$0xC720] =	vst v63  }
0x56: {  	_ =	swait.ge [sflag:s19], $0x800  }
0x57: {  	[sflag:s19] =	ssyncset.done $0x0  }
0x58: {  	s16 =	sadd.s32 $0xFFFFF880, s0;
	s18 =	simm.s32 $0x6;
	[sflag:s19] =	ssyncadd.s32 $0xFFFFF800  }
0x59: {  	[spmem:s2] =	stream.indirect.scatter.add.f32 [tilespmem:s12], [sflag:$0xF], $0x10, s16, s28, $0xb8;
	[tilespmem:$0xC720] =	vst v63  }
0x5a: {  	_ =	swait.ge [sflag:s18], $0x800  }
0x5b: {  	[sflag:s18] =	ssyncset.done $0x0  }
0x5c: {  	s19 =	sadd.s32 $0xFFFFF900, s0;
	s16 =	simm.s32 $0x7;
	[sflag:s18] =	ssyncadd.s32 $0xFFFFF800  }
0x5d: {  	[spmem:s2] =	stream.indirect.scatter.add.f32 [tilespmem:s13], [sflag:$0x10], $0x10, s19, s28, $0xb8;
	[tilespmem:$0xC720] =	vst v63  }
0x5e: {  	_ =	swait.ge [sflag:s16], $0x800  }
0x5f: {  	[sflag:s16] =	ssyncset.done $0x0  }
0x60: {  	s18 =	sadd.s32 $0xFFFFF980, s0;
	s19 =	simm.s32 $0x8;
	[sflag:s16] =	ssyncadd.s32 $0xFFFFF800  }
0x61: {  	[spmem:s2] =	stream.indirect.scatter.add.f32 [tilespmem:s14], [sflag:$0x11], $0x10, s18, s28, $0xb8;
	[tilespmem:$0xC720] =	vst v63  }
0x62: {  	_ =	swait.ge [sflag:s19], $0x800  }
0x63: {  	[sflag:s19] =	ssyncset.done $0x0  }
0x64: {  	s16 =	sadd.s32 $0xFFFFFA00, s0;
	s18 =	simm.s32 $0x9;
	[sflag:s19] =	ssyncadd.s32 $0xFFFFF800  }
0x65: {  	[spmem:s2] =	stream.indirect.scatter.add.f32 [tilespmem:s15], [sflag:$0x12], $0x10, s16, s28, $0xb8;
	[tilespmem:$0xC720] =	vst v63  }
0x66: {  	_ =	swait.ge [sflag:s18], $0x800  }
0x67: {  	[sflag:s18] =	ssyncset.done $0x0  }
0x68: {  	s19 =	sadd.s32 $0xFFFFFA80, s0;
	s16 =	simm.s32 $0xA;
	[sflag:s18] =	ssyncadd.s32 $0xFFFFF800  }
0x69: {  	[spmem:s2] =	stream.indirect.scatter.add.f32 [tilespmem:s3], [sflag:$0x13], $0x10, s19, s28, $0xb8;
	[tilespmem:$0xC720] =	vst v63  }
0x6a: {  	s1 =	sadd.s32 $0xFFFFEE00, s5;
	s0 =	sadd.s32 $0xFFFFFB00, s0;
	_ =	swait.ge [sflag:s16], $0x800  }
0x6b: {  	s18 =	simm.s32 $0xB720;
	[sflag:s16] =	ssyncset.done $0x0;
	s3 =	rddreg [dreg:$0x15]  }
0x6c: {  	s19 =	simm.s32 $0xBF20;
	p0 =	seq.s32 s3, $0x1;
	[sflag:s16] =	ssyncadd.s32 $0xFFFFF800  }
0x6d: {  	[spmem:s2] =	stream.indirect.scatter.add.f32 [tilespmem:s6], [sflag:$0x14], $0x10, s0, s28, $0xb8;
	[tilespmem:$0xC720] =	vst v63  }
0x6e: {  	p1 =	sne.s32 s3, $0x1;
	s1 =	simm.s32 @p0 $0x0;
	_ =	swait.ge [sflag:s20], $0x800  }
0x6f: {  	s16 =	sshra.s32 s1, $0x2;
	s1 =	sadd.s32 $0xFFFFF000, s5;
	[sflag:s20] =	ssyncset.done $0x0  }
0x70: {  	s0 =	sadd.s32 $0x4F20, s16;
	s1 =	simm.s32 @p0 $0x200;
	[sflag:s20] =	ssyncadd.s32 $0xFFFFF800  }
0x71: {  	[tilespmem:s11], [sflag:$0x1] =	stream.indirect.gather [hbm4b:s4+s28], $0x10, s0, s28, $0xb8;
	[tilespmem:$0xC720] =	vst v63  }
0x72: {  	s6 =	sshra.s32 s1, $0x2;
	s1 =	sadd.s32 $0xFFFFF200, s5;
	_ =	swait.ge [sflag:s17], $0x800  }
0x73: {  	s0 =	sadd.s32 $0x4F20, s6;
	s1 =	simm.s32 @p0 $0x400;
	[sflag:s17] =	ssyncset.done $0x0  }
0x74: {  	s16 =	sshra.s32 s1, $0x2;
	s1 =	sadd.s32 $0xFFFFF400, s5;
	[sflag:s17] =	ssyncadd.s32 $0xFFFFF800  }
0x75: {  	[tilespmem:s10], [sflag:$0x2] =	stream.indirect.gather [hbm4b:s4+s28], $0x10, s0, s28, $0xb8;
	[tilespmem:$0xC720] =	vst v63  }
0x76: {  	s31 =	sadd.s32 $0xFFFFFFFF, s3;
	s1 =	simm.s32 @p0 $0x600;
	_ =	swait.ge [sflag:s21], $0x800  }
0x77: {  	s17 =	sshra.s32 s1, $0x2;
	s1 =	sadd.s32 $0xFFFFF600, s5;
	[sflag:s21] =	ssyncset.done $0x0  }
0x78: {  	s0 =	sadd.s32 $0x4F20, s16;
	s1 =	simm.s32 @p0 $0x800;
	[sflag:s21] =	ssyncadd.s32 $0xFFFFF800  }
0x79: {  	[tilespmem:s7], [sflag:$0x3] =	stream.indirect.gather [hbm4b:s4+s28], $0x10, s0, s28, $0xb8;
	[tilespmem:$0xC720] =	vst v63  }
0x7a: {  	s21 =	sshra.s32 s1, $0x2;
	s1 =	sadd.s32 $0xFFFFF800, s5;
	_ =	swait.ge [sflag:s8], $0x800  }
0x7b: {  	s0 =	sadd.s32 $0x4F20, s17;
	s1 =	simm.s32 @p0 $0xA00;
	[sflag:s8] =	ssyncset.done $0x0  }
0x7c: {  	s6 =	sshra.s32 s1, $0x2;
	s1 =	sadd.s32 $0xFFFFFA00, s5;
	[sflag:s8] =	ssyncadd.s32 $0xFFFFF800  }
0x7d: {  	[tilespmem:s9], [sflag:$0x4] =	stream.indirect.gather [hbm4b:s4+s28], $0x10, s0, s28, $0xb8;
	[tilespmem:$0xC720] =	vst v63  }
0x7e: {  	s3 =	smov.u32 s5;
	s1 =	simm.s32 @p0 $0xC00;
	_ =	swait.ge [sflag:s22], $0x800  }
0x7f: {  	s3 =	simm.s32 @p0 $0x1200;
	s7 =	sshra.s32 s1, $0x2;
	[sflag:s22] =	ssyncset.done $0x0  }
0x80: {  	s1 =	sadd.s32 $0xFFFFFC00, s5;
	s0 =	sadd.s32 $0x4F20, s21;
	[sflag:s22] =	ssyncadd.s32 $0xFFFFF800  }
0x81: {  	[tilespmem:s12], [sflag:$0x5] =	stream.indirect.gather [hbm4b:s4+s28], $0x10, s0, s28, $0xb8;
	[tilespmem:$0xC720] =	vst v63  }
0x82: {  	s16 =	simm.s32 $0xA720;
	s1 =	simm.s32 @p0 $0xE00;
	_ =	swait.ge [sflag:s23], $0x800  }
0x83: {  	s17 =	simm.s32 $0xAF20;
	s8 =	sshra.s32 s1, $0x2;
	[sflag:s23] =	ssyncset.done $0x0  }
0x84: {  	s1 =	sadd.s32 $0xFFFFFE00, s5;
	s0 =	sadd.s32 $0x4F20, s6;
	[sflag:s23] =	ssyncadd.s32 $0xFFFFF800  }
0x85: {  	[tilespmem:s13], [sflag:$0x6] =	stream.indirect.gather [hbm4b:s4+s28], $0x10, s0, s28, $0xb8;
	[tilespmem:$0xC720] =	vst v63  }
0x86: {  	s21 =	simm.s32 $0xC;
	s1 =	simm.s32 @p0 $0x1000;
	_ =	swait.ge [sflag:s24], $0x800  }
0x87: {  	s9 =	sshra.s32 s1, $0x2;
	s22 =	simm.s32 $0xD;
	[sflag:s24] =	ssyncset.done $0x0  }
0x88: {  	s1 =	sadd.s32 $0x1400, s5;
	s0 =	sadd.s32 $0x4F20, s7;
	[sflag:s24] =	ssyncadd.s32 $0xFFFFF800  }
0x89: {  	[tilespmem:s14], [sflag:$0x7] =	stream.indirect.gather [hbm4b:s4+s28], $0x10, s0, s28, $0xb8;
	[tilespmem:$0xC720] =	vst v63  }
0x8a: {  	s12 =	simm.s32 $0x8720;
	s23 =	simm.s32 $0xF;
	_ =	swait.ge [sflag:s25], $0x800  }
0x8b: {  	s13 =	simm.s32 $0x8F20;
	s24 =	simm.s32 $0x11;
	[sflag:s25] =	ssyncset.done $0x0  }
.Ltmp0:
0x8c: {  	s0 =	sadd.s32 $0x4F20, s8;
	[sflag:s25] =	ssyncadd.s32 $0xFFFFF800;
	(pc) =	sbr.rel @!p1 .LBB2_3-.Ltmp0, $4  }
0x8d: {  	[tilespmem:s15], [sflag:$0x8] =	stream.indirect.gather [hbm4b:s4+s28], $0x10, s0, s28, $0xb8;
	[tilespmem:$0xC720] =	vst v63  }
0x8e: {  	s8 =	simm.s32 $0xE;
	s14 =	simm.s32 $0x9720;
	_ =	swait.ge [sflag:s26], $0x800  }
0x8f: {  	s25 =	simm.s32 $0x10;
	s15 =	simm.s32 $0x9F20;
	[sflag:s30] =	ssyncset.done $0x0  }
0x90: {  	s0 =	sadd.s32 $0x4F20, s9;
	s26 =	sshra.s32 s3, $0x2;
	[sflag:s30] =	ssyncadd.s32 $0xFFFFF800  }
.LBB2_2:
0x91: {  	s19 =	simm.s32 $0xB720;
	s3 =	smov.u32 s31;
	s5 =	simm.s32 $0x14  }
0x92: {  	[tilespmem:s19], [sflag:$0x9] =	stream.indirect.gather [hbm4b:s4+s28], $0x10, s0, s28, $0xb8;
	[tilespmem:$0xC720] =	vst v63  }
0x93: {  	p0 =	sne.s32 s31, $0x1;
	s31 =	sadd.s32 $0xFFFFFFFF, s31;
	_ =	swait.ge [sflag:s5], $0x800  }
0x94: {  	s26 =	sadd.s32 $0x4F20, s26;
	s0 =	sshra.s32 s1, $0x2;
	[sflag:s5] =	ssyncset.done $0x0  }
0x95: {  	s20 =	simm.s32 $0xBF20;
	[sflag:s5] =	ssyncadd.s32 $0xFFFFF800;
	s5 =	simm.s32 $0x1  }
0x96: {  	[tilespmem:s20], [sflag:$0xA] =	stream.indirect.gather [hbm4b:s4+s28], $0x10, s26, s28, $0xb8;
	[tilespmem:$0xC720] =	vst v63  }
0x97: {  	_ =	swait.ge [sflag:s5], $0x800  }
0x98: {  	[sflag:s5] =	ssyncset.done $0x0  }
0x99: {  	s26 =	sadd.s32 $0xFFFFF680, s0;
	[sflag:s5] =	ssyncadd.s32 $0xFFFFF800;
	s5 =	simm.s32 $0x2  }
0x9a: {  	[spmem:s2] =	stream.indirect.scatter.add.f32 [tilespmem:s11], [sflag:$0xB], $0x10, s26, s28, $0xb8;
	[tilespmem:$0xC720] =	vst v63  }
0x9b: {  	_ =	swait.ge [sflag:s5], $0x800  }
0x9c: {  	[sflag:s5] =	ssyncset.done $0x0  }
0x9d: {  	s26 =	sadd.s32 $0xFFFFF700, s0;
	[sflag:s5] =	ssyncadd.s32 $0xFFFFF800;
	s5 =	simm.s32 $0x3  }
0x9e: {  	[spmem:s2] =	stream.indirect.scatter.add.f32 [tilespmem:s10], [sflag:$0xC], $0x10, s26, s28, $0xb8;
	[tilespmem:$0xC720] =	vst v63  }
0x9f: {  	_ =	swait.ge [sflag:s5], $0x800  }
0xa0: {  	[sflag:s5] =	ssyncset.done $0x0  }
0xa1: {  	s26 =	sadd.s32 $0xFFFFF780, s0;
	[sflag:s5] =	ssyncadd.s32 $0xFFFFF800;
	s5 =	simm.s32 $0x4  }
0xa2: {  	[spmem:s2] =	stream.indirect.scatter.add.f32 [tilespmem:s12], [sflag:$0xD], $0x10, s26, s28, $0xb8;
	[tilespmem:$0xC720] =	vst v63  }
0xa3: {  	_ =	swait.ge [sflag:s5], $0x800  }
0xa4: {  	[sflag:s5] =	ssyncset.done $0x0  }
0xa5: {  	s26 =	sadd.s32 $0xFFFFF800, s0;
	[sflag:s5] =	ssyncadd.s32 $0xFFFFF800;
	s5 =	simm.s32 $0x5  }
0xa6: {  	[spmem:s2] =	stream.indirect.scatter.add.f32 [tilespmem:s13], [sflag:$0xE], $0x10, s26, s28, $0xb8;
	[tilespmem:$0xC720] =	vst v63  }
0xa7: {  	_ =	swait.ge [sflag:s5], $0x800  }
0xa8: {  	[sflag:s5] =	ssyncset.done $0x0  }
0xa9: {  	s26 =	sadd.s32 $0xFFFFF880, s0;
	[sflag:s5] =	ssyncadd.s32 $0xFFFFF800;
	s5 =	simm.s32 $0x6  }
0xaa: {  	[spmem:s2] =	stream.indirect.scatter.add.f32 [tilespmem:s14], [sflag:$0xF], $0x10, s26, s28, $0xb8;
	[tilespmem:$0xC720] =	vst v63  }
0xab: {  	_ =	swait.ge [sflag:s5], $0x800  }
0xac: {  	[sflag:s5] =	ssyncset.done $0x0  }
0xad: {  	s26 =	sadd.s32 $0xFFFFF900, s0;
	[sflag:s5] =	ssyncadd.s32 $0xFFFFF800;
	s5 =	simm.s32 $0x7  }
0xae: {  	[spmem:s2] =	stream.indirect.scatter.add.f32 [tilespmem:s15], [sflag:$0x10], $0x10, s26, s28, $0xb8;
	[tilespmem:$0xC720] =	vst v63  }
0xaf: {  	_ =	swait.ge [sflag:s5], $0x800  }
0xb0: {  	[sflag:s5] =	ssyncset.done $0x0  }
0xb1: {  	s26 =	sadd.s32 $0xFFFFF980, s0;
	[sflag:s5] =	ssyncadd.s32 $0xFFFFF800;
	s5 =	simm.s32 $0x8  }
0xb2: {  	[spmem:s2] =	stream.indirect.scatter.add.f32 [tilespmem:s16], [sflag:$0x11], $0x10, s26, s28, $0xb8;
	[tilespmem:$0xC720] =	vst v63  }
0xb3: {  	s7 =	sadd.s32 $0xFFFFF600, s1;
	_ =	swait.ge [sflag:s5], $0x800  }
0xb4: {  	s9 =	sadd.s32 $0xFFFFF800, s1;
	s26 =	sadd.s32 $0xFFFFFE00, s1;
	[sflag:s5] =	ssyncset.done $0x0  }
0xb5: {  	s11 =	simm.s32 $0x9;
	[sflag:s5] =	ssyncadd.s32 $0xFFFFF800;
	s5 =	sadd.s32 $0xFFFFFA00, s0  }
0xb6: {  	[spmem:s2] =	stream.indirect.scatter.add.f32 [tilespmem:s17], [sflag:$0x12], $0x10, s5, s28, $0xb8;
	[tilespmem:$0xC720] =	vst v63  }
0xb7: {  	s6 =	sadd.s32 $0xFFFFEE00, s1;
	s5 =	sadd.s32 $0xFFFFF200, s1;
	_ =	swait.ge [sflag:s11], $0x800  }
0xb8: {  	s18 =	simm.s32 $0xB720;
	s10 =	sadd.s32 $0xFFFFF000, s1;
	[sflag:s11] =	ssyncset.done $0x0  }
0xb9: {  	p1 =	seq.s32 s3, $0x1;
	[sflag:s11] =	ssyncadd.s32 $0xFFFFF800;
	s11 =	sadd.s32 $0xFFFFFA80, s0  }
0xba: {  	[spmem:s2] =	stream.indirect.scatter.add.f32 [tilespmem:s19], [sflag:$0x13], $0x10, s11, s28, $0xb8;
	[tilespmem:$0xC720] =	vst v63  }
0xbb: {  	s3 =	smov.u32 s1;
	s11 =	simm.s32 $0x7720;
	s19 =	simm.s32 $0xA  }
0xbc: {  	s6 =	simm.s32 @p1 $0x0;
	s3 =	simm.s32 @p1 $0x1200;
	_ =	swait.ge [sflag:s19], $0x800  }
0xbd: {  	s6 =	sshra.s32 s6, $0x2;
	s10 =	simm.s32 @p1 $0x200;
	[sflag:s19] =	ssyncset.done $0x0  }
0xbe: {  	s9 =	simm.s32 @p1 $0xA00;
	s5 =	simm.s32 @p1 $0x400;
	[sflag:s19] =	ssyncadd.s32 $0xFFFFF800  }
0xbf: {  	s7 =	simm.s32 @p1 $0x800;
	s26 =	simm.s32 @p1 $0x1000;
	s0 =	sadd.s32 $0xFFFFFB00, s0  }
0xc0: {  	[spmem:s2] =	stream.indirect.scatter.add.f32 [tilespmem:s20], [sflag:$0x14], $0x10, s0, s28, $0xb8;
	[tilespmem:$0xC720] =	vst v63  }
0xc1: {  	s19 =	simm.s32 $0xBF20;
	s20 =	simm.s32 $0xB  }
0xc2: {  	s7 =	sshra.s32 s7, $0x2;
	s9 =	sshra.s32 s9, $0x2;
	_ =	swait.ge [sflag:s20], $0x800  }
0xc3: {  	s6 =	sadd.s32 $0x4F20, s6;
	s0 =	sshra.s32 s26, $0x2;
	[sflag:s20] =	ssyncset.done $0x0  }
0xc4: {  	s10 =	sshra.s32 s10, $0x2;
	s26 =	sshra.s32 s3, $0x2;
	[sflag:s20] =	ssyncadd.s32 $0xFFFFF800  }
0xc5: {  	[tilespmem:s11], [sflag:$0x1] =	stream.indirect.gather [hbm4b:s4+s28], $0x10, s6, s28, $0xb8;
	[tilespmem:$0xC720] =	vst v63  }
0xc6: {  	s3 =	sadd.s32 $0x4F20, s10;
	s10 =	simm.s32 $0x7F20;
	_ =	swait.ge [sflag:s21], $0x800  }
0xc7: {  	[sflag:s21] =	ssyncset.done $0x0  }
0xc8: {  	s5 =	sshra.s32 s5, $0x2;
	[sflag:s21] =	ssyncadd.s32 $0xFFFFF800  }
0xc9: {  	[tilespmem:s10], [sflag:$0x2] =	stream.indirect.gather [hbm4b:s4+s28], $0x10, s3, s28, $0xb8;
	[tilespmem:$0xC720] =	vst v63  }
0xca: {  	s3 =	sadd.s32 $0x4F20, s5;
	s5 =	sadd.s32 $0xFFFFF400, s1;
	_ =	swait.ge [sflag:s22], $0x800  }
0xcb: {  	s5 =	simm.s32 @p1 $0x600;
	[sflag:s22] =	ssyncset.done $0x0  }
0xcc: {  	s5 =	sshra.s32 s5, $0x2;
	[sflag:s22] =	ssyncadd.s32 $0xFFFFF800  }
0xcd: {  	[tilespmem:s12], [sflag:$0x3] =	stream.indirect.gather [hbm4b:s4+s28], $0x10, s3, s28, $0xb8;
	[tilespmem:$0xC720] =	vst v63  }
0xce: {  	s3 =	sadd.s32 $0x4F20, s5;
	_ =	swait.ge [sflag:s8], $0x800  }
0xcf: {  	[sflag:s8] =	ssyncset.done $0x0  }
0xd0: {  	[sflag:s8] =	ssyncadd.s32 $0xFFFFF800  }
0xd1: {  	[tilespmem:s13], [sflag:$0x4] =	stream.indirect.gather [hbm4b:s4+s28], $0x10, s3, s28, $0xb8;
	[tilespmem:$0xC720] =	vst v63  }
0xd2: {  	s3 =	sadd.s32 $0x4F20, s7;
	_ =	swait.ge [sflag:s23], $0x800  }
0xd3: {  	[sflag:s23] =	ssyncset.done $0x0  }
0xd4: {  	[sflag:s23] =	ssyncadd.s32 $0xFFFFF800  }
0xd5: {  	[tilespmem:s14], [sflag:$0x5] =	stream.indirect.gather [hbm4b:s4+s28], $0x10, s3, s28, $0xb8;
	[tilespmem:$0xC720] =	vst v63  }
0xd6: {  	s5 =	sadd.s32 $0xFFFFFA00, s1;
	s3 =	sadd.s32 $0x4F20, s9;
	_ =	swait.ge [sflag:s25], $0x800  }
0xd7: {  	s6 =	sadd.s32 $0xFFFFFC00, s1;
	s5 =	simm.s32 @p1 $0xC00;
	[sflag:s25] =	ssyncset.done $0x0  }
0xd8: {  	s6 =	simm.s32 @p1 $0xE00;
	s5 =	sshra.s32 s5, $0x2;
	[sflag:s25] =	ssyncadd.s32 $0xFFFFF800  }
0xd9: {  	[tilespmem:s15], [sflag:$0x6] =	stream.indirect.gather [hbm4b:s4+s28], $0x10, s3, s28, $0xb8;
	[tilespmem:$0xC720] =	vst v63  }
0xda: {  	s3 =	sadd.s32 $0x4F20, s5;
	s5 =	sshra.s32 s6, $0x2;
	_ =	swait.ge [sflag:s24], $0x800  }
0xdb: {  	[sflag:s24] =	ssyncset.done $0x0  }
0xdc: {  	[sflag:s24] =	ssyncadd.s32 $0xFFFFF800  }
0xdd: {  	[tilespmem:s16], [sflag:$0x7] =	stream.indirect.gather [hbm4b:s4+s28], $0x10, s3, s28, $0xb8;
	[tilespmem:$0xC720] =	vst v63  }
0xde: {  	_ =	swait.ge [sflag:s29], $0x800  }
0xdf: {  	s3 =	sadd.s32 $0x4F20, s5;
	[sflag:s29] =	ssyncset.done $0x0  }
.Ltmp1:
0xe0: {  	[sflag:s29] =	ssyncadd.s32 $0xFFFFF800;
	(pc) =	sbr.rel @p0 .LBB2_2-.Ltmp1, $4  }
0xe1: {  	[tilespmem:s17], [sflag:$0x8] =	stream.indirect.gather [hbm4b:s4+s28], $0x10, s3, s28, $0xb8;
	[tilespmem:$0xC720] =	vst v63  }
0xe2: {  	s0 =	sadd.s32 $0x4F20, s0;
	_ =	swait.ge [sflag:s30], $0x800  }
0xe3: {  	[sflag:s30] =	ssyncset.done $0x0  }
0xe4: {  	s1 =	sadd.s32 $0x1400, s1;
	[sflag:s30] =	ssyncadd.s32 $0xFFFFF800  }
.LBB2_3:
0xe5: {  	[tilespmem:s18], [sflag:$0x9] =	stream.indirect.gather [hbm4b:s4+s28], $0x10, s0, s28, $0xb8;
	[tilespmem:$0xC720] =	vst v63  }
0xe6: {  	s1 =	simm.s32 $0x14  }
0xe7: {  	_ =	swait.ge [sflag:s1], $0x800  }
0xe8: {  	[sflag:s1] =	ssyncset.done $0x0  }
0xe9: {  	s12 =	sadd.s32 $0x4F20, s26;
	s13 =	simm.s32 $0x1;
	[sflag:s1] =	ssyncadd.s32 $0xFFFFF800  }
0xea: {  	[tilespmem:s19], [sflag:$0xA] =	stream.indirect.gather [hbm4b:s4+s28], $0x10, s12, s28, $0xb8;
	[tilespmem:$0xC720] =	vst v63  }
0xeb: {  	_ =	swait.ge [sflag:s13], $0x800  }
0xec: {  	[sflag:s13] =	ssyncset.done $0x0  }
0xed: {  	s14 =	simm.s32 $0x2;
	[sflag:s13] =	ssyncadd.s32 $0xFFFFF800  }
0xee: {  	_ =	swait.ge [sflag:s14], $0x800  }
0xef: {  	[sflag:s14] =	ssyncset.done $0x0  }
0xf0: {  	s15 =	simm.s32 $0x3;
	[sflag:s14] =	ssyncadd.s32 $0xFFFFF800  }
0xf1: {  	_ =	swait.ge [sflag:s15], $0x800  }
0xf2: {  	[sflag:s15] =	ssyncset.done $0x0  }
0xf3: {  	s16 =	simm.s32 $0x4;
	[sflag:s15] =	ssyncadd.s32 $0xFFFFF800  }
0xf4: {  	_ =	swait.ge [sflag:s16], $0x800  }
0xf5: {  	[sflag:s16] =	ssyncset.done $0x0  }
0xf6: {  	s17 =	simm.s32 $0x5;
	[sflag:s16] =	ssyncadd.s32 $0xFFFFF800  }
0xf7: {  	_ =	swait.ge [sflag:s17], $0x800  }
0xf8: {  	[sflag:s17] =	ssyncset.done $0x0  }
0xf9: {  	s18 =	simm.s32 $0x6;
	[sflag:s17] =	ssyncadd.s32 $0xFFFFF800  }
0xfa: {  	_ =	swait.ge [sflag:s18], $0x800  }
0xfb: {  	[sflag:s18] =	ssyncset.done $0x0  }
0xfc: {  	s19 =	simm.s32 $0x7;
	[sflag:s18] =	ssyncadd.s32 $0xFFFFF800  }
0xfd: {  	_ =	swait.ge [sflag:s19], $0x800  }
0xfe: {  	[sflag:s19] =	ssyncset.done $0x0  }
0xff: {  	s21 =	simm.s32 $0x8;
	[sflag:s19] =	ssyncadd.s32 $0xFFFFF800  }
0x100: {  	_ =	swait.ge [sflag:s21], $0x800  }
0x101: {  	[sflag:s21] =	ssyncset.done $0x0  }
0x102: {  	s22 =	simm.s32 $0x9;
	[sflag:s21] =	ssyncadd.s32 $0xFFFFF800  }
0x103: {  	_ =	swait.ge [sflag:s22], $0x800  }
0x104: {  	[sflag:s22] =	ssyncset.done $0x0  }
0x105: {  	s23 =	simm.s32 $0xA;
	[sflag:s22] =	ssyncadd.s32 $0xFFFFF800  }
0x106: {  	_ =	swait.ge [sflag:s23], $0x800  }
0x107: {  	[sflag:s23] =	ssyncset.done $0x0  }
0x108: {  	[sflag:s23] =	ssyncadd.s32 $0xFFFFF800  }
0x109: {  	[bflag:$0x0] =	sbarrier.arrive $0xFFFF  }
0x10a: {  	s6 =	rddreg [dreg:$0x6]  }
0x10b: {  	s24 =	rddreg [dreg:$0x13]  }
0x10c: {  	s3 =	simm.s32 $0x15;
	s25 =	rddreg [dreg:$0x18]  }
0x10d: {  	[hbm:s24], [sflag:s6] =	dma.local [spmem:s25], $0x4E4  }
0x10e: {  	_ =	swait.ge [sflag:s3], $0x4E4  }
0x10f: {  	s26 =	rddreg [dreg:$0x17]  }
0x110: {  	s31 =	rddreg [dreg:$0x14];
	s1 =	sadd.s32 $0x1, s26  }
0x111: {  	s7 =	simm.s32 $0x8720;
	s9 =	simm.s32 $0x8F20;
	p0 =	sne.s32 s1, s31  }
.Ltmp2:
0x112: {  	s8 =	simm.s32 $0xE;
	s12 =	simm.s32 $0x9720;
	(pc) =	sbr.rel @p0 .LBB2_1-.Ltmp2, $4  }
0x113: {  	s13 =	simm.s32 $0x9F20;
	s14 =	simm.s32 $0xA720;
	s15 =	simm.s32 $0xAF20  }
0x114: {  	s17 =	simm.s32 $0xC;
	s21 =	simm.s32 $0xD;
	s22 =	simm.s32 $0xF  }
0x115: {  	s23 =	simm.s32 $0x10;
	s24 =	simm.s32 $0x11;
	[sflag:s3] =	ssyncset.done $0x0  }
0x116: {  	s25 =	simm.s32 $0x12;
	[sflag:s3] =	ssyncadd.s32 $0xFFFFFB1C;
	s26 =	simm.s32 $0x13  }
0x117: {  	_ =	sfence.sel $0x180000  }
0x118: {  	[bflag:$0x0] =	sbarrier.arrive $0xFFFF  }
0x119: {  	_ =	strace $0x9000004D  }
0x11a: {  	s0 =	stileid.u32;
	[bflag:$0x2] =	sbarrier.arrive $0xFFFF  }
0x11b: {  	p0 =	sne.s32 s0, $0x0;
	s0 =	rddreg [dreg:$0x3]  }
0x11c: {  	s0 =	sadd.s32 @!p0 $0x100000, s0  }
0x11d: {  	[sflag:s0] =	ssyncadd.tile.s32 @!p0 $0x1;
	_ =	shalt  }
.Lfunc_end2:
_tile_overlayer_lowered:
.L_overlay_start_2:
0x11e: {  	(tag) =	ssettag $0x2  }
0x11f: {  	s0 =	rddreg [dreg:$0x0];
	s2 =	stileid.u32  }
0x120: {  	s1 =	rddreg [dreg:$0x1];
	p0 =	sne.s32 s2, $0x0  }
0x121: {  	s3 =	rddreg [dreg:$0x2];
	[bflag:$0x3] =	sbarrier.arrive $0xFFFF;
	s2 =	simm.s32 @!p0 $0x1C15  }
0x122: {  	[timem:s3], [sflag:s2] =	dma.local @!p0 [hbm:s0], s1  }
0x123: {  	s0 =	simm.s32 @!p0 $0x15  }
0x124: {  	_ =	swait.ge @!p0 [sflag:s0], s1  }
0x125: {  	s1 =	ssub.s32 @!p0 $0x0, s1;
	[sflag:s0] =	ssyncset.done @!p0 $0x0  }
0x126: {  	[sflag:s0] =	ssyncadd.s32 @!p0 s1  }
0x127: {  	[bflag:$0x3] =	sbarrier.arrive $0xFFFF  }
0x128: {  	_ =	shalt  }

// kernel: kernel.9.cloned.1.call-start
scs
__scs_entry_jumppad:
0x0: {  	(pc) =	sbr.rel $0x88, $3  }
0x1: {  	(tag) =	ssettag $0x0;
	lr =	simm.s32 $0x1  }
0x2: {  	[smem:$0x3F9B] =	sst lr;
	_ =	strace $0xD0000000  }
0x3: {  	_ = 	snop  }
0x4: {  	_ = 	snop  }
0x5: {  	_ = 	snop  }
0x6: {  	_ = 	snop  }
0x7: {  	_ = 	snop  }
__scs_overlays_trampoline_lowered:
0x8: {  	[smem:$0x3FAA] =	sst s0  }
0x9: {  	[smem:$0x3FAB] =	sst s1  }
0xa: {  	[smem:$0x3FAC] =	sst s2  }
0xb: {  	[smem:$0x3FAD] =	sst s3  }
0xc: {  	[smem:$0x3FAE] =	sst s4  }
0xd: {  	[smem:$0x3FAF] =	sst s5  }
0xe: {  	[smem:$0x3FB0] =	sst s6  }
0xf: {  	[smem:$0x3FB1] =	sst s7  }
0x10: {  	[smem:$0x3FB2] =	sst s8  }
0x11: {  	[smem:$0x3FB3] =	sst s9;
	s0 =	simm.s32 @!p0 $0x0  }
0x12: {  	s1 =	sld [smem:$0x3F99];
	s0 =	simm.s32 @p0 $0x1  }
0x13: {  	[smem:$0x3FB4] =	sst s0;
	s0 =	simm.s32 @!p1 $0x0  }
0x14: {  	s2 =	sld [smem:$0x3F98];
	s0 =	simm.s32 @p1 $0x1  }
0x15: {  	[smem:$0x3FB5] =	sst s0;
	s0 =	simm.s32 @!p2 $0x0  }
0x16: {  	s3 =	sld [smem:$0x3FDB];
	s0 =	simm.s32 @p2 $0x1  }
0x17: {  	s4 =	simm.s32 $0x1BF5;
	[smem:$0x3FB7] =	sst s0  }
0x18: {  	s0 =	sld [smem:$0x3F9A];
	_ =	swait.ge [sflag:s4], $0x0  }
0x19: {  	s7 =	sld [smem:$0x3F9B]  }
0x1a: {  	s8 =	sadd.s32 $0xFFFFE003, lr  }
0x1b: {  	s9 =	sadd.s32 $0xFFFFFEF7, lr;
	s5 =	simm.s32 $0xFFFFFFFF;
	p2 =	slt.u32 s8, $0xFFFFF086  }
0x1c: {  	p1 =	slt.u32 s9, $0xF7A;
	s5 =	simm.s32 @!p2 $0x0  }
0x1d: {  	s5 =	simm.s32 @p1 $0x1;
	p0 =	seq.s32 s7, s2  }
0x1e: {  	s7 =	smul.u32 @!p0 $0xF7A, s2;
	p2 =	seq.s32 @!p0 s5, $0x0  }
0x1f: {  	s9 =	smul.u32 $0xF7A, s1;
	s8 =	simm.s32 @!p0 $0x1BF5;
	p2 =	por !p2, p0  }
0x20: {  	[sflag:s8] =	ssyncset.s32 @!p0 $0xFFFFF086;
	s6 =	sadd.s32 @!p0 s3, s7;
	s7 =	simm.s32 @!p0 $0x108  }
0x21: {  	s3 =	sadd.s32 s3, s9;
	s6 =	sadd.s32 @!p0 $0x88, s6;
	s7 =	simm.s32 @p2 $0x1082  }
0x22: {  	[simem:s7], [sflag:s8] =	dma.local @!p0 [hbm:s6], $0xF7A  }
0x23: {  	s9 =	sor.u32 $0xD0000000, s2;
	s6 =	simm.s32 $0x108;
	_ =	swait.ge @!p0 [sflag:s8], $0x0  }
0x24: {  	s3 =	sadd.s32 $0x88, s3;
	s6 =	simm.s32 @!p1 $0x1082;
	[sflag:s4] =	ssyncset.s32 $0xFFFFF086  }
0x25: {  	[simem:s6], [sflag:s4] =	dma.local [hbm:s3], $0xF7A  }
0x26: {  	[smem:$0x3F9B] =	sst s1;
	(tag) =	ssettag s2;
	_ =	strace s9  }
0x27: {  	s1 =	sld [smem:$0x3FAB]  }
0x28: {  	s2 =	sld [smem:$0x3FAC]  }
0x29: {  	s4 =	sld [smem:$0x3FAE]  }
0x2a: {  	p0 =	seq.s32 s5, $0x0;
	s5 =	sld [smem:$0x3FAF]  }
0x2b: {  	s6 =	sld [smem:$0x3FB0]  }
0x2c: {  	s7 =	sld [smem:$0x3FB1]  }
0x2d: {  	s3 =	simm.s32 $0x108;
	s8 =	sld [smem:$0x3FB2]  }
0x2e: {  	s3 =	simm.s32 @!p0 $0x1082;
	s9 =	sld [smem:$0x3FB3]  }
0x2f: {  	lr =	sadd.s32 s0, s3;
	s0 =	sld [smem:$0x3FAA]  }
0x30: {  	s3 =	sld [smem:$0x3FAD]  }
0x31: {  	[smem:$0x3FB6] =	sst s10  }
0x32: {  	s10 =	sld [smem:$0x3FB4];
	_ =	sdelay $0x3  }
0x33: {  	p0 =	seq.s32 s10, $0x1;
	s10 =	sld [smem:$0x3FB6];
	_ =	sdelay $0x3  }
0x34: {  	[smem:$0x3FB6] =	sst s10  }
0x35: {  	s10 =	sld [smem:$0x3FB5];
	_ =	sdelay $0x3  }
0x36: {  	p1 =	seq.s32 s10, $0x1;
	s10 =	sld [smem:$0x3FB6];
	_ =	sdelay $0x3  }
0x37: {  	[smem:$0x3FB6] =	sst s10  }
0x38: {  	s10 =	sld [smem:$0x3FB7]  }
0x39: {  	_ = 	snop;
	(pc) =	sbr.ind lr, $3  }
0x3a: {  	_ = 	snop  }
0x3b: {  	_ = 	snop  }
0x3c: {  	p2 =	seq.s32 s10, $0x1;
	s10 =	sld [smem:$0x3FB6]  }
0x3d: {  	_ =	shalt  }
0x3e: {  	_ =	shalt  }
0x3f: {  	_ =	shalt  }
0x40: {  	_ =	shalt  }
0x41: {  	_ =	shalt  }
0x42: {  	_ =	shalt  }
0x43: {  	_ =	shalt  }
0x44: {  	_ =	shalt  }
0x45: {  	_ =	shalt  }
0x46: {  	_ =	shalt  }
0x47: {  	_ =	shalt  }
0x48: {  	_ =	shalt  }
0x49: {  	_ =	shalt  }
0x4a: {  	_ =	shalt  }
0x4b: {  	_ =	shalt  }
0x4c: {  	_ =	shalt  }
0x4d: {  	_ =	shalt  }
0x4e: {  	_ =	shalt  }
0x4f: {  	_ =	shalt  }
0x50: {  	_ =	shalt  }
0x51: {  	_ =	shalt  }
0x52: {  	_ =	shalt  }
0x53: {  	_ =	shalt  }
0x54: {  	_ =	shalt  }
0x55: {  	_ =	shalt  }
0x56: {  	_ =	shalt  }
0x57: {  	_ =	shalt  }
0x58: {  	_ =	shalt  }
0x59: {  	_ =	shalt  }
0x5a: {  	_ =	shalt  }
0x5b: {  	_ =	shalt  }
0x5c: {  	_ =	shalt  }
0x5d: {  	_ =	shalt  }
0x5e: {  	_ =	shalt  }
0x5f: {  	_ =	shalt  }
0x60: {  	_ =	shalt  }
0x61: {  	_ =	shalt  }
0x62: {  	_ =	shalt  }
0x63: {  	_ =	shalt  }
0x64: {  	_ =	shalt  }
0x65: {  	_ =	shalt  }
0x66: {  	_ =	shalt  }
0x67: {  	_ =	shalt  }
0x68: {  	_ =	shalt  }
0x69: {  	_ =	shalt  }
0x6a: {  	_ =	shalt  }
0x6b: {  	_ =	shalt  }
0x6c: {  	_ =	shalt  }
0x6d: {  	_ =	shalt  }
0x6e: {  	_ =	shalt  }
0x6f: {  	_ =	shalt  }
0x70: {  	_ =	shalt  }
0x71: {  	_ =	shalt  }
0x72: {  	_ =	shalt  }
0x73: {  	_ =	shalt  }
0x74: {  	_ =	shalt  }
0x75: {  	_ =	shalt  }
0x76: {  	_ =	shalt  }
0x77: {  	_ =	shalt  }
0x78: {  	_ =	shalt  }
0x79: {  	_ =	shalt  }
0x7a: {  	_ =	shalt  }
0x7b: {  	_ =	shalt  }
0x7c: {  	_ =	shalt  }
0x7d: {  	_ =	shalt  }
0x7e: {  	_ =	shalt  }
0x7f: {  	_ =	shalt  }
0x80: {  	_ =	shalt  }
0x81: {  	_ =	shalt  }
0x82: {  	_ =	shalt  }
0x83: {  	_ =	shalt  }
0x84: {  	_ =	shalt  }
0x85: {  	_ =	shalt  }
0x86: {  	_ =	shalt  }
0x87: {  	_ =	shalt  }
.Lfunc_end0:
.L_simem_size_0:
called_computation_lowered:
.L_overlay_start_0:
0x88: {  	s2 =	sld [smem:$0x3FD9]  }
0x89: {  	s3 =	sld [smem:$0x3FFE];
	_ =	sdelay $0x1  }
0x8a: {  	s1 =	srdreg.scid  }
0x8b: {  	s0 =	sand.u32 $0x1, s1  }
0x8c: {  	s16 =	sshll.u32 s0, $0xA;
	s2 =	sadd.s32 s3, s2  }
0x8d: {  	s2 =	sadd.s32 s2, s16  }
0x8e: {  	[smem:$0x3FC2] =	sst s2  }
0x8f: {  	_ = 	snop  }
0x90: {  	(tm) =	ssettm $0x1  }
0x91: {  	s17 =	sld [smem:$0x3FFB];
	_ =	sdelay $0x3  }
0x92: {  	_ =	strace s17  }
0x93: {  	s2 =	sld [smem:$0x3FFC];
	_ =	sdelay $0x3  }
0x94: {  	_ =	strace s2  }
0x95: {  	s2 =	sld [smem:$0x3FFD];
	_ =	sdelay $0x3  }
0x96: {  	_ =	strace s2  }
0x97: {  	_ =	strace $0x8FFFFFFF  }
0x98: {  	s18 =	sld [smem:$0x3FDB];
	_ =	sdelay $0x1  }
0x99: {  	s19 =	simm.s32 $_scs_section_size  }
0x9a: {  	s4 =	simm.s32 $_size__tile_overlayer_lowered;
	s5 =	simm.s32 $_tile_overlayer_lowered  }
0x9b: {  	s22 =	simm.s32 $0x1BFF;
	s21 =	sshll.u32 s5, $0x1;
	s2 =	sadd.s32 s19, s18  }
0x9c: {  	s6 =	simm.s32 $0x0;
	s20 =	sshll.u32 s4, $0x1;
	s4 =	sadd.s32 s21, s2  }
0x9d: {  	[timem:s6], [sflag:s22] =	dma.local [hbm:s4], s20  }
0x9e: {  	_ =	swait.ge [sflag:s22], s20  }
0x9f: {  	s3 =	ssub.s32 $0x0, s20;
	[sflag:s22] =	ssyncset.done $0x0  }
0xa0: {  	[sflag:s22] =	ssyncadd.s32 s3;
	_ =	sdelay $0x1  }
0xa1: {  	s23 =	simm.s32 $0x1B8B  }
0xa2: {  	_ =	swait.ge [sflag:s23], $0x1  }
0xa3: {  	[sflag:s23] =	ssyncset.done $0x0  }
0xa4: {  	s25 =	simm.s32 $0x1B8E;
	s24 =	sld [smem:$0x3FFE];
	[sflag:s23] =	ssyncadd.s32 $0xFFFFFFFF  }
0xa5: {  	s26 =	simm.s32 $execute0_lowered;
	[smem:$0x3FD2] =	sst s25  }
0xa6: {  	s4 =	sshll.u32 s26, $0x1;
	_ =	strace $0x80000046;
	[dreg:$0x1] =	wrdreg $0xFFFFFFFF  }
0xa7: {  	s28 =	simm.s32 $_size_execute0_lowered;
	s2 =	sadd.s32 s2, s4;
	[dreg:$0x0] =	wrdreg $0x0  }
0xa8: {  	s4 =	sshll.u32 s28, $0x1;
	[dreg:$0x2] =	wrdreg s2  }
0xa9: {  	[dreg:$0x3] =	wrdreg s4  }
0xaa: {  	[dreg:$0x4] =	wrdreg $0xC0  }
0xab: {  	_ =	task [dreg:s6], $0x5FFFF  }
0xac: {  	[dreg:$0x1] =	wrdreg $0xFFFFFFFF  }
0xad: {  	[dreg:$0x0] =	wrdreg $0x60  }
0xae: {  	[dreg:$0x2] =	wrdreg s24  }
0xaf: {  	[dreg:$0x3] =	wrdreg $0x28000  }
0xb0: {  	[dreg:$0x4] =	wrdreg $0x9  }
0xb1: {  	_ =	task.clear_ibuf [dreg:s6], $0x5FFFF;
	_ =	strace $0x90000046  }
0xb2: {  	s29 =	simm.s32 $0x9;
	_ =	strace $0x80000048  }
0xb3: {  	_ =	swait.ge [sflag:s29], $0x1  }
0xb4: {  	[sflag:s29] =	ssyncadd.s32 $0xFFFFFFFF  }
0xb5: {  	_ =	strace $0x90000048  }
0xb6: {  	_ =	sfence  }
0xb7: {  	s30 =	sld [smem:$0x0];
	_ =	sdelay $0x2  }
0xb8: {  	s31 =	sshll.u32 s1, $0xD;
	s1 =	sshrl.u32 s1, $0x2  }
0xb9: {  	s3 =	sand.u32 $0x4000, s31;
	s1 =	sadd.s32 s1, s30  }
0xba: {  	s0 =	sor.u32 s3, s0;
	s1 =	sshll.u32 s1, $0x11  }
0xbb: {  	s0 =	sor.u32 s1, s0  }
0xbc: {  	s0 =	sadd.s32 $0x8F2B, s0  }
0xbd: {  	[sflag:s0] =	ssyncadd.remote.s32 $0x1  }
0xbe: {  	_ =	sfence.sel $0xFFFF  }
0xbf: {  	[dreg:$0x0] =	wrdreg $0xFFFFFFFF;
	(pc) =	sbr.abs _section_cstart, $3  }
0xc0: {  	[dreg:$0x1] =	wrdreg $0xFFFFFFFF  }
0xc1: {  	_ =	task.clear_ibuf [dreg:s6], $0x2FFFF;
	_ =	strace $0x9FFFFFFF  }
0xc2: {  	(tm) =	ssettm $0x7FFFFFFF  }
0xc3: {  	_ =	shalt  }
tec
execute0_lowered:
.L_overlay_start_1:
0x0: {  	(tag) =	ssettag $0x1  }
0x1: {  	s8 =	rddreg [dreg:$0x0]  }
0x2: {  	s0 =	srdreg.scid;
	s2 =	rddreg [dreg:$0x1];
	s3 =	simm.s32 $0x0  }
0x3: {  	s13 =	simm.s32 $0x6;
	s16 =	simm.s32 $0x80;
	s17 =	simm.s32 $0x1  }
0x4: {  	s18 =	simm.s32 $0x2;
	s19 =	simm.s32 $0x3;
	s20 =	simm.s32 $0x4  }
0x5: {  	s21 =	simm.s32 $0x5;
	s22 =	simm.s32 $0x7;
	s23 =	simm.s32 $0x8  }
0x6: {  	s24 =	simm.s32 $0x9;
	s25 =	simm.s32 $0xA;
	s26 =	simm.s32 $0x0  }
0x7: {  	s6 =	sand.u32 $0x1, s0;
	s0 =	stileid.u32;
	[smem:$0x7FF] =	sst s3  }
0x8: {  	s5 =	sadd.s32 $0xB200, s8;
	s1 =	sshll.u32 s6, $0x4;
	s6 =	ssub.s32 $0x2, s6  }
0x9: {  	s11 =	smul.u32 $0x9C80, s0;
	s30 =	sshll.u32 s0, $0x6;
	s7 =	sor.u32 s0, s1  }
0xa: {  	s1 =	rddreg [dreg:$0x2];
	s28 =	sshrl.u32 s6, $0x1;
	s4 =	smul.u32 $0x50, s7  }
0xb: {  	_ =	strace $0x80000047;
	s10 =	smul.u32 $0x4E4, s7;
	s12 =	ssub.s32 s6, s28  }
0xc: {  	p0 =	seq.s32 s7, $0x1F;
	s29 =	sshrl.u32 s11, $0x2;
	s6 =	sor.u32 $0x1C0B, s30  }
0xd: {  	s7 =	simm.s32 $0x6;
	s13 =	simm.s32 @!p0 $0x0;
	s14 =	sadd.s32 s29, s2  }
0xe: {  	s4 =	smin.u32 s4, $0x974;
	s10 =	sadd.s32 s10, s8;
	s15 =	smul.u32 $0x1400, s13  }
0xf: {  	s11 =	ssub.s32 $0x8, s13;
	s13 =	sshrl.u32 s14, $0x3;
	s4 =	sshll.u32 s4, $0x4  }
0x10: {  	s14 =	simm.s32 $0xB;
	s9 =	sadd.s32 s4, s8;
	s4 =	sadd.s32 $0xB400, s8  }
0x11: {  	s31 =	sshrl.u32 s15, $0x2;
	s15 =	simm.s32 $0x4F20;
	s8 =	sadd.s32 $0x1400, s9  }
0x12: {  	s9 =	sadd.s32 $0xBA00, s10;
	s10 =	smax.u32 s12, $0x1;
	s12 =	sadd.s32 $0x480, s31  }
.LBB2_1:
0x13: {  	[spmem:s13], [sflag:s6] =	dma.local [hbm:s4], $0x4E4  }
0x14: {  	_ =	swait.ge [sflag:s14], $0x4E4  }
0x15: {  	[sflag:s14] =	ssyncset.done $0x0  }
0x16: {  	[sflag:s14] =	ssyncadd.s32 $0xFFFFFB1C  }
0x17: {  	[tilespmem:s3], [sflag:$0xB] =	stream.linear.gather [hbm4b:s8+s3], $0x2800, $0x38;
	[tilespmem:$0x5720] =	vst v63  }
0x18: {  	_ =	swait.ge [sflag:s14], $0x2800  }
0x19: {  	[sflag:s14] =	ssyncset.done $0x0  }
0x1a: {  	p1 =	sne.s32 s11, $0x1;
	[sflag:s14] =	ssyncadd.s32 $0xFFFFD800  }
0x1b: {  	[tilespmem:s15], [sflag:$0xB] =	stream.linear.gather [hbm4b:s5+s3], $0x800, $0x38;
	[tilespmem:$0x5720] =	vst v63  }
.Ltmp0:
0x1c: {  	_ =	swait.ge [sflag:s14], $0x800;
	(pc) =	sbr.rel @!p1 .LBB2_4-.Ltmp0, $4  }
0x1d: {  	[sflag:s14] =	ssyncset.done $0x0  }
0x1e: {  	[sflag:s14] =	ssyncadd.s32 $0xFFFFF800  }
0x1f: {  	[bflag:$0x0] =	sbarrier.arrive $0xFFFF  }
0x20: {  	s29 =	sadd.s32 $0xFFFFFFFF, s11;
	p0 =	por $0x0, $0x0;
	s28 =	smov.u32 s12  }
0x21: {  	s28 =	sadd.s32 $0xFFFFFB80, s12  }
0x22: {  	[spmem:s2] =	stream.indirect.scatter.add.f32 [tilespmem:s15], [sflag:$0x1], $0x10, s28, s16, $0xb8;
	[tilespmem:$0x5720] =	vst v63  }
0x23: {  	s28 =	sadd.s32 $0xFFFFFC00, s12  }
0x24: {  	[spmem:s2] =	stream.indirect.scatter.add.f32 [tilespmem:s15], [sflag:$0x2], $0x10, s28, s16, $0xb8;
	[tilespmem:$0x5720] =	vst v63  }
0x25: {  	s28 =	sadd.s32 $0xFFFFFC80, s12  }
0x26: {  	[spmem:s2] =	stream.indirect.scatter.add.f32 [tilespmem:s15], [sflag:$0x3], $0x10, s28, s16, $0xb8;
	[tilespmem:$0x5720] =	vst v63  }
0x27: {  	s28 =	sadd.s32 $0xFFFFFD00, s12  }
0x28: {  	[spmem:s2] =	stream.indirect.scatter.add.f32 [tilespmem:s15], [sflag:$0x4], $0x10, s28, s16, $0xb8;
	[tilespmem:$0x5720] =	vst v63  }
0x29: {  	s28 =	sadd.s32 $0xFFFFFD80, s12  }
0x2a: {  	[spmem:s2] =	stream.indirect.scatter.add.f32 [tilespmem:s15], [sflag:$0x5], $0x10, s28, s16, $0xb8;
	[tilespmem:$0x5720] =	vst v63  }
0x2b: {  	s28 =	sadd.s32 $0xFFFFFE00, s12  }
0x2c: {  	[spmem:s2] =	stream.indirect.scatter.add.f32 [tilespmem:s15], [sflag:$0x6], $0x10, s28, s16, $0xb8;
	[tilespmem:$0x5720] =	vst v63  }
0x2d: {  	s28 =	sadd.s32 $0xFFFFFE80, s12  }
0x2e: {  	[spmem:s2] =	stream.indirect.scatter.add.f32 [tilespmem:s15], [sflag:$0x7], $0x10, s28, s16, $0xb8;
	[tilespmem:$0x5720] =	vst v63  }
0x2f: {  	s28 =	sadd.s32 $0xFFFFFF00, s12  }
0x30: {  	[spmem:s2] =	stream.indirect.scatter.add.f32 [tilespmem:s15], [sflag:$0x8], $0x10, s28, s16, $0xb8;
	[tilespmem:$0x5720] =	vst v63  }
0x31: {  	s28 =	sadd.s32 $0xFFFFFF80, s12  }
0x32: {  	[spmem:s2] =	stream.indirect.scatter.add.f32 [tilespmem:s15], [sflag:$0x9], $0x10, s28, s16, $0xb8;
	[tilespmem:$0x5720] =	vst v63  }
0x33: {  	_ = 	snop  }
0x34: {  	[spmem:s2] =	stream.indirect.scatter.add.f32 [tilespmem:s15], [sflag:$0xA], $0x10, s12, s16, $0xb8;
	[tilespmem:$0x5720] =	vst v63  }
0x35: {  	_ =	swait.ge [sflag:s17], $0x800  }
0x36: {  	[sflag:s17] =	ssyncset.done $0x0  }
0x37: {  	[sflag:s17] =	ssyncadd.s32 $0xFFFFF800  }
0x38: {  	_ =	swait.ge [sflag:s18], $0x800  }
0x39: {  	[sflag:s18] =	ssyncset.done $0x0  }
0x3a: {  	[sflag:s18] =	ssyncadd.s32 $0xFFFFF800  }
0x3b: {  	_ =	swait.ge [sflag:s19], $0x800  }
0x3c: {  	[sflag:s19] =	ssyncset.done $0x0  }
0x3d: {  	[sflag:s19] =	ssyncadd.s32 $0xFFFFF800  }
0x3e: {  	_ =	swait.ge [sflag:s20], $0x800  }
0x3f: {  	[sflag:s20] =	ssyncset.done $0x0  }
0x40: {  	[sflag:s20] =	ssyncadd.s32 $0xFFFFF800  }
0x41: {  	_ =	swait.ge [sflag:s21], $0x800  }
0x42: {  	[sflag:s21] =	ssyncset.done $0x0  }
0x43: {  	[sflag:s21] =	ssyncadd.s32 $0xFFFFF800  }
0x44: {  	_ =	swait.ge [sflag:s7], $0x800  }
0x45: {  	[sflag:s7] =	ssyncset.done $0x0  }
0x46: {  	[sflag:s7] =	ssyncadd.s32 $0xFFFFF800  }
0x47: {  	_ =	swait.ge [sflag:s22], $0x800  }
0x48: {  	[sflag:s22] =	ssyncset.done $0x0  }
0x49: {  	[sflag:s22] =	ssyncadd.s32 $0xFFFFF800  }
0x4a: {  	_ =	swait.ge [sflag:s23], $0x800  }
0x4b: {  	[sflag:s23] =	ssyncset.done $0x0  }
0x4c: {  	p1 =	sne.s32 s29, $0x1;
	[sflag:s23] =	ssyncadd.s32 $0xFFFFF800  }
.Ltmp1:
0x4d: {  	_ =	swait.ge [sflag:s24], $0x800;
	(pc) =	sbr.rel @!p1 .LBB2_4-.Ltmp1, $4  }
0x4e: {  	[sflag:s24] =	ssyncset.done $0x0  }
0x4f: {  	[sflag:s24] =	ssyncadd.s32 $0xFFFFF800  }
0x50: {  	s29 =	sadd.s32 $0xFFFFFFFF, s29;
	_ =	swait.ge [sflag:s25], $0x800  }
0x51: {  	p0 =	por $0x1, $0x1;
	s28 =	sadd.s32 $0x500, s12;
	[sflag:s25] =	ssyncset.done $0x0  }
.LBB2_3:
0x52: {  	p1 =	sne.s32 s29, $0x1;
	s30 =	sadd.s32 $0xFFFFFB80, s28;
	[sflag:s25] =	ssyncadd.s32 $0xFFFFF800  }
0x53: {  	[spmem:s2] =	stream.indirect.scatter.add.f32 [tilespmem:s15], [sflag:$0x1], $0x10, s30, s16, $0xb8;
	[tilespmem:$0x5720] =	vst v63  }
0x54: {  	s29 =	sadd.s32 $0xFFFFFFFF, s29;
	s30 =	sadd.s32 $0xFFFFFC00, s28  }
0x55: {  	[spmem:s2] =	stream.indirect.scatter.add.f32 [tilespmem:s15], [sflag:$0x2], $0x10, s30, s16, $0xb8;
	[tilespmem:$0x5720] =	vst v63  }
0x56: {  	s30 =	sadd.s32 $0xFFFFFC80, s28  }
0x57: {  	[spmem:s2] =	stream.indirect.scatter.add.f32 [tilespmem:s15], [sflag:$0x3], $0x10, s30, s16, $0xb8;
	[tilespmem:$0x5720] =	vst v63  }
0x58: {  	s30 =	sadd.s32 $0xFFFFFD00, s28  }
0x59: {  	[spmem:s2] =	stream.indirect.scatter.add.f32 [tilespmem:s15], [sflag:$0x4], $0x10, s30, s16, $0xb8;
	[tilespmem:$0x5720] =	vst v63  }
0x5a: {  	s30 =	sadd.s32 $0xFFFFFD80, s28  }
0x5b: {  	[spmem:s2] =	stream.indirect.scatter.add.f32 [tilespmem:s15], [sflag:$0x5], $0x10, s30, s16, $0xb8;
	[tilespmem:$0x5720] =	vst v63  }
0x5c: {  	s30 =	sadd.s32 $0xFFFFFE00, s28  }
0x5d: {  	[spmem:s2] =	stream.indirect.scatter.add.f32 [tilespmem:s15], [sflag:$0x6], $0x10, s30, s16, $0xb8;
	[tilespmem:$0x5720] =	vst v63  }
0x5e: {  	s30 =	sadd.s32 $0xFFFFFE80, s28  }
0x5f: {  	[spmem:s2] =	stream.indirect.scatter.add.f32 [tilespmem:s15], [sflag:$0x7], $0x10, s30, s16, $0xb8;
	[tilespmem:$0x5720] =	vst v63  }
0x60: {  	s30 =	sadd.s32 $0xFFFFFF00, s28  }
0x61: {  	[spmem:s2] =	stream.indirect.scatter.add.f32 [tilespmem:s15], [sflag:$0x8], $0x10, s30, s16, $0xb8;
	[tilespmem:$0x5720] =	vst v63  }
0x62: {  	s30 =	sadd.s32 $0xFFFFFF80, s28  }
0x63: {  	[spmem:s2] =	stream.indirect.scatter.add.f32 [tilespmem:s15], [sflag:$0x9], $0x10, s30, s16, $0xb8;
	[tilespmem:$0x5720] =	vst v63  }
0x64: {  	_ = 	snop  }
0x65: {  	[spmem:s2] =	stream.indirect.scatter.add.f32 [tilespmem:s15], [sflag:$0xA], $0x10, s28, s16, $0xb8;
	[tilespmem:$0x5720] =	vst v63  }
0x66: {  	_ =	swait.ge [sflag:s17], $0x800  }
0x67: {  	[sflag:s17] =	ssyncset.done $0x0  }
0x68: {  	[sflag:s17] =	ssyncadd.s32 $0xFFFFF800  }
0x69: {  	_ =	swait.ge [sflag:s18], $0x800  }
0x6a: {  	[sflag:s18] =	ssyncset.done $0x0  }
0x6b: {  	[sflag:s18] =	ssyncadd.s32 $0xFFFFF800  }
0x6c: {  	_ =	swait.ge [sflag:s19], $0x800  }
0x6d: {  	[sflag:s19] =	ssyncset.done $0x0  }
0x6e: {  	[sflag:s19] =	ssyncadd.s32 $0xFFFFF800  }
0x6f: {  	_ =	swait.ge [sflag:s20], $0x800  }
0x70: {  	[sflag:s20] =	ssyncset.done $0x0  }
0x71: {  	[sflag:s20] =	ssyncadd.s32 $0xFFFFF800  }
0x72: {  	_ =	swait.ge [sflag:s21], $0x800  }
0x73: {  	[sflag:s21] =	ssyncset.done $0x0  }
0x74: {  	[sflag:s21] =	ssyncadd.s32 $0xFFFFF800  }
0x75: {  	_ =	swait.ge [sflag:s7], $0x800  }
0x76: {  	[sflag:s7] =	ssyncset.done $0x0  }
0x77: {  	[sflag:s7] =	ssyncadd.s32 $0xFFFFF800  }
0x78: {  	_ =	swait.ge [sflag:s22], $0x800  }
0x79: {  	[sflag:s22] =	ssyncset.done $0x0  }
0x7a: {  	[sflag:s22] =	ssyncadd.s32 $0xFFFFF800  }
0x7b: {  	_ =	swait.ge [sflag:s23], $0x800  }
0x7c: {  	[sflag:s23] =	ssyncset.done $0x0  }
0x7d: {  	[sflag:s23] =	ssyncadd.s32 $0xFFFFF800  }
.Ltmp2:
0x7e: {  	_ =	swait.ge [sflag:s24], $0x800;
	(pc) =	sbr.rel @p1 .LBB2_3-.Ltmp2, $4  }
0x7f: {  	[sflag:s24] =	ssyncset.done $0x0  }
0x80: {  	[sflag:s24] =	ssyncadd.s32 $0xFFFFF800  }
0x81: {  	_ =	swait.ge [sflag:s25], $0x800  }
0x82: {  	s28 =	sadd.s32 $0x500, s28;
	[sflag:s25] =	ssyncset.done $0x0  }
.LBB2_4:
0x83: {  	s29 =	sadd.s32 $0xFFFFFB80, s28;
	[sflag:s25] =	ssyncadd.s32 @p0 $0xFFFFF800  }
0x84: {  	[spmem:s2] =	stream.indirect.scatter.add.f32 [tilespmem:s15], [sflag:$0x1], $0x10, s29, s16, $0xb8;
	[tilespmem:$0x5720] =	vst v63  }
0x85: {  	s30 =	sadd.s32 $0xFFFFFC00, s28  }
0x86: {  	[spmem:s2] =	stream.indirect.scatter.add.f32 [tilespmem:s15], [sflag:$0x2], $0x10, s30, s16, $0xb8;
	[tilespmem:$0x5720] =	vst v63  }
0x87: {  	s31 =	sadd.s32 $0xFFFFFC80, s28  }
0x88: {  	[spmem:s2] =	stream.indirect.scatter.add.f32 [tilespmem:s15], [sflag:$0x3], $0x10, s31, s16, $0xb8;
	[tilespmem:$0x5720] =	vst v63  }
0x89: {  	s30 =	sadd.s32 $0xFFFFFD00, s28  }
0x8a: {  	[spmem:s2] =	stream.indirect.scatter.add.f32 [tilespmem:s15], [sflag:$0x4], $0x10, s30, s16, $0xb8;
	[tilespmem:$0x5720] =	vst v63  }
0x8b: {  	s31 =	sadd.s32 $0xFFFFFD80, s28  }
0x8c: {  	[spmem:s2] =	stream.indirect.scatter.add.f32 [tilespmem:s15], [sflag:$0x5], $0x10, s31, s16, $0xb8;
	[tilespmem:$0x5720] =	vst v63  }
0x8d: {  	s30 =	sadd.s32 $0xFFFFFE00, s28  }
0x8e: {  	[spmem:s2] =	stream.indirect.scatter.add.f32 [tilespmem:s15], [sflag:$0x6], $0x10, s30, s16, $0xb8;
	[tilespmem:$0x5720] =	vst v63  }
0x8f: {  	s31 =	sadd.s32 $0xFFFFFE80, s28  }
0x90: {  	[spmem:s2] =	stream.indirect.scatter.add.f32 [tilespmem:s15], [sflag:$0x7], $0x10, s31, s16, $0xb8;
	[tilespmem:$0x5720] =	vst v63  }
0x91: {  	s30 =	sadd.s32 $0xFFFFFF00, s28  }
0x92: {  	[spmem:s2] =	stream.indirect.scatter.add.f32 [tilespmem:s15], [sflag:$0x8], $0x10, s30, s16, $0xb8;
	[tilespmem:$0x5720] =	vst v63  }
0x93: {  	s31 =	sadd.s32 $0xFFFFFF80, s28  }
0x94: {  	[spmem:s2] =	stream.indirect.scatter.add.f32 [tilespmem:s15], [sflag:$0x9], $0x10, s31, s16, $0xb8;
	[tilespmem:$0x5720] =	vst v63  }
0x95: {  	_ = 	snop  }
0x96: {  	[spmem:s2] =	stream.indirect.scatter.add.f32 [tilespmem:s15], [sflag:$0xA], $0x10, s28, s16, $0xb8;
	[tilespmem:$0x5720] =	vst v63  }
0x97: {  	_ =	swait.ge [sflag:s17], $0x800  }
0x98: {  	[sflag:s17] =	ssyncset.done $0x0  }
0x99: {  	[sflag:s17] =	ssyncadd.s32 $0xFFFFF800  }
0x9a: {  	_ =	swait.ge [sflag:s18], $0x800  }
0x9b: {  	[sflag:s18] =	ssyncset.done $0x0  }
0x9c: {  	[sflag:s18] =	ssyncadd.s32 $0xFFFFF800  }
0x9d: {  	_ =	swait.ge [sflag:s19], $0x800  }
0x9e: {  	[sflag:s19] =	ssyncset.done $0x0  }
0x9f: {  	[sflag:s19] =	ssyncadd.s32 $0xFFFFF800  }
0xa0: {  	_ =	swait.ge [sflag:s20], $0x800  }
0xa1: {  	[sflag:s20] =	ssyncset.done $0x0  }
0xa2: {  	[sflag:s20] =	ssyncadd.s32 $0xFFFFF800  }
0xa3: {  	_ =	swait.ge [sflag:s21], $0x800  }
0xa4: {  	[sflag:s21] =	ssyncset.done $0x0  }
0xa5: {  	[sflag:s21] =	ssyncadd.s32 $0xFFFFF800  }
0xa6: {  	_ =	swait.ge [sflag:s7], $0x800  }
0xa7: {  	[sflag:s7] =	ssyncset.done $0x0  }
0xa8: {  	[sflag:s7] =	ssyncadd.s32 $0xFFFFF800  }
0xa9: {  	_ =	swait.ge [sflag:s22], $0x800  }
0xaa: {  	[sflag:s22] =	ssyncset.done $0x0  }
0xab: {  	[sflag:s22] =	ssyncadd.s32 $0xFFFFF800  }
0xac: {  	_ =	swait.ge [sflag:s23], $0x800  }
0xad: {  	[sflag:s23] =	ssyncset.done $0x0  }
0xae: {  	[sflag:s23] =	ssyncadd.s32 $0xFFFFF800  }
0xaf: {  	_ =	swait.ge [sflag:s24], $0x800  }
0xb0: {  	[sflag:s24] =	ssyncset.done $0x0  }
0xb1: {  	[sflag:s24] =	ssyncadd.s32 $0xFFFFF800  }
0xb2: {  	_ =	swait.ge [sflag:s25], $0x800  }
0xb3: {  	s26 =	sadd.s32 $0x1, s26;
	[sflag:s25] =	ssyncset.done $0x0  }
0xb4: {  	p0 =	sne.s32 s26, s10;
	[sflag:s25] =	ssyncadd.s32 $0xFFFFF800  }
.Ltmp3:
0xb5: {  	[bflag:$0x0] =	sbarrier.arrive $0xFFFF;
	(pc) =	sbr.rel @p0 .LBB2_1-.Ltmp3, $4  }
0xb6: {  	[hbm:s9], [sflag:s6] =	dma.local [spmem:s13], $0x4E4  }
0xb7: {  	_ =	swait.ge [sflag:s14], $0x4E4  }
0xb8: {  	[sflag:s14] =	ssyncset.done $0x0  }
0xb9: {  	[sflag:s14] =	ssyncadd.s32 $0xFFFFFB1C  }
0xba: {  	_ =	sfence.sel $0x180000  }
0xbb: {  	[bflag:$0x0] =	sbarrier.arrive $0xFFFF  }
0xbc: {  	p0 =	sne.s32 s0, $0x0;
	_ =	strace $0x90000047  }
0xbd: {  	s0 =	sadd.s32 @!p0 $0x100000, s1;
	[bflag:$0x2] =	sbarrier.arrive $0xFFFF  }
0xbe: {  	[sflag:s0] =	ssyncadd.tile.s32 @!p0 $0x1;
	_ =	shalt  }
.Lfunc_end2:
_tile_overlayer_lowered:
.L_overlay_start_2:
0xbf: {  	(tag) =	ssettag $0x2  }
0xc0: {  	s0 =	rddreg [dreg:$0x0];
	s2 =	stileid.u32  }
0xc1: {  	s1 =	rddreg [dreg:$0x1];
	p0 =	sne.s32 s2, $0x0  }
0xc2: {  	s3 =	rddreg [dreg:$0x2];
	[bflag:$0x3] =	sbarrier.arrive $0xFFFF;
	s2 =	simm.s32 @!p0 $0x1C0B  }
0xc3: {  	[timem:s3], [sflag:s2] =	dma.local @!p0 [hbm:s0], s1  }
0xc4: {  	s0 =	simm.s32 @!p0 $0xB  }
0xc5: {  	_ =	swait.ge @!p0 [sflag:s0], s1  }
0xc6: {  	s1 =	ssub.s32 @!p0 $0x0, s1;
	[sflag:s0] =	ssyncset.done @!p0 $0x0  }
0xc7: {  	[sflag:s0] =	ssyncadd.s32 @!p0 s1  }
0xc8: {  	[bflag:$0x3] =	sbarrier.arrive $0xFFFF  }
0xc9: {  	_ =	shalt  }

</sc_bundles>
